<compile_context>
chip_gen: v7x
topology: tpu7x:2x2x1
jax: 0.10.2.dev20260603
libtpu: 0.0.44.dev20260713+nightly
codegen_flags: <defaults>
</compile_context>

<pallas_src>
import functools

import jax
import jax.numpy as jnp
from jax import lax
from jax.experimental import pallas as pl
from jax.experimental.pallas import tpu as pltpu
from jax.experimental.pallas import tpu_sc as plsc

MULT = 8.0
BT = 128
NBUF = 2
WPAD = 128


def _make_sc_lookup(V, D, S0, S1):
    info = plsc.get_sparse_core_info()
    NC, NS, L = info.num_cores, info.num_subcores, info.num_lanes
    NW = NC * NS
    DT = D // 8
    assert D % L == 0 and S0 % (NW * BT) == 0
    nbt = S0 // BT
    bt_per_w = nbt // NW
    chunks = bt_per_w * S1
    assert chunks % NBUF == 0
    mesh = plsc.VectorSubcoreMesh(core_axis_name="c", subcore_axis_name="s")

    @functools.partial(
        pl.kernel,
        mesh=mesh,
        out_type=jax.ShapeDtypeStruct((S1, DT, nbt, 8, BT), jnp.float32),
        compiler_params=pltpu.CompilerParams(
            use_tc_tiling_on_sc=False, needs_layout_passes=False
        ),
        scratch_types=[
            pltpu.VMEM((S1, bt_per_w, BT), jnp.int32),
            pltpu.VMEM((NBUF, BT, WPAD), jnp.float32),
            pltpu.VMEM((NBUF, DT, 8, BT), jnp.float32),
            pltpu.SemaphoreType.DMA,
            pltpu.SemaphoreType.DMA,
        ],
    )
    def k(table_hbm, idx_hbm, out_hbm, idx_all, rows_g, tiles_w, gsem, wsem):
        wid = lax.axis_index("s") * NC + lax.axis_index("c")
        bt0 = wid * bt_per_w
        iota16 = jnp.arange(L, dtype=jnp.int32)

        pltpu.sync_copy(idx_hbm.at[:, pl.ds(bt0, bt_per_w)], idx_all)

        def fire(c, slot):
            s = lax.rem(c, S1)
            j = lax.div(c, S1)
            pltpu.async_copy(
                table_hbm.at[idx_all.at[s, j]], rows_g.at[slot], gsem
            )

        for b in range(NBUF):
            fire(b, b)

        def block_body(blk, carry):
            for b in range(NBUF):
                c = blk * NBUF + b
                pltpu.make_async_copy(
                    table_hbm.at[idx_all.at[0, 0]], rows_g.at[b], gsem
                ).wait()

                @pl.when(blk > 0)
                def _wait_wb():
                    pltpu.make_async_copy(
                        tiles_w.at[b], out_hbm.at[0, pl.ds(0, DT), 0], wsem
                    ).wait()

                @plsc.parallel_loop(0, L, unroll=1)
                def j_body(j):
                    roll = iota16 ^ j
                    rq = lax.shift_right_logical(roll, 3)
                    rr = roll & 7
                    for bg in range(BT // L):
                        bivec = iota16 + bg * L
                        for dgrp in range(D // L):
                            d0 = dgrp * L
                            x = plsc.load_gather(
                                rows_g.at[b], [bivec, roll + d0]
                            )
                            plsc.store_scatter(
                                tiles_w.at[b],
                                [rq + 2 * dgrp, rr, bivec],
                                x * MULT,
                            )

                s = lax.rem(c, S1)
                j = lax.div(c, S1)
                pltpu.async_copy(
                    tiles_w.at[b],
                    out_hbm.at[s, pl.ds(0, DT), bt0 + j],
                    wsem,
                )

                @pl.when(c + NBUF < chunks)
                def _refill():
                    fire(c + NBUF, b)

            return carry

        lax.fori_loop(0, chunks // NBUF, block_body, 0)

        for b in range(NBUF):
            pltpu.make_async_copy(
                tiles_w.at[b], out_hbm.at[0, pl.ds(0, DT), 0], wsem
            ).wait()

    def run(weight, input_ids):
        wpad = jnp.pad(weight, ((0, 0), (0, WPAD - D)))
        idxT = input_ids.astype(jnp.int32).T.reshape(S1, nbt, BT)
        out5 = k(wpad, idxT)
        return out5.transpose(2, 4, 0, 1, 3).reshape(S0, S1, D)

    return run


def kernel(input_ids, weight):
    S0, S1 = input_ids.shape
    V, D = weight.shape
    lookup = _make_sc_lookup(V, D, S0, S1)
    return lookup(weight, input_ids)

# --- scband reference (transcript-rebuilt; emitter-appended) ---
"""Pipeline reference for scband-scaled-embedding-11089605558911 (READ-ONLY COPY).

The authoritative reference and input builder live on the scoring server;
editing this copy changes nothing except your own understanding.
"""

import jax, jax.numpy as jnp
import numpy as np

VOCAB = 1000000
EMBED_DIM = 64
MULTIPLIER = 8.0

def setup_inputs(seed: int = 0) -> dict:
    key = jax.random.key(seed)
    k1, k2 = jax.random.split(key)
    input_ids = jax.random.randint(k1, (16384, 50), 0, VOCAB, dtype=jnp.int64 if jax.config.jax_enable_x64 else jnp.int32)
    weight = jax.random.normal(k2, (VOCAB, EMBED_DIM), dtype=jnp.float32)
    return {"input_ids": input_ids, "weight": weight}

def reference(input_ids, weight):
    # ScaledEmbedding.forward: embedding lookup then scale by multiplier
    emb = jnp.take(weight, input_ids, axis=0)
    return emb * MULTIPLIER

if __name__ == "__main__":
    import jax
    _d = setup_inputs()
    print(jax.jit(kernel)(*tuple(_d.values())))

</pallas_src>

<mosaic_0001>
#map = affine_map<(d0, d1) -> (0, 0)>
#map1 = affine_map<(d0, d1) -> (0, 0, 0)>
#map2 = affine_map<(d0, d1) -> (0, 0, 0, 0, 0)>
module attributes {stable_mosaic.version = 14 : i64} {
  func.func @k(%arg0: i32, %arg1: i32, %arg2: memref<1000000x128xf32, #tpu.memory_space<hbm>>, %arg3: memref<50x128x128xi32, #tpu.memory_space<hbm>>, %arg4: memref<50x8x128x8x128xf32, #tpu.memory_space<hbm>>, %arg5: memref<50x4x128xi32, #tpu.memory_space<vmem>>, %arg6: memref<2x128x128xf32, #tpu.memory_space<vmem>>, %arg7: memref<2x8x8x128xf32, #tpu.memory_space<vmem>>, %arg8: memref<!tpu.dma_semaphore, #tpu.memory_space<semaphore_mem>>, %arg9: memref<!tpu.dma_semaphore, #tpu.memory_space<semaphore_mem>>) attributes {dimension_semantics = [#tpu.dimension_semantics<core_parallel>, #tpu.dimension_semantics<subcore_parallel>], iteration_bounds = array<i64: 2, 16>, scalar_prefetch = 0 : i64, scratch_operands = 5 : i64, tpu.core_type = #tpu.core_type<sc_vector_subcore>, window_params = [{transform_indices = #map}, {transform_indices = #map1}, {transform_indices = #map2}]} {
    %mul3A = arith.constant 2 : i32
    %mul3A_0 = arith.muli %arg1, %mul3A : i32
    %add3A = arith.addi %mul3A_0, %arg0 : i32
    %mul3A_1 = arith.constant 4 : i32
    %mul3A_2 = arith.muli %add3A, %mul3A_1 : i32
    %iota3A = tpu.iota {dimensions = array<i32: 0>} : vector<16xi32>
    "tpu.region"() ({
      %run_scoped3A = tpu.sem_alloc : memref<!tpu.dma_semaphore, #tpu.memory_space<semaphore_mem>>
      %dma_start3A_84 = arith.constant 0 : i32
      %dma_start3A_85 = arith.constant 0 : i32
      %dma_start3A_86 = tpu.memref_slice %arg3[%dma_start3A_84, %mul3A_2, %dma_start3A_85] : memref<50x128x128xi32, #tpu.memory_space<hbm>> -> memref<50x4x128xi32, #tpu.memory_space<hbm>>
      %dma_start3A_87 = arith.constant 0 : i32
      %dma_start3A_88 = arith.constant 0 : i32
      %dma_start3A_89 = tpu.memref_slice %arg3[%dma_start3A_87, %mul3A_2, %dma_start3A_88] : memref<50x128x128xi32, #tpu.memory_space<hbm>> -> memref<50x4x128xi32, #tpu.memory_space<hbm>>
      tpu.enqueue_dma source(%dma_start3A_89 : memref<50x4x128xi32, #tpu.memory_space<hbm>>) target(%arg5 : memref<50x4x128xi32, #tpu.memory_space<vmem>>) target_semaphore(%run_scoped3A : memref<!tpu.dma_semaphore, #tpu.memory_space<semaphore_mem>>)
      %dma_wait3A_90 = arith.constant 0 : i32
      %dma_wait3A_91 = arith.constant 0 : i32
      %dma_wait3A_92 = tpu.memref_slice %arg3[%dma_wait3A_90, %mul3A_2, %dma_wait3A_91] : memref<50x128x128xi32, #tpu.memory_space<hbm>> -> memref<50x4x128xi32, #tpu.memory_space<hbm>>
      %dma_wait3A_93 = arith.constant 0 : i32
      %dma_wait3A_94 = arith.constant 0 : i32
      %dma_wait3A_95 = tpu.memref_slice %arg3[%dma_wait3A_93, %mul3A_2, %dma_wait3A_94] : memref<50x128x128xi32, #tpu.memory_space<hbm>> -> memref<50x4x128xi32, #tpu.memory_space<hbm>>
      tpu.wait_dma2 semaphore(%run_scoped3A : memref<!tpu.dma_semaphore, #tpu.memory_space<semaphore_mem>>) src(%dma_wait3A_95 : memref<50x4x128xi32, #tpu.memory_space<hbm>>) dst(%arg5 : memref<50x4x128xi32, #tpu.memory_space<vmem>>)
      tpu.yield
    }) : () -> ()
    %rem3A = arith.constant 0 : i32
    %rem3A_3 = arith.constant 50 : i32
    %rem3A_4 = arith.remsi %rem3A, %rem3A_3 : i32
    %div3A = arith.constant 0 : i32
    %div3A_5 = arith.constant 50 : i32
    %div3A_6 = arith.divsi %div3A, %div3A_5 : i32
    %dma_start3A = arith.constant 0 : i32
    %dma_start3A_7 = arith.constant 0 : i32
    %dma_start3A_8 = arith.constant 0 : i32
    %dma_start3A_9 = tpu.memref_slice %arg6[%dma_start3A, %dma_start3A_7, %dma_start3A_8] : memref<2x128x128xf32, #tpu.memory_space<vmem>> -> memref<1x128x128xf32, #tpu.memory_space<vmem>>
    %dma_start3A_10 = tpu.memref_squeeze %dma_start3A_9 : memref<1x128x128xf32, #tpu.memory_space<vmem>> -> memref<128x128xf32, #tpu.memory_space<vmem>>
    %dma_start3A_11 = arith.constant 0 : i32
    %dma_start3A_12 = tpu.memref_slice %arg5[%rem3A_4, %div3A_6, %dma_start3A_11] : memref<50x4x128xi32, #tpu.memory_space<vmem>> -> memref<1x1x128xi32, #tpu.memory_space<vmem>>
    %dma_start3A_13 = tpu.memref_squeeze %dma_start3A_12 : memref<1x1x128xi32, #tpu.memory_space<vmem>> -> memref<128xi32, #tpu.memory_space<vmem>>
    %dma_start3A_14 = arith.constant 0 : i32
    %dma_start3A_15 = arith.constant 0 : i32
    %dma_start3A_16 = tpu.memref_slice %arg2[%dma_start3A_14, %dma_start3A_15] : memref<1000000x128xf32, #tpu.memory_space<hbm>> -> memref<1000000x128xf32, #tpu.memory_space<hbm>>
    tpu.enqueue_indirect_dma source(%dma_start3A_16 : memref<1000000x128xf32, #tpu.memory_space<hbm>>) target(%dma_start3A_10 : memref<128x128xf32, #tpu.memory_space<vmem>>) offsets(%dma_start3A_13 : memref<128xi32, #tpu.memory_space<vmem>>) semaphore(%arg8 : memref<!tpu.dma_semaphore, #tpu.memory_space<semaphore_mem>>)
    %rem3A_17 = arith.constant 1 : i32
    %rem3A_18 = arith.constant 50 : i32
    %rem3A_19 = arith.remsi %rem3A_17, %rem3A_18 : i32
    %div3A_20 = arith.constant 1 : i32
    %div3A_21 = arith.constant 50 : i32
    %div3A_22 = arith.divsi %div3A_20, %div3A_21 : i32
    %dma_start3A_23 = arith.constant 1 : i32
    %dma_start3A_24 = arith.constant 0 : i32
    %dma_start3A_25 = arith.constant 0 : i32
    %dma_start3A_26 = tpu.memref_slice %arg6[%dma_start3A_23, %dma_start3A_24, %dma_start3A_25] : memref<2x128x128xf32, #tpu.memory_space<vmem>> -> memref<1x128x128xf32, #tpu.memory_space<vmem>>
    %dma_start3A_27 = tpu.memref_squeeze %dma_start3A_26 : memref<1x128x128xf32, #tpu.memory_space<vmem>> -> memref<128x128xf32, #tpu.memory_space<vmem>>
    %dma_start3A_28 = arith.constant 0 : i32
    %dma_start3A_29 = tpu.memref_slice %arg5[%rem3A_19, %div3A_22, %dma_start3A_28] : memref<50x4x128xi32, #tpu.memory_space<vmem>> -> memref<1x1x128xi32, #tpu.memory_space<vmem>>
    %dma_start3A_30 = tpu.memref_squeeze %dma_start3A_29 : memref<1x1x128xi32, #tpu.memory_space<vmem>> -> memref<128xi32, #tpu.memory_space<vmem>>
    %dma_start3A_31 = arith.constant 0 : i32
    %dma_start3A_32 = arith.constant 0 : i32
    %dma_start3A_33 = tpu.memref_slice %arg2[%dma_start3A_31, %dma_start3A_32] : memref<1000000x128xf32, #tpu.memory_space<hbm>> -> memref<1000000x128xf32, #tpu.memory_space<hbm>>
    tpu.enqueue_indirect_dma source(%dma_start3A_33 : memref<1000000x128xf32, #tpu.memory_space<hbm>>) target(%dma_start3A_27 : memref<128x128xf32, #tpu.memory_space<vmem>>) offsets(%dma_start3A_30 : memref<128xi32, #tpu.memory_space<vmem>>) semaphore(%arg8 : memref<!tpu.dma_semaphore, #tpu.memory_space<semaphore_mem>>)
    %scan3A = arith.constant 0 : i32
    %scan3A_34 = arith.constant 0 : i32
    %scan3A_35 = arith.constant 100 : i32
    %scan3A_36 = arith.addi %scan3A_34, %scan3A_35 : i32
    %scan3A_37 = arith.constant 1 : i32
    scf.for %scan3A_84 = %scan3A_34 to %scan3A_36 step %scan3A_37  : i32 {
      %mul3A_85 = arith.constant 2 : i32
      %mul3A_86 = arith.muli %scan3A_84, %mul3A_85 : i32
      %add3A_87 = arith.constant 0 : i32
      %add3A_88 = arith.addi %mul3A_86, %add3A_87 : i32
      %dma_wait3A_89 = arith.constant 0 : i32
      %dma_wait3A_90 = arith.constant 0 : i32
      %dma_wait3A_91 = arith.constant 0 : i32
      %dma_wait3A_92 = arith.constant 0 : i32
      %dma_wait3A_93 = arith.constant 0 : i32
      %dma_wait3A_94 = tpu.memref_slice %arg6[%dma_wait3A_91, %dma_wait3A_92, %dma_wait3A_93] : memref<2x128x128xf32, #tpu.memory_space<vmem>> -> memref<1x128x128xf32, #tpu.memory_space<vmem>>
      %dma_wait3A_95 = tpu.memref_squeeze %dma_wait3A_94 : memref<1x128x128xf32, #tpu.memory_space<vmem>> -> memref<128x128xf32, #tpu.memory_space<vmem>>
      %dma_wait3A_96 = arith.constant 0 : i32
      %dma_wait3A_97 = tpu.memref_slice %arg5[%dma_wait3A_89, %dma_wait3A_90, %dma_wait3A_96] : memref<50x4x128xi32, #tpu.memory_space<vmem>> -> memref<1x1x128xi32, #tpu.memory_space<vmem>>
      %dma_wait3A_98 = tpu.memref_squeeze %dma_wait3A_97 : memref<1x1x128xi32, #tpu.memory_space<vmem>> -> memref<128xi32, #tpu.memory_space<vmem>>
      %dma_wait3A_99 = arith.constant 0 : i32
      %dma_wait3A_100 = arith.constant 0 : i32
      %dma_wait3A_101 = tpu.memref_slice %arg2[%dma_wait3A_99, %dma_wait3A_100] : memref<1000000x128xf32, #tpu.memory_space<hbm>> -> memref<1000000x128xf32, #tpu.memory_space<hbm>>
      tpu.wait_indirect_dma semaphore(%arg8 : memref<!tpu.dma_semaphore, #tpu.memory_space<semaphore_mem>>) src(%dma_wait3A_101 : memref<1000000x128xf32, #tpu.memory_space<hbm>>) dst(%dma_wait3A_95 : memref<128x128xf32, #tpu.memory_space<vmem>>)
      %gt3A = arith.constant 0 : i32
      %gt3A_102 = arith.cmpi sgt, %scan3A_84, %gt3A : i32
      %convert_element_type3A = arith.extui %gt3A_102 : i1 to i32
      %cond3A = arith.constant 0 : i32
      %cond3A_103 = arith.cmpi ne, %convert_element_type3A, %cond3A : i32
      scf.if %cond3A_103 {
        %dma_wait3A_196 = arith.constant 0 : i32
        %dma_wait3A_197 = arith.constant 0 : i32
        %dma_wait3A_198 = arith.constant 0 : i32
        %dma_wait3A_199 = arith.constant 0 : i32
        %dma_wait3A_200 = arith.constant 0 : i32
        %dma_wait3A_201 = arith.constant 0 : i32
        %dma_wait3A_202 = tpu.memref_slice %arg7[%dma_wait3A_196, %dma_wait3A_199, %dma_wait3A_200, %dma_wait3A_201] : memref<2x8x8x128xf32, #tpu.memory_space<vmem>> -> memref<1x8x8x128xf32, #tpu.memory_space<vmem>>
        %dma_wait3A_203 = tpu.memref_squeeze %dma_wait3A_202 : memref<1x8x8x128xf32, #tpu.memory_space<vmem>> -> memref<8x8x128xf32, #tpu.memory_space<vmem>>
        %dma_wait3A_204 = arith.constant 0 : i32
        %dma_wait3A_205 = arith.constant 0 : i32
        %dma_wait3A_206 = arith.constant 0 : i32
        %dma_wait3A_207 = tpu.memref_slice %arg4[%dma_wait3A_197, %dma_wait3A_204, %dma_wait3A_198, %dma_wait3A_205, %dma_wait3A_206] : memref<50x8x128x8x128xf32, #tpu.memory_space<hbm>> -> memref<1x8x1x8x128xf32, #tpu.memory_space<hbm>>
        %dma_wait3A_208 = tpu.memref_squeeze %dma_wait3A_207 : memref<1x8x1x8x128xf32, #tpu.memory_space<hbm>> -> memref<8x8x128xf32, #tpu.memory_space<hbm>>
        %dma_wait3A_209 = arith.constant 0 : i32
        %dma_wait3A_210 = arith.constant 0 : i32
        %dma_wait3A_211 = arith.constant 0 : i32
        %dma_wait3A_212 = tpu.memref_slice %arg4[%dma_wait3A_197, %dma_wait3A_209, %dma_wait3A_198, %dma_wait3A_210, %dma_wait3A_211] : memref<50x8x128x8x128xf32, #tpu.memory_space<hbm>> -> memref<1x8x1x8x128xf32, #tpu.memory_space<hbm>>
        %dma_wait3A_213 = tpu.memref_squeeze %dma_wait3A_212 : memref<1x8x1x8x128xf32, #tpu.memory_space<hbm>> -> memref<8x8x128xf32, #tpu.memory_space<hbm>>
        %dma_wait3A_214 = arith.constant 0 : i32
        %dma_wait3A_215 = arith.constant 0 : i32
        %dma_wait3A_216 = arith.constant 0 : i32
        %dma_wait3A_217 = tpu.memref_slice %arg7[%dma_wait3A_196, %dma_wait3A_214, %dma_wait3A_215, %dma_wait3A_216] : memref<2x8x8x128xf32, #tpu.memory_space<vmem>> -> memref<1x8x8x128xf32, #tpu.memory_space<vmem>>
        %dma_wait3A_218 = tpu.memref_squeeze %dma_wait3A_217 : memref<1x8x8x128xf32, #tpu.memory_space<vmem>> -> memref<8x8x128xf32, #tpu.memory_space<vmem>>
        tpu.wait_dma2 semaphore(%arg9 : memref<!tpu.dma_semaphore, #tpu.memory_space<semaphore_mem>>) src(%dma_wait3A_218 : memref<8x8x128xf32, #tpu.memory_space<vmem>>) dst(%dma_wait3A_213 : memref<8x8x128xf32, #tpu.memory_space<hbm>>)
      } else {
      }
      %parallel_loop3A = arith.constant 0 : i32
      %parallel_loop3A_104 = arith.constant 16 : i32
      %parallel_loop3A_105 = arith.constant 1 : i32
      scf.for %parallel_loop3A_196 = %parallel_loop3A to %parallel_loop3A_104 step %parallel_loop3A_105  : i32 {
        %parallel_loop3A_197 = vector.broadcast %parallel_loop3A_196 : i32 to vector<16xi32>
        %parallel_loop3A_198 = arith.xori %iota3A, %parallel_loop3A_197 : vector<16xi32>
        %parallel_loop3A_199 = arith.constant 3 : i32
        %parallel_loop3A_200 = vector.broadcast %parallel_loop3A_199 : i32 to vector<16xi32>
        %parallel_loop3A_201 = arith.shrui %parallel_loop3A_198, %parallel_loop3A_200 : vector<16xi32>
        %parallel_loop3A_202 = arith.constant 7 : i32
        %parallel_loop3A_203 = vector.broadcast %parallel_loop3A_202 : i32 to vector<16xi32>
        %parallel_loop3A_204 = arith.andi %parallel_loop3A_198, %parallel_loop3A_203 : vector<16xi32>
        %parallel_loop3A_205 = arith.constant 0 : i32
        %parallel_loop3A_206 = vector.broadcast %parallel_loop3A_205 : i32 to vector<16xi32>
        %parallel_loop3A_207 = arith.addi %iota3A, %parallel_loop3A_206 : vector<16xi32>
        %parallel_loop3A_208 = arith.constant 0 : i32
        %parallel_loop3A_209 = vector.broadcast %parallel_loop3A_208 : i32 to vector<16xi32>
        %parallel_loop3A_210 = arith.addi %parallel_loop3A_198, %parallel_loop3A_209 : vector<16xi32>
        %parallel_loop3A_211 = arith.constant 0 : i32
        %parallel_loop3A_212 = arith.constant 0 : i32
        %parallel_loop3A_213 = arith.constant 0 : i32
        %parallel_loop3A_214 = tpu.memref_slice %arg6[%parallel_loop3A_211, %parallel_loop3A_212, %parallel_loop3A_213] : memref<2x128x128xf32, #tpu.memory_space<vmem>> -> memref<1x128x128xf32, #tpu.memory_space<vmem>>
        %parallel_loop3A_215 = tpu.memref_squeeze %parallel_loop3A_214 : memref<1x128x128xf32, #tpu.memory_space<vmem>> -> memref<128x128xf32, #tpu.memory_space<vmem>>
        %parallel_loop3A_216 = tpu.vector_load_idx %parallel_loop3A_215[%parallel_loop3A_207, %parallel_loop3A_210] : memref<128x128xf32, #tpu.memory_space<vmem>>[vector<16xi32>, vector<16xi32>], vector<16xf32>,
        %parallel_loop3A_217 = arith.constant 0 : i32
        %parallel_loop3A_218 = vector.broadcast %parallel_loop3A_217 : i32 to vector<16xi32>
        %parallel_loop3A_219 = arith.addi %parallel_loop3A_201, %parallel_loop3A_218 : vector<16xi32>
        %parallel_loop3A_220 = arith.constant 8.000000e+00 : f32
        %parallel_loop3A_221 = vector.broadcast %parallel_loop3A_220 : f32 to vector<16xf32>
        %parallel_loop3A_222 = arith.mulf %parallel_loop3A_216, %parallel_loop3A_221 : vector<16xf32>
        %parallel_loop3A_223 = arith.constant 0 : i32
        %parallel_loop3A_224 = arith.constant 0 : i32
        %parallel_loop3A_225 = arith.constant 0 : i32
        %parallel_loop3A_226 = arith.constant 0 : i32
        %parallel_loop3A_227 = tpu.memref_slice %arg7[%parallel_loop3A_223, %parallel_loop3A_224, %parallel_loop3A_225, %parallel_loop3A_226] : memref<2x8x8x128xf32, #tpu.memory_space<vmem>> -> memref<1x8x8x128xf32, #tpu.memory_space<vmem>>
        %parallel_loop3A_228 = tpu.memref_squeeze %parallel_loop3A_227 : memref<1x8x8x128xf32, #tpu.memory_space<vmem>> -> memref<8x8x128xf32, #tpu.memory_space<vmem>>
        tpu.vector_store_idx %parallel_loop3A_228[%parallel_loop3A_219, %parallel_loop3A_204, %parallel_loop3A_207], %parallel_loop3A_222 : memref<8x8x128xf32, #tpu.memory_space<vmem>>[vector<16xi32>, vector<16xi32>, vector<16xi32>], vector<16xf32>,
        %parallel_loop3A_229 = arith.constant 16 : i32
        %parallel_loop3A_230 = vector.broadcast %parallel_loop3A_229 : i32 to vector<16xi32>
        %parallel_loop3A_231 = arith.addi %parallel_loop3A_198, %parallel_loop3A_230 : vector<16xi32>
        %parallel_loop3A_232 = arith.constant 0 : i32
        %parallel_loop3A_233 = arith.constant 0 : i32
        %parallel_loop3A_234 = arith.constant 0 : i32
        %parallel_loop3A_235 = tpu.memref_slice %arg6[%parallel_loop3A_232, %parallel_loop3A_233, %parallel_loop3A_234] : memref<2x128x128xf32, #tpu.memory_space<vmem>> -> memref<1x128x128xf32, #tpu.memory_space<vmem>>
        %parallel_loop3A_236 = tpu.memref_squeeze %parallel_loop3A_235 : memref<1x128x128xf32, #tpu.memory_space<vmem>> -> memref<128x128xf32, #tpu.memory_space<vmem>>
        %parallel_loop3A_237 = tpu.vector_load_idx %parallel_loop3A_236[%parallel_loop3A_207, %parallel_loop3A_231] : memref<128x128xf32, #tpu.memory_space<vmem>>[vector<16xi32>, vector<16xi32>], vector<16xf32>,
        %parallel_loop3A_238 = arith.constant 2 : i32
        %parallel_loop3A_239 = vector.broadcast %parallel_loop3A_238 : i32 to vector<16xi32>
        %parallel_loop3A_240 = arith.addi %parallel_loop3A_201, %parallel_loop3A_239 : vector<16xi32>
        %parallel_loop3A_241 = arith.constant 8.000000e+00 : f32
        %parallel_loop3A_242 = vector.broadcast %parallel_loop3A_241 : f32 to vector<16xf32>
        %parallel_loop3A_243 = arith.mulf %parallel_loop3A_237, %parallel_loop3A_242 : vector<16xf32>
        %parallel_loop3A_244 = arith.constant 0 : i32
        %parallel_loop3A_245 = arith.constant 0 : i32
        %parallel_loop3A_246 = arith.constant 0 : i32
        %parallel_loop3A_247 = arith.constant 0 : i32
        %parallel_loop3A_248 = tpu.memref_slice %arg7[%parallel_loop3A_244, %parallel_loop3A_245, %parallel_loop3A_246, %parallel_loop3A_247] : memref<2x8x8x128xf32, #tpu.memory_space<vmem>> -> memref<1x8x8x128xf32, #tpu.memory_space<vmem>>
        %parallel_loop3A_249 = tpu.memref_squeeze %parallel_loop3A_248 : memref<1x8x8x128xf32, #tpu.memory_space<vmem>> -> memref<8x8x128xf32, #tpu.memory_space<vmem>>
        tpu.vector_store_idx %parallel_loop3A_249[%parallel_loop3A_240, %parallel_loop3A_204, %parallel_loop3A_207], %parallel_loop3A_243 : memref<8x8x128xf32, #tpu.memory_space<vmem>>[vector<16xi32>, vector<16xi32>, vector<16xi32>], vector<16xf32>,
        %parallel_loop3A_250 = arith.constant 32 : i32
        %parallel_loop3A_251 = vector.broadcast %parallel_loop3A_250 : i32 to vector<16xi32>
        %parallel_loop3A_252 = arith.addi %parallel_loop3A_198, %parallel_loop3A_251 : vector<16xi32>
        %parallel_loop3A_253 = arith.constant 0 : i32
        %parallel_loop3A_254 = arith.constant 0 : i32
        %parallel_loop3A_255 = arith.constant 0 : i32
        %parallel_loop3A_256 = tpu.memref_slice %arg6[%parallel_loop3A_253, %parallel_loop3A_254, %parallel_loop3A_255] : memref<2x128x128xf32, #tpu.memory_space<vmem>> -> memref<1x128x128xf32, #tpu.memory_space<vmem>>
        %parallel_loop3A_257 = tpu.memref_squeeze %parallel_loop3A_256 : memref<1x128x128xf32, #tpu.memory_space<vmem>> -> memref<128x128xf32, #tpu.memory_space<vmem>>
        %parallel_loop3A_258 = tpu.vector_load_idx %parallel_loop3A_257[%parallel_loop3A_207, %parallel_loop3A_252] : memref<128x128xf32, #tpu.memory_space<vmem>>[vector<16xi32>, vector<16xi32>], vector<16xf32>,
        %parallel_loop3A_259 = arith.constant 4 : i32
        %parallel_loop3A_260 = vector.broadcast %parallel_loop3A_259 : i32 to vector<16xi32>
        %parallel_loop3A_261 = arith.addi %parallel_loop3A_201, %parallel_loop3A_260 : vector<16xi32>
        %parallel_loop3A_262 = arith.constant 8.000000e+00 : f32
        %parallel_loop3A_263 = vector.broadcast %parallel_loop3A_262 : f32 to vector<16xf32>
        %parallel_loop3A_264 = arith.mulf %parallel_loop3A_258, %parallel_loop3A_263 : vector<16xf32>
        %parallel_loop3A_265 = arith.constant 0 : i32
        %parallel_loop3A_266 = arith.constant 0 : i32
        %parallel_loop3A_267 = arith.constant 0 : i32
        %parallel_loop3A_268 = arith.constant 0 : i32
        %parallel_loop3A_269 = tpu.memref_slice %arg7[%parallel_loop3A_265, %parallel_loop3A_266, %parallel_loop3A_267, %parallel_loop3A_268] : memref<2x8x8x128xf32, #tpu.memory_space<vmem>> -> memref<1x8x8x128xf32, #tpu.memory_space<vmem>>
        %parallel_loop3A_270 = tpu.memref_squeeze %parallel_loop3A_269 : memref<1x8x8x128xf32, #tpu.memory_space<vmem>> -> memref<8x8x128xf32, #tpu.memory_space<vmem>>
        tpu.vector_store_idx %parallel_loop3A_270[%parallel_loop3A_261, %parallel_loop3A_204, %parallel_loop3A_207], %parallel_loop3A_264 : memref<8x8x128xf32, #tpu.memory_space<vmem>>[vector<16xi32>, vector<16xi32>, vector<16xi32>], vector<16xf32>,
        %parallel_loop3A_271 = arith.constant 48 : i32
        %parallel_loop3A_272 = vector.broadcast %parallel_loop3A_271 : i32 to vector<16xi32>
        %parallel_loop3A_273 = arith.addi %parallel_loop3A_198, %parallel_loop3A_272 : vector<16xi32>
        %parallel_loop3A_274 = arith.constant 0 : i32
        %parallel_loop3A_275 = arith.constant 0 : i32
        %parallel_loop3A_276 = arith.constant 0 : i32
        %parallel_loop3A_277 = tpu.memref_slice %arg6[%parallel_loop3A_274, %parallel_loop3A_275, %parallel_loop3A_276] : memref<2x128x128xf32, #tpu.memory_space<vmem>> -> memref<1x128x128xf32, #tpu.memory_space<vmem>>
        %parallel_loop3A_278 = tpu.memref_squeeze %parallel_loop3A_277 : memref<1x128x128xf32, #tpu.memory_space<vmem>> -> memref<128x128xf32, #tpu.memory_space<vmem>>
        %parallel_loop3A_279 = tpu.vector_load_idx %parallel_loop3A_278[%parallel_loop3A_207, %parallel_loop3A_273] : memref<128x128xf32, #tpu.memory_space<vmem>>[vector<16xi32>, vector<16xi32>], vector<16xf32>,
        %parallel_loop3A_280 = arith.constant 6 : i32
        %parallel_loop3A_281 = vector.broadcast %parallel_loop3A_280 : i32 to vector<16xi32>
        %parallel_loop3A_282 = arith.addi %parallel_loop3A_201, %parallel_loop3A_281 : vector<16xi32>
        %parallel_loop3A_283 = arith.constant 8.000000e+00 : f32
        %parallel_loop3A_284 = vector.broadcast %parallel_loop3A_283 : f32 to vector<16xf32>
        %parallel_loop3A_285 = arith.mulf %parallel_loop3A_279, %parallel_loop3A_284 : vector<16xf32>
        %parallel_loop3A_286 = arith.constant 0 : i32
        %parallel_loop3A_287 = arith.constant 0 : i32
        %parallel_loop3A_288 = arith.constant 0 : i32
        %parallel_loop3A_289 = arith.constant 0 : i32
        %parallel_loop3A_290 = tpu.memref_slice %arg7[%parallel_loop3A_286, %parallel_loop3A_287, %parallel_loop3A_288, %parallel_loop3A_289] : memref<2x8x8x128xf32, #tpu.memory_space<vmem>> -> memref<1x8x8x128xf32, #tpu.memory_space<vmem>>
        %parallel_loop3A_291 = tpu.memref_squeeze %parallel_loop3A_290 : memref<1x8x8x128xf32, #tpu.memory_space<vmem>> -> memref<8x8x128xf32, #tpu.memory_space<vmem>>
        tpu.vector_store_idx %parallel_loop3A_291[%parallel_loop3A_282, %parallel_loop3A_204, %parallel_loop3A_207], %parallel_loop3A_285 : memref<8x8x128xf32, #tpu.memory_space<vmem>>[vector<16xi32>, vector<16xi32>, vector<16xi32>], vector<16xf32>,
        %parallel_loop3A_292 = arith.constant 16 : i32
        %parallel_loop3A_293 = vector.broadcast %parallel_loop3A_292 : i32 to vector<16xi32>
        %parallel_loop3A_294 = arith.addi %iota3A, %parallel_loop3A_293 : vector<16xi32>
        %parallel_loop3A_295 = arith.constant 0 : i32
        %parallel_loop3A_296 = vector.broadcast %parallel_loop3A_295 : i32 to vector<16xi32>
        %parallel_loop3A_297 = arith.addi %parallel_loop3A_198, %parallel_loop3A_296 : vector<16xi32>
        %parallel_loop3A_298 = arith.constant 0 : i32
        %parallel_loop3A_299 = arith.constant 0 : i32
        %parallel_loop3A_300 = arith.constant 0 : i32
        %parallel_loop3A_301 = tpu.memref_slice %arg6[%parallel_loop3A_298, %parallel_loop3A_299, %parallel_loop3A_300] : memref<2x128x128xf32, #tpu.memory_space<vmem>> -> memref<1x128x128xf32, #tpu.memory_space<vmem>>
        %parallel_loop3A_302 = tpu.memref_squeeze %parallel_loop3A_301 : memref<1x128x128xf32, #tpu.memory_space<vmem>> -> memref<128x128xf32, #tpu.memory_space<vmem>>
        %parallel_loop3A_303 = tpu.vector_load_idx %parallel_loop3A_302[%parallel_loop3A_294, %parallel_loop3A_297] : memref<128x128xf32, #tpu.memory_space<vmem>>[vector<16xi32>, vector<16xi32>], vector<16xf32>,
        %parallel_loop3A_304 = arith.constant 0 : i32
        %parallel_loop3A_305 = vector.broadcast %parallel_loop3A_304 : i32 to vector<16xi32>
        %parallel_loop3A_306 = arith.addi %parallel_loop3A_201, %parallel_loop3A_305 : vector<16xi32>
        %parallel_loop3A_307 = arith.constant 8.000000e+00 : f32
        %parallel_loop3A_308 = vector.broadcast %parallel_loop3A_307 : f32 to vector<16xf32>
        %parallel_loop3A_309 = arith.mulf %parallel_loop3A_303, %parallel_loop3A_308 : vector<16xf32>
        %parallel_loop3A_310 = arith.constant 0 : i32
        %parallel_loop3A_311 = arith.constant 0 : i32
        %parallel_loop3A_312 = arith.constant 0 : i32
        %parallel_loop3A_313 = arith.constant 0 : i32
        %parallel_loop3A_314 = tpu.memref_slice %arg7[%parallel_loop3A_310, %parallel_loop3A_311, %parallel_loop3A_312, %parallel_loop3A_313] : memref<2x8x8x128xf32, #tpu.memory_space<vmem>> -> memref<1x8x8x128xf32, #tpu.memory_space<vmem>>
        %parallel_loop3A_315 = tpu.memref_squeeze %parallel_loop3A_314 : memref<1x8x8x128xf32, #tpu.memory_space<vmem>> -> memref<8x8x128xf32, #tpu.memory_space<vmem>>
        tpu.vector_store_idx %parallel_loop3A_315[%parallel_loop3A_306, %parallel_loop3A_204, %parallel_loop3A_294], %parallel_loop3A_309 : memref<8x8x128xf32, #tpu.memory_space<vmem>>[vector<16xi32>, vector<16xi32>, vector<16xi32>], vector<16xf32>,
        %parallel_loop3A_316 = arith.constant 16 : i32
        %parallel_loop3A_317 = vector.broadcast %parallel_loop3A_316 : i32 to vector<16xi32>
        %parallel_loop3A_318 = arith.addi %parallel_loop3A_198, %parallel_loop3A_317 : vector<16xi32>
        %parallel_loop3A_319 = arith.constant 0 : i32
        %parallel_loop3A_320 = arith.constant 0 : i32
        %parallel_loop3A_321 = arith.constant 0 : i32
        %parallel_loop3A_322 = tpu.memref_slice %arg6[%parallel_loop3A_319, %parallel_loop3A_320, %parallel_loop3A_321] : memref<2x128x128xf32, #tpu.memory_space<vmem>> -> memref<1x128x128xf32, #tpu.memory_space<vmem>>
        %parallel_loop3A_323 = tpu.memref_squeeze %parallel_loop3A_322 : memref<1x128x128xf32, #tpu.memory_space<vmem>> -> memref<128x128xf32, #tpu.memory_space<vmem>>
        %parallel_loop3A_324 = tpu.vector_load_idx %parallel_loop3A_323[%parallel_loop3A_294, %parallel_loop3A_318] : memref<128x128xf32, #tpu.memory_space<vmem>>[vector<16xi32>, vector<16xi32>], vector<16xf32>,
        %parallel_loop3A_325 = arith.constant 2 : i32
        %parallel_loop3A_326 = vector.broadcast %parallel_loop3A_325 : i32 to vector<16xi32>
        %parallel_loop3A_327 = arith.addi %parallel_loop3A_201, %parallel_loop3A_326 : vector<16xi32>
        %parallel_loop3A_328 = arith.constant 8.000000e+00 : f32
        %parallel_loop3A_329 = vector.broadcast %parallel_loop3A_328 : f32 to vector<16xf32>
        %parallel_loop3A_330 = arith.mulf %parallel_loop3A_324, %parallel_loop3A_329 : vector<16xf32>
        %parallel_loop3A_331 = arith.constant 0 : i32
        %parallel_loop3A_332 = arith.constant 0 : i32
        %parallel_loop3A_333 = arith.constant 0 : i32
        %parallel_loop3A_334 = arith.constant 0 : i32
        %parallel_loop3A_335 = tpu.memref_slice %arg7[%parallel_loop3A_331, %parallel_loop3A_332, %parallel_loop3A_333, %parallel_loop3A_334] : memref<2x8x8x128xf32, #tpu.memory_space<vmem>> -> memref<1x8x8x128xf32, #tpu.memory_space<vmem>>
        %parallel_loop3A_336 = tpu.memref_squeeze %parallel_loop3A_335 : memref<1x8x8x128xf32, #tpu.memory_space<vmem>> -> memref<8x8x128xf32, #tpu.memory_space<vmem>>
        tpu.vector_store_idx %parallel_loop3A_336[%parallel_loop3A_327, %parallel_loop3A_204, %parallel_loop3A_294], %parallel_loop3A_330 : memref<8x8x128xf32, #tpu.memory_space<vmem>>[vector<16xi32>, vector<16xi32>, vector<16xi32>], vector<16xf32>,
        %parallel_loop3A_337 = arith.constant 32 : i32
        %parallel_loop3A_338 = vector.broadcast %parallel_loop3A_337 : i32 to vector<16xi32>
        %parallel_loop3A_339 = arith.addi %parallel_loop3A_198, %parallel_loop3A_338 : vector<16xi32>
        %parallel_loop3A_340 = arith.constant 0 : i32
        %parallel_loop3A_341 = arith.constant 0 : i32
        %parallel_loop3A_342 = arith.constant 0 : i32
        %parallel_loop3A_343 = tpu.memref_slice %arg6[%parallel_loop3A_340, %parallel_loop3A_341, %parallel_loop3A_342] : memref<2x128x128xf32, #tpu.memory_space<vmem>> -> memref<1x128x128xf32, #tpu.memory_space<vmem>>
        %parallel_loop3A_344 = tpu.memref_squeeze %parallel_loop3A_343 : memref<1x128x128xf32, #tpu.memory_space<vmem>> -> memref<128x128xf32, #tpu.memory_space<vmem>>
        %parallel_loop3A_345 = tpu.vector_load_idx %parallel_loop3A_344[%parallel_loop3A_294, %parallel_loop3A_339] : memref<128x128xf32, #tpu.memory_space<vmem>>[vector<16xi32>, vector<16xi32>], vector<16xf32>,
        %parallel_loop3A_346 = arith.constant 4 : i32
        %parallel_loop3A_347 = vector.broadcast %parallel_loop3A_346 : i32 to vector<16xi32>
        %parallel_loop3A_348 = arith.addi %parallel_loop3A_201, %parallel_loop3A_347 : vector<16xi32>
        %parallel_loop3A_349 = arith.constant 8.000000e+00 : f32
        %parallel_loop3A_350 = vector.broadcast %parallel_loop3A_349 : f32 to vector<16xf32>
        %parallel_loop3A_351 = arith.mulf %parallel_loop3A_345, %parallel_loop3A_350 : vector<16xf32>
        %parallel_loop3A_352 = arith.constant 0 : i32
        %parallel_loop3A_353 = arith.constant 0 : i32
        %parallel_loop3A_354 = arith.constant 0 : i32
        %parallel_loop3A_355 = arith.constant 0 : i32
        %parallel_loop3A_356 = tpu.memref_slice %arg7[%parallel_loop3A_352, %parallel_loop3A_353, %parallel_loop3A_354, %parallel_loop3A_355] : memref<2x8x8x128xf32, #tpu.memory_space<vmem>> -> memref<1x8x8x128xf32, #tpu.memory_space<vmem>>
        %parallel_loop3A_357 = tpu.memref_squeeze %parallel_loop3A_356 : memref<1x8x8x128xf32, #tpu.memory_space<vmem>> -> memref<8x8x128xf32, #tpu.memory_space<vmem>>
        tpu.vector_store_idx %parallel_loop3A_357[%parallel_loop3A_348, %parallel_loop3A_204, %parallel_loop3A_294], %parallel_loop3A_351 : memref<8x8x128xf32, #tpu.memory_space<vmem>>[vector<16xi32>, vector<16xi32>, vector<16xi32>], vector<16xf32>,
        %parallel_loop3A_358 = arith.constant 48 : i32
        %parallel_loop3A_359 = vector.broadcast %parallel_loop3A_358 : i32 to vector<16xi32>
        %parallel_loop3A_360 = arith.addi %parallel_loop3A_198, %parallel_loop3A_359 : vector<16xi32>
        %parallel_loop3A_361 = arith.constant 0 : i32
        %parallel_loop3A_362 = arith.constant 0 : i32
        %parallel_loop3A_363 = arith.constant 0 : i32
        %parallel_loop3A_364 = tpu.memref_slice %arg6[%parallel_loop3A_361, %parallel_loop3A_362, %parallel_loop3A_363] : memref<2x128x128xf32, #tpu.memory_space<vmem>> -> memref<1x128x128xf32, #tpu.memory_space<vmem>>
        %parallel_loop3A_365 = tpu.memref_squeeze %parallel_loop3A_364 : memref<1x128x128xf32, #tpu.memory_space<vmem>> -> memref<128x128xf32, #tpu.memory_space<vmem>>
        %parallel_loop3A_366 = tpu.vector_load_idx %parallel_loop3A_365[%parallel_loop3A_294, %parallel_loop3A_360] : memref<128x128xf32, #tpu.memory_space<vmem>>[vector<16xi32>, vector<16xi32>], vector<16xf32>,
        %parallel_loop3A_367 = arith.constant 6 : i32
        %parallel_loop3A_368 = vector.broadcast %parallel_loop3A_367 : i32 to vector<16xi32>
        %parallel_loop3A_369 = arith.addi %parallel_loop3A_201, %parallel_loop3A_368 : vector<16xi32>
        %parallel_loop3A_370 = arith.constant 8.000000e+00 : f32
        %parallel_loop3A_371 = vector.broadcast %parallel_loop3A_370 : f32 to vector<16xf32>
        %parallel_loop3A_372 = arith.mulf %parallel_loop3A_366, %parallel_loop3A_371 : vector<16xf32>
        %parallel_loop3A_373 = arith.constant 0 : i32
        %parallel_loop3A_374 = arith.constant 0 : i32
        %parallel_loop3A_375 = arith.constant 0 : i32
        %parallel_loop3A_376 = arith.constant 0 : i32
        %parallel_loop3A_377 = tpu.memref_slice %arg7[%parallel_loop3A_373, %parallel_loop3A_374, %parallel_loop3A_375, %parallel_loop3A_376] : memref<2x8x8x128xf32, #tpu.memory_space<vmem>> -> memref<1x8x8x128xf32, #tpu.memory_space<vmem>>
        %parallel_loop3A_378 = tpu.memref_squeeze %parallel_loop3A_377 : memref<1x8x8x128xf32, #tpu.memory_space<vmem>> -> memref<8x8x128xf32, #tpu.memory_space<vmem>>
        tpu.vector_store_idx %parallel_loop3A_378[%parallel_loop3A_369, %parallel_loop3A_204, %parallel_loop3A_294], %parallel_loop3A_372 : memref<8x8x128xf32, #tpu.memory_space<vmem>>[vector<16xi32>, vector<16xi32>, vector<16xi32>], vector<16xf32>,
        %parallel_loop3A_379 = arith.constant 32 : i32
        %parallel_loop3A_380 = vector.broadcast %parallel_loop3A_379 : i32 to vector<16xi32>
        %parallel_loop3A_381 = arith.addi %iota3A, %parallel_loop3A_380 : vector<16xi32>
        %parallel_loop3A_382 = arith.constant 0 : i32
        %parallel_loop3A_383 = vector.broadcast %parallel_loop3A_382 : i32 to vector<16xi32>
        %parallel_loop3A_384 = arith.addi %parallel_loop3A_198, %parallel_loop3A_383 : vector<16xi32>
        %parallel_loop3A_385 = arith.constant 0 : i32
        %parallel_loop3A_386 = arith.constant 0 : i32
        %parallel_loop3A_387 = arith.constant 0 : i32
        %parallel_loop3A_388 = tpu.memref_slice %arg6[%parallel_loop3A_385, %parallel_loop3A_386, %parallel_loop3A_387] : memref<2x128x128xf32, #tpu.memory_space<vmem>> -> memref<1x128x128xf32, #tpu.memory_space<vmem>>
        %parallel_loop3A_389 = tpu.memref_squeeze %parallel_loop3A_388 : memref<1x128x128xf32, #tpu.memory_space<vmem>> -> memref<128x128xf32, #tpu.memory_space<vmem>>
        %parallel_loop3A_390 = tpu.vector_load_idx %parallel_loop3A_389[%parallel_loop3A_381, %parallel_loop3A_384] : memref<128x128xf32, #tpu.memory_space<vmem>>[vector<16xi32>, vector<16xi32>], vector<16xf32>,
        %parallel_loop3A_391 = arith.constant 0 : i32
        %parallel_loop3A_392 = vector.broadcast %parallel_loop3A_391 : i32 to vector<16xi32>
        %parallel_loop3A_393 = arith.addi %parallel_loop3A_201, %parallel_loop3A_392 : vector<16xi32>
        %parallel_loop3A_394 = arith.constant 8.000000e+00 : f32
        %parallel_loop3A_395 = vector.broadcast %parallel_loop3A_394 : f32 to vector<16xf32>
        %parallel_loop3A_396 = arith.mulf %parallel_loop3A_390, %parallel_loop3A_395 : vector<16xf32>
        %parallel_loop3A_397 = arith.constant 0 : i32
        %parallel_loop3A_398 = arith.constant 0 : i32
        %parallel_loop3A_399 = arith.constant 0 : i32
        %parallel_loop3A_400 = arith.constant 0 : i32
        %parallel_loop3A_401 = tpu.memref_slice %arg7[%parallel_loop3A_397, %parallel_loop3A_398, %parallel_loop3A_399, %parallel_loop3A_400] : memref<2x8x8x128xf32, #tpu.memory_space<vmem>> -> memref<1x8x8x128xf32, #tpu.memory_space<vmem>>
        %parallel_loop3A_402 = tpu.memref_squeeze %parallel_loop3A_401 : memref<1x8x8x128xf32, #tpu.memory_space<vmem>> -> memref<8x8x128xf32, #tpu.memory_space<vmem>>
        tpu.vector_store_idx %parallel_loop3A_402[%parallel_loop3A_393, %parallel_loop3A_204, %parallel_loop3A_381], %parallel_loop3A_396 : memref<8x8x128xf32, #tpu.memory_space<vmem>>[vector<16xi32>, vector<16xi32>, vector<16xi32>], vector<16xf32>,
        %parallel_loop3A_403 = arith.constant 16 : i32
        %parallel_loop3A_404 = vector.broadcast %parallel_loop3A_403 : i32 to vector<16xi32>
        %parallel_loop3A_405 = arith.addi %parallel_loop3A_198, %parallel_loop3A_404 : vector<16xi32>
        %parallel_loop3A_406 = arith.constant 0 : i32
        %parallel_loop3A_407 = arith.constant 0 : i32
        %parallel_loop3A_408 = arith.constant 0 : i32
        %parallel_loop3A_409 = tpu.memref_slice %arg6[%parallel_loop3A_406, %parallel_loop3A_407, %parallel_loop3A_408] : memref<2x128x128xf32, #tpu.memory_space<vmem>> -> memref<1x128x128xf32, #tpu.memory_space<vmem>>
        %parallel_loop3A_410 = tpu.memref_squeeze %parallel_loop3A_409 : memref<1x128x128xf32, #tpu.memory_space<vmem>> -> memref<128x128xf32, #tpu.memory_space<vmem>>
        %parallel_loop3A_411 = tpu.vector_load_idx %parallel_loop3A_410[%parallel_loop3A_381, %parallel_loop3A_405] : memref<128x128xf32, #tpu.memory_space<vmem>>[vector<16xi32>, vector<16xi32>], vector<16xf32>,
        %parallel_loop3A_412 = arith.constant 2 : i32
        %parallel_loop3A_413 = vector.broadcast %parallel_loop3A_412 : i32 to vector<16xi32>
        %parallel_loop3A_414 = arith.addi %parallel_loop3A_201, %parallel_loop3A_413 : vector<16xi32>
        %parallel_loop3A_415 = arith.constant 8.000000e+00 : f32
        %parallel_loop3A_416 = vector.broadcast %parallel_loop3A_415 : f32 to vector<16xf32>
        %parallel_loop3A_417 = arith.mulf %parallel_loop3A_411, %parallel_loop3A_416 : vector<16xf32>
        %parallel_loop3A_418 = arith.constant 0 : i32
        %parallel_loop3A_419 = arith.constant 0 : i32
        %parallel_loop3A_420 = arith.constant 0 : i32
        %parallel_loop3A_421 = arith.constant 0 : i32
        %parallel_loop3A_422 = tpu.memref_slice %arg7[%parallel_loop3A_418, %parallel_loop3A_419, %parallel_loop3A_420, %parallel_loop3A_421] : memref<2x8x8x128xf32, #tpu.memory_space<vmem>> -> memref<1x8x8x128xf32, #tpu.memory_space<vmem>>
        %parallel_loop3A_423 = tpu.memref_squeeze %parallel_loop3A_422 : memref<1x8x8x128xf32, #tpu.memory_space<vmem>> -> memref<8x8x128xf32, #tpu.memory_space<vmem>>
        tpu.vector_store_idx %parallel_loop3A_423[%parallel_loop3A_414, %parallel_loop3A_204, %parallel_loop3A_381], %parallel_loop3A_417 : memref<8x8x128xf32, #tpu.memory_space<vmem>>[vector<16xi32>, vector<16xi32>, vector<16xi32>], vector<16xf32>,
        %parallel_loop3A_424 = arith.constant 32 : i32
        %parallel_loop3A_425 = vector.broadcast %parallel_loop3A_424 : i32 to vector<16xi32>
        %parallel_loop3A_426 = arith.addi %parallel_loop3A_198, %parallel_loop3A_425 : vector<16xi32>
        %parallel_loop3A_427 = arith.constant 0 : i32
        %parallel_loop3A_428 = arith.constant 0 : i32
        %parallel_loop3A_429 = arith.constant 0 : i32
        %parallel_loop3A_430 = tpu.memref_slice %arg6[%parallel_loop3A_427, %parallel_loop3A_428, %parallel_loop3A_429] : memref<2x128x128xf32, #tpu.memory_space<vmem>> -> memref<1x128x128xf32, #tpu.memory_space<vmem>>
        %parallel_loop3A_431 = tpu.memref_squeeze %parallel_loop3A_430 : memref<1x128x128xf32, #tpu.memory_space<vmem>> -> memref<128x128xf32, #tpu.memory_space<vmem>>
        %parallel_loop3A_432 = tpu.vector_load_idx %parallel_loop3A_431[%parallel_loop3A_381, %parallel_loop3A_426] : memref<128x128xf32, #tpu.memory_space<vmem>>[vector<16xi32>, vector<16xi32>], vector<16xf32>,
        %parallel_loop3A_433 = arith.constant 4 : i32
        %parallel_loop3A_434 = vector.broadcast %parallel_loop3A_433 : i32 to vector<16xi32>
        %parallel_loop3A_435 = arith.addi %parallel_loop3A_201, %parallel_loop3A_434 : vector<16xi32>
        %parallel_loop3A_436 = arith.constant 8.000000e+00 : f32
        %parallel_loop3A_437 = vector.broadcast %parallel_loop3A_436 : f32 to vector<16xf32>
        %parallel_loop3A_438 = arith.mulf %parallel_loop3A_432, %parallel_loop3A_437 : vector<16xf32>
        %parallel_loop3A_439 = arith.constant 0 : i32
        %parallel_loop3A_440 = arith.constant 0 : i32
        %parallel_loop3A_441 = arith.constant 0 : i32
        %parallel_loop3A_442 = arith.constant 0 : i32
        %parallel_loop3A_443 = tpu.memref_slice %arg7[%parallel_loop3A_439, %parallel_loop3A_440, %parallel_loop3A_441, %parallel_loop3A_442] : memref<2x8x8x128xf32, #tpu.memory_space<vmem>> -> memref<1x8x8x128xf32, #tpu.memory_space<vmem>>
        %parallel_loop3A_444 = tpu.memref_squeeze %parallel_loop3A_443 : memref<1x8x8x128xf32, #tpu.memory_space<vmem>> -> memref<8x8x128xf32, #tpu.memory_space<vmem>>
        tpu.vector_store_idx %parallel_loop3A_444[%parallel_loop3A_435, %parallel_loop3A_204, %parallel_loop3A_381], %parallel_loop3A_438 : memref<8x8x128xf32, #tpu.memory_space<vmem>>[vector<16xi32>, vector<16xi32>, vector<16xi32>], vector<16xf32>,
        %parallel_loop3A_445 = arith.constant 48 : i32
        %parallel_loop3A_446 = vector.broadcast %parallel_loop3A_445 : i32 to vector<16xi32>
        %parallel_loop3A_447 = arith.addi %parallel_loop3A_198, %parallel_loop3A_446 : vector<16xi32>
        %parallel_loop3A_448 = arith.constant 0 : i32
        %parallel_loop3A_449 = arith.constant 0 : i32
        %parallel_loop3A_450 = arith.constant 0 : i32
        %parallel_loop3A_451 = tpu.memref_slice %arg6[%parallel_loop3A_448, %parallel_loop3A_449, %parallel_loop3A_450] : memref<2x128x128xf32, #tpu.memory_space<vmem>> -> memref<1x128x128xf32, #tpu.memory_space<vmem>>
        %parallel_loop3A_452 = tpu.memref_squeeze %parallel_loop3A_451 : memref<1x128x128xf32, #tpu.memory_space<vmem>> -> memref<128x128xf32, #tpu.memory_space<vmem>>
        %parallel_loop3A_453 = tpu.vector_load_idx %parallel_loop3A_452[%parallel_loop3A_381, %parallel_loop3A_447] : memref<128x128xf32, #tpu.memory_space<vmem>>[vector<16xi32>, vector<16xi32>], vector<16xf32>,
        %parallel_loop3A_454 = arith.constant 6 : i32
        %parallel_loop3A_455 = vector.broadcast %parallel_loop3A_454 : i32 to vector<16xi32>
        %parallel_loop3A_456 = arith.addi %parallel_loop3A_201, %parallel_loop3A_455 : vector<16xi32>
        %parallel_loop3A_457 = arith.constant 8.000000e+00 : f32
        %parallel_loop3A_458 = vector.broadcast %parallel_loop3A_457 : f32 to vector<16xf32>
        %parallel_loop3A_459 = arith.mulf %parallel_loop3A_453, %parallel_loop3A_458 : vector<16xf32>
        %parallel_loop3A_460 = arith.constant 0 : i32
        %parallel_loop3A_461 = arith.constant 0 : i32
        %parallel_loop3A_462 = arith.constant 0 : i32
        %parallel_loop3A_463 = arith.constant 0 : i32
        %parallel_loop3A_464 = tpu.memref_slice %arg7[%parallel_loop3A_460, %parallel_loop3A_461, %parallel_loop3A_462, %parallel_loop3A_463] : memref<2x8x8x128xf32, #tpu.memory_space<vmem>> -> memref<1x8x8x128xf32, #tpu.memory_space<vmem>>
        %parallel_loop3A_465 = tpu.memref_squeeze %parallel_loop3A_464 : memref<1x8x8x128xf32, #tpu.memory_space<vmem>> -> memref<8x8x128xf32, #tpu.memory_space<vmem>>
        tpu.vector_store_idx %parallel_loop3A_465[%parallel_loop3A_456, %parallel_loop3A_204, %parallel_loop3A_381], %parallel_loop3A_459 : memref<8x8x128xf32, #tpu.memory_space<vmem>>[vector<16xi32>, vector<16xi32>, vector<16xi32>], vector<16xf32>,
        %parallel_loop3A_466 = arith.constant 48 : i32
        %parallel_loop3A_467 = vector.broadcast %parallel_loop3A_466 : i32 to vector<16xi32>
        %parallel_loop3A_468 = arith.addi %iota3A, %parallel_loop3A_467 : vector<16xi32>
        %parallel_loop3A_469 = arith.constant 0 : i32
        %parallel_loop3A_470 = vector.broadcast %parallel_loop3A_469 : i32 to vector<16xi32>
        %parallel_loop3A_471 = arith.addi %parallel_loop3A_198, %parallel_loop3A_470 : vector<16xi32>
        %parallel_loop3A_472 = arith.constant 0 : i32
        %parallel_loop3A_473 = arith.constant 0 : i32
        %parallel_loop3A_474 = arith.constant 0 : i32
        %parallel_loop3A_475 = tpu.memref_slice %arg6[%parallel_loop3A_472, %parallel_loop3A_473, %parallel_loop3A_474] : memref<2x128x128xf32, #tpu.memory_space<vmem>> -> memref<1x128x128xf32, #tpu.memory_space<vmem>>
        %parallel_loop3A_476 = tpu.memref_squeeze %parallel_loop3A_475 : memref<1x128x128xf32, #tpu.memory_space<vmem>> -> memref<128x128xf32, #tpu.memory_space<vmem>>
        %parallel_loop3A_477 = tpu.vector_load_idx %parallel_loop3A_476[%parallel_loop3A_468, %parallel_loop3A_471] : memref<128x128xf32, #tpu.memory_space<vmem>>[vector<16xi32>, vector<16xi32>], vector<16xf32>,
        %parallel_loop3A_478 = arith.constant 0 : i32
        %parallel_loop3A_479 = vector.broadcast %parallel_loop3A_478 : i32 to vector<16xi32>
        %parallel_loop3A_480 = arith.addi %parallel_loop3A_201, %parallel_loop3A_479 : vector<16xi32>
        %parallel_loop3A_481 = arith.constant 8.000000e+00 : f32
        %parallel_loop3A_482 = vector.broadcast %parallel_loop3A_481 : f32 to vector<16xf32>
        %parallel_loop3A_483 = arith.mulf %parallel_loop3A_477, %parallel_loop3A_482 : vector<16xf32>
        %parallel_loop3A_484 = arith.constant 0 : i32
        %parallel_loop3A_485 = arith.constant 0 : i32
        %parallel_loop3A_486 = arith.constant 0 : i32
        %parallel_loop3A_487 = arith.constant 0 : i32
        %parallel_loop3A_488 = tpu.memref_slice %arg7[%parallel_loop3A_484, %parallel_loop3A_485, %parallel_loop3A_486, %parallel_loop3A_487] : memref<2x8x8x128xf32, #tpu.memory_space<vmem>> -> memref<1x8x8x128xf32, #tpu.memory_space<vmem>>
        %parallel_loop3A_489 = tpu.memref_squeeze %parallel_loop3A_488 : memref<1x8x8x128xf32, #tpu.memory_space<vmem>> -> memref<8x8x128xf32, #tpu.memory_space<vmem>>
        tpu.vector_store_idx %parallel_loop3A_489[%parallel_loop3A_480, %parallel_loop3A_204, %parallel_loop3A_468], %parallel_loop3A_483 : memref<8x8x128xf32, #tpu.memory_space<vmem>>[vector<16xi32>, vector<16xi32>, vector<16xi32>], vector<16xf32>,
        %parallel_loop3A_490 = arith.constant 16 : i32
        %parallel_loop3A_491 = vector.broadcast %parallel_loop3A_490 : i32 to vector<16xi32>
        %parallel_loop3A_492 = arith.addi %parallel_loop3A_198, %parallel_loop3A_491 : vector<16xi32>
        %parallel_loop3A_493 = arith.constant 0 : i32
        %parallel_loop3A_494 = arith.constant 0 : i32
        %parallel_loop3A_495 = arith.constant 0 : i32
        %parallel_loop3A_496 = tpu.memref_slice %arg6[%parallel_loop3A_493, %parallel_loop3A_494, %parallel_loop3A_495] : memref<2x128x128xf32, #tpu.memory_space<vmem>> -> memref<1x128x128xf32, #tpu.memory_space<vmem>>
        %parallel_loop3A_497 = tpu.memref_squeeze %parallel_loop3A_496 : memref<1x128x128xf32, #tpu.memory_space<vmem>> -> memref<128x128xf32, #tpu.memory_space<vmem>>
        %parallel_loop3A_498 = tpu.vector_load_idx %parallel_loop3A_497[%parallel_loop3A_468, %parallel_loop3A_492] : memref<128x128xf32, #tpu.memory_space<vmem>>[vector<16xi32>, vector<16xi32>], vector<16xf32>,
        %parallel_loop3A_499 = arith.constant 2 : i32
        %parallel_loop3A_500 = vector.broadcast %parallel_loop3A_499 : i32 to vector<16xi32>
        %parallel_loop3A_501 = arith.addi %parallel_loop3A_201, %parallel_loop3A_500 : vector<16xi32>
        %parallel_loop3A_502 = arith.constant 8.000000e+00 : f32
        %parallel_loop3A_503 = vector.broadcast %parallel_loop3A_502 : f32 to vector<16xf32>
        %parallel_loop3A_504 = arith.mulf %parallel_loop3A_498, %parallel_loop3A_503 : vector<16xf32>
        %parallel_loop3A_505 = arith.constant 0 : i32
        %parallel_loop3A_506 = arith.constant 0 : i32
        %parallel_loop3A_507 = arith.constant 0 : i32
        %parallel_loop3A_508 = arith.constant 0 : i32
        %parallel_loop3A_509 = tpu.memref_slice %arg7[%parallel_loop3A_505, %parallel_loop3A_506, %parallel_loop3A_507, %parallel_loop3A_508] : memref<2x8x8x128xf32, #tpu.memory_space<vmem>> -> memref<1x8x8x128xf32, #tpu.memory_space<vmem>>
        %parallel_loop3A_510 = tpu.memref_squeeze %parallel_loop3A_509 : memref<1x8x8x128xf32, #tpu.memory_space<vmem>> -> memref<8x8x128xf32, #tpu.memory_space<vmem>>
        tpu.vector_store_idx %parallel_loop3A_510[%parallel_loop3A_501, %parallel_loop3A_204, %parallel_loop3A_468], %parallel_loop3A_504 : memref<8x8x128xf32, #tpu.memory_space<vmem>>[vector<16xi32>, vector<16xi32>, vector<16xi32>], vector<16xf32>,
        %parallel_loop3A_511 = arith.constant 32 : i32
        %parallel_loop3A_512 = vector.broadcast %parallel_loop3A_511 : i32 to vector<16xi32>
        %parallel_loop3A_513 = arith.addi %parallel_loop3A_198, %parallel_loop3A_512 : vector<16xi32>
        %parallel_loop3A_514 = arith.constant 0 : i32
        %parallel_loop3A_515 = arith.constant 0 : i32
        %parallel_loop3A_516 = arith.constant 0 : i32
        %parallel_loop3A_517 = tpu.memref_slice %arg6[%parallel_loop3A_514, %parallel_loop3A_515, %parallel_loop3A_516] : memref<2x128x128xf32, #tpu.memory_space<vmem>> -> memref<1x128x128xf32, #tpu.memory_space<vmem>>
        %parallel_loop3A_518 = tpu.memref_squeeze %parallel_loop3A_517 : memref<1x128x128xf32, #tpu.memory_space<vmem>> -> memref<128x128xf32, #tpu.memory_space<vmem>>
        %parallel_loop3A_519 = tpu.vector_load_idx %parallel_loop3A_518[%parallel_loop3A_468, %parallel_loop3A_513] : memref<128x128xf32, #tpu.memory_space<vmem>>[vector<16xi32>, vector<16xi32>], vector<16xf32>,
        %parallel_loop3A_520 = arith.constant 4 : i32
        %parallel_loop3A_521 = vector.broadcast %parallel_loop3A_520 : i32 to vector<16xi32>
        %parallel_loop3A_522 = arith.addi %parallel_loop3A_201, %parallel_loop3A_521 : vector<16xi32>
        %parallel_loop3A_523 = arith.constant 8.000000e+00 : f32
        %parallel_loop3A_524 = vector.broadcast %parallel_loop3A_523 : f32 to vector<16xf32>
        %parallel_loop3A_525 = arith.mulf %parallel_loop3A_519, %parallel_loop3A_524 : vector<16xf32>
        %parallel_loop3A_526 = arith.constant 0 : i32
        %parallel_loop3A_527 = arith.constant 0 : i32
        %parallel_loop3A_528 = arith.constant 0 : i32
        %parallel_loop3A_529 = arith.constant 0 : i32
        %parallel_loop3A_530 = tpu.memref_slice %arg7[%parallel_loop3A_526, %parallel_loop3A_527, %parallel_loop3A_528, %parallel_loop3A_529] : memref<2x8x8x128xf32, #tpu.memory_space<vmem>> -> memref<1x8x8x128xf32, #tpu.memory_space<vmem>>
        %parallel_loop3A_531 = tpu.memref_squeeze %parallel_loop3A_530 : memref<1x8x8x128xf32, #tpu.memory_space<vmem>> -> memref<8x8x128xf32, #tpu.memory_space<vmem>>
        tpu.vector_store_idx %parallel_loop3A_531[%parallel_loop3A_522, %parallel_loop3A_204, %parallel_loop3A_468], %parallel_loop3A_525 : memref<8x8x128xf32, #tpu.memory_space<vmem>>[vector<16xi32>, vector<16xi32>, vector<16xi32>], vector<16xf32>,
        %parallel_loop3A_532 = arith.constant 48 : i32
        %parallel_loop3A_533 = vector.broadcast %parallel_loop3A_532 : i32 to vector<16xi32>
        %parallel_loop3A_534 = arith.addi %parallel_loop3A_198, %parallel_loop3A_533 : vector<16xi32>
        %parallel_loop3A_535 = arith.constant 0 : i32
        %parallel_loop3A_536 = arith.constant 0 : i32
        %parallel_loop3A_537 = arith.constant 0 : i32
        %parallel_loop3A_538 = tpu.memref_slice %arg6[%parallel_loop3A_535, %parallel_loop3A_536, %parallel_loop3A_537] : memref<2x128x128xf32, #tpu.memory_space<vmem>> -> memref<1x128x128xf32, #tpu.memory_space<vmem>>
        %parallel_loop3A_539 = tpu.memref_squeeze %parallel_loop3A_538 : memref<1x128x128xf32, #tpu.memory_space<vmem>> -> memref<128x128xf32, #tpu.memory_space<vmem>>
        %parallel_loop3A_540 = tpu.vector_load_idx %parallel_loop3A_539[%parallel_loop3A_468, %parallel_loop3A_534] : memref<128x128xf32, #tpu.memory_space<vmem>>[vector<16xi32>, vector<16xi32>], vector<16xf32>,
        %parallel_loop3A_541 = arith.constant 6 : i32
        %parallel_loop3A_542 = vector.broadcast %parallel_loop3A_541 : i32 to vector<16xi32>
        %parallel_loop3A_543 = arith.addi %parallel_loop3A_201, %parallel_loop3A_542 : vector<16xi32>
        %parallel_loop3A_544 = arith.constant 8.000000e+00 : f32
        %parallel_loop3A_545 = vector.broadcast %parallel_loop3A_544 : f32 to vector<16xf32>
        %parallel_loop3A_546 = arith.mulf %parallel_loop3A_540, %parallel_loop3A_545 : vector<16xf32>
        %parallel_loop3A_547 = arith.constant 0 : i32
        %parallel_loop3A_548 = arith.constant 0 : i32
        %parallel_loop3A_549 = arith.constant 0 : i32
        %parallel_loop3A_550 = arith.constant 0 : i32
        %parallel_loop3A_551 = tpu.memref_slice %arg7[%parallel_loop3A_547, %parallel_loop3A_548, %parallel_loop3A_549, %parallel_loop3A_550] : memref<2x8x8x128xf32, #tpu.memory_space<vmem>> -> memref<1x8x8x128xf32, #tpu.memory_space<vmem>>
        %parallel_loop3A_552 = tpu.memref_squeeze %parallel_loop3A_551 : memref<1x8x8x128xf32, #tpu.memory_space<vmem>> -> memref<8x8x128xf32, #tpu.memory_space<vmem>>
        tpu.vector_store_idx %parallel_loop3A_552[%parallel_loop3A_543, %parallel_loop3A_204, %parallel_loop3A_468], %parallel_loop3A_546 : memref<8x8x128xf32, #tpu.memory_space<vmem>>[vector<16xi32>, vector<16xi32>, vector<16xi32>], vector<16xf32>,
        %parallel_loop3A_553 = arith.constant 64 : i32
        %parallel_loop3A_554 = vector.broadcast %parallel_loop3A_553 : i32 to vector<16xi32>
        %parallel_loop3A_555 = arith.addi %iota3A, %parallel_loop3A_554 : vector<16xi32>
        %parallel_loop3A_556 = arith.constant 0 : i32
        %parallel_loop3A_557 = vector.broadcast %parallel_loop3A_556 : i32 to vector<16xi32>
        %parallel_loop3A_558 = arith.addi %parallel_loop3A_198, %parallel_loop3A_557 : vector<16xi32>
        %parallel_loop3A_559 = arith.constant 0 : i32
        %parallel_loop3A_560 = arith.constant 0 : i32
        %parallel_loop3A_561 = arith.constant 0 : i32
        %parallel_loop3A_562 = tpu.memref_slice %arg6[%parallel_loop3A_559, %parallel_loop3A_560, %parallel_loop3A_561] : memref<2x128x128xf32, #tpu.memory_space<vmem>> -> memref<1x128x128xf32, #tpu.memory_space<vmem>>
        %parallel_loop3A_563 = tpu.memref_squeeze %parallel_loop3A_562 : memref<1x128x128xf32, #tpu.memory_space<vmem>> -> memref<128x128xf32, #tpu.memory_space<vmem>>
        %parallel_loop3A_564 = tpu.vector_load_idx %parallel_loop3A_563[%parallel_loop3A_555, %parallel_loop3A_558] : memref<128x128xf32, #tpu.memory_space<vmem>>[vector<16xi32>, vector<16xi32>], vector<16xf32>,
        %parallel_loop3A_565 = arith.constant 0 : i32
        %parallel_loop3A_566 = vector.broadcast %parallel_loop3A_565 : i32 to vector<16xi32>
        %parallel_loop3A_567 = arith.addi %parallel_loop3A_201, %parallel_loop3A_566 : vector<16xi32>
        %parallel_loop3A_568 = arith.constant 8.000000e+00 : f32
        %parallel_loop3A_569 = vector.broadcast %parallel_loop3A_568 : f32 to vector<16xf32>
        %parallel_loop3A_570 = arith.mulf %parallel_loop3A_564, %parallel_loop3A_569 : vector<16xf32>
        %parallel_loop3A_571 = arith.constant 0 : i32
        %parallel_loop3A_572 = arith.constant 0 : i32
        %parallel_loop3A_573 = arith.constant 0 : i32
        %parallel_loop3A_574 = arith.constant 0 : i32
        %parallel_loop3A_575 = tpu.memref_slice %arg7[%parallel_loop3A_571, %parallel_loop3A_572, %parallel_loop3A_573, %parallel_loop3A_574] : memref<2x8x8x128xf32, #tpu.memory_space<vmem>> -> memref<1x8x8x128xf32, #tpu.memory_space<vmem>>
        %parallel_loop3A_576 = tpu.memref_squeeze %parallel_loop3A_575 : memref<1x8x8x128xf32, #tpu.memory_space<vmem>> -> memref<8x8x128xf32, #tpu.memory_space<vmem>>
        tpu.vector_store_idx %parallel_loop3A_576[%parallel_loop3A_567, %parallel_loop3A_204, %parallel_loop3A_555], %parallel_loop3A_570 : memref<8x8x128xf32, #tpu.memory_space<vmem>>[vector<16xi32>, vector<16xi32>, vector<16xi32>], vector<16xf32>,
        %parallel_loop3A_577 = arith.constant 16 : i32
        %parallel_loop3A_578 = vector.broadcast %parallel_loop3A_577 : i32 to vector<16xi32>
        %parallel_loop3A_579 = arith.addi %parallel_loop3A_198, %parallel_loop3A_578 : vector<16xi32>
        %parallel_loop3A_580 = arith.constant 0 : i32
        %parallel_loop3A_581 = arith.constant 0 : i32
        %parallel_loop3A_582 = arith.constant 0 : i32
        %parallel_loop3A_583 = tpu.memref_slice %arg6[%parallel_loop3A_580, %parallel_loop3A_581, %parallel_loop3A_582] : memref<2x128x128xf32, #tpu.memory_space<vmem>> -> memref<1x128x128xf32, #tpu.memory_space<vmem>>
        %parallel_loop3A_584 = tpu.memref_squeeze %parallel_loop3A_583 : memref<1x128x128xf32, #tpu.memory_space<vmem>> -> memref<128x128xf32, #tpu.memory_space<vmem>>
        %parallel_loop3A_585 = tpu.vector_load_idx %parallel_loop3A_584[%parallel_loop3A_555, %parallel_loop3A_579] : memref<128x128xf32, #tpu.memory_space<vmem>>[vector<16xi32>, vector<16xi32>], vector<16xf32>,
        %parallel_loop3A_586 = arith.constant 2 : i32
        %parallel_loop3A_587 = vector.broadcast %parallel_loop3A_586 : i32 to vector<16xi32>
        %parallel_loop3A_588 = arith.addi %parallel_loop3A_201, %parallel_loop3A_587 : vector<16xi32>
        %parallel_loop3A_589 = arith.constant 8.000000e+00 : f32
        %parallel_loop3A_590 = vector.broadcast %parallel_loop3A_589 : f32 to vector<16xf32>
        %parallel_loop3A_591 = arith.mulf %parallel_loop3A_585, %parallel_loop3A_590 : vector<16xf32>
        %parallel_loop3A_592 = arith.constant 0 : i32
        %parallel_loop3A_593 = arith.constant 0 : i32
        %parallel_loop3A_594 = arith.constant 0 : i32
        %parallel_loop3A_595 = arith.constant 0 : i32
        %parallel_loop3A_596 = tpu.memref_slice %arg7[%parallel_loop3A_592, %parallel_loop3A_593, %parallel_loop3A_594, %parallel_loop3A_595] : memref<2x8x8x128xf32, #tpu.memory_space<vmem>> -> memref<1x8x8x128xf32, #tpu.memory_space<vmem>>
        %parallel_loop3A_597 = tpu.memref_squeeze %parallel_loop3A_596 : memref<1x8x8x128xf32, #tpu.memory_space<vmem>> -> memref<8x8x128xf32, #tpu.memory_space<vmem>>
        tpu.vector_store_idx %parallel_loop3A_597[%parallel_loop3A_588, %parallel_loop3A_204, %parallel_loop3A_555], %parallel_loop3A_591 : memref<8x8x128xf32, #tpu.memory_space<vmem>>[vector<16xi32>, vector<16xi32>, vector<16xi32>], vector<16xf32>,
        %parallel_loop3A_598 = arith.constant 32 : i32
        %parallel_loop3A_599 = vector.broadcast %parallel_loop3A_598 : i32 to vector<16xi32>
        %parallel_loop3A_600 = arith.addi %parallel_loop3A_198, %parallel_loop3A_599 : vector<16xi32>
        %parallel_loop3A_601 = arith.constant 0 : i32
        %parallel_loop3A_602 = arith.constant 0 : i32
        %parallel_loop3A_603 = arith.constant 0 : i32
        %parallel_loop3A_604 = tpu.memref_slice %arg6[%parallel_loop3A_601, %parallel_loop3A_602, %parallel_loop3A_603] : memref<2x128x128xf32, #tpu.memory_space<vmem>> -> memref<1x128x128xf32, #tpu.memory_space<vmem>>
        %parallel_loop3A_605 = tpu.memref_squeeze %parallel_loop3A_604 : memref<1x128x128xf32, #tpu.memory_space<vmem>> -> memref<128x128xf32, #tpu.memory_space<vmem>>
        %parallel_loop3A_606 = tpu.vector_load_idx %parallel_loop3A_605[%parallel_loop3A_555, %parallel_loop3A_600] : memref<128x128xf32, #tpu.memory_space<vmem>>[vector<16xi32>, vector<16xi32>], vector<16xf32>,
        %parallel_loop3A_607 = arith.constant 4 : i32
        %parallel_loop3A_608 = vector.broadcast %parallel_loop3A_607 : i32 to vector<16xi32>
        %parallel_loop3A_609 = arith.addi %parallel_loop3A_201, %parallel_loop3A_608 : vector<16xi32>
        %parallel_loop3A_610 = arith.constant 8.000000e+00 : f32
        %parallel_loop3A_611 = vector.broadcast %parallel_loop3A_610 : f32 to vector<16xf32>
        %parallel_loop3A_612 = arith.mulf %parallel_loop3A_606, %parallel_loop3A_611 : vector<16xf32>
        %parallel_loop3A_613 = arith.constant 0 : i32
        %parallel_loop3A_614 = arith.constant 0 : i32
        %parallel_loop3A_615 = arith.constant 0 : i32
        %parallel_loop3A_616 = arith.constant 0 : i32
        %parallel_loop3A_617 = tpu.memref_slice %arg7[%parallel_loop3A_613, %parallel_loop3A_614, %parallel_loop3A_615, %parallel_loop3A_616] : memref<2x8x8x128xf32, #tpu.memory_space<vmem>> -> memref<1x8x8x128xf32, #tpu.memory_space<vmem>>
        %parallel_loop3A_618 = tpu.memref_squeeze %parallel_loop3A_617 : memref<1x8x8x128xf32, #tpu.memory_space<vmem>> -> memref<8x8x128xf32, #tpu.memory_space<vmem>>
        tpu.vector_store_idx %parallel_loop3A_618[%parallel_loop3A_609, %parallel_loop3A_204, %parallel_loop3A_555], %parallel_loop3A_612 : memref<8x8x128xf32, #tpu.memory_space<vmem>>[vector<16xi32>, vector<16xi32>, vector<16xi32>], vector<16xf32>,
        %parallel_loop3A_619 = arith.constant 48 : i32
        %parallel_loop3A_620 = vector.broadcast %parallel_loop3A_619 : i32 to vector<16xi32>
        %parallel_loop3A_621 = arith.addi %parallel_loop3A_198, %parallel_loop3A_620 : vector<16xi32>
        %parallel_loop3A_622 = arith.constant 0 : i32
        %parallel_loop3A_623 = arith.constant 0 : i32
        %parallel_loop3A_624 = arith.constant 0 : i32
        %parallel_loop3A_625 = tpu.memref_slice %arg6[%parallel_loop3A_622, %parallel_loop3A_623, %parallel_loop3A_624] : memref<2x128x128xf32, #tpu.memory_space<vmem>> -> memref<1x128x128xf32, #tpu.memory_space<vmem>>
        %parallel_loop3A_626 = tpu.memref_squeeze %parallel_loop3A_625 : memref<1x128x128xf32, #tpu.memory_space<vmem>> -> memref<128x128xf32, #tpu.memory_space<vmem>>
        %parallel_loop3A_627 = tpu.vector_load_idx %parallel_loop3A_626[%parallel_loop3A_555, %parallel_loop3A_621] : memref<128x128xf32, #tpu.memory_space<vmem>>[vector<16xi32>, vector<16xi32>], vector<16xf32>,
        %parallel_loop3A_628 = arith.constant 6 : i32
        %parallel_loop3A_629 = vector.broadcast %parallel_loop3A_628 : i32 to vector<16xi32>
        %parallel_loop3A_630 = arith.addi %parallel_loop3A_201, %parallel_loop3A_629 : vector<16xi32>
        %parallel_loop3A_631 = arith.constant 8.000000e+00 : f32
        %parallel_loop3A_632 = vector.broadcast %parallel_loop3A_631 : f32 to vector<16xf32>
        %parallel_loop3A_633 = arith.mulf %parallel_loop3A_627, %parallel_loop3A_632 : vector<16xf32>
        %parallel_loop3A_634 = arith.constant 0 : i32
        %parallel_loop3A_635 = arith.constant 0 : i32
        %parallel_loop3A_636 = arith.constant 0 : i32
        %parallel_loop3A_637 = arith.constant 0 : i32
        %parallel_loop3A_638 = tpu.memref_slice %arg7[%parallel_loop3A_634, %parallel_loop3A_635, %parallel_loop3A_636, %parallel_loop3A_637] : memref<2x8x8x128xf32, #tpu.memory_space<vmem>> -> memref<1x8x8x128xf32, #tpu.memory_space<vmem>>
        %parallel_loop3A_639 = tpu.memref_squeeze %parallel_loop3A_638 : memref<1x8x8x128xf32, #tpu.memory_space<vmem>> -> memref<8x8x128xf32, #tpu.memory_space<vmem>>
        tpu.vector_store_idx %parallel_loop3A_639[%parallel_loop3A_630, %parallel_loop3A_204, %parallel_loop3A_555], %parallel_loop3A_633 : memref<8x8x128xf32, #tpu.memory_space<vmem>>[vector<16xi32>, vector<16xi32>, vector<16xi32>], vector<16xf32>,
        %parallel_loop3A_640 = arith.constant 80 : i32
        %parallel_loop3A_641 = vector.broadcast %parallel_loop3A_640 : i32 to vector<16xi32>
        %parallel_loop3A_642 = arith.addi %iota3A, %parallel_loop3A_641 : vector<16xi32>
        %parallel_loop3A_643 = arith.constant 0 : i32
        %parallel_loop3A_644 = vector.broadcast %parallel_loop3A_643 : i32 to vector<16xi32>
        %parallel_loop3A_645 = arith.addi %parallel_loop3A_198, %parallel_loop3A_644 : vector<16xi32>
        %parallel_loop3A_646 = arith.constant 0 : i32
        %parallel_loop3A_647 = arith.constant 0 : i32
        %parallel_loop3A_648 = arith.constant 0 : i32
        %parallel_loop3A_649 = tpu.memref_slice %arg6[%parallel_loop3A_646, %parallel_loop3A_647, %parallel_loop3A_648] : memref<2x128x128xf32, #tpu.memory_space<vmem>> -> memref<1x128x128xf32, #tpu.memory_space<vmem>>
        %parallel_loop3A_650 = tpu.memref_squeeze %parallel_loop3A_649 : memref<1x128x128xf32, #tpu.memory_space<vmem>> -> memref<128x128xf32, #tpu.memory_space<vmem>>
        %parallel_loop3A_651 = tpu.vector_load_idx %parallel_loop3A_650[%parallel_loop3A_642, %parallel_loop3A_645] : memref<128x128xf32, #tpu.memory_space<vmem>>[vector<16xi32>, vector<16xi32>], vector<16xf32>,
        %parallel_loop3A_652 = arith.constant 0 : i32
        %parallel_loop3A_653 = vector.broadcast %parallel_loop3A_652 : i32 to vector<16xi32>
        %parallel_loop3A_654 = arith.addi %parallel_loop3A_201, %parallel_loop3A_653 : vector<16xi32>
        %parallel_loop3A_655 = arith.constant 8.000000e+00 : f32
        %parallel_loop3A_656 = vector.broadcast %parallel_loop3A_655 : f32 to vector<16xf32>
        %parallel_loop3A_657 = arith.mulf %parallel_loop3A_651, %parallel_loop3A_656 : vector<16xf32>
        %parallel_loop3A_658 = arith.constant 0 : i32
        %parallel_loop3A_659 = arith.constant 0 : i32
        %parallel_loop3A_660 = arith.constant 0 : i32
        %parallel_loop3A_661 = arith.constant 0 : i32
        %parallel_loop3A_662 = tpu.memref_slice %arg7[%parallel_loop3A_658, %parallel_loop3A_659, %parallel_loop3A_660, %parallel_loop3A_661] : memref<2x8x8x128xf32, #tpu.memory_space<vmem>> -> memref<1x8x8x128xf32, #tpu.memory_space<vmem>>
        %parallel_loop3A_663 = tpu.memref_squeeze %parallel_loop3A_662 : memref<1x8x8x128xf32, #tpu.memory_space<vmem>> -> memref<8x8x128xf32, #tpu.memory_space<vmem>>
        tpu.vector_store_idx %parallel_loop3A_663[%parallel_loop3A_654, %parallel_loop3A_204, %parallel_loop3A_642], %parallel_loop3A_657 : memref<8x8x128xf32, #tpu.memory_space<vmem>>[vector<16xi32>, vector<16xi32>, vector<16xi32>], vector<16xf32>,
        %parallel_loop3A_664 = arith.constant 16 : i32
        %parallel_loop3A_665 = vector.broadcast %parallel_loop3A_664 : i32 to vector<16xi32>
        %parallel_loop3A_666 = arith.addi %parallel_loop3A_198, %parallel_loop3A_665 : vector<16xi32>
        %parallel_loop3A_667 = arith.constant 0 : i32
        %parallel_loop3A_668 = arith.constant 0 : i32
        %parallel_loop3A_669 = arith.constant 0 : i32
        %parallel_loop3A_670 = tpu.memref_slice %arg6[%parallel_loop3A_667, %parallel_loop3A_668, %parallel_loop3A_669] : memref<2x128x128xf32, #tpu.memory_space<vmem>> -> memref<1x128x128xf32, #tpu.memory_space<vmem>>
        %parallel_loop3A_671 = tpu.memref_squeeze %parallel_loop3A_670 : memref<1x128x128xf32, #tpu.memory_space<vmem>> -> memref<128x128xf32, #tpu.memory_space<vmem>>
        %parallel_loop3A_672 = tpu.vector_load_idx %parallel_loop3A_671[%parallel_loop3A_642, %parallel_loop3A_666] : memref<128x128xf32, #tpu.memory_space<vmem>>[vector<16xi32>, vector<16xi32>], vector<16xf32>,
        %parallel_loop3A_673 = arith.constant 2 : i32
        %parallel_loop3A_674 = vector.broadcast %parallel_loop3A_673 : i32 to vector<16xi32>
        %parallel_loop3A_675 = arith.addi %parallel_loop3A_201, %parallel_loop3A_674 : vector<16xi32>
        %parallel_loop3A_676 = arith.constant 8.000000e+00 : f32
        %parallel_loop3A_677 = vector.broadcast %parallel_loop3A_676 : f32 to vector<16xf32>
        %parallel_loop3A_678 = arith.mulf %parallel_loop3A_672, %parallel_loop3A_677 : vector<16xf32>
        %parallel_loop3A_679 = arith.constant 0 : i32
        %parallel_loop3A_680 = arith.constant 0 : i32
        %parallel_loop3A_681 = arith.constant 0 : i32
        %parallel_loop3A_682 = arith.constant 0 : i32
        %parallel_loop3A_683 = tpu.memref_slice %arg7[%parallel_loop3A_679, %parallel_loop3A_680, %parallel_loop3A_681, %parallel_loop3A_682] : memref<2x8x8x128xf32, #tpu.memory_space<vmem>> -> memref<1x8x8x128xf32, #tpu.memory_space<vmem>>
        %parallel_loop3A_684 = tpu.memref_squeeze %parallel_loop3A_683 : memref<1x8x8x128xf32, #tpu.memory_space<vmem>> -> memref<8x8x128xf32, #tpu.memory_space<vmem>>
        tpu.vector_store_idx %parallel_loop3A_684[%parallel_loop3A_675, %parallel_loop3A_204, %parallel_loop3A_642], %parallel_loop3A_678 : memref<8x8x128xf32, #tpu.memory_space<vmem>>[vector<16xi32>, vector<16xi32>, vector<16xi32>], vector<16xf32>,
        %parallel_loop3A_685 = arith.constant 32 : i32
        %parallel_loop3A_686 = vector.broadcast %parallel_loop3A_685 : i32 to vector<16xi32>
        %parallel_loop3A_687 = arith.addi %parallel_loop3A_198, %parallel_loop3A_686 : vector<16xi32>
        %parallel_loop3A_688 = arith.constant 0 : i32
        %parallel_loop3A_689 = arith.constant 0 : i32
        %parallel_loop3A_690 = arith.constant 0 : i32
        %parallel_loop3A_691 = tpu.memref_slice %arg6[%parallel_loop3A_688, %parallel_loop3A_689, %parallel_loop3A_690] : memref<2x128x128xf32, #tpu.memory_space<vmem>> -> memref<1x128x128xf32, #tpu.memory_space<vmem>>
        %parallel_loop3A_692 = tpu.memref_squeeze %parallel_loop3A_691 : memref<1x128x128xf32, #tpu.memory_space<vmem>> -> memref<128x128xf32, #tpu.memory_space<vmem>>
        %parallel_loop3A_693 = tpu.vector_load_idx %parallel_loop3A_692[%parallel_loop3A_642, %parallel_loop3A_687] : memref<128x128xf32, #tpu.memory_space<vmem>>[vector<16xi32>, vector<16xi32>], vector<16xf32>,
        %parallel_loop3A_694 = arith.constant 4 : i32
        %parallel_loop3A_695 = vector.broadcast %parallel_loop3A_694 : i32 to vector<16xi32>
        %parallel_loop3A_696 = arith.addi %parallel_loop3A_201, %parallel_loop3A_695 : vector<16xi32>
        %parallel_loop3A_697 = arith.constant 8.000000e+00 : f32
        %parallel_loop3A_698 = vector.broadcast %parallel_loop3A_697 : f32 to vector<16xf32>
        %parallel_loop3A_699 = arith.mulf %parallel_loop3A_693, %parallel_loop3A_698 : vector<16xf32>
        %parallel_loop3A_700 = arith.constant 0 : i32
        %parallel_loop3A_701 = arith.constant 0 : i32
        %parallel_loop3A_702 = arith.constant 0 : i32
        %parallel_loop3A_703 = arith.constant 0 : i32
        %parallel_loop3A_704 = tpu.memref_slice %arg7[%parallel_loop3A_700, %parallel_loop3A_701, %parallel_loop3A_702, %parallel_loop3A_703] : memref<2x8x8x128xf32, #tpu.memory_space<vmem>> -> memref<1x8x8x128xf32, #tpu.memory_space<vmem>>
        %parallel_loop3A_705 = tpu.memref_squeeze %parallel_loop3A_704 : memref<1x8x8x128xf32, #tpu.memory_space<vmem>> -> memref<8x8x128xf32, #tpu.memory_space<vmem>>
        tpu.vector_store_idx %parallel_loop3A_705[%parallel_loop3A_696, %parallel_loop3A_204, %parallel_loop3A_642], %parallel_loop3A_699 : memref<8x8x128xf32, #tpu.memory_space<vmem>>[vector<16xi32>, vector<16xi32>, vector<16xi32>], vector<16xf32>,
        %parallel_loop3A_706 = arith.constant 48 : i32
        %parallel_loop3A_707 = vector.broadcast %parallel_loop3A_706 : i32 to vector<16xi32>
        %parallel_loop3A_708 = arith.addi %parallel_loop3A_198, %parallel_loop3A_707 : vector<16xi32>
        %parallel_loop3A_709 = arith.constant 0 : i32
        %parallel_loop3A_710 = arith.constant 0 : i32
        %parallel_loop3A_711 = arith.constant 0 : i32
        %parallel_loop3A_712 = tpu.memref_slice %arg6[%parallel_loop3A_709, %parallel_loop3A_710, %parallel_loop3A_711] : memref<2x128x128xf32, #tpu.memory_space<vmem>> -> memref<1x128x128xf32, #tpu.memory_space<vmem>>
        %parallel_loop3A_713 = tpu.memref_squeeze %parallel_loop3A_712 : memref<1x128x128xf32, #tpu.memory_space<vmem>> -> memref<128x128xf32, #tpu.memory_space<vmem>>
        %parallel_loop3A_714 = tpu.vector_load_idx %parallel_loop3A_713[%parallel_loop3A_642, %parallel_loop3A_708] : memref<128x128xf32, #tpu.memory_space<vmem>>[vector<16xi32>, vector<16xi32>], vector<16xf32>,
        %parallel_loop3A_715 = arith.constant 6 : i32
        %parallel_loop3A_716 = vector.broadcast %parallel_loop3A_715 : i32 to vector<16xi32>
        %parallel_loop3A_717 = arith.addi %parallel_loop3A_201, %parallel_loop3A_716 : vector<16xi32>
        %parallel_loop3A_718 = arith.constant 8.000000e+00 : f32
        %parallel_loop3A_719 = vector.broadcast %parallel_loop3A_718 : f32 to vector<16xf32>
        %parallel_loop3A_720 = arith.mulf %parallel_loop3A_714, %parallel_loop3A_719 : vector<16xf32>
        %parallel_loop3A_721 = arith.constant 0 : i32
        %parallel_loop3A_722 = arith.constant 0 : i32
        %parallel_loop3A_723 = arith.constant 0 : i32
        %parallel_loop3A_724 = arith.constant 0 : i32
        %parallel_loop3A_725 = tpu.memref_slice %arg7[%parallel_loop3A_721, %parallel_loop3A_722, %parallel_loop3A_723, %parallel_loop3A_724] : memref<2x8x8x128xf32, #tpu.memory_space<vmem>> -> memref<1x8x8x128xf32, #tpu.memory_space<vmem>>
        %parallel_loop3A_726 = tpu.memref_squeeze %parallel_loop3A_725 : memref<1x8x8x128xf32, #tpu.memory_space<vmem>> -> memref<8x8x128xf32, #tpu.memory_space<vmem>>
        tpu.vector_store_idx %parallel_loop3A_726[%parallel_loop3A_717, %parallel_loop3A_204, %parallel_loop3A_642], %parallel_loop3A_720 : memref<8x8x128xf32, #tpu.memory_space<vmem>>[vector<16xi32>, vector<16xi32>, vector<16xi32>], vector<16xf32>,
        %parallel_loop3A_727 = arith.constant 96 : i32
        %parallel_loop3A_728 = vector.broadcast %parallel_loop3A_727 : i32 to vector<16xi32>
        %parallel_loop3A_729 = arith.addi %iota3A, %parallel_loop3A_728 : vector<16xi32>
        %parallel_loop3A_730 = arith.constant 0 : i32
        %parallel_loop3A_731 = vector.broadcast %parallel_loop3A_730 : i32 to vector<16xi32>
        %parallel_loop3A_732 = arith.addi %parallel_loop3A_198, %parallel_loop3A_731 : vector<16xi32>
        %parallel_loop3A_733 = arith.constant 0 : i32
        %parallel_loop3A_734 = arith.constant 0 : i32
        %parallel_loop3A_735 = arith.constant 0 : i32
        %parallel_loop3A_736 = tpu.memref_slice %arg6[%parallel_loop3A_733, %parallel_loop3A_734, %parallel_loop3A_735] : memref<2x128x128xf32, #tpu.memory_space<vmem>> -> memref<1x128x128xf32, #tpu.memory_space<vmem>>
        %parallel_loop3A_737 = tpu.memref_squeeze %parallel_loop3A_736 : memref<1x128x128xf32, #tpu.memory_space<vmem>> -> memref<128x128xf32, #tpu.memory_space<vmem>>
        %parallel_loop3A_738 = tpu.vector_load_idx %parallel_loop3A_737[%parallel_loop3A_729, %parallel_loop3A_732] : memref<128x128xf32, #tpu.memory_space<vmem>>[vector<16xi32>, vector<16xi32>], vector<16xf32>,
        %parallel_loop3A_739 = arith.constant 0 : i32
        %parallel_loop3A_740 = vector.broadcast %parallel_loop3A_739 : i32 to vector<16xi32>
        %parallel_loop3A_741 = arith.addi %parallel_loop3A_201, %parallel_loop3A_740 : vector<16xi32>
        %parallel_loop3A_742 = arith.constant 8.000000e+00 : f32
        %parallel_loop3A_743 = vector.broadcast %parallel_loop3A_742 : f32 to vector<16xf32>
        %parallel_loop3A_744 = arith.mulf %parallel_loop3A_738, %parallel_loop3A_743 : vector<16xf32>
        %parallel_loop3A_745 = arith.constant 0 : i32
        %parallel_loop3A_746 = arith.constant 0 : i32
        %parallel_loop3A_747 = arith.constant 0 : i32
        %parallel_loop3A_748 = arith.constant 0 : i32
        %parallel_loop3A_749 = tpu.memref_slice %arg7[%parallel_loop3A_745, %parallel_loop3A_746, %parallel_loop3A_747, %parallel_loop3A_748] : memref<2x8x8x128xf32, #tpu.memory_space<vmem>> -> memref<1x8x8x128xf32, #tpu.memory_space<vmem>>
        %parallel_loop3A_750 = tpu.memref_squeeze %parallel_loop3A_749 : memref<1x8x8x128xf32, #tpu.memory_space<vmem>> -> memref<8x8x128xf32, #tpu.memory_space<vmem>>
        tpu.vector_store_idx %parallel_loop3A_750[%parallel_loop3A_741, %parallel_loop3A_204, %parallel_loop3A_729], %parallel_loop3A_744 : memref<8x8x128xf32, #tpu.memory_space<vmem>>[vector<16xi32>, vector<16xi32>, vector<16xi32>], vector<16xf32>,
        %parallel_loop3A_751 = arith.constant 16 : i32
        %parallel_loop3A_752 = vector.broadcast %parallel_loop3A_751 : i32 to vector<16xi32>
        %parallel_loop3A_753 = arith.addi %parallel_loop3A_198, %parallel_loop3A_752 : vector<16xi32>
        %parallel_loop3A_754 = arith.constant 0 : i32
        %parallel_loop3A_755 = arith.constant 0 : i32
        %parallel_loop3A_756 = arith.constant 0 : i32
        %parallel_loop3A_757 = tpu.memref_slice %arg6[%parallel_loop3A_754, %parallel_loop3A_755, %parallel_loop3A_756] : memref<2x128x128xf32, #tpu.memory_space<vmem>> -> memref<1x128x128xf32, #tpu.memory_space<vmem>>
        %parallel_loop3A_758 = tpu.memref_squeeze %parallel_loop3A_757 : memref<1x128x128xf32, #tpu.memory_space<vmem>> -> memref<128x128xf32, #tpu.memory_space<vmem>>
        %parallel_loop3A_759 = tpu.vector_load_idx %parallel_loop3A_758[%parallel_loop3A_729, %parallel_loop3A_753] : memref<128x128xf32, #tpu.memory_space<vmem>>[vector<16xi32>, vector<16xi32>], vector<16xf32>,
        %parallel_loop3A_760 = arith.constant 2 : i32
        %parallel_loop3A_761 = vector.broadcast %parallel_loop3A_760 : i32 to vector<16xi32>
        %parallel_loop3A_762 = arith.addi %parallel_loop3A_201, %parallel_loop3A_761 : vector<16xi32>
        %parallel_loop3A_763 = arith.constant 8.000000e+00 : f32
        %parallel_loop3A_764 = vector.broadcast %parallel_loop3A_763 : f32 to vector<16xf32>
        %parallel_loop3A_765 = arith.mulf %parallel_loop3A_759, %parallel_loop3A_764 : vector<16xf32>
        %parallel_loop3A_766 = arith.constant 0 : i32
        %parallel_loop3A_767 = arith.constant 0 : i32
        %parallel_loop3A_768 = arith.constant 0 : i32
        %parallel_loop3A_769 = arith.constant 0 : i32
        %parallel_loop3A_770 = tpu.memref_slice %arg7[%parallel_loop3A_766, %parallel_loop3A_767, %parallel_loop3A_768, %parallel_loop3A_769] : memref<2x8x8x128xf32, #tpu.memory_space<vmem>> -> memref<1x8x8x128xf32, #tpu.memory_space<vmem>>
        %parallel_loop3A_771 = tpu.memref_squeeze %parallel_loop3A_770 : memref<1x8x8x128xf32, #tpu.memory_space<vmem>> -> memref<8x8x128xf32, #tpu.memory_space<vmem>>
        tpu.vector_store_idx %parallel_loop3A_771[%parallel_loop3A_762, %parallel_loop3A_204, %parallel_loop3A_729], %parallel_loop3A_765 : memref<8x8x128xf32, #tpu.memory_space<vmem>>[vector<16xi32>, vector<16xi32>, vector<16xi32>], vector<16xf32>,
        %parallel_loop3A_772 = arith.constant 32 : i32
        %parallel_loop3A_773 = vector.broadcast %parallel_loop3A_772 : i32 to vector<16xi32>
        %parallel_loop3A_774 = arith.addi %parallel_loop3A_198, %parallel_loop3A_773 : vector<16xi32>
        %parallel_loop3A_775 = arith.constant 0 : i32
        %parallel_loop3A_776 = arith.constant 0 : i32
        %parallel_loop3A_777 = arith.constant 0 : i32
        %parallel_loop3A_778 = tpu.memref_slice %arg6[%parallel_loop3A_775, %parallel_loop3A_776, %parallel_loop3A_777] : memref<2x128x128xf32, #tpu.memory_space<vmem>> -> memref<1x128x128xf32, #tpu.memory_space<vmem>>
        %parallel_loop3A_779 = tpu.memref_squeeze %parallel_loop3A_778 : memref<1x128x128xf32, #tpu.memory_space<vmem>> -> memref<128x128xf32, #tpu.memory_space<vmem>>
        %parallel_loop3A_780 = tpu.vector_load_idx %parallel_loop3A_779[%parallel_loop3A_729, %parallel_loop3A_774] : memref<128x128xf32, #tpu.memory_space<vmem>>[vector<16xi32>, vector<16xi32>], vector<16xf32>,
        %parallel_loop3A_781 = arith.constant 4 : i32
        %parallel_loop3A_782 = vector.broadcast %parallel_loop3A_781 : i32 to vector<16xi32>
        %parallel_loop3A_783 = arith.addi %parallel_loop3A_201, %parallel_loop3A_782 : vector<16xi32>
        %parallel_loop3A_784 = arith.constant 8.000000e+00 : f32
        %parallel_loop3A_785 = vector.broadcast %parallel_loop3A_784 : f32 to vector<16xf32>
        %parallel_loop3A_786 = arith.mulf %parallel_loop3A_780, %parallel_loop3A_785 : vector<16xf32>
        %parallel_loop3A_787 = arith.constant 0 : i32
        %parallel_loop3A_788 = arith.constant 0 : i32
        %parallel_loop3A_789 = arith.constant 0 : i32
        %parallel_loop3A_790 = arith.constant 0 : i32
        %parallel_loop3A_791 = tpu.memref_slice %arg7[%parallel_loop3A_787, %parallel_loop3A_788, %parallel_loop3A_789, %parallel_loop3A_790] : memref<2x8x8x128xf32, #tpu.memory_space<vmem>> -> memref<1x8x8x128xf32, #tpu.memory_space<vmem>>
        %parallel_loop3A_792 = tpu.memref_squeeze %parallel_loop3A_791 : memref<1x8x8x128xf32, #tpu.memory_space<vmem>> -> memref<8x8x128xf32, #tpu.memory_space<vmem>>
        tpu.vector_store_idx %parallel_loop3A_792[%parallel_loop3A_783, %parallel_loop3A_204, %parallel_loop3A_729], %parallel_loop3A_786 : memref<8x8x128xf32, #tpu.memory_space<vmem>>[vector<16xi32>, vector<16xi32>, vector<16xi32>], vector<16xf32>,
        %parallel_loop3A_793 = arith.constant 48 : i32
        %parallel_loop3A_794 = vector.broadcast %parallel_loop3A_793 : i32 to vector<16xi32>
        %parallel_loop3A_795 = arith.addi %parallel_loop3A_198, %parallel_loop3A_794 : vector<16xi32>
        %parallel_loop3A_796 = arith.constant 0 : i32
        %parallel_loop3A_797 = arith.constant 0 : i32
        %parallel_loop3A_798 = arith.constant 0 : i32
        %parallel_loop3A_799 = tpu.memref_slice %arg6[%parallel_loop3A_796, %parallel_loop3A_797, %parallel_loop3A_798] : memref<2x128x128xf32, #tpu.memory_space<vmem>> -> memref<1x128x128xf32, #tpu.memory_space<vmem>>
        %parallel_loop3A_800 = tpu.memref_squeeze %parallel_loop3A_799 : memref<1x128x128xf32, #tpu.memory_space<vmem>> -> memref<128x128xf32, #tpu.memory_space<vmem>>
        %parallel_loop3A_801 = tpu.vector_load_idx %parallel_loop3A_800[%parallel_loop3A_729, %parallel_loop3A_795] : memref<128x128xf32, #tpu.memory_space<vmem>>[vector<16xi32>, vector<16xi32>], vector<16xf32>,
        %parallel_loop3A_802 = arith.constant 6 : i32
        %parallel_loop3A_803 = vector.broadcast %parallel_loop3A_802 : i32 to vector<16xi32>
        %parallel_loop3A_804 = arith.addi %parallel_loop3A_201, %parallel_loop3A_803 : vector<16xi32>
        %parallel_loop3A_805 = arith.constant 8.000000e+00 : f32
        %parallel_loop3A_806 = vector.broadcast %parallel_loop3A_805 : f32 to vector<16xf32>
        %parallel_loop3A_807 = arith.mulf %parallel_loop3A_801, %parallel_loop3A_806 : vector<16xf32>
        %parallel_loop3A_808 = arith.constant 0 : i32
        %parallel_loop3A_809 = arith.constant 0 : i32
        %parallel_loop3A_810 = arith.constant 0 : i32
        %parallel_loop3A_811 = arith.constant 0 : i32
        %parallel_loop3A_812 = tpu.memref_slice %arg7[%parallel_loop3A_808, %parallel_loop3A_809, %parallel_loop3A_810, %parallel_loop3A_811] : memref<2x8x8x128xf32, #tpu.memory_space<vmem>> -> memref<1x8x8x128xf32, #tpu.memory_space<vmem>>
        %parallel_loop3A_813 = tpu.memref_squeeze %parallel_loop3A_812 : memref<1x8x8x128xf32, #tpu.memory_space<vmem>> -> memref<8x8x128xf32, #tpu.memory_space<vmem>>
        tpu.vector_store_idx %parallel_loop3A_813[%parallel_loop3A_804, %parallel_loop3A_204, %parallel_loop3A_729], %parallel_loop3A_807 : memref<8x8x128xf32, #tpu.memory_space<vmem>>[vector<16xi32>, vector<16xi32>, vector<16xi32>], vector<16xf32>,
        %parallel_loop3A_814 = arith.constant 112 : i32
        %parallel_loop3A_815 = vector.broadcast %parallel_loop3A_814 : i32 to vector<16xi32>
        %parallel_loop3A_816 = arith.addi %iota3A, %parallel_loop3A_815 : vector<16xi32>
        %parallel_loop3A_817 = arith.constant 0 : i32
        %parallel_loop3A_818 = vector.broadcast %parallel_loop3A_817 : i32 to vector<16xi32>
        %parallel_loop3A_819 = arith.addi %parallel_loop3A_198, %parallel_loop3A_818 : vector<16xi32>
        %parallel_loop3A_820 = arith.constant 0 : i32
        %parallel_loop3A_821 = arith.constant 0 : i32
        %parallel_loop3A_822 = arith.constant 0 : i32
        %parallel_loop3A_823 = tpu.memref_slice %arg6[%parallel_loop3A_820, %parallel_loop3A_821, %parallel_loop3A_822] : memref<2x128x128xf32, #tpu.memory_space<vmem>> -> memref<1x128x128xf32, #tpu.memory_space<vmem>>
        %parallel_loop3A_824 = tpu.memref_squeeze %parallel_loop3A_823 : memref<1x128x128xf32, #tpu.memory_space<vmem>> -> memref<128x128xf32, #tpu.memory_space<vmem>>
        %parallel_loop3A_825 = tpu.vector_load_idx %parallel_loop3A_824[%parallel_loop3A_816, %parallel_loop3A_819] : memref<128x128xf32, #tpu.memory_space<vmem>>[vector<16xi32>, vector<16xi32>], vector<16xf32>,
        %parallel_loop3A_826 = arith.constant 0 : i32
        %parallel_loop3A_827 = vector.broadcast %parallel_loop3A_826 : i32 to vector<16xi32>
        %parallel_loop3A_828 = arith.addi %parallel_loop3A_201, %parallel_loop3A_827 : vector<16xi32>
        %parallel_loop3A_829 = arith.constant 8.000000e+00 : f32
        %parallel_loop3A_830 = vector.broadcast %parallel_loop3A_829 : f32 to vector<16xf32>
        %parallel_loop3A_831 = arith.mulf %parallel_loop3A_825, %parallel_loop3A_830 : vector<16xf32>
        %parallel_loop3A_832 = arith.constant 0 : i32
        %parallel_loop3A_833 = arith.constant 0 : i32
        %parallel_loop3A_834 = arith.constant 0 : i32
        %parallel_loop3A_835 = arith.constant 0 : i32
        %parallel_loop3A_836 = tpu.memref_slice %arg7[%parallel_loop3A_832, %parallel_loop3A_833, %parallel_loop3A_834, %parallel_loop3A_835] : memref<2x8x8x128xf32, #tpu.memory_space<vmem>> -> memref<1x8x8x128xf32, #tpu.memory_space<vmem>>
        %parallel_loop3A_837 = tpu.memref_squeeze %parallel_loop3A_836 : memref<1x8x8x128xf32, #tpu.memory_space<vmem>> -> memref<8x8x128xf32, #tpu.memory_space<vmem>>
        tpu.vector_store_idx %parallel_loop3A_837[%parallel_loop3A_828, %parallel_loop3A_204, %parallel_loop3A_816], %parallel_loop3A_831 : memref<8x8x128xf32, #tpu.memory_space<vmem>>[vector<16xi32>, vector<16xi32>, vector<16xi32>], vector<16xf32>,
        %parallel_loop3A_838 = arith.constant 16 : i32
        %parallel_loop3A_839 = vector.broadcast %parallel_loop3A_838 : i32 to vector<16xi32>
        %parallel_loop3A_840 = arith.addi %parallel_loop3A_198, %parallel_loop3A_839 : vector<16xi32>
        %parallel_loop3A_841 = arith.constant 0 : i32
        %parallel_loop3A_842 = arith.constant 0 : i32
        %parallel_loop3A_843 = arith.constant 0 : i32
        %parallel_loop3A_844 = tpu.memref_slice %arg6[%parallel_loop3A_841, %parallel_loop3A_842, %parallel_loop3A_843] : memref<2x128x128xf32, #tpu.memory_space<vmem>> -> memref<1x128x128xf32, #tpu.memory_space<vmem>>
        %parallel_loop3A_845 = tpu.memref_squeeze %parallel_loop3A_844 : memref<1x128x128xf32, #tpu.memory_space<vmem>> -> memref<128x128xf32, #tpu.memory_space<vmem>>
        %parallel_loop3A_846 = tpu.vector_load_idx %parallel_loop3A_845[%parallel_loop3A_816, %parallel_loop3A_840] : memref<128x128xf32, #tpu.memory_space<vmem>>[vector<16xi32>, vector<16xi32>], vector<16xf32>,
        %parallel_loop3A_847 = arith.constant 2 : i32
        %parallel_loop3A_848 = vector.broadcast %parallel_loop3A_847 : i32 to vector<16xi32>
        %parallel_loop3A_849 = arith.addi %parallel_loop3A_201, %parallel_loop3A_848 : vector<16xi32>
        %parallel_loop3A_850 = arith.constant 8.000000e+00 : f32
        %parallel_loop3A_851 = vector.broadcast %parallel_loop3A_850 : f32 to vector<16xf32>
        %parallel_loop3A_852 = arith.mulf %parallel_loop3A_846, %parallel_loop3A_851 : vector<16xf32>
        %parallel_loop3A_853 = arith.constant 0 : i32
        %parallel_loop3A_854 = arith.constant 0 : i32
        %parallel_loop3A_855 = arith.constant 0 : i32
        %parallel_loop3A_856 = arith.constant 0 : i32
        %parallel_loop3A_857 = tpu.memref_slice %arg7[%parallel_loop3A_853, %parallel_loop3A_854, %parallel_loop3A_855, %parallel_loop3A_856] : memref<2x8x8x128xf32, #tpu.memory_space<vmem>> -> memref<1x8x8x128xf32, #tpu.memory_space<vmem>>
        %parallel_loop3A_858 = tpu.memref_squeeze %parallel_loop3A_857 : memref<1x8x8x128xf32, #tpu.memory_space<vmem>> -> memref<8x8x128xf32, #tpu.memory_space<vmem>>
        tpu.vector_store_idx %parallel_loop3A_858[%parallel_loop3A_849, %parallel_loop3A_204, %parallel_loop3A_816], %parallel_loop3A_852 : memref<8x8x128xf32, #tpu.memory_space<vmem>>[vector<16xi32>, vector<16xi32>, vector<16xi32>], vector<16xf32>,
        %parallel_loop3A_859 = arith.constant 32 : i32
        %parallel_loop3A_860 = vector.broadcast %parallel_loop3A_859 : i32 to vector<16xi32>
        %parallel_loop3A_861 = arith.addi %parallel_loop3A_198, %parallel_loop3A_860 : vector<16xi32>
        %parallel_loop3A_862 = arith.constant 0 : i32
        %parallel_loop3A_863 = arith.constant 0 : i32
        %parallel_loop3A_864 = arith.constant 0 : i32
        %parallel_loop3A_865 = tpu.memref_slice %arg6[%parallel_loop3A_862, %parallel_loop3A_863, %parallel_loop3A_864] : memref<2x128x128xf32, #tpu.memory_space<vmem>> -> memref<1x128x128xf32, #tpu.memory_space<vmem>>
        %parallel_loop3A_866 = tpu.memref_squeeze %parallel_loop3A_865 : memref<1x128x128xf32, #tpu.memory_space<vmem>> -> memref<128x128xf32, #tpu.memory_space<vmem>>
        %parallel_loop3A_867 = tpu.vector_load_idx %parallel_loop3A_866[%parallel_loop3A_816, %parallel_loop3A_861] : memref<128x128xf32, #tpu.memory_space<vmem>>[vector<16xi32>, vector<16xi32>], vector<16xf32>,
        %parallel_loop3A_868 = arith.constant 4 : i32
        %parallel_loop3A_869 = vector.broadcast %parallel_loop3A_868 : i32 to vector<16xi32>
        %parallel_loop3A_870 = arith.addi %parallel_loop3A_201, %parallel_loop3A_869 : vector<16xi32>
        %parallel_loop3A_871 = arith.constant 8.000000e+00 : f32
        %parallel_loop3A_872 = vector.broadcast %parallel_loop3A_871 : f32 to vector<16xf32>
        %parallel_loop3A_873 = arith.mulf %parallel_loop3A_867, %parallel_loop3A_872 : vector<16xf32>
        %parallel_loop3A_874 = arith.constant 0 : i32
        %parallel_loop3A_875 = arith.constant 0 : i32
        %parallel_loop3A_876 = arith.constant 0 : i32
        %parallel_loop3A_877 = arith.constant 0 : i32
        %parallel_loop3A_878 = tpu.memref_slice %arg7[%parallel_loop3A_874, %parallel_loop3A_875, %parallel_loop3A_876, %parallel_loop3A_877] : memref<2x8x8x128xf32, #tpu.memory_space<vmem>> -> memref<1x8x8x128xf32, #tpu.memory_space<vmem>>
        %parallel_loop3A_879 = tpu.memref_squeeze %parallel_loop3A_878 : memref<1x8x8x128xf32, #tpu.memory_space<vmem>> -> memref<8x8x128xf32, #tpu.memory_space<vmem>>
        tpu.vector_store_idx %parallel_loop3A_879[%parallel_loop3A_870, %parallel_loop3A_204, %parallel_loop3A_816], %parallel_loop3A_873 : memref<8x8x128xf32, #tpu.memory_space<vmem>>[vector<16xi32>, vector<16xi32>, vector<16xi32>], vector<16xf32>,
        %parallel_loop3A_880 = arith.constant 48 : i32
        %parallel_loop3A_881 = vector.broadcast %parallel_loop3A_880 : i32 to vector<16xi32>
        %parallel_loop3A_882 = arith.addi %parallel_loop3A_198, %parallel_loop3A_881 : vector<16xi32>
        %parallel_loop3A_883 = arith.constant 0 : i32
        %parallel_loop3A_884 = arith.constant 0 : i32
        %parallel_loop3A_885 = arith.constant 0 : i32
        %parallel_loop3A_886 = tpu.memref_slice %arg6[%parallel_loop3A_883, %parallel_loop3A_884, %parallel_loop3A_885] : memref<2x128x128xf32, #tpu.memory_space<vmem>> -> memref<1x128x128xf32, #tpu.memory_space<vmem>>
        %parallel_loop3A_887 = tpu.memref_squeeze %parallel_loop3A_886 : memref<1x128x128xf32, #tpu.memory_space<vmem>> -> memref<128x128xf32, #tpu.memory_space<vmem>>
        %parallel_loop3A_888 = tpu.vector_load_idx %parallel_loop3A_887[%parallel_loop3A_816, %parallel_loop3A_882] : memref<128x128xf32, #tpu.memory_space<vmem>>[vector<16xi32>, vector<16xi32>], vector<16xf32>,
        %parallel_loop3A_889 = arith.constant 6 : i32
        %parallel_loop3A_890 = vector.broadcast %parallel_loop3A_889 : i32 to vector<16xi32>
        %parallel_loop3A_891 = arith.addi %parallel_loop3A_201, %parallel_loop3A_890 : vector<16xi32>
        %parallel_loop3A_892 = arith.constant 8.000000e+00 : f32
        %parallel_loop3A_893 = vector.broadcast %parallel_loop3A_892 : f32 to vector<16xf32>
        %parallel_loop3A_894 = arith.mulf %parallel_loop3A_888, %parallel_loop3A_893 : vector<16xf32>
        %parallel_loop3A_895 = arith.constant 0 : i32
        %parallel_loop3A_896 = arith.constant 0 : i32
        %parallel_loop3A_897 = arith.constant 0 : i32
        %parallel_loop3A_898 = arith.constant 0 : i32
        %parallel_loop3A_899 = tpu.memref_slice %arg7[%parallel_loop3A_895, %parallel_loop3A_896, %parallel_loop3A_897, %parallel_loop3A_898] : memref<2x8x8x128xf32, #tpu.memory_space<vmem>> -> memref<1x8x8x128xf32, #tpu.memory_space<vmem>>
        %parallel_loop3A_900 = tpu.memref_squeeze %parallel_loop3A_899 : memref<1x8x8x128xf32, #tpu.memory_space<vmem>> -> memref<8x8x128xf32, #tpu.memory_space<vmem>>
        tpu.vector_store_idx %parallel_loop3A_900[%parallel_loop3A_891, %parallel_loop3A_204, %parallel_loop3A_816], %parallel_loop3A_894 : memref<8x8x128xf32, #tpu.memory_space<vmem>>[vector<16xi32>, vector<16xi32>, vector<16xi32>], vector<16xf32>,
      } {sc.loop_unroll_factor = 1 : i64, sc.parallel_access}
      %rem3A_106 = arith.constant 50 : i32
      %rem3A_107 = arith.remsi %add3A_88, %rem3A_106 : i32
      %div3A_108 = arith.constant 50 : i32
      %div3A_109 = arith.divsi %add3A_88, %div3A_108 : i32
      %add3A_110 = arith.addi %mul3A_2, %div3A_109 : i32
      %dma_start3A_111 = arith.constant 0 : i32
      %dma_start3A_112 = arith.constant 0 : i32
      %dma_start3A_113 = arith.constant 0 : i32
      %dma_start3A_114 = arith.constant 0 : i32
      %dma_start3A_115 = tpu.memref_slice %arg7[%dma_start3A_111, %dma_start3A_112, %dma_start3A_113, %dma_start3A_114] : memref<2x8x8x128xf32, #tpu.memory_space<vmem>> -> memref<1x8x8x128xf32, #tpu.memory_space<vmem>>
      %dma_start3A_116 = tpu.memref_squeeze %dma_start3A_115 : memref<1x8x8x128xf32, #tpu.memory_space<vmem>> -> memref<8x8x128xf32, #tpu.memory_space<vmem>>
      %dma_start3A_117 = arith.constant 0 : i32
      %dma_start3A_118 = arith.constant 0 : i32
      %dma_start3A_119 = arith.constant 0 : i32
      %dma_start3A_120 = tpu.memref_slice %arg4[%rem3A_107, %dma_start3A_117, %add3A_110, %dma_start3A_118, %dma_start3A_119] : memref<50x8x128x8x128xf32, #tpu.memory_space<hbm>> -> memref<1x8x1x8x128xf32, #tpu.memory_space<hbm>>
      %dma_start3A_121 = tpu.memref_squeeze %dma_start3A_120 : memref<1x8x1x8x128xf32, #tpu.memory_space<hbm>> -> memref<8x8x128xf32, #tpu.memory_space<hbm>>
      %dma_start3A_122 = arith.constant 0 : i32
      %dma_start3A_123 = arith.constant 0 : i32
      %dma_start3A_124 = arith.constant 0 : i32
      %dma_start3A_125 = tpu.memref_slice %arg4[%rem3A_107, %dma_start3A_122, %add3A_110, %dma_start3A_123, %dma_start3A_124] : memref<50x8x128x8x128xf32, #tpu.memory_space<hbm>> -> memref<1x8x1x8x128xf32, #tpu.memory_space<hbm>>
      %dma_start3A_126 = tpu.memref_squeeze %dma_start3A_125 : memref<1x8x1x8x128xf32, #tpu.memory_space<hbm>> -> memref<8x8x128xf32, #tpu.memory_space<hbm>>
      %dma_start3A_127 = arith.constant 0 : i32
      %dma_start3A_128 = arith.constant 0 : i32
      %dma_start3A_129 = arith.constant 0 : i32
      %dma_start3A_130 = tpu.memref_slice %arg7[%dma_start3A_111, %dma_start3A_127, %dma_start3A_128, %dma_start3A_129] : memref<2x8x8x128xf32, #tpu.memory_space<vmem>> -> memref<1x8x8x128xf32, #tpu.memory_space<vmem>>
      %dma_start3A_131 = tpu.memref_squeeze %dma_start3A_130 : memref<1x8x8x128xf32, #tpu.memory_space<vmem>> -> memref<8x8x128xf32, #tpu.memory_space<vmem>>
      tpu.enqueue_dma source(%dma_start3A_131 : memref<8x8x128xf32, #tpu.memory_space<vmem>>) target(%dma_start3A_126 : memref<8x8x128xf32, #tpu.memory_space<hbm>>) target_semaphore(%arg9 : memref<!tpu.dma_semaphore, #tpu.memory_space<semaphore_mem>>)
      %add3A_132 = arith.constant 2 : i32
      %add3A_133 = arith.addi %add3A_88, %add3A_132 : i32
      %lt3A = arith.constant 200 : i32
      %lt3A_134 = arith.cmpi slt, %add3A_133, %lt3A : i32
      %convert_element_type3A_135 = arith.extui %lt3A_134 : i1 to i32
      %cond3A_136 = arith.constant 0 : i32
      %cond3A_137 = arith.cmpi ne, %convert_element_type3A_135, %cond3A_136 : i32
      scf.if %cond3A_137 {
        %add3A_196 = arith.constant 2 : i32
        %add3A_197 = arith.addi %add3A_88, %add3A_196 : i32
        %rem3A_198 = arith.constant 50 : i32
        %rem3A_199 = arith.remsi %add3A_197, %rem3A_198 : i32
        %div3A_200 = arith.constant 50 : i32
        %div3A_201 = arith.divsi %add3A_197, %div3A_200 : i32
        %dma_start3A_202 = arith.constant 0 : i32
        %dma_start3A_203 = arith.constant 0 : i32
        %dma_start3A_204 = arith.constant 0 : i32
        %dma_start3A_205 = tpu.memref_slice %arg6[%dma_start3A_202, %dma_start3A_203, %dma_start3A_204] : memref<2x128x128xf32, #tpu.memory_space<vmem>> -> memref<1x128x128xf32, #tpu.memory_space<vmem>>
        %dma_start3A_206 = tpu.memref_squeeze %dma_start3A_205 : memref<1x128x128xf32, #tpu.memory_space<vmem>> -> memref<128x128xf32, #tpu.memory_space<vmem>>
        %dma_start3A_207 = arith.constant 0 : i32
        %dma_start3A_208 = tpu.memref_slice %arg5[%rem3A_199, %div3A_201, %dma_start3A_207] : memref<50x4x128xi32, #tpu.memory_space<vmem>> -> memref<1x1x128xi32, #tpu.memory_space<vmem>>
        %dma_start3A_209 = tpu.memref_squeeze %dma_start3A_208 : memref<1x1x128xi32, #tpu.memory_space<vmem>> -> memref<128xi32, #tpu.memory_space<vmem>>
        %dma_start3A_210 = arith.constant 0 : i32
        %dma_start3A_211 = arith.constant 0 : i32
        %dma_start3A_212 = tpu.memref_slice %arg2[%dma_start3A_210, %dma_start3A_211] : memref<1000000x128xf32, #tpu.memory_space<hbm>> -> memref<1000000x128xf32, #tpu.memory_space<hbm>>
        tpu.enqueue_indirect_dma source(%dma_start3A_212 : memref<1000000x128xf32, #tpu.memory_space<hbm>>) target(%dma_start3A_206 : memref<128x128xf32, #tpu.memory_space<vmem>>) offsets(%dma_start3A_209 : memref<128xi32, #tpu.memory_space<vmem>>) semaphore(%arg8 : memref<!tpu.dma_semaphore, #tpu.memory_space<semaphore_mem>>)
      } else {
      }
      %mul3A_138 = arith.constant 2 : i32
      %mul3A_139 = arith.muli %scan3A_84, %mul3A_138 : i32
      %add3A_140 = arith.constant 1 : i32
      %add3A_141 = arith.addi %mul3A_139, %add3A_140 : i32
      %dma_wait3A_142 = arith.constant 0 : i32
      %dma_wait3A_143 = arith.constant 0 : i32
      %dma_wait3A_144 = arith.constant 1 : i32
      %dma_wait3A_145 = arith.constant 0 : i32
      %dma_wait3A_146 = arith.constant 0 : i32
      %dma_wait3A_147 = tpu.memref_slice %arg6[%dma_wait3A_144, %dma_wait3A_145, %dma_wait3A_146] : memref<2x128x128xf32, #tpu.memory_space<vmem>> -> memref<1x128x128xf32, #tpu.memory_space<vmem>>
      %dma_wait3A_148 = tpu.memref_squeeze %dma_wait3A_147 : memref<1x128x128xf32, #tpu.memory_space<vmem>> -> memref<128x128xf32, #tpu.memory_space<vmem>>
      %dma_wait3A_149 = arith.constant 0 : i32
      %dma_wait3A_150 = tpu.memref_slice %arg5[%dma_wait3A_142, %dma_wait3A_143, %dma_wait3A_149] : memref<50x4x128xi32, #tpu.memory_space<vmem>> -> memref<1x1x128xi32, #tpu.memory_space<vmem>>
      %dma_wait3A_151 = tpu.memref_squeeze %dma_wait3A_150 : memref<1x1x128xi32, #tpu.memory_space<vmem>> -> memref<128xi32, #tpu.memory_space<vmem>>
      %dma_wait3A_152 = arith.constant 0 : i32
      %dma_wait3A_153 = arith.constant 0 : i32
      %dma_wait3A_154 = tpu.memref_slice %arg2[%dma_wait3A_152, %dma_wait3A_153] : memref<1000000x128xf32, #tpu.memory_space<hbm>> -> memref<1000000x128xf32, #tpu.memory_space<hbm>>
      tpu.wait_indirect_dma semaphore(%arg8 : memref<!tpu.dma_semaphore, #tpu.memory_space<semaphore_mem>>) src(%dma_wait3A_154 : memref<1000000x128xf32, #tpu.memory_space<hbm>>) dst(%dma_wait3A_148 : memref<128x128xf32, #tpu.memory_space<vmem>>)
      %gt3A_155 = arith.constant 0 : i32
      %gt3A_156 = arith.cmpi sgt, %scan3A_84, %gt3A_155 : i32
      %convert_element_type3A_157 = arith.extui %gt3A_156 : i1 to i32
      %cond3A_158 = arith.constant 0 : i32
      %cond3A_159 = arith.cmpi ne, %convert_element_type3A_157, %cond3A_158 : i32
      scf.if %cond3A_159 {
        %dma_wait3A_196 = arith.constant 1 : i32
        %dma_wait3A_197 = arith.constant 0 : i32
        %dma_wait3A_198 = arith.constant 0 : i32
        %dma_wait3A_199 = arith.constant 0 : i32
        %dma_wait3A_200 = arith.constant 0 : i32
        %dma_wait3A_201 = arith.constant 0 : i32
        %dma_wait3A_202 = tpu.memref_slice %arg7[%dma_wait3A_196, %dma_wait3A_199, %dma_wait3A_200, %dma_wait3A_201] : memref<2x8x8x128xf32, #tpu.memory_space<vmem>> -> memref<1x8x8x128xf32, #tpu.memory_space<vmem>>
        %dma_wait3A_203 = tpu.memref_squeeze %dma_wait3A_202 : memref<1x8x8x128xf32, #tpu.memory_space<vmem>> -> memref<8x8x128xf32, #tpu.memory_space<vmem>>
        %dma_wait3A_204 = arith.constant 0 : i32
        %dma_wait3A_205 = arith.constant 0 : i32
        %dma_wait3A_206 = arith.constant 0 : i32
        %dma_wait3A_207 = tpu.memref_slice %arg4[%dma_wait3A_197, %dma_wait3A_204, %dma_wait3A_198, %dma_wait3A_205, %dma_wait3A_206] : memref<50x8x128x8x128xf32, #tpu.memory_space<hbm>> -> memref<1x8x1x8x128xf32, #tpu.memory_space<hbm>>
        %dma_wait3A_208 = tpu.memref_squeeze %dma_wait3A_207 : memref<1x8x1x8x128xf32, #tpu.memory_space<hbm>> -> memref<8x8x128xf32, #tpu.memory_space<hbm>>
        %dma_wait3A_209 = arith.constant 0 : i32
        %dma_wait3A_210 = arith.constant 0 : i32
        %dma_wait3A_211 = arith.constant 0 : i32
        %dma_wait3A_212 = tpu.memref_slice %arg4[%dma_wait3A_197, %dma_wait3A_209, %dma_wait3A_198, %dma_wait3A_210, %dma_wait3A_211] : memref<50x8x128x8x128xf32, #tpu.memory_space<hbm>> -> memref<1x8x1x8x128xf32, #tpu.memory_space<hbm>>
        %dma_wait3A_213 = tpu.memref_squeeze %dma_wait3A_212 : memref<1x8x1x8x128xf32, #tpu.memory_space<hbm>> -> memref<8x8x128xf32, #tpu.memory_space<hbm>>
        %dma_wait3A_214 = arith.constant 0 : i32
        %dma_wait3A_215 = arith.constant 0 : i32
        %dma_wait3A_216 = arith.constant 0 : i32
        %dma_wait3A_217 = tpu.memref_slice %arg7[%dma_wait3A_196, %dma_wait3A_214, %dma_wait3A_215, %dma_wait3A_216] : memref<2x8x8x128xf32, #tpu.memory_space<vmem>> -> memref<1x8x8x128xf32, #tpu.memory_space<vmem>>
        %dma_wait3A_218 = tpu.memref_squeeze %dma_wait3A_217 : memref<1x8x8x128xf32, #tpu.memory_space<vmem>> -> memref<8x8x128xf32, #tpu.memory_space<vmem>>
        tpu.wait_dma2 semaphore(%arg9 : memref<!tpu.dma_semaphore, #tpu.memory_space<semaphore_mem>>) src(%dma_wait3A_218 : memref<8x8x128xf32, #tpu.memory_space<vmem>>) dst(%dma_wait3A_213 : memref<8x8x128xf32, #tpu.memory_space<hbm>>)
      } else {
      }
      %parallel_loop3A_160 = arith.constant 0 : i32
      %parallel_loop3A_161 = arith.constant 16 : i32
      %parallel_loop3A_162 = arith.constant 1 : i32
      scf.for %parallel_loop3A_196 = %parallel_loop3A_160 to %parallel_loop3A_161 step %parallel_loop3A_162  : i32 {
        %parallel_loop3A_197 = vector.broadcast %parallel_loop3A_196 : i32 to vector<16xi32>
        %parallel_loop3A_198 = arith.xori %iota3A, %parallel_loop3A_197 : vector<16xi32>
        %parallel_loop3A_199 = arith.constant 3 : i32
        %parallel_loop3A_200 = vector.broadcast %parallel_loop3A_199 : i32 to vector<16xi32>
        %parallel_loop3A_201 = arith.shrui %parallel_loop3A_198, %parallel_loop3A_200 : vector<16xi32>
        %parallel_loop3A_202 = arith.constant 7 : i32
        %parallel_loop3A_203 = vector.broadcast %parallel_loop3A_202 : i32 to vector<16xi32>
        %parallel_loop3A_204 = arith.andi %parallel_loop3A_198, %parallel_loop3A_203 : vector<16xi32>
        %parallel_loop3A_205 = arith.constant 0 : i32
        %parallel_loop3A_206 = vector.broadcast %parallel_loop3A_205 : i32 to vector<16xi32>
        %parallel_loop3A_207 = arith.addi %iota3A, %parallel_loop3A_206 : vector<16xi32>
        %parallel_loop3A_208 = arith.constant 0 : i32
        %parallel_loop3A_209 = vector.broadcast %parallel_loop3A_208 : i32 to vector<16xi32>
        %parallel_loop3A_210 = arith.addi %parallel_loop3A_198, %parallel_loop3A_209 : vector<16xi32>
        %parallel_loop3A_211 = arith.constant 1 : i32
        %parallel_loop3A_212 = arith.constant 0 : i32
        %parallel_loop3A_213 = arith.constant 0 : i32
        %parallel_loop3A_214 = tpu.memref_slice %arg6[%parallel_loop3A_211, %parallel_loop3A_212, %parallel_loop3A_213] : memref<2x128x128xf32, #tpu.memory_space<vmem>> -> memref<1x128x128xf32, #tpu.memory_space<vmem>>
        %parallel_loop3A_215 = tpu.memref_squeeze %parallel_loop3A_214 : memref<1x128x128xf32, #tpu.memory_space<vmem>> -> memref<128x128xf32, #tpu.memory_space<vmem>>
        %parallel_loop3A_216 = tpu.vector_load_idx %parallel_loop3A_215[%parallel_loop3A_207, %parallel_loop3A_210] : memref<128x128xf32, #tpu.memory_space<vmem>>[vector<16xi32>, vector<16xi32>], vector<16xf32>,
        %parallel_loop3A_217 = arith.constant 0 : i32
        %parallel_loop3A_218 = vector.broadcast %parallel_loop3A_217 : i32 to vector<16xi32>
        %parallel_loop3A_219 = arith.addi %parallel_loop3A_201, %parallel_loop3A_218 : vector<16xi32>
        %parallel_loop3A_220 = arith.constant 8.000000e+00 : f32
        %parallel_loop3A_221 = vector.broadcast %parallel_loop3A_220 : f32 to vector<16xf32>
        %parallel_loop3A_222 = arith.mulf %parallel_loop3A_216, %parallel_loop3A_221 : vector<16xf32>
        %parallel_loop3A_223 = arith.constant 1 : i32
        %parallel_loop3A_224 = arith.constant 0 : i32
        %parallel_loop3A_225 = arith.constant 0 : i32
        %parallel_loop3A_226 = arith.constant 0 : i32
        %parallel_loop3A_227 = tpu.memref_slice %arg7[%parallel_loop3A_223, %parallel_loop3A_224, %parallel_loop3A_225, %parallel_loop3A_226] : memref<2x8x8x128xf32, #tpu.memory_space<vmem>> -> memref<1x8x8x128xf32, #tpu.memory_space<vmem>>
        %parallel_loop3A_228 = tpu.memref_squeeze %parallel_loop3A_227 : memref<1x8x8x128xf32, #tpu.memory_space<vmem>> -> memref<8x8x128xf32, #tpu.memory_space<vmem>>
        tpu.vector_store_idx %parallel_loop3A_228[%parallel_loop3A_219, %parallel_loop3A_204, %parallel_loop3A_207], %parallel_loop3A_222 : memref<8x8x128xf32, #tpu.memory_space<vmem>>[vector<16xi32>, vector<16xi32>, vector<16xi32>], vector<16xf32>,
        %parallel_loop3A_229 = arith.constant 16 : i32
        %parallel_loop3A_230 = vector.broadcast %parallel_loop3A_229 : i32 to vector<16xi32>
        %parallel_loop3A_231 = arith.addi %parallel_loop3A_198, %parallel_loop3A_230 : vector<16xi32>
        %parallel_loop3A_232 = arith.constant 1 : i32
        %parallel_loop3A_233 = arith.constant 0 : i32
        %parallel_loop3A_234 = arith.constant 0 : i32
        %parallel_loop3A_235 = tpu.memref_slice %arg6[%parallel_loop3A_232, %parallel_loop3A_233, %parallel_loop3A_234] : memref<2x128x128xf32, #tpu.memory_space<vmem>> -> memref<1x128x128xf32, #tpu.memory_space<vmem>>
        %parallel_loop3A_236 = tpu.memref_squeeze %parallel_loop3A_235 : memref<1x128x128xf32, #tpu.memory_space<vmem>> -> memref<128x128xf32, #tpu.memory_space<vmem>>
        %parallel_loop3A_237 = tpu.vector_load_idx %parallel_loop3A_236[%parallel_loop3A_207, %parallel_loop3A_231] : memref<128x128xf32, #tpu.memory_space<vmem>>[vector<16xi32>, vector<16xi32>], vector<16xf32>,
        %parallel_loop3A_238 = arith.constant 2 : i32
        %parallel_loop3A_239 = vector.broadcast %parallel_loop3A_238 : i32 to vector<16xi32>
        %parallel_loop3A_240 = arith.addi %parallel_loop3A_201, %parallel_loop3A_239 : vector<16xi32>
        %parallel_loop3A_241 = arith.constant 8.000000e+00 : f32
        %parallel_loop3A_242 = vector.broadcast %parallel_loop3A_241 : f32 to vector<16xf32>
        %parallel_loop3A_243 = arith.mulf %parallel_loop3A_237, %parallel_loop3A_242 : vector<16xf32>
        %parallel_loop3A_244 = arith.constant 1 : i32
        %parallel_loop3A_245 = arith.constant 0 : i32
        %parallel_loop3A_246 = arith.constant 0 : i32
        %parallel_loop3A_247 = arith.constant 0 : i32
        %parallel_loop3A_248 = tpu.memref_slice %arg7[%parallel_loop3A_244, %parallel_loop3A_245, %parallel_loop3A_246, %parallel_loop3A_247] : memref<2x8x8x128xf32, #tpu.memory_space<vmem>> -> memref<1x8x8x128xf32, #tpu.memory_space<vmem>>
        %parallel_loop3A_249 = tpu.memref_squeeze %parallel_loop3A_248 : memref<1x8x8x128xf32, #tpu.memory_space<vmem>> -> memref<8x8x128xf32, #tpu.memory_space<vmem>>
        tpu.vector_store_idx %parallel_loop3A_249[%parallel_loop3A_240, %parallel_loop3A_204, %parallel_loop3A_207], %parallel_loop3A_243 : memref<8x8x128xf32, #tpu.memory_space<vmem>>[vector<16xi32>, vector<16xi32>, vector<16xi32>], vector<16xf32>,
        %parallel_loop3A_250 = arith.constant 32 : i32
        %parallel_loop3A_251 = vector.broadcast %parallel_loop3A_250 : i32 to vector<16xi32>
        %parallel_loop3A_252 = arith.addi %parallel_loop3A_198, %parallel_loop3A_251 : vector<16xi32>
        %parallel_loop3A_253 = arith.constant 1 : i32
        %parallel_loop3A_254 = arith.constant 0 : i32
        %parallel_loop3A_255 = arith.constant 0 : i32
        %parallel_loop3A_256 = tpu.memref_slice %arg6[%parallel_loop3A_253, %parallel_loop3A_254, %parallel_loop3A_255] : memref<2x128x128xf32, #tpu.memory_space<vmem>> -> memref<1x128x128xf32, #tpu.memory_space<vmem>>
        %parallel_loop3A_257 = tpu.memref_squeeze %parallel_loop3A_256 : memref<1x128x128xf32, #tpu.memory_space<vmem>> -> memref<128x128xf32, #tpu.memory_space<vmem>>
        %parallel_loop3A_258 = tpu.vector_load_idx %parallel_loop3A_257[%parallel_loop3A_207, %parallel_loop3A_252] : memref<128x128xf32, #tpu.memory_space<vmem>>[vector<16xi32>, vector<16xi32>], vector<16xf32>,
        %parallel_loop3A_259 = arith.constant 4 : i32
        %parallel_loop3A_260 = vector.broadcast %parallel_loop3A_259 : i32 to vector<16xi32>
        %parallel_loop3A_261 = arith.addi %parallel_loop3A_201, %parallel_loop3A_260 : vector<16xi32>
        %parallel_loop3A_262 = arith.constant 8.000000e+00 : f32
        %parallel_loop3A_263 = vector.broadcast %parallel_loop3A_262 : f32 to vector<16xf32>
        %parallel_loop3A_264 = arith.mulf %parallel_loop3A_258, %parallel_loop3A_263 : vector<16xf32>
        %parallel_loop3A_265 = arith.constant 1 : i32
        %parallel_loop3A_266 = arith.constant 0 : i32
        %parallel_loop3A_267 = arith.constant 0 : i32
        %parallel_loop3A_268 = arith.constant 0 : i32
        %parallel_loop3A_269 = tpu.memref_slice %arg7[%parallel_loop3A_265, %parallel_loop3A_266, %parallel_loop3A_267, %parallel_loop3A_268] : memref<2x8x8x128xf32, #tpu.memory_space<vmem>> -> memref<1x8x8x128xf32, #tpu.memory_space<vmem>>
        %parallel_loop3A_270 = tpu.memref_squeeze %parallel_loop3A_269 : memref<1x8x8x128xf32, #tpu.memory_space<vmem>> -> memref<8x8x128xf32, #tpu.memory_space<vmem>>
        tpu.vector_store_idx %parallel_loop3A_270[%parallel_loop3A_261, %parallel_loop3A_204, %parallel_loop3A_207], %parallel_loop3A_264 : memref<8x8x128xf32, #tpu.memory_space<vmem>>[vector<16xi32>, vector<16xi32>, vector<16xi32>], vector<16xf32>,
        %parallel_loop3A_271 = arith.constant 48 : i32
        %parallel_loop3A_272 = vector.broadcast %parallel_loop3A_271 : i32 to vector<16xi32>
        %parallel_loop3A_273 = arith.addi %parallel_loop3A_198, %parallel_loop3A_272 : vector<16xi32>
        %parallel_loop3A_274 = arith.constant 1 : i32
        %parallel_loop3A_275 = arith.constant 0 : i32
        %parallel_loop3A_276 = arith.constant 0 : i32
        %parallel_loop3A_277 = tpu.memref_slice %arg6[%parallel_loop3A_274, %parallel_loop3A_275, %parallel_loop3A_276] : memref<2x128x128xf32, #tpu.memory_space<vmem>> -> memref<1x128x128xf32, #tpu.memory_space<vmem>>
        %parallel_loop3A_278 = tpu.memref_squeeze %parallel_loop3A_277 : memref<1x128x128xf32, #tpu.memory_space<vmem>> -> memref<128x128xf32, #tpu.memory_space<vmem>>
        %parallel_loop3A_279 = tpu.vector_load_idx %parallel_loop3A_278[%parallel_loop3A_207, %parallel_loop3A_273] : memref<128x128xf32, #tpu.memory_space<vmem>>[vector<16xi32>, vector<16xi32>], vector<16xf32>,
        %parallel_loop3A_280 = arith.constant 6 : i32
        %parallel_loop3A_281 = vector.broadcast %parallel_loop3A_280 : i32 to vector<16xi32>
        %parallel_loop3A_282 = arith.addi %parallel_loop3A_201, %parallel_loop3A_281 : vector<16xi32>
        %parallel_loop3A_283 = arith.constant 8.000000e+00 : f32
        %parallel_loop3A_284 = vector.broadcast %parallel_loop3A_283 : f32 to vector<16xf32>
        %parallel_loop3A_285 = arith.mulf %parallel_loop3A_279, %parallel_loop3A_284 : vector<16xf32>
        %parallel_loop3A_286 = arith.constant 1 : i32
        %parallel_loop3A_287 = arith.constant 0 : i32
        %parallel_loop3A_288 = arith.constant 0 : i32
        %parallel_loop3A_289 = arith.constant 0 : i32
        %parallel_loop3A_290 = tpu.memref_slice %arg7[%parallel_loop3A_286, %parallel_loop3A_287, %parallel_loop3A_288, %parallel_loop3A_289] : memref<2x8x8x128xf32, #tpu.memory_space<vmem>> -> memref<1x8x8x128xf32, #tpu.memory_space<vmem>>
        %parallel_loop3A_291 = tpu.memref_squeeze %parallel_loop3A_290 : memref<1x8x8x128xf32, #tpu.memory_space<vmem>> -> memref<8x8x128xf32, #tpu.memory_space<vmem>>
        tpu.vector_store_idx %parallel_loop3A_291[%parallel_loop3A_282, %parallel_loop3A_204, %parallel_loop3A_207], %parallel_loop3A_285 : memref<8x8x128xf32, #tpu.memory_space<vmem>>[vector<16xi32>, vector<16xi32>, vector<16xi32>], vector<16xf32>,
        %parallel_loop3A_292 = arith.constant 16 : i32
        %parallel_loop3A_293 = vector.broadcast %parallel_loop3A_292 : i32 to vector<16xi32>
        %parallel_loop3A_294 = arith.addi %iota3A, %parallel_loop3A_293 : vector<16xi32>
        %parallel_loop3A_295 = arith.constant 0 : i32
        %parallel_loop3A_296 = vector.broadcast %parallel_loop3A_295 : i32 to vector<16xi32>
        %parallel_loop3A_297 = arith.addi %parallel_loop3A_198, %parallel_loop3A_296 : vector<16xi32>
        %parallel_loop3A_298 = arith.constant 1 : i32
        %parallel_loop3A_299 = arith.constant 0 : i32
        %parallel_loop3A_300 = arith.constant 0 : i32
        %parallel_loop3A_301 = tpu.memref_slice %arg6[%parallel_loop3A_298, %parallel_loop3A_299, %parallel_loop3A_300] : memref<2x128x128xf32, #tpu.memory_space<vmem>> -> memref<1x128x128xf32, #tpu.memory_space<vmem>>
        %parallel_loop3A_302 = tpu.memref_squeeze %parallel_loop3A_301 : memref<1x128x128xf32, #tpu.memory_space<vmem>> -> memref<128x128xf32, #tpu.memory_space<vmem>>
        %parallel_loop3A_303 = tpu.vector_load_idx %parallel_loop3A_302[%parallel_loop3A_294, %parallel_loop3A_297] : memref<128x128xf32, #tpu.memory_space<vmem>>[vector<16xi32>, vector<16xi32>], vector<16xf32>,
        %parallel_loop3A_304 = arith.constant 0 : i32
        %parallel_loop3A_305 = vector.broadcast %parallel_loop3A_304 : i32 to vector<16xi32>
        %parallel_loop3A_306 = arith.addi %parallel_loop3A_201, %parallel_loop3A_305 : vector<16xi32>
        %parallel_loop3A_307 = arith.constant 8.000000e+00 : f32
        %parallel_loop3A_308 = vector.broadcast %parallel_loop3A_307 : f32 to vector<16xf32>
        %parallel_loop3A_309 = arith.mulf %parallel_loop3A_303, %parallel_loop3A_308 : vector<16xf32>
        %parallel_loop3A_310 = arith.constant 1 : i32
        %parallel_loop3A_311 = arith.constant 0 : i32
        %parallel_loop3A_312 = arith.constant 0 : i32
        %parallel_loop3A_313 = arith.constant 0 : i32
        %parallel_loop3A_314 = tpu.memref_slice %arg7[%parallel_loop3A_310, %parallel_loop3A_311, %parallel_loop3A_312, %parallel_loop3A_313] : memref<2x8x8x128xf32, #tpu.memory_space<vmem>> -> memref<1x8x8x128xf32, #tpu.memory_space<vmem>>
        %parallel_loop3A_315 = tpu.memref_squeeze %parallel_loop3A_314 : memref<1x8x8x128xf32, #tpu.memory_space<vmem>> -> memref<8x8x128xf32, #tpu.memory_space<vmem>>
        tpu.vector_store_idx %parallel_loop3A_315[%parallel_loop3A_306, %parallel_loop3A_204, %parallel_loop3A_294], %parallel_loop3A_309 : memref<8x8x128xf32, #tpu.memory_space<vmem>>[vector<16xi32>, vector<16xi32>, vector<16xi32>], vector<16xf32>,
        %parallel_loop3A_316 = arith.constant 16 : i32
        %parallel_loop3A_317 = vector.broadcast %parallel_loop3A_316 : i32 to vector<16xi32>
        %parallel_loop3A_318 = arith.addi %parallel_loop3A_198, %parallel_loop3A_317 : vector<16xi32>
        %parallel_loop3A_319 = arith.constant 1 : i32
        %parallel_loop3A_320 = arith.constant 0 : i32
        %parallel_loop3A_321 = arith.constant 0 : i32
        %parallel_loop3A_322 = tpu.memref_slice %arg6[%parallel_loop3A_319, %parallel_loop3A_320, %parallel_loop3A_321] : memref<2x128x128xf32, #tpu.memory_space<vmem>> -> memref<1x128x128xf32, #tpu.memory_space<vmem>>
        %parallel_loop3A_323 = tpu.memref_squeeze %parallel_loop3A_322 : memref<1x128x128xf32, #tpu.memory_space<vmem>> -> memref<128x128xf32, #tpu.memory_space<vmem>>
        %parallel_loop3A_324 = tpu.vector_load_idx %parallel_loop3A_323[%parallel_loop3A_294, %parallel_loop3A_318] : memref<128x128xf32, #tpu.memory_space<vmem>>[vector<16xi32>, vector<16xi32>], vector<16xf32>,
        %parallel_loop3A_325 = arith.constant 2 : i32
        %parallel_loop3A_326 = vector.broadcast %parallel_loop3A_325 : i32 to vector<16xi32>
        %parallel_loop3A_327 = arith.addi %parallel_loop3A_201, %parallel_loop3A_326 : vector<16xi32>
        %parallel_loop3A_328 = arith.constant 8.000000e+00 : f32
        %parallel_loop3A_329 = vector.broadcast %parallel_loop3A_328 : f32 to vector<16xf32>
        %parallel_loop3A_330 = arith.mulf %parallel_loop3A_324, %parallel_loop3A_329 : vector<16xf32>
        %parallel_loop3A_331 = arith.constant 1 : i32
        %parallel_loop3A_332 = arith.constant 0 : i32
        %parallel_loop3A_333 = arith.constant 0 : i32
        %parallel_loop3A_334 = arith.constant 0 : i32
        %parallel_loop3A_335 = tpu.memref_slice %arg7[%parallel_loop3A_331, %parallel_loop3A_332, %parallel_loop3A_333, %parallel_loop3A_334] : memref<2x8x8x128xf32, #tpu.memory_space<vmem>> -> memref<1x8x8x128xf32, #tpu.memory_space<vmem>>
        %parallel_loop3A_336 = tpu.memref_squeeze %parallel_loop3A_335 : memref<1x8x8x128xf32, #tpu.memory_space<vmem>> -> memref<8x8x128xf32, #tpu.memory_space<vmem>>
        tpu.vector_store_idx %parallel_loop3A_336[%parallel_loop3A_327, %parallel_loop3A_204, %parallel_loop3A_294], %parallel_loop3A_330 : memref<8x8x128xf32, #tpu.memory_space<vmem>>[vector<16xi32>, vector<16xi32>, vector<16xi32>], vector<16xf32>,
        %parallel_loop3A_337 = arith.constant 32 : i32
        %parallel_loop3A_338 = vector.broadcast %parallel_loop3A_337 : i32 to vector<16xi32>
        %parallel_loop3A_339 = arith.addi %parallel_loop3A_198, %parallel_loop3A_338 : vector<16xi32>
        %parallel_loop3A_340 = arith.constant 1 : i32
        %parallel_loop3A_341 = arith.constant 0 : i32
        %parallel_loop3A_342 = arith.constant 0 : i32
        %parallel_loop3A_343 = tpu.memref_slice %arg6[%parallel_loop3A_340, %parallel_loop3A_341, %parallel_loop3A_342] : memref<2x128x128xf32, #tpu.memory_space<vmem>> -> memref<1x128x128xf32, #tpu.memory_space<vmem>>
        %parallel_loop3A_344 = tpu.memref_squeeze %parallel_loop3A_343 : memref<1x128x128xf32, #tpu.memory_space<vmem>> -> memref<128x128xf32, #tpu.memory_space<vmem>>
        %parallel_loop3A_345 = tpu.vector_load_idx %parallel_loop3A_344[%parallel_loop3A_294, %parallel_loop3A_339] : memref<128x128xf32, #tpu.memory_space<vmem>>[vector<16xi32>, vector<16xi32>], vector<16xf32>,
        %parallel_loop3A_346 = arith.constant 4 : i32
        %parallel_loop3A_347 = vector.broadcast %parallel_loop3A_346 : i32 to vector<16xi32>
        %parallel_loop3A_348 = arith.addi %parallel_loop3A_201, %parallel_loop3A_347 : vector<16xi32>
        %parallel_loop3A_349 = arith.constant 8.000000e+00 : f32
        %parallel_loop3A_350 = vector.broadcast %parallel_loop3A_349 : f32 to vector<16xf32>
        %parallel_loop3A_351 = arith.mulf %parallel_loop3A_345, %parallel_loop3A_350 : vector<16xf32>
        %parallel_loop3A_352 = arith.constant 1 : i32
        %parallel_loop3A_353 = arith.constant 0 : i32
        %parallel_loop3A_354 = arith.constant 0 : i32
        %parallel_loop3A_355 = arith.constant 0 : i32
        %parallel_loop3A_356 = tpu.memref_slice %arg7[%parallel_loop3A_352, %parallel_loop3A_353, %parallel_loop3A_354, %parallel_loop3A_355] : memref<2x8x8x128xf32, #tpu.memory_space<vmem>> -> memref<1x8x8x128xf32, #tpu.memory_space<vmem>>
        %parallel_loop3A_357 = tpu.memref_squeeze %parallel_loop3A_356 : memref<1x8x8x128xf32, #tpu.memory_space<vmem>> -> memref<8x8x128xf32, #tpu.memory_space<vmem>>
        tpu.vector_store_idx %parallel_loop3A_357[%parallel_loop3A_348, %parallel_loop3A_204, %parallel_loop3A_294], %parallel_loop3A_351 : memref<8x8x128xf32, #tpu.memory_space<vmem>>[vector<16xi32>, vector<16xi32>, vector<16xi32>], vector<16xf32>,
        %parallel_loop3A_358 = arith.constant 48 : i32
        %parallel_loop3A_359 = vector.broadcast %parallel_loop3A_358 : i32 to vector<16xi32>
        %parallel_loop3A_360 = arith.addi %parallel_loop3A_198, %parallel_loop3A_359 : vector<16xi32>
        %parallel_loop3A_361 = arith.constant 1 : i32
        %parallel_loop3A_362 = arith.constant 0 : i32
        %parallel_loop3A_363 = arith.constant 0 : i32
        %parallel_loop3A_364 = tpu.memref_slice %arg6[%parallel_loop3A_361, %parallel_loop3A_362, %parallel_loop3A_363] : memref<2x128x128xf32, #tpu.memory_space<vmem>> -> memref<1x128x128xf32, #tpu.memory_space<vmem>>
        %parallel_loop3A_365 = tpu.memref_squeeze %parallel_loop3A_364 : memref<1x128x128xf32, #tpu.memory_space<vmem>> -> memref<128x128xf32, #tpu.memory_space<vmem>>
        %parallel_loop3A_366 = tpu.vector_load_idx %parallel_loop3A_365[%parallel_loop3A_294, %parallel_loop3A_360] : memref<128x128xf32, #tpu.memory_space<vmem>>[vector<16xi32>, vector<16xi32>], vector<16xf32>,
        %parallel_loop3A_367 = arith.constant 6 : i32
        %parallel_loop3A_368 = vector.broadcast %parallel_loop3A_367 : i32 to vector<16xi32>
        %parallel_loop3A_369 = arith.addi %parallel_loop3A_201, %parallel_loop3A_368 : vector<16xi32>
        %parallel_loop3A_370 = arith.constant 8.000000e+00 : f32
        %parallel_loop3A_371 = vector.broadcast %parallel_loop3A_370 : f32 to vector<16xf32>
        %parallel_loop3A_372 = arith.mulf %parallel_loop3A_366, %parallel_loop3A_371 : vector<16xf32>
        %parallel_loop3A_373 = arith.constant 1 : i32
        %parallel_loop3A_374 = arith.constant 0 : i32
        %parallel_loop3A_375 = arith.constant 0 : i32
        %parallel_loop3A_376 = arith.constant 0 : i32
        %parallel_loop3A_377 = tpu.memref_slice %arg7[%parallel_loop3A_373, %parallel_loop3A_374, %parallel_loop3A_375, %parallel_loop3A_376] : memref<2x8x8x128xf32, #tpu.memory_space<vmem>> -> memref<1x8x8x128xf32, #tpu.memory_space<vmem>>
        %parallel_loop3A_378 = tpu.memref_squeeze %parallel_loop3A_377 : memref<1x8x8x128xf32, #tpu.memory_space<vmem>> -> memref<8x8x128xf32, #tpu.memory_space<vmem>>
        tpu.vector_store_idx %parallel_loop3A_378[%parallel_loop3A_369, %parallel_loop3A_204, %parallel_loop3A_294], %parallel_loop3A_372 : memref<8x8x128xf32, #tpu.memory_space<vmem>>[vector<16xi32>, vector<16xi32>, vector<16xi32>], vector<16xf32>,
        %parallel_loop3A_379 = arith.constant 32 : i32
        %parallel_loop3A_380 = vector.broadcast %parallel_loop3A_379 : i32 to vector<16xi32>
        %parallel_loop3A_381 = arith.addi %iota3A, %parallel_loop3A_380 : vector<16xi32>
        %parallel_loop3A_382 = arith.constant 0 : i32
        %parallel_loop3A_383 = vector.broadcast %parallel_loop3A_382 : i32 to vector<16xi32>
        %parallel_loop3A_384 = arith.addi %parallel_loop3A_198, %parallel_loop3A_383 : vector<16xi32>
        %parallel_loop3A_385 = arith.constant 1 : i32
        %parallel_loop3A_386 = arith.constant 0 : i32
        %parallel_loop3A_387 = arith.constant 0 : i32
        %parallel_loop3A_388 = tpu.memref_slice %arg6[%parallel_loop3A_385, %parallel_loop3A_386, %parallel_loop3A_387] : memref<2x128x128xf32, #tpu.memory_space<vmem>> -> memref<1x128x128xf32, #tpu.memory_space<vmem>>
        %parallel_loop3A_389 = tpu.memref_squeeze %parallel_loop3A_388 : memref<1x128x128xf32, #tpu.memory_space<vmem>> -> memref<128x128xf32, #tpu.memory_space<vmem>>
        %parallel_loop3A_390 = tpu.vector_load_idx %parallel_loop3A_389[%parallel_loop3A_381, %parallel_loop3A_384] : memref<128x128xf32, #tpu.memory_space<vmem>>[vector<16xi32>, vector<16xi32>], vector<16xf32>,
        %parallel_loop3A_391 = arith.constant 0 : i32
        %parallel_loop3A_392 = vector.broadcast %parallel_loop3A_391 : i32 to vector<16xi32>
        %parallel_loop3A_393 = arith.addi %parallel_loop3A_201, %parallel_loop3A_392 : vector<16xi32>
        %parallel_loop3A_394 = arith.constant 8.000000e+00 : f32
        %parallel_loop3A_395 = vector.broadcast %parallel_loop3A_394 : f32 to vector<16xf32>
        %parallel_loop3A_396 = arith.mulf %parallel_loop3A_390, %parallel_loop3A_395 : vector<16xf32>
        %parallel_loop3A_397 = arith.constant 1 : i32
        %parallel_loop3A_398 = arith.constant 0 : i32
        %parallel_loop3A_399 = arith.constant 0 : i32
        %parallel_loop3A_400 = arith.constant 0 : i32
        %parallel_loop3A_401 = tpu.memref_slice %arg7[%parallel_loop3A_397, %parallel_loop3A_398, %parallel_loop3A_399, %parallel_loop3A_400] : memref<2x8x8x128xf32, #tpu.memory_space<vmem>> -> memref<1x8x8x128xf32, #tpu.memory_space<vmem>>
        %parallel_loop3A_402 = tpu.memref_squeeze %parallel_loop3A_401 : memref<1x8x8x128xf32, #tpu.memory_space<vmem>> -> memref<8x8x128xf32, #tpu.memory_space<vmem>>
        tpu.vector_store_idx %parallel_loop3A_402[%parallel_loop3A_393, %parallel_loop3A_204, %parallel_loop3A_381], %parallel_loop3A_396 : memref<8x8x128xf32, #tpu.memory_space<vmem>>[vector<16xi32>, vector<16xi32>, vector<16xi32>], vector<16xf32>,
        %parallel_loop3A_403 = arith.constant 16 : i32
        %parallel_loop3A_404 = vector.broadcast %parallel_loop3A_403 : i32 to vector<16xi32>
        %parallel_loop3A_405 = arith.addi %parallel_loop3A_198, %parallel_loop3A_404 : vector<16xi32>
        %parallel_loop3A_406 = arith.constant 1 : i32
        %parallel_loop3A_407 = arith.constant 0 : i32
        %parallel_loop3A_408 = arith.constant 0 : i32
        %parallel_loop3A_409 = tpu.memref_slice %arg6[%parallel_loop3A_406, %parallel_loop3A_407, %parallel_loop3A_408] : memref<2x128x128xf32, #tpu.memory_space<vmem>> -> memref<1x128x128xf32, #tpu.memory_space<vmem>>
        %parallel_loop3A_410 = tpu.memref_squeeze %parallel_loop3A_409 : memref<1x128x128xf32, #tpu.memory_space<vmem>> -> memref<128x128xf32, #tpu.memory_space<vmem>>
        %parallel_loop3A_411 = tpu.vector_load_idx %parallel_loop3A_410[%parallel_loop3A_381, %parallel_loop3A_405] : memref<128x128xf32, #tpu.memory_space<vmem>>[vector<16xi32>, vector<16xi32>], vector<16xf32>,
        %parallel_loop3A_412 = arith.constant 2 : i32
        %parallel_loop3A_413 = vector.broadcast %parallel_loop3A_412 : i32 to vector<16xi32>
        %parallel_loop3A_414 = arith.addi %parallel_loop3A_201, %parallel_loop3A_413 : vector<16xi32>
        %parallel_loop3A_415 = arith.constant 8.000000e+00 : f32
        %parallel_loop3A_416 = vector.broadcast %parallel_loop3A_415 : f32 to vector<16xf32>
        %parallel_loop3A_417 = arith.mulf %parallel_loop3A_411, %parallel_loop3A_416 : vector<16xf32>
        %parallel_loop3A_418 = arith.constant 1 : i32
        %parallel_loop3A_419 = arith.constant 0 : i32
        %parallel_loop3A_420 = arith.constant 0 : i32
        %parallel_loop3A_421 = arith.constant 0 : i32
        %parallel_loop3A_422 = tpu.memref_slice %arg7[%parallel_loop3A_418, %parallel_loop3A_419, %parallel_loop3A_420, %parallel_loop3A_421] : memref<2x8x8x128xf32, #tpu.memory_space<vmem>> -> memref<1x8x8x128xf32, #tpu.memory_space<vmem>>
        %parallel_loop3A_423 = tpu.memref_squeeze %parallel_loop3A_422 : memref<1x8x8x128xf32, #tpu.memory_space<vmem>> -> memref<8x8x128xf32, #tpu.memory_space<vmem>>
        tpu.vector_store_idx %parallel_loop3A_423[%parallel_loop3A_414, %parallel_loop3A_204, %parallel_loop3A_381], %parallel_loop3A_417 : memref<8x8x128xf32, #tpu.memory_space<vmem>>[vector<16xi32>, vector<16xi32>, vector<16xi32>], vector<16xf32>,
        %parallel_loop3A_424 = arith.constant 32 : i32
        %parallel_loop3A_425 = vector.broadcast %parallel_loop3A_424 : i32 to vector<16xi32>
        %parallel_loop3A_426 = arith.addi %parallel_loop3A_198, %parallel_loop3A_425 : vector<16xi32>
        %parallel_loop3A_427 = arith.constant 1 : i32
        %parallel_loop3A_428 = arith.constant 0 : i32
        %parallel_loop3A_429 = arith.constant 0 : i32
        %parallel_loop3A_430 = tpu.memref_slice %arg6[%parallel_loop3A_427, %parallel_loop3A_428, %parallel_loop3A_429] : memref<2x128x128xf32, #tpu.memory_space<vmem>> -> memref<1x128x128xf32, #tpu.memory_space<vmem>>
        %parallel_loop3A_431 = tpu.memref_squeeze %parallel_loop3A_430 : memref<1x128x128xf32, #tpu.memory_space<vmem>> -> memref<128x128xf32, #tpu.memory_space<vmem>>
        %parallel_loop3A_432 = tpu.vector_load_idx %parallel_loop3A_431[%parallel_loop3A_381, %parallel_loop3A_426] : memref<128x128xf32, #tpu.memory_space<vmem>>[vector<16xi32>, vector<16xi32>], vector<16xf32>,
        %parallel_loop3A_433 = arith.constant 4 : i32
        %parallel_loop3A_434 = vector.broadcast %parallel_loop3A_433 : i32 to vector<16xi32>
        %parallel_loop3A_435 = arith.addi %parallel_loop3A_201, %parallel_loop3A_434 : vector<16xi32>
        %parallel_loop3A_436 = arith.constant 8.000000e+00 : f32
        %parallel_loop3A_437 = vector.broadcast %parallel_loop3A_436 : f32 to vector<16xf32>
        %parallel_loop3A_438 = arith.mulf %parallel_loop3A_432, %parallel_loop3A_437 : vector<16xf32>
        %parallel_loop3A_439 = arith.constant 1 : i32
        %parallel_loop3A_440 = arith.constant 0 : i32
        %parallel_loop3A_441 = arith.constant 0 : i32
        %parallel_loop3A_442 = arith.constant 0 : i32
        %parallel_loop3A_443 = tpu.memref_slice %arg7[%parallel_loop3A_439, %parallel_loop3A_440, %parallel_loop3A_441, %parallel_loop3A_442] : memref<2x8x8x128xf32, #tpu.memory_space<vmem>> -> memref<1x8x8x128xf32, #tpu.memory_space<vmem>>
        %parallel_loop3A_444 = tpu.memref_squeeze %parallel_loop3A_443 : memref<1x8x8x128xf32, #tpu.memory_space<vmem>> -> memref<8x8x128xf32, #tpu.memory_space<vmem>>
        tpu.vector_store_idx %parallel_loop3A_444[%parallel_loop3A_435, %parallel_loop3A_204, %parallel_loop3A_381], %parallel_loop3A_438 : memref<8x8x128xf32, #tpu.memory_space<vmem>>[vector<16xi32>, vector<16xi32>, vector<16xi32>], vector<16xf32>,
        %parallel_loop3A_445 = arith.constant 48 : i32
        %parallel_loop3A_446 = vector.broadcast %parallel_loop3A_445 : i32 to vector<16xi32>
        %parallel_loop3A_447 = arith.addi %parallel_loop3A_198, %parallel_loop3A_446 : vector<16xi32>
        %parallel_loop3A_448 = arith.constant 1 : i32
        %parallel_loop3A_449 = arith.constant 0 : i32
        %parallel_loop3A_450 = arith.constant 0 : i32
        %parallel_loop3A_451 = tpu.memref_slice %arg6[%parallel_loop3A_448, %parallel_loop3A_449, %parallel_loop3A_450] : memref<2x128x128xf32, #tpu.memory_space<vmem>> -> memref<1x128x128xf32, #tpu.memory_space<vmem>>
        %parallel_loop3A_452 = tpu.memref_squeeze %parallel_loop3A_451 : memref<1x128x128xf32, #tpu.memory_space<vmem>> -> memref<128x128xf32, #tpu.memory_space<vmem>>
        %parallel_loop3A_453 = tpu.vector_load_idx %parallel_loop3A_452[%parallel_loop3A_381, %parallel_loop3A_447] : memref<128x128xf32, #tpu.memory_space<vmem>>[vector<16xi32>, vector<16xi32>], vector<16xf32>,
        %parallel_loop3A_454 = arith.constant 6 : i32
        %parallel_loop3A_455 = vector.broadcast %parallel_loop3A_454 : i32 to vector<16xi32>
        %parallel_loop3A_456 = arith.addi %parallel_loop3A_201, %parallel_loop3A_455 : vector<16xi32>
        %parallel_loop3A_457 = arith.constant 8.000000e+00 : f32
        %parallel_loop3A_458 = vector.broadcast %parallel_loop3A_457 : f32 to vector<16xf32>
        %parallel_loop3A_459 = arith.mulf %parallel_loop3A_453, %parallel_loop3A_458 : vector<16xf32>
        %parallel_loop3A_460 = arith.constant 1 : i32
        %parallel_loop3A_461 = arith.constant 0 : i32
        %parallel_loop3A_462 = arith.constant 0 : i32
        %parallel_loop3A_463 = arith.constant 0 : i32
        %parallel_loop3A_464 = tpu.memref_slice %arg7[%parallel_loop3A_460, %parallel_loop3A_461, %parallel_loop3A_462, %parallel_loop3A_463] : memref<2x8x8x128xf32, #tpu.memory_space<vmem>> -> memref<1x8x8x128xf32, #tpu.memory_space<vmem>>
        %parallel_loop3A_465 = tpu.memref_squeeze %parallel_loop3A_464 : memref<1x8x8x128xf32, #tpu.memory_space<vmem>> -> memref<8x8x128xf32, #tpu.memory_space<vmem>>
        tpu.vector_store_idx %parallel_loop3A_465[%parallel_loop3A_456, %parallel_loop3A_204, %parallel_loop3A_381], %parallel_loop3A_459 : memref<8x8x128xf32, #tpu.memory_space<vmem>>[vector<16xi32>, vector<16xi32>, vector<16xi32>], vector<16xf32>,
        %parallel_loop3A_466 = arith.constant 48 : i32
        %parallel_loop3A_467 = vector.broadcast %parallel_loop3A_466 : i32 to vector<16xi32>
        %parallel_loop3A_468 = arith.addi %iota3A, %parallel_loop3A_467 : vector<16xi32>
        %parallel_loop3A_469 = arith.constant 0 : i32
        %parallel_loop3A_470 = vector.broadcast %parallel_loop3A_469 : i32 to vector<16xi32>
        %parallel_loop3A_471 = arith.addi %parallel_loop3A_198, %parallel_loop3A_470 : vector<16xi32>
        %parallel_loop3A_472 = arith.constant 1 : i32
        %parallel_loop3A_473 = arith.constant 0 : i32
        %parallel_loop3A_474 = arith.constant 0 : i32
        %parallel_loop3A_475 = tpu.memref_slice %arg6[%parallel_loop3A_472, %parallel_loop3A_473, %parallel_loop3A_474] : memref<2x128x128xf32, #tpu.memory_space<vmem>> -> memref<1x128x128xf32, #tpu.memory_space<vmem>>
        %parallel_loop3A_476 = tpu.memref_squeeze %parallel_loop3A_475 : memref<1x128x128xf32, #tpu.memory_space<vmem>> -> memref<128x128xf32, #tpu.memory_space<vmem>>
        %parallel_loop3A_477 = tpu.vector_load_idx %parallel_loop3A_476[%parallel_loop3A_468, %parallel_loop3A_471] : memref<128x128xf32, #tpu.memory_space<vmem>>[vector<16xi32>, vector<16xi32>], vector<16xf32>,
        %parallel_loop3A_478 = arith.constant 0 : i32
        %parallel_loop3A_479 = vector.broadcast %parallel_loop3A_478 : i32 to vector<16xi32>
        %parallel_loop3A_480 = arith.addi %parallel_loop3A_201, %parallel_loop3A_479 : vector<16xi32>
        %parallel_loop3A_481 = arith.constant 8.000000e+00 : f32
        %parallel_loop3A_482 = vector.broadcast %parallel_loop3A_481 : f32 to vector<16xf32>
        %parallel_loop3A_483 = arith.mulf %parallel_loop3A_477, %parallel_loop3A_482 : vector<16xf32>
        %parallel_loop3A_484 = arith.constant 1 : i32
        %parallel_loop3A_485 = arith.constant 0 : i32
        %parallel_loop3A_486 = arith.constant 0 : i32
        %parallel_loop3A_487 = arith.constant 0 : i32
        %parallel_loop3A_488 = tpu.memref_slice %arg7[%parallel_loop3A_484, %parallel_loop3A_485, %parallel_loop3A_486, %parallel_loop3A_487] : memref<2x8x8x128xf32, #tpu.memory_space<vmem>> -> memref<1x8x8x128xf32, #tpu.memory_space<vmem>>
        %parallel_loop3A_489 = tpu.memref_squeeze %parallel_loop3A_488 : memref<1x8x8x128xf32, #tpu.memory_space<vmem>> -> memref<8x8x128xf32, #tpu.memory_space<vmem>>
        tpu.vector_store_idx %parallel_loop3A_489[%parallel_loop3A_480, %parallel_loop3A_204, %parallel_loop3A_468], %parallel_loop3A_483 : memref<8x8x128xf32, #tpu.memory_space<vmem>>[vector<16xi32>, vector<16xi32>, vector<16xi32>], vector<16xf32>,
        %parallel_loop3A_490 = arith.constant 16 : i32
        %parallel_loop3A_491 = vector.broadcast %parallel_loop3A_490 : i32 to vector<16xi32>
        %parallel_loop3A_492 = arith.addi %parallel_loop3A_198, %parallel_loop3A_491 : vector<16xi32>
        %parallel_loop3A_493 = arith.constant 1 : i32
        %parallel_loop3A_494 = arith.constant 0 : i32
        %parallel_loop3A_495 = arith.constant 0 : i32
        %parallel_loop3A_496 = tpu.memref_slice %arg6[%parallel_loop3A_493, %parallel_loop3A_494, %parallel_loop3A_495] : memref<2x128x128xf32, #tpu.memory_space<vmem>> -> memref<1x128x128xf32, #tpu.memory_space<vmem>>
        %parallel_loop3A_497 = tpu.memref_squeeze %parallel_loop3A_496 : memref<1x128x128xf32, #tpu.memory_space<vmem>> -> memref<128x128xf32, #tpu.memory_space<vmem>>
        %parallel_loop3A_498 = tpu.vector_load_idx %parallel_loop3A_497[%parallel_loop3A_468, %parallel_loop3A_492] : memref<128x128xf32, #tpu.memory_space<vmem>>[vector<16xi32>, vector<16xi32>], vector<16xf32>,
        %parallel_loop3A_499 = arith.constant 2 : i32
        %parallel_loop3A_500 = vector.broadcast %parallel_loop3A_499 : i32 to vector<16xi32>
        %parallel_loop3A_501 = arith.addi %parallel_loop3A_201, %parallel_loop3A_500 : vector<16xi32>
        %parallel_loop3A_502 = arith.constant 8.000000e+00 : f32
        %parallel_loop3A_503 = vector.broadcast %parallel_loop3A_502 : f32 to vector<16xf32>
        %parallel_loop3A_504 = arith.mulf %parallel_loop3A_498, %parallel_loop3A_503 : vector<16xf32>
        %parallel_loop3A_505 = arith.constant 1 : i32
        %parallel_loop3A_506 = arith.constant 0 : i32
        %parallel_loop3A_507 = arith.constant 0 : i32
        %parallel_loop3A_508 = arith.constant 0 : i32
        %parallel_loop3A_509 = tpu.memref_slice %arg7[%parallel_loop3A_505, %parallel_loop3A_506, %parallel_loop3A_507, %parallel_loop3A_508] : memref<2x8x8x128xf32, #tpu.memory_space<vmem>> -> memref<1x8x8x128xf32, #tpu.memory_space<vmem>>
        %parallel_loop3A_510 = tpu.memref_squeeze %parallel_loop3A_509 : memref<1x8x8x128xf32, #tpu.memory_space<vmem>> -> memref<8x8x128xf32, #tpu.memory_space<vmem>>
        tpu.vector_store_idx %parallel_loop3A_510[%parallel_loop3A_501, %parallel_loop3A_204, %parallel_loop3A_468], %parallel_loop3A_504 : memref<8x8x128xf32, #tpu.memory_space<vmem>>[vector<16xi32>, vector<16xi32>, vector<16xi32>], vector<16xf32>,
        %parallel_loop3A_511 = arith.constant 32 : i32
        %parallel_loop3A_512 = vector.broadcast %parallel_loop3A_511 : i32 to vector<16xi32>
        %parallel_loop3A_513 = arith.addi %parallel_loop3A_198, %parallel_loop3A_512 : vector<16xi32>
        %parallel_loop3A_514 = arith.constant 1 : i32
        %parallel_loop3A_515 = arith.constant 0 : i32
        %parallel_loop3A_516 = arith.constant 0 : i32
        %parallel_loop3A_517 = tpu.memref_slice %arg6[%parallel_loop3A_514, %parallel_loop3A_515, %parallel_loop3A_516] : memref<2x128x128xf32, #tpu.memory_space<vmem>> -> memref<1x128x128xf32, #tpu.memory_space<vmem>>
        %parallel_loop3A_518 = tpu.memref_squeeze %parallel_loop3A_517 : memref<1x128x128xf32, #tpu.memory_space<vmem>> -> memref<128x128xf32, #tpu.memory_space<vmem>>
        %parallel_loop3A_519 = tpu.vector_load_idx %parallel_loop3A_518[%parallel_loop3A_468, %parallel_loop3A_513] : memref<128x128xf32, #tpu.memory_space<vmem>>[vector<16xi32>, vector<16xi32>], vector<16xf32>,
        %parallel_loop3A_520 = arith.constant 4 : i32
        %parallel_loop3A_521 = vector.broadcast %parallel_loop3A_520 : i32 to vector<16xi32>
        %parallel_loop3A_522 = arith.addi %parallel_loop3A_201, %parallel_loop3A_521 : vector<16xi32>
        %parallel_loop3A_523 = arith.constant 8.000000e+00 : f32
        %parallel_loop3A_524 = vector.broadcast %parallel_loop3A_523 : f32 to vector<16xf32>
        %parallel_loop3A_525 = arith.mulf %parallel_loop3A_519, %parallel_loop3A_524 : vector<16xf32>
        %parallel_loop3A_526 = arith.constant 1 : i32
        %parallel_loop3A_527 = arith.constant 0 : i32
        %parallel_loop3A_528 = arith.constant 0 : i32
        %parallel_loop3A_529 = arith.constant 0 : i32
        %parallel_loop3A_530 = tpu.memref_slice %arg7[%parallel_loop3A_526, %parallel_loop3A_527, %parallel_loop3A_528, %parallel_loop3A_529] : memref<2x8x8x128xf32, #tpu.memory_space<vmem>> -> memref<1x8x8x128xf32, #tpu.memory_space<vmem>>
        %parallel_loop3A_531 = tpu.memref_squeeze %parallel_loop3A_530 : memref<1x8x8x128xf32, #tpu.memory_space<vmem>> -> memref<8x8x128xf32, #tpu.memory_space<vmem>>
        tpu.vector_store_idx %parallel_loop3A_531[%parallel_loop3A_522, %parallel_loop3A_204, %parallel_loop3A_468], %parallel_loop3A_525 : memref<8x8x128xf32, #tpu.memory_space<vmem>>[vector<16xi32>, vector<16xi32>, vector<16xi32>], vector<16xf32>,
        %parallel_loop3A_532 = arith.constant 48 : i32
        %parallel_loop3A_533 = vector.broadcast %parallel_loop3A_532 : i32 to vector<16xi32>
        %parallel_loop3A_534 = arith.addi %parallel_loop3A_198, %parallel_loop3A_533 : vector<16xi32>
        %parallel_loop3A_535 = arith.constant 1 : i32
        %parallel_loop3A_536 = arith.constant 0 : i32
        %parallel_loop3A_537 = arith.constant 0 : i32
        %parallel_loop3A_538 = tpu.memref_slice %arg6[%parallel_loop3A_535, %parallel_loop3A_536, %parallel_loop3A_537] : memref<2x128x128xf32, #tpu.memory_space<vmem>> -> memref<1x128x128xf32, #tpu.memory_space<vmem>>
        %parallel_loop3A_539 = tpu.memref_squeeze %parallel_loop3A_538 : memref<1x128x128xf32, #tpu.memory_space<vmem>> -> memref<128x128xf32, #tpu.memory_space<vmem>>
        %parallel_loop3A_540 = tpu.vector_load_idx %parallel_loop3A_539[%parallel_loop3A_468, %parallel_loop3A_534] : memref<128x128xf32, #tpu.memory_space<vmem>>[vector<16xi32>, vector<16xi32>], vector<16xf32>,
        %parallel_loop3A_541 = arith.constant 6 : i32
        %parallel_loop3A_542 = vector.broadcast %parallel_loop3A_541 : i32 to vector<16xi32>
        %parallel_loop3A_543 = arith.addi %parallel_loop3A_201, %parallel_loop3A_542 : vector<16xi32>
        %parallel_loop3A_544 = arith.constant 8.000000e+00 : f32
        %parallel_loop3A_545 = vector.broadcast %parallel_loop3A_544 : f32 to vector<16xf32>
        %parallel_loop3A_546 = arith.mulf %parallel_loop3A_540, %parallel_loop3A_545 : vector<16xf32>
        %parallel_loop3A_547 = arith.constant 1 : i32
        %parallel_loop3A_548 = arith.constant 0 : i32
        %parallel_loop3A_549 = arith.constant 0 : i32
        %parallel_loop3A_550 = arith.constant 0 : i32
        %parallel_loop3A_551 = tpu.memref_slice %arg7[%parallel_loop3A_547, %parallel_loop3A_548, %parallel_loop3A_549, %parallel_loop3A_550] : memref<2x8x8x128xf32, #tpu.memory_space<vmem>> -> memref<1x8x8x128xf32, #tpu.memory_space<vmem>>
        %parallel_loop3A_552 = tpu.memref_squeeze %parallel_loop3A_551 : memref<1x8x8x128xf32, #tpu.memory_space<vmem>> -> memref<8x8x128xf32, #tpu.memory_space<vmem>>
        tpu.vector_store_idx %parallel_loop3A_552[%parallel_loop3A_543, %parallel_loop3A_204, %parallel_loop3A_468], %parallel_loop3A_546 : memref<8x8x128xf32, #tpu.memory_space<vmem>>[vector<16xi32>, vector<16xi32>, vector<16xi32>], vector<16xf32>,
        %parallel_loop3A_553 = arith.constant 64 : i32
        %parallel_loop3A_554 = vector.broadcast %parallel_loop3A_553 : i32 to vector<16xi32>
        %parallel_loop3A_555 = arith.addi %iota3A, %parallel_loop3A_554 : vector<16xi32>
        %parallel_loop3A_556 = arith.constant 0 : i32
        %parallel_loop3A_557 = vector.broadcast %parallel_loop3A_556 : i32 to vector<16xi32>
        %parallel_loop3A_558 = arith.addi %parallel_loop3A_198, %parallel_loop3A_557 : vector<16xi32>
        %parallel_loop3A_559 = arith.constant 1 : i32
        %parallel_loop3A_560 = arith.constant 0 : i32
        %parallel_loop3A_561 = arith.constant 0 : i32
        %parallel_loop3A_562 = tpu.memref_slice %arg6[%parallel_loop3A_559, %parallel_loop3A_560, %parallel_loop3A_561] : memref<2x128x128xf32, #tpu.memory_space<vmem>> -> memref<1x128x128xf32, #tpu.memory_space<vmem>>
        %parallel_loop3A_563 = tpu.memref_squeeze %parallel_loop3A_562 : memref<1x128x128xf32, #tpu.memory_space<vmem>> -> memref<128x128xf32, #tpu.memory_space<vmem>>
        %parallel_loop3A_564 = tpu.vector_load_idx %parallel_loop3A_563[%parallel_loop3A_555, %parallel_loop3A_558] : memref<128x128xf32, #tpu.memory_space<vmem>>[vector<16xi32>, vector<16xi32>], vector<16xf32>,
        %parallel_loop3A_565 = arith.constant 0 : i32
        %parallel_loop3A_566 = vector.broadcast %parallel_loop3A_565 : i32 to vector<16xi32>
        %parallel_loop3A_567 = arith.addi %parallel_loop3A_201, %parallel_loop3A_566 : vector<16xi32>
        %parallel_loop3A_568 = arith.constant 8.000000e+00 : f32
        %parallel_loop3A_569 = vector.broadcast %parallel_loop3A_568 : f32 to vector<16xf32>
        %parallel_loop3A_570 = arith.mulf %parallel_loop3A_564, %parallel_loop3A_569 : vector<16xf32>
        %parallel_loop3A_571 = arith.constant 1 : i32
        %parallel_loop3A_572 = arith.constant 0 : i32
        %parallel_loop3A_573 = arith.constant 0 : i32
        %parallel_loop3A_574 = arith.constant 0 : i32
        %parallel_loop3A_575 = tpu.memref_slice %arg7[%parallel_loop3A_571, %parallel_loop3A_572, %parallel_loop3A_573, %parallel_loop3A_574] : memref<2x8x8x128xf32, #tpu.memory_space<vmem>> -> memref<1x8x8x128xf32, #tpu.memory_space<vmem>>
        %parallel_loop3A_576 = tpu.memref_squeeze %parallel_loop3A_575 : memref<1x8x8x128xf32, #tpu.memory_space<vmem>> -> memref<8x8x128xf32, #tpu.memory_space<vmem>>
        tpu.vector_store_idx %parallel_loop3A_576[%parallel_loop3A_567, %parallel_loop3A_204, %parallel_loop3A_555], %parallel_loop3A_570 : memref<8x8x128xf32, #tpu.memory_space<vmem>>[vector<16xi32>, vector<16xi32>, vector<16xi32>], vector<16xf32>,
        %parallel_loop3A_577 = arith.constant 16 : i32
        %parallel_loop3A_578 = vector.broadcast %parallel_loop3A_577 : i32 to vector<16xi32>
        %parallel_loop3A_579 = arith.addi %parallel_loop3A_198, %parallel_loop3A_578 : vector<16xi32>
        %parallel_loop3A_580 = arith.constant 1 : i32
        %parallel_loop3A_581 = arith.constant 0 : i32
        %parallel_loop3A_582 = arith.constant 0 : i32
        %parallel_loop3A_583 = tpu.memref_slice %arg6[%parallel_loop3A_580, %parallel_loop3A_581, %parallel_loop3A_582] : memref<2x128x128xf32, #tpu.memory_space<vmem>> -> memref<1x128x128xf32, #tpu.memory_space<vmem>>
        %parallel_loop3A_584 = tpu.memref_squeeze %parallel_loop3A_583 : memref<1x128x128xf32, #tpu.memory_space<vmem>> -> memref<128x128xf32, #tpu.memory_space<vmem>>
        %parallel_loop3A_585 = tpu.vector_load_idx %parallel_loop3A_584[%parallel_loop3A_555, %parallel_loop3A_579] : memref<128x128xf32, #tpu.memory_space<vmem>>[vector<16xi32>, vector<16xi32>], vector<16xf32>,
        %parallel_loop3A_586 = arith.constant 2 : i32
        %parallel_loop3A_587 = vector.broadcast %parallel_loop3A_586 : i32 to vector<16xi32>
        %parallel_loop3A_588 = arith.addi %parallel_loop3A_201, %parallel_loop3A_587 : vector<16xi32>
        %parallel_loop3A_589 = arith.constant 8.000000e+00 : f32
        %parallel_loop3A_590 = vector.broadcast %parallel_loop3A_589 : f32 to vector<16xf32>
        %parallel_loop3A_591 = arith.mulf %parallel_loop3A_585, %parallel_loop3A_590 : vector<16xf32>
        %parallel_loop3A_592 = arith.constant 1 : i32
        %parallel_loop3A_593 = arith.constant 0 : i32
        %parallel_loop3A_594 = arith.constant 0 : i32
        %parallel_loop3A_595 = arith.constant 0 : i32
        %parallel_loop3A_596 = tpu.memref_slice %arg7[%parallel_loop3A_592, %parallel_loop3A_593, %parallel_loop3A_594, %parallel_loop3A_595] : memref<2x8x8x128xf32, #tpu.memory_space<vmem>> -> memref<1x8x8x128xf32, #tpu.memory_space<vmem>>
        %parallel_loop3A_597 = tpu.memref_squeeze %parallel_loop3A_596 : memref<1x8x8x128xf32, #tpu.memory_space<vmem>> -> memref<8x8x128xf32, #tpu.memory_space<vmem>>
        tpu.vector_store_idx %parallel_loop3A_597[%parallel_loop3A_588, %parallel_loop3A_204, %parallel_loop3A_555], %parallel_loop3A_591 : memref<8x8x128xf32, #tpu.memory_space<vmem>>[vector<16xi32>, vector<16xi32>, vector<16xi32>], vector<16xf32>,
        %parallel_loop3A_598 = arith.constant 32 : i32
        %parallel_loop3A_599 = vector.broadcast %parallel_loop3A_598 : i32 to vector<16xi32>
        %parallel_loop3A_600 = arith.addi %parallel_loop3A_198, %parallel_loop3A_599 : vector<16xi32>
        %parallel_loop3A_601 = arith.constant 1 : i32
        %parallel_loop3A_602 = arith.constant 0 : i32
        %parallel_loop3A_603 = arith.constant 0 : i32
        %parallel_loop3A_604 = tpu.memref_slice %arg6[%parallel_loop3A_601, %parallel_loop3A_602, %parallel_loop3A_603] : memref<2x128x128xf32, #tpu.memory_space<vmem>> -> memref<1x128x128xf32, #tpu.memory_space<vmem>>
        %parallel_loop3A_605 = tpu.memref_squeeze %parallel_loop3A_604 : memref<1x128x128xf32, #tpu.memory_space<vmem>> -> memref<128x128xf32, #tpu.memory_space<vmem>>
        %parallel_loop3A_606 = tpu.vector_load_idx %parallel_loop3A_605[%parallel_loop3A_555, %parallel_loop3A_600] : memref<128x128xf32, #tpu.memory_space<vmem>>[vector<16xi32>, vector<16xi32>], vector<16xf32>,
        %parallel_loop3A_607 = arith.constant 4 : i32
        %parallel_loop3A_608 = vector.broadcast %parallel_loop3A_607 : i32 to vector<16xi32>
        %parallel_loop3A_609 = arith.addi %parallel_loop3A_201, %parallel_loop3A_608 : vector<16xi32>
        %parallel_loop3A_610 = arith.constant 8.000000e+00 : f32
        %parallel_loop3A_611 = vector.broadcast %parallel_loop3A_610 : f32 to vector<16xf32>
        %parallel_loop3A_612 = arith.mulf %parallel_loop3A_606, %parallel_loop3A_611 : vector<16xf32>
        %parallel_loop3A_613 = arith.constant 1 : i32
        %parallel_loop3A_614 = arith.constant 0 : i32
        %parallel_loop3A_615 = arith.constant 0 : i32
        %parallel_loop3A_616 = arith.constant 0 : i32
        %parallel_loop3A_617 = tpu.memref_slice %arg7[%parallel_loop3A_613, %parallel_loop3A_614, %parallel_loop3A_615, %parallel_loop3A_616] : memref<2x8x8x128xf32, #tpu.memory_space<vmem>> -> memref<1x8x8x128xf32, #tpu.memory_space<vmem>>
        %parallel_loop3A_618 = tpu.memref_squeeze %parallel_loop3A_617 : memref<1x8x8x128xf32, #tpu.memory_space<vmem>> -> memref<8x8x128xf32, #tpu.memory_space<vmem>>
        tpu.vector_store_idx %parallel_loop3A_618[%parallel_loop3A_609, %parallel_loop3A_204, %parallel_loop3A_555], %parallel_loop3A_612 : memref<8x8x128xf32, #tpu.memory_space<vmem>>[vector<16xi32>, vector<16xi32>, vector<16xi32>], vector<16xf32>,
        %parallel_loop3A_619 = arith.constant 48 : i32
        %parallel_loop3A_620 = vector.broadcast %parallel_loop3A_619 : i32 to vector<16xi32>
        %parallel_loop3A_621 = arith.addi %parallel_loop3A_198, %parallel_loop3A_620 : vector<16xi32>
        %parallel_loop3A_622 = arith.constant 1 : i32
        %parallel_loop3A_623 = arith.constant 0 : i32
        %parallel_loop3A_624 = arith.constant 0 : i32
        %parallel_loop3A_625 = tpu.memref_slice %arg6[%parallel_loop3A_622, %parallel_loop3A_623, %parallel_loop3A_624] : memref<2x128x128xf32, #tpu.memory_space<vmem>> -> memref<1x128x128xf32, #tpu.memory_space<vmem>>
        %parallel_loop3A_626 = tpu.memref_squeeze %parallel_loop3A_625 : memref<1x128x128xf32, #tpu.memory_space<vmem>> -> memref<128x128xf32, #tpu.memory_space<vmem>>
        %parallel_loop3A_627 = tpu.vector_load_idx %parallel_loop3A_626[%parallel_loop3A_555, %parallel_loop3A_621] : memref<128x128xf32, #tpu.memory_space<vmem>>[vector<16xi32>, vector<16xi32>], vector<16xf32>,
        %parallel_loop3A_628 = arith.constant 6 : i32
        %parallel_loop3A_629 = vector.broadcast %parallel_loop3A_628 : i32 to vector<16xi32>
        %parallel_loop3A_630 = arith.addi %parallel_loop3A_201, %parallel_loop3A_629 : vector<16xi32>
        %parallel_loop3A_631 = arith.constant 8.000000e+00 : f32
        %parallel_loop3A_632 = vector.broadcast %parallel_loop3A_631 : f32 to vector<16xf32>
        %parallel_loop3A_633 = arith.mulf %parallel_loop3A_627, %parallel_loop3A_632 : vector<16xf32>
        %parallel_loop3A_634 = arith.constant 1 : i32
        %parallel_loop3A_635 = arith.constant 0 : i32
        %parallel_loop3A_636 = arith.constant 0 : i32
        %parallel_loop3A_637 = arith.constant 0 : i32
        %parallel_loop3A_638 = tpu.memref_slice %arg7[%parallel_loop3A_634, %parallel_loop3A_635, %parallel_loop3A_636, %parallel_loop3A_637] : memref<2x8x8x128xf32, #tpu.memory_space<vmem>> -> memref<1x8x8x128xf32, #tpu.memory_space<vmem>>
        %parallel_loop3A_639 = tpu.memref_squeeze %parallel_loop3A_638 : memref<1x8x8x128xf32, #tpu.memory_space<vmem>> -> memref<8x8x128xf32, #tpu.memory_space<vmem>>
        tpu.vector_store_idx %parallel_loop3A_639[%parallel_loop3A_630, %parallel_loop3A_204, %parallel_loop3A_555], %parallel_loop3A_633 : memref<8x8x128xf32, #tpu.memory_space<vmem>>[vector<16xi32>, vector<16xi32>, vector<16xi32>], vector<16xf32>,
        %parallel_loop3A_640 = arith.constant 80 : i32
        %parallel_loop3A_641 = vector.broadcast %parallel_loop3A_640 : i32 to vector<16xi32>
        %parallel_loop3A_642 = arith.addi %iota3A, %parallel_loop3A_641 : vector<16xi32>
        %parallel_loop3A_643 = arith.constant 0 : i32
        %parallel_loop3A_644 = vector.broadcast %parallel_loop3A_643 : i32 to vector<16xi32>
        %parallel_loop3A_645 = arith.addi %parallel_loop3A_198, %parallel_loop3A_644 : vector<16xi32>
        %parallel_loop3A_646 = arith.constant 1 : i32
        %parallel_loop3A_647 = arith.constant 0 : i32
        %parallel_loop3A_648 = arith.constant 0 : i32
        %parallel_loop3A_649 = tpu.memref_slice %arg6[%parallel_loop3A_646, %parallel_loop3A_647, %parallel_loop3A_648] : memref<2x128x128xf32, #tpu.memory_space<vmem>> -> memref<1x128x128xf32, #tpu.memory_space<vmem>>
        %parallel_loop3A_650 = tpu.memref_squeeze %parallel_loop3A_649 : memref<1x128x128xf32, #tpu.memory_space<vmem>> -> memref<128x128xf32, #tpu.memory_space<vmem>>
        %parallel_loop3A_651 = tpu.vector_load_idx %parallel_loop3A_650[%parallel_loop3A_642, %parallel_loop3A_645] : memref<128x128xf32, #tpu.memory_space<vmem>>[vector<16xi32>, vector<16xi32>], vector<16xf32>,
        %parallel_loop3A_652 = arith.constant 0 : i32
        %parallel_loop3A_653 = vector.broadcast %parallel_loop3A_652 : i32 to vector<16xi32>
        %parallel_loop3A_654 = arith.addi %parallel_loop3A_201, %parallel_loop3A_653 : vector<16xi32>
        %parallel_loop3A_655 = arith.constant 8.000000e+00 : f32
        %parallel_loop3A_656 = vector.broadcast %parallel_loop3A_655 : f32 to vector<16xf32>
        %parallel_loop3A_657 = arith.mulf %parallel_loop3A_651, %parallel_loop3A_656 : vector<16xf32>
        %parallel_loop3A_658 = arith.constant 1 : i32
        %parallel_loop3A_659 = arith.constant 0 : i32
        %parallel_loop3A_660 = arith.constant 0 : i32
        %parallel_loop3A_661 = arith.constant 0 : i32
        %parallel_loop3A_662 = tpu.memref_slice %arg7[%parallel_loop3A_658, %parallel_loop3A_659, %parallel_loop3A_660, %parallel_loop3A_661] : memref<2x8x8x128xf32, #tpu.memory_space<vmem>> -> memref<1x8x8x128xf32, #tpu.memory_space<vmem>>
        %parallel_loop3A_663 = tpu.memref_squeeze %parallel_loop3A_662 : memref<1x8x8x128xf32, #tpu.memory_space<vmem>> -> memref<8x8x128xf32, #tpu.memory_space<vmem>>
        tpu.vector_store_idx %parallel_loop3A_663[%parallel_loop3A_654, %parallel_loop3A_204, %parallel_loop3A_642], %parallel_loop3A_657 : memref<8x8x128xf32, #tpu.memory_space<vmem>>[vector<16xi32>, vector<16xi32>, vector<16xi32>], vector<16xf32>,
        %parallel_loop3A_664 = arith.constant 16 : i32
        %parallel_loop3A_665 = vector.broadcast %parallel_loop3A_664 : i32 to vector<16xi32>
        %parallel_loop3A_666 = arith.addi %parallel_loop3A_198, %parallel_loop3A_665 : vector<16xi32>
        %parallel_loop3A_667 = arith.constant 1 : i32
        %parallel_loop3A_668 = arith.constant 0 : i32
        %parallel_loop3A_669 = arith.constant 0 : i32
        %parallel_loop3A_670 = tpu.memref_slice %arg6[%parallel_loop3A_667, %parallel_loop3A_668, %parallel_loop3A_669] : memref<2x128x128xf32, #tpu.memory_space<vmem>> -> memref<1x128x128xf32, #tpu.memory_space<vmem>>
        %parallel_loop3A_671 = tpu.memref_squeeze %parallel_loop3A_670 : memref<1x128x128xf32, #tpu.memory_space<vmem>> -> memref<128x128xf32, #tpu.memory_space<vmem>>
        %parallel_loop3A_672 = tpu.vector_load_idx %parallel_loop3A_671[%parallel_loop3A_642, %parallel_loop3A_666] : memref<128x128xf32, #tpu.memory_space<vmem>>[vector<16xi32>, vector<16xi32>], vector<16xf32>,
        %parallel_loop3A_673 = arith.constant 2 : i32
        %parallel_loop3A_674 = vector.broadcast %parallel_loop3A_673 : i32 to vector<16xi32>
        %parallel_loop3A_675 = arith.addi %parallel_loop3A_201, %parallel_loop3A_674 : vector<16xi32>
        %parallel_loop3A_676 = arith.constant 8.000000e+00 : f32
        %parallel_loop3A_677 = vector.broadcast %parallel_loop3A_676 : f32 to vector<16xf32>
        %parallel_loop3A_678 = arith.mulf %parallel_loop3A_672, %parallel_loop3A_677 : vector<16xf32>
        %parallel_loop3A_679 = arith.constant 1 : i32
        %parallel_loop3A_680 = arith.constant 0 : i32
        %parallel_loop3A_681 = arith.constant 0 : i32
        %parallel_loop3A_682 = arith.constant 0 : i32
        %parallel_loop3A_683 = tpu.memref_slice %arg7[%parallel_loop3A_679, %parallel_loop3A_680, %parallel_loop3A_681, %parallel_loop3A_682] : memref<2x8x8x128xf32, #tpu.memory_space<vmem>> -> memref<1x8x8x128xf32, #tpu.memory_space<vmem>>
        %parallel_loop3A_684 = tpu.memref_squeeze %parallel_loop3A_683 : memref<1x8x8x128xf32, #tpu.memory_space<vmem>> -> memref<8x8x128xf32, #tpu.memory_space<vmem>>
        tpu.vector_store_idx %parallel_loop3A_684[%parallel_loop3A_675, %parallel_loop3A_204, %parallel_loop3A_642], %parallel_loop3A_678 : memref<8x8x128xf32, #tpu.memory_space<vmem>>[vector<16xi32>, vector<16xi32>, vector<16xi32>], vector<16xf32>,
        %parallel_loop3A_685 = arith.constant 32 : i32
        %parallel_loop3A_686 = vector.broadcast %parallel_loop3A_685 : i32 to vector<16xi32>
        %parallel_loop3A_687 = arith.addi %parallel_loop3A_198, %parallel_loop3A_686 : vector<16xi32>
        %parallel_loop3A_688 = arith.constant 1 : i32
        %parallel_loop3A_689 = arith.constant 0 : i32
        %parallel_loop3A_690 = arith.constant 0 : i32
        %parallel_loop3A_691 = tpu.memref_slice %arg6[%parallel_loop3A_688, %parallel_loop3A_689, %parallel_loop3A_690] : memref<2x128x128xf32, #tpu.memory_space<vmem>> -> memref<1x128x128xf32, #tpu.memory_space<vmem>>
        %parallel_loop3A_692 = tpu.memref_squeeze %parallel_loop3A_691 : memref<1x128x128xf32, #tpu.memory_space<vmem>> -> memref<128x128xf32, #tpu.memory_space<vmem>>
        %parallel_loop3A_693 = tpu.vector_load_idx %parallel_loop3A_692[%parallel_loop3A_642, %parallel_loop3A_687] : memref<128x128xf32, #tpu.memory_space<vmem>>[vector<16xi32>, vector<16xi32>], vector<16xf32>,
        %parallel_loop3A_694 = arith.constant 4 : i32
        %parallel_loop3A_695 = vector.broadcast %parallel_loop3A_694 : i32 to vector<16xi32>
        %parallel_loop3A_696 = arith.addi %parallel_loop3A_201, %parallel_loop3A_695 : vector<16xi32>
        %parallel_loop3A_697 = arith.constant 8.000000e+00 : f32
        %parallel_loop3A_698 = vector.broadcast %parallel_loop3A_697 : f32 to vector<16xf32>
        %parallel_loop3A_699 = arith.mulf %parallel_loop3A_693, %parallel_loop3A_698 : vector<16xf32>
        %parallel_loop3A_700 = arith.constant 1 : i32
        %parallel_loop3A_701 = arith.constant 0 : i32
        %parallel_loop3A_702 = arith.constant 0 : i32
        %parallel_loop3A_703 = arith.constant 0 : i32
        %parallel_loop3A_704 = tpu.memref_slice %arg7[%parallel_loop3A_700, %parallel_loop3A_701, %parallel_loop3A_702, %parallel_loop3A_703] : memref<2x8x8x128xf32, #tpu.memory_space<vmem>> -> memref<1x8x8x128xf32, #tpu.memory_space<vmem>>
        %parallel_loop3A_705 = tpu.memref_squeeze %parallel_loop3A_704 : memref<1x8x8x128xf32, #tpu.memory_space<vmem>> -> memref<8x8x128xf32, #tpu.memory_space<vmem>>
        tpu.vector_store_idx %parallel_loop3A_705[%parallel_loop3A_696, %parallel_loop3A_204, %parallel_loop3A_642], %parallel_loop3A_699 : memref<8x8x128xf32, #tpu.memory_space<vmem>>[vector<16xi32>, vector<16xi32>, vector<16xi32>], vector<16xf32>,
        %parallel_loop3A_706 = arith.constant 48 : i32
        %parallel_loop3A_707 = vector.broadcast %parallel_loop3A_706 : i32 to vector<16xi32>
        %parallel_loop3A_708 = arith.addi %parallel_loop3A_198, %parallel_loop3A_707 : vector<16xi32>
        %parallel_loop3A_709 = arith.constant 1 : i32
        %parallel_loop3A_710 = arith.constant 0 : i32
        %parallel_loop3A_711 = arith.constant 0 : i32
        %parallel_loop3A_712 = tpu.memref_slice %arg6[%parallel_loop3A_709, %parallel_loop3A_710, %parallel_loop3A_711] : memref<2x128x128xf32, #tpu.memory_space<vmem>> -> memref<1x128x128xf32, #tpu.memory_space<vmem>>
        %parallel_loop3A_713 = tpu.memref_squeeze %parallel_loop3A_712 : memref<1x128x128xf32, #tpu.memory_space<vmem>> -> memref<128x128xf32, #tpu.memory_space<vmem>>
        %parallel_loop3A_714 = tpu.vector_load_idx %parallel_loop3A_713[%parallel_loop3A_642, %parallel_loop3A_708] : memref<128x128xf32, #tpu.memory_space<vmem>>[vector<16xi32>, vector<16xi32>], vector<16xf32>,
        %parallel_loop3A_715 = arith.constant 6 : i32
        %parallel_loop3A_716 = vector.broadcast %parallel_loop3A_715 : i32 to vector<16xi32>
        %parallel_loop3A_717 = arith.addi %parallel_loop3A_201, %parallel_loop3A_716 : vector<16xi32>
        %parallel_loop3A_718 = arith.constant 8.000000e+00 : f32
        %parallel_loop3A_719 = vector.broadcast %parallel_loop3A_718 : f32 to vector<16xf32>
        %parallel_loop3A_720 = arith.mulf %parallel_loop3A_714, %parallel_loop3A_719 : vector<16xf32>
        %parallel_loop3A_721 = arith.constant 1 : i32
        %parallel_loop3A_722 = arith.constant 0 : i32
        %parallel_loop3A_723 = arith.constant 0 : i32
        %parallel_loop3A_724 = arith.constant 0 : i32
        %parallel_loop3A_725 = tpu.memref_slice %arg7[%parallel_loop3A_721, %parallel_loop3A_722, %parallel_loop3A_723, %parallel_loop3A_724] : memref<2x8x8x128xf32, #tpu.memory_space<vmem>> -> memref<1x8x8x128xf32, #tpu.memory_space<vmem>>
        %parallel_loop3A_726 = tpu.memref_squeeze %parallel_loop3A_725 : memref<1x8x8x128xf32, #tpu.memory_space<vmem>> -> memref<8x8x128xf32, #tpu.memory_space<vmem>>
        tpu.vector_store_idx %parallel_loop3A_726[%parallel_loop3A_717, %parallel_loop3A_204, %parallel_loop3A_642], %parallel_loop3A_720 : memref<8x8x128xf32, #tpu.memory_space<vmem>>[vector<16xi32>, vector<16xi32>, vector<16xi32>], vector<16xf32>,
        %parallel_loop3A_727 = arith.constant 96 : i32
        %parallel_loop3A_728 = vector.broadcast %parallel_loop3A_727 : i32 to vector<16xi32>
        %parallel_loop3A_729 = arith.addi %iota3A, %parallel_loop3A_728 : vector<16xi32>
        %parallel_loop3A_730 = arith.constant 0 : i32
        %parallel_loop3A_731 = vector.broadcast %parallel_loop3A_730 : i32 to vector<16xi32>
        %parallel_loop3A_732 = arith.addi %parallel_loop3A_198, %parallel_loop3A_731 : vector<16xi32>
        %parallel_loop3A_733 = arith.constant 1 : i32
        %parallel_loop3A_734 = arith.constant 0 : i32
        %parallel_loop3A_735 = arith.constant 0 : i32
        %parallel_loop3A_736 = tpu.memref_slice %arg6[%parallel_loop3A_733, %parallel_loop3A_734, %parallel_loop3A_735] : memref<2x128x128xf32, #tpu.memory_space<vmem>> -> memref<1x128x128xf32, #tpu.memory_space<vmem>>
        %parallel_loop3A_737 = tpu.memref_squeeze %parallel_loop3A_736 : memref<1x128x128xf32, #tpu.memory_space<vmem>> -> memref<128x128xf32, #tpu.memory_space<vmem>>
        %parallel_loop3A_738 = tpu.vector_load_idx %parallel_loop3A_737[%parallel_loop3A_729, %parallel_loop3A_732] : memref<128x128xf32, #tpu.memory_space<vmem>>[vector<16xi32>, vector<16xi32>], vector<16xf32>,
        %parallel_loop3A_739 = arith.constant 0 : i32
        %parallel_loop3A_740 = vector.broadcast %parallel_loop3A_739 : i32 to vector<16xi32>
        %parallel_loop3A_741 = arith.addi %parallel_loop3A_201, %parallel_loop3A_740 : vector<16xi32>
        %parallel_loop3A_742 = arith.constant 8.000000e+00 : f32
        %parallel_loop3A_743 = vector.broadcast %parallel_loop3A_742 : f32 to vector<16xf32>
        %parallel_loop3A_744 = arith.mulf %parallel_loop3A_738, %parallel_loop3A_743 : vector<16xf32>
        %parallel_loop3A_745 = arith.constant 1 : i32
        %parallel_loop3A_746 = arith.constant 0 : i32
        %parallel_loop3A_747 = arith.constant 0 : i32
        %parallel_loop3A_748 = arith.constant 0 : i32
        %parallel_loop3A_749 = tpu.memref_slice %arg7[%parallel_loop3A_745, %parallel_loop3A_746, %parallel_loop3A_747, %parallel_loop3A_748] : memref<2x8x8x128xf32, #tpu.memory_space<vmem>> -> memref<1x8x8x128xf32, #tpu.memory_space<vmem>>
        %parallel_loop3A_750 = tpu.memref_squeeze %parallel_loop3A_749 : memref<1x8x8x128xf32, #tpu.memory_space<vmem>> -> memref<8x8x128xf32, #tpu.memory_space<vmem>>
        tpu.vector_store_idx %parallel_loop3A_750[%parallel_loop3A_741, %parallel_loop3A_204, %parallel_loop3A_729], %parallel_loop3A_744 : memref<8x8x128xf32, #tpu.memory_space<vmem>>[vector<16xi32>, vector<16xi32>, vector<16xi32>], vector<16xf32>,
        %parallel_loop3A_751 = arith.constant 16 : i32
        %parallel_loop3A_752 = vector.broadcast %parallel_loop3A_751 : i32 to vector<16xi32>
        %parallel_loop3A_753 = arith.addi %parallel_loop3A_198, %parallel_loop3A_752 : vector<16xi32>
        %parallel_loop3A_754 = arith.constant 1 : i32
        %parallel_loop3A_755 = arith.constant 0 : i32
        %parallel_loop3A_756 = arith.constant 0 : i32
        %parallel_loop3A_757 = tpu.memref_slice %arg6[%parallel_loop3A_754, %parallel_loop3A_755, %parallel_loop3A_756] : memref<2x128x128xf32, #tpu.memory_space<vmem>> -> memref<1x128x128xf32, #tpu.memory_space<vmem>>
        %parallel_loop3A_758 = tpu.memref_squeeze %parallel_loop3A_757 : memref<1x128x128xf32, #tpu.memory_space<vmem>> -> memref<128x128xf32, #tpu.memory_space<vmem>>
        %parallel_loop3A_759 = tpu.vector_load_idx %parallel_loop3A_758[%parallel_loop3A_729, %parallel_loop3A_753] : memref<128x128xf32, #tpu.memory_space<vmem>>[vector<16xi32>, vector<16xi32>], vector<16xf32>,
        %parallel_loop3A_760 = arith.constant 2 : i32
        %parallel_loop3A_761 = vector.broadcast %parallel_loop3A_760 : i32 to vector<16xi32>
        %parallel_loop3A_762 = arith.addi %parallel_loop3A_201, %parallel_loop3A_761 : vector<16xi32>
        %parallel_loop3A_763 = arith.constant 8.000000e+00 : f32
        %parallel_loop3A_764 = vector.broadcast %parallel_loop3A_763 : f32 to vector<16xf32>
        %parallel_loop3A_765 = arith.mulf %parallel_loop3A_759, %parallel_loop3A_764 : vector<16xf32>
        %parallel_loop3A_766 = arith.constant 1 : i32
        %parallel_loop3A_767 = arith.constant 0 : i32
        %parallel_loop3A_768 = arith.constant 0 : i32
        %parallel_loop3A_769 = arith.constant 0 : i32
        %parallel_loop3A_770 = tpu.memref_slice %arg7[%parallel_loop3A_766, %parallel_loop3A_767, %parallel_loop3A_768, %parallel_loop3A_769] : memref<2x8x8x128xf32, #tpu.memory_space<vmem>> -> memref<1x8x8x128xf32, #tpu.memory_space<vmem>>
        %parallel_loop3A_771 = tpu.memref_squeeze %parallel_loop3A_770 : memref<1x8x8x128xf32, #tpu.memory_space<vmem>> -> memref<8x8x128xf32, #tpu.memory_space<vmem>>
        tpu.vector_store_idx %parallel_loop3A_771[%parallel_loop3A_762, %parallel_loop3A_204, %parallel_loop3A_729], %parallel_loop3A_765 : memref<8x8x128xf32, #tpu.memory_space<vmem>>[vector<16xi32>, vector<16xi32>, vector<16xi32>], vector<16xf32>,
        %parallel_loop3A_772 = arith.constant 32 : i32
        %parallel_loop3A_773 = vector.broadcast %parallel_loop3A_772 : i32 to vector<16xi32>
        %parallel_loop3A_774 = arith.addi %parallel_loop3A_198, %parallel_loop3A_773 : vector<16xi32>
        %parallel_loop3A_775 = arith.constant 1 : i32
        %parallel_loop3A_776 = arith.constant 0 : i32
        %parallel_loop3A_777 = arith.constant 0 : i32
        %parallel_loop3A_778 = tpu.memref_slice %arg6[%parallel_loop3A_775, %parallel_loop3A_776, %parallel_loop3A_777] : memref<2x128x128xf32, #tpu.memory_space<vmem>> -> memref<1x128x128xf32, #tpu.memory_space<vmem>>
        %parallel_loop3A_779 = tpu.memref_squeeze %parallel_loop3A_778 : memref<1x128x128xf32, #tpu.memory_space<vmem>> -> memref<128x128xf32, #tpu.memory_space<vmem>>
        %parallel_loop3A_780 = tpu.vector_load_idx %parallel_loop3A_779[%parallel_loop3A_729, %parallel_loop3A_774] : memref<128x128xf32, #tpu.memory_space<vmem>>[vector<16xi32>, vector<16xi32>], vector<16xf32>,
        %parallel_loop3A_781 = arith.constant 4 : i32
        %parallel_loop3A_782 = vector.broadcast %parallel_loop3A_781 : i32 to vector<16xi32>
        %parallel_loop3A_783 = arith.addi %parallel_loop3A_201, %parallel_loop3A_782 : vector<16xi32>
        %parallel_loop3A_784 = arith.constant 8.000000e+00 : f32
        %parallel_loop3A_785 = vector.broadcast %parallel_loop3A_784 : f32 to vector<16xf32>
        %parallel_loop3A_786 = arith.mulf %parallel_loop3A_780, %parallel_loop3A_785 : vector<16xf32>
        %parallel_loop3A_787 = arith.constant 1 : i32
        %parallel_loop3A_788 = arith.constant 0 : i32
        %parallel_loop3A_789 = arith.constant 0 : i32
        %parallel_loop3A_790 = arith.constant 0 : i32
        %parallel_loop3A_791 = tpu.memref_slice %arg7[%parallel_loop3A_787, %parallel_loop3A_788, %parallel_loop3A_789, %parallel_loop3A_790] : memref<2x8x8x128xf32, #tpu.memory_space<vmem>> -> memref<1x8x8x128xf32, #tpu.memory_space<vmem>>
        %parallel_loop3A_792 = tpu.memref_squeeze %parallel_loop3A_791 : memref<1x8x8x128xf32, #tpu.memory_space<vmem>> -> memref<8x8x128xf32, #tpu.memory_space<vmem>>
        tpu.vector_store_idx %parallel_loop3A_792[%parallel_loop3A_783, %parallel_loop3A_204, %parallel_loop3A_729], %parallel_loop3A_786 : memref<8x8x128xf32, #tpu.memory_space<vmem>>[vector<16xi32>, vector<16xi32>, vector<16xi32>], vector<16xf32>,
        %parallel_loop3A_793 = arith.constant 48 : i32
        %parallel_loop3A_794 = vector.broadcast %parallel_loop3A_793 : i32 to vector<16xi32>
        %parallel_loop3A_795 = arith.addi %parallel_loop3A_198, %parallel_loop3A_794 : vector<16xi32>
        %parallel_loop3A_796 = arith.constant 1 : i32
        %parallel_loop3A_797 = arith.constant 0 : i32
        %parallel_loop3A_798 = arith.constant 0 : i32
        %parallel_loop3A_799 = tpu.memref_slice %arg6[%parallel_loop3A_796, %parallel_loop3A_797, %parallel_loop3A_798] : memref<2x128x128xf32, #tpu.memory_space<vmem>> -> memref<1x128x128xf32, #tpu.memory_space<vmem>>
        %parallel_loop3A_800 = tpu.memref_squeeze %parallel_loop3A_799 : memref<1x128x128xf32, #tpu.memory_space<vmem>> -> memref<128x128xf32, #tpu.memory_space<vmem>>
        %parallel_loop3A_801 = tpu.vector_load_idx %parallel_loop3A_800[%parallel_loop3A_729, %parallel_loop3A_795] : memref<128x128xf32, #tpu.memory_space<vmem>>[vector<16xi32>, vector<16xi32>], vector<16xf32>,
        %parallel_loop3A_802 = arith.constant 6 : i32
        %parallel_loop3A_803 = vector.broadcast %parallel_loop3A_802 : i32 to vector<16xi32>
        %parallel_loop3A_804 = arith.addi %parallel_loop3A_201, %parallel_loop3A_803 : vector<16xi32>
        %parallel_loop3A_805 = arith.constant 8.000000e+00 : f32
        %parallel_loop3A_806 = vector.broadcast %parallel_loop3A_805 : f32 to vector<16xf32>
        %parallel_loop3A_807 = arith.mulf %parallel_loop3A_801, %parallel_loop3A_806 : vector<16xf32>
        %parallel_loop3A_808 = arith.constant 1 : i32
        %parallel_loop3A_809 = arith.constant 0 : i32
        %parallel_loop3A_810 = arith.constant 0 : i32
        %parallel_loop3A_811 = arith.constant 0 : i32
        %parallel_loop3A_812 = tpu.memref_slice %arg7[%parallel_loop3A_808, %parallel_loop3A_809, %parallel_loop3A_810, %parallel_loop3A_811] : memref<2x8x8x128xf32, #tpu.memory_space<vmem>> -> memref<1x8x8x128xf32, #tpu.memory_space<vmem>>
        %parallel_loop3A_813 = tpu.memref_squeeze %parallel_loop3A_812 : memref<1x8x8x128xf32, #tpu.memory_space<vmem>> -> memref<8x8x128xf32, #tpu.memory_space<vmem>>
        tpu.vector_store_idx %parallel_loop3A_813[%parallel_loop3A_804, %parallel_loop3A_204, %parallel_loop3A_729], %parallel_loop3A_807 : memref<8x8x128xf32, #tpu.memory_space<vmem>>[vector<16xi32>, vector<16xi32>, vector<16xi32>], vector<16xf32>,
        %parallel_loop3A_814 = arith.constant 112 : i32
        %parallel_loop3A_815 = vector.broadcast %parallel_loop3A_814 : i32 to vector<16xi32>
        %parallel_loop3A_816 = arith.addi %iota3A, %parallel_loop3A_815 : vector<16xi32>
        %parallel_loop3A_817 = arith.constant 0 : i32
        %parallel_loop3A_818 = vector.broadcast %parallel_loop3A_817 : i32 to vector<16xi32>
        %parallel_loop3A_819 = arith.addi %parallel_loop3A_198, %parallel_loop3A_818 : vector<16xi32>
        %parallel_loop3A_820 = arith.constant 1 : i32
        %parallel_loop3A_821 = arith.constant 0 : i32
        %parallel_loop3A_822 = arith.constant 0 : i32
        %parallel_loop3A_823 = tpu.memref_slice %arg6[%parallel_loop3A_820, %parallel_loop3A_821, %parallel_loop3A_822] : memref<2x128x128xf32, #tpu.memory_space<vmem>> -> memref<1x128x128xf32, #tpu.memory_space<vmem>>
        %parallel_loop3A_824 = tpu.memref_squeeze %parallel_loop3A_823 : memref<1x128x128xf32, #tpu.memory_space<vmem>> -> memref<128x128xf32, #tpu.memory_space<vmem>>
        %parallel_loop3A_825 = tpu.vector_load_idx %parallel_loop3A_824[%parallel_loop3A_816, %parallel_loop3A_819] : memref<128x128xf32, #tpu.memory_space<vmem>>[vector<16xi32>, vector<16xi32>], vector<16xf32>,
        %parallel_loop3A_826 = arith.constant 0 : i32
        %parallel_loop3A_827 = vector.broadcast %parallel_loop3A_826 : i32 to vector<16xi32>
        %parallel_loop3A_828 = arith.addi %parallel_loop3A_201, %parallel_loop3A_827 : vector<16xi32>
        %parallel_loop3A_829 = arith.constant 8.000000e+00 : f32
        %parallel_loop3A_830 = vector.broadcast %parallel_loop3A_829 : f32 to vector<16xf32>
        %parallel_loop3A_831 = arith.mulf %parallel_loop3A_825, %parallel_loop3A_830 : vector<16xf32>
        %parallel_loop3A_832 = arith.constant 1 : i32
        %parallel_loop3A_833 = arith.constant 0 : i32
        %parallel_loop3A_834 = arith.constant 0 : i32
        %parallel_loop3A_835 = arith.constant 0 : i32
        %parallel_loop3A_836 = tpu.memref_slice %arg7[%parallel_loop3A_832, %parallel_loop3A_833, %parallel_loop3A_834, %parallel_loop3A_835] : memref<2x8x8x128xf32, #tpu.memory_space<vmem>> -> memref<1x8x8x128xf32, #tpu.memory_space<vmem>>
        %parallel_loop3A_837 = tpu.memref_squeeze %parallel_loop3A_836 : memref<1x8x8x128xf32, #tpu.memory_space<vmem>> -> memref<8x8x128xf32, #tpu.memory_space<vmem>>
        tpu.vector_store_idx %parallel_loop3A_837[%parallel_loop3A_828, %parallel_loop3A_204, %parallel_loop3A_816], %parallel_loop3A_831 : memref<8x8x128xf32, #tpu.memory_space<vmem>>[vector<16xi32>, vector<16xi32>, vector<16xi32>], vector<16xf32>,
        %parallel_loop3A_838 = arith.constant 16 : i32
        %parallel_loop3A_839 = vector.broadcast %parallel_loop3A_838 : i32 to vector<16xi32>
        %parallel_loop3A_840 = arith.addi %parallel_loop3A_198, %parallel_loop3A_839 : vector<16xi32>
        %parallel_loop3A_841 = arith.constant 1 : i32
        %parallel_loop3A_842 = arith.constant 0 : i32
        %parallel_loop3A_843 = arith.constant 0 : i32
        %parallel_loop3A_844 = tpu.memref_slice %arg6[%parallel_loop3A_841, %parallel_loop3A_842, %parallel_loop3A_843] : memref<2x128x128xf32, #tpu.memory_space<vmem>> -> memref<1x128x128xf32, #tpu.memory_space<vmem>>
        %parallel_loop3A_845 = tpu.memref_squeeze %parallel_loop3A_844 : memref<1x128x128xf32, #tpu.memory_space<vmem>> -> memref<128x128xf32, #tpu.memory_space<vmem>>
        %parallel_loop3A_846 = tpu.vector_load_idx %parallel_loop3A_845[%parallel_loop3A_816, %parallel_loop3A_840] : memref<128x128xf32, #tpu.memory_space<vmem>>[vector<16xi32>, vector<16xi32>], vector<16xf32>,
        %parallel_loop3A_847 = arith.constant 2 : i32
        %parallel_loop3A_848 = vector.broadcast %parallel_loop3A_847 : i32 to vector<16xi32>
        %parallel_loop3A_849 = arith.addi %parallel_loop3A_201, %parallel_loop3A_848 : vector<16xi32>
        %parallel_loop3A_850 = arith.constant 8.000000e+00 : f32
        %parallel_loop3A_851 = vector.broadcast %parallel_loop3A_850 : f32 to vector<16xf32>
        %parallel_loop3A_852 = arith.mulf %parallel_loop3A_846, %parallel_loop3A_851 : vector<16xf32>
        %parallel_loop3A_853 = arith.constant 1 : i32
        %parallel_loop3A_854 = arith.constant 0 : i32
        %parallel_loop3A_855 = arith.constant 0 : i32
        %parallel_loop3A_856 = arith.constant 0 : i32
        %parallel_loop3A_857 = tpu.memref_slice %arg7[%parallel_loop3A_853, %parallel_loop3A_854, %parallel_loop3A_855, %parallel_loop3A_856] : memref<2x8x8x128xf32, #tpu.memory_space<vmem>> -> memref<1x8x8x128xf32, #tpu.memory_space<vmem>>
        %parallel_loop3A_858 = tpu.memref_squeeze %parallel_loop3A_857 : memref<1x8x8x128xf32, #tpu.memory_space<vmem>> -> memref<8x8x128xf32, #tpu.memory_space<vmem>>
        tpu.vector_store_idx %parallel_loop3A_858[%parallel_loop3A_849, %parallel_loop3A_204, %parallel_loop3A_816], %parallel_loop3A_852 : memref<8x8x128xf32, #tpu.memory_space<vmem>>[vector<16xi32>, vector<16xi32>, vector<16xi32>], vector<16xf32>,
        %parallel_loop3A_859 = arith.constant 32 : i32
        %parallel_loop3A_860 = vector.broadcast %parallel_loop3A_859 : i32 to vector<16xi32>
        %parallel_loop3A_861 = arith.addi %parallel_loop3A_198, %parallel_loop3A_860 : vector<16xi32>
        %parallel_loop3A_862 = arith.constant 1 : i32
        %parallel_loop3A_863 = arith.constant 0 : i32
        %parallel_loop3A_864 = arith.constant 0 : i32
        %parallel_loop3A_865 = tpu.memref_slice %arg6[%parallel_loop3A_862, %parallel_loop3A_863, %parallel_loop3A_864] : memref<2x128x128xf32, #tpu.memory_space<vmem>> -> memref<1x128x128xf32, #tpu.memory_space<vmem>>
        %parallel_loop3A_866 = tpu.memref_squeeze %parallel_loop3A_865 : memref<1x128x128xf32, #tpu.memory_space<vmem>> -> memref<128x128xf32, #tpu.memory_space<vmem>>
        %parallel_loop3A_867 = tpu.vector_load_idx %parallel_loop3A_866[%parallel_loop3A_816, %parallel_loop3A_861] : memref<128x128xf32, #tpu.memory_space<vmem>>[vector<16xi32>, vector<16xi32>], vector<16xf32>,
        %parallel_loop3A_868 = arith.constant 4 : i32
        %parallel_loop3A_869 = vector.broadcast %parallel_loop3A_868 : i32 to vector<16xi32>
        %parallel_loop3A_870 = arith.addi %parallel_loop3A_201, %parallel_loop3A_869 : vector<16xi32>
        %parallel_loop3A_871 = arith.constant 8.000000e+00 : f32
        %parallel_loop3A_872 = vector.broadcast %parallel_loop3A_871 : f32 to vector<16xf32>
        %parallel_loop3A_873 = arith.mulf %parallel_loop3A_867, %parallel_loop3A_872 : vector<16xf32>
        %parallel_loop3A_874 = arith.constant 1 : i32
        %parallel_loop3A_875 = arith.constant 0 : i32
        %parallel_loop3A_876 = arith.constant 0 : i32
        %parallel_loop3A_877 = arith.constant 0 : i32
        %parallel_loop3A_878 = tpu.memref_slice %arg7[%parallel_loop3A_874, %parallel_loop3A_875, %parallel_loop3A_876, %parallel_loop3A_877] : memref<2x8x8x128xf32, #tpu.memory_space<vmem>> -> memref<1x8x8x128xf32, #tpu.memory_space<vmem>>
        %parallel_loop3A_879 = tpu.memref_squeeze %parallel_loop3A_878 : memref<1x8x8x128xf32, #tpu.memory_space<vmem>> -> memref<8x8x128xf32, #tpu.memory_space<vmem>>
        tpu.vector_store_idx %parallel_loop3A_879[%parallel_loop3A_870, %parallel_loop3A_204, %parallel_loop3A_816], %parallel_loop3A_873 : memref<8x8x128xf32, #tpu.memory_space<vmem>>[vector<16xi32>, vector<16xi32>, vector<16xi32>], vector<16xf32>,
        %parallel_loop3A_880 = arith.constant 48 : i32
        %parallel_loop3A_881 = vector.broadcast %parallel_loop3A_880 : i32 to vector<16xi32>
        %parallel_loop3A_882 = arith.addi %parallel_loop3A_198, %parallel_loop3A_881 : vector<16xi32>
        %parallel_loop3A_883 = arith.constant 1 : i32
        %parallel_loop3A_884 = arith.constant 0 : i32
        %parallel_loop3A_885 = arith.constant 0 : i32
        %parallel_loop3A_886 = tpu.memref_slice %arg6[%parallel_loop3A_883, %parallel_loop3A_884, %parallel_loop3A_885] : memref<2x128x128xf32, #tpu.memory_space<vmem>> -> memref<1x128x128xf32, #tpu.memory_space<vmem>>
        %parallel_loop3A_887 = tpu.memref_squeeze %parallel_loop3A_886 : memref<1x128x128xf32, #tpu.memory_space<vmem>> -> memref<128x128xf32, #tpu.memory_space<vmem>>
        %parallel_loop3A_888 = tpu.vector_load_idx %parallel_loop3A_887[%parallel_loop3A_816, %parallel_loop3A_882] : memref<128x128xf32, #tpu.memory_space<vmem>>[vector<16xi32>, vector<16xi32>], vector<16xf32>,
        %parallel_loop3A_889 = arith.constant 6 : i32
        %parallel_loop3A_890 = vector.broadcast %parallel_loop3A_889 : i32 to vector<16xi32>
        %parallel_loop3A_891 = arith.addi %parallel_loop3A_201, %parallel_loop3A_890 : vector<16xi32>
        %parallel_loop3A_892 = arith.constant 8.000000e+00 : f32
        %parallel_loop3A_893 = vector.broadcast %parallel_loop3A_892 : f32 to vector<16xf32>
        %parallel_loop3A_894 = arith.mulf %parallel_loop3A_888, %parallel_loop3A_893 : vector<16xf32>
        %parallel_loop3A_895 = arith.constant 1 : i32
        %parallel_loop3A_896 = arith.constant 0 : i32
        %parallel_loop3A_897 = arith.constant 0 : i32
        %parallel_loop3A_898 = arith.constant 0 : i32
        %parallel_loop3A_899 = tpu.memref_slice %arg7[%parallel_loop3A_895, %parallel_loop3A_896, %parallel_loop3A_897, %parallel_loop3A_898] : memref<2x8x8x128xf32, #tpu.memory_space<vmem>> -> memref<1x8x8x128xf32, #tpu.memory_space<vmem>>
        %parallel_loop3A_900 = tpu.memref_squeeze %parallel_loop3A_899 : memref<1x8x8x128xf32, #tpu.memory_space<vmem>> -> memref<8x8x128xf32, #tpu.memory_space<vmem>>
        tpu.vector_store_idx %parallel_loop3A_900[%parallel_loop3A_891, %parallel_loop3A_204, %parallel_loop3A_816], %parallel_loop3A_894 : memref<8x8x128xf32, #tpu.memory_space<vmem>>[vector<16xi32>, vector<16xi32>, vector<16xi32>], vector<16xf32>,
      } {sc.loop_unroll_factor = 1 : i64, sc.parallel_access}
      %rem3A_163 = arith.constant 50 : i32
      %rem3A_164 = arith.remsi %add3A_141, %rem3A_163 : i32
      %div3A_165 = arith.constant 50 : i32
      %div3A_166 = arith.divsi %add3A_141, %div3A_165 : i32
      %add3A_167 = arith.addi %mul3A_2, %div3A_166 : i32
      %dma_start3A_168 = arith.constant 1 : i32
      %dma_start3A_169 = arith.constant 0 : i32
      %dma_start3A_170 = arith.constant 0 : i32
      %dma_start3A_171 = arith.constant 0 : i32
      %dma_start3A_172 = tpu.memref_slice %arg7[%dma_start3A_168, %dma_start3A_169, %dma_start3A_170, %dma_start3A_171] : memref<2x8x8x128xf32, #tpu.memory_space<vmem>> -> memref<1x8x8x128xf32, #tpu.memory_space<vmem>>
      %dma_start3A_173 = tpu.memref_squeeze %dma_start3A_172 : memref<1x8x8x128xf32, #tpu.memory_space<vmem>> -> memref<8x8x128xf32, #tpu.memory_space<vmem>>
      %dma_start3A_174 = arith.constant 0 : i32
      %dma_start3A_175 = arith.constant 0 : i32
      %dma_start3A_176 = arith.constant 0 : i32
      %dma_start3A_177 = tpu.memref_slice %arg4[%rem3A_164, %dma_start3A_174, %add3A_167, %dma_start3A_175, %dma_start3A_176] : memref<50x8x128x8x128xf32, #tpu.memory_space<hbm>> -> memref<1x8x1x8x128xf32, #tpu.memory_space<hbm>>
      %dma_start3A_178 = tpu.memref_squeeze %dma_start3A_177 : memref<1x8x1x8x128xf32, #tpu.memory_space<hbm>> -> memref<8x8x128xf32, #tpu.memory_space<hbm>>
      %dma_start3A_179 = arith.constant 0 : i32
      %dma_start3A_180 = arith.constant 0 : i32
      %dma_start3A_181 = arith.constant 0 : i32
      %dma_start3A_182 = tpu.memref_slice %arg4[%rem3A_164, %dma_start3A_179, %add3A_167, %dma_start3A_180, %dma_start3A_181] : memref<50x8x128x8x128xf32, #tpu.memory_space<hbm>> -> memref<1x8x1x8x128xf32, #tpu.memory_space<hbm>>
      %dma_start3A_183 = tpu.memref_squeeze %dma_start3A_182 : memref<1x8x1x8x128xf32, #tpu.memory_space<hbm>> -> memref<8x8x128xf32, #tpu.memory_space<hbm>>
      %dma_start3A_184 = arith.constant 0 : i32
      %dma_start3A_185 = arith.constant 0 : i32
      %dma_start3A_186 = arith.constant 0 : i32
      %dma_start3A_187 = tpu.memref_slice %arg7[%dma_start3A_168, %dma_start3A_184, %dma_start3A_185, %dma_start3A_186] : memref<2x8x8x128xf32, #tpu.memory_space<vmem>> -> memref<1x8x8x128xf32, #tpu.memory_space<vmem>>
      %dma_start3A_188 = tpu.memref_squeeze %dma_start3A_187 : memref<1x8x8x128xf32, #tpu.memory_space<vmem>> -> memref<8x8x128xf32, #tpu.memory_space<vmem>>
      tpu.enqueue_dma source(%dma_start3A_188 : memref<8x8x128xf32, #tpu.memory_space<vmem>>) target(%dma_start3A_183 : memref<8x8x128xf32, #tpu.memory_space<hbm>>) target_semaphore(%arg9 : memref<!tpu.dma_semaphore, #tpu.memory_space<semaphore_mem>>)
      %add3A_189 = arith.constant 2 : i32
      %add3A_190 = arith.addi %add3A_141, %add3A_189 : i32
      %lt3A_191 = arith.constant 200 : i32
      %lt3A_192 = arith.cmpi slt, %add3A_190, %lt3A_191 : i32
      %convert_element_type3A_193 = arith.extui %lt3A_192 : i1 to i32
      %cond3A_194 = arith.constant 0 : i32
      %cond3A_195 = arith.cmpi ne, %convert_element_type3A_193, %cond3A_194 : i32
      scf.if %cond3A_195 {
        %add3A_196 = arith.constant 2 : i32
        %add3A_197 = arith.addi %add3A_141, %add3A_196 : i32
        %rem3A_198 = arith.constant 50 : i32
        %rem3A_199 = arith.remsi %add3A_197, %rem3A_198 : i32
        %div3A_200 = arith.constant 50 : i32
        %div3A_201 = arith.divsi %add3A_197, %div3A_200 : i32
        %dma_start3A_202 = arith.constant 1 : i32
        %dma_start3A_203 = arith.constant 0 : i32
        %dma_start3A_204 = arith.constant 0 : i32
        %dma_start3A_205 = tpu.memref_slice %arg6[%dma_start3A_202, %dma_start3A_203, %dma_start3A_204] : memref<2x128x128xf32, #tpu.memory_space<vmem>> -> memref<1x128x128xf32, #tpu.memory_space<vmem>>
        %dma_start3A_206 = tpu.memref_squeeze %dma_start3A_205 : memref<1x128x128xf32, #tpu.memory_space<vmem>> -> memref<128x128xf32, #tpu.memory_space<vmem>>
        %dma_start3A_207 = arith.constant 0 : i32
        %dma_start3A_208 = tpu.memref_slice %arg5[%rem3A_199, %div3A_201, %dma_start3A_207] : memref<50x4x128xi32, #tpu.memory_space<vmem>> -> memref<1x1x128xi32, #tpu.memory_space<vmem>>
        %dma_start3A_209 = tpu.memref_squeeze %dma_start3A_208 : memref<1x1x128xi32, #tpu.memory_space<vmem>> -> memref<128xi32, #tpu.memory_space<vmem>>
        %dma_start3A_210 = arith.constant 0 : i32
        %dma_start3A_211 = arith.constant 0 : i32
        %dma_start3A_212 = tpu.memref_slice %arg2[%dma_start3A_210, %dma_start3A_211] : memref<1000000x128xf32, #tpu.memory_space<hbm>> -> memref<1000000x128xf32, #tpu.memory_space<hbm>>
        tpu.enqueue_indirect_dma source(%dma_start3A_212 : memref<1000000x128xf32, #tpu.memory_space<hbm>>) target(%dma_start3A_206 : memref<128x128xf32, #tpu.memory_space<vmem>>) offsets(%dma_start3A_209 : memref<128xi32, #tpu.memory_space<vmem>>) semaphore(%arg8 : memref<!tpu.dma_semaphore, #tpu.memory_space<semaphore_mem>>)
      } else {
      }
    }
    %scan3A_38 = arith.constant 100 : i32
    %dma_wait3A = arith.constant 0 : i32
    %dma_wait3A_39 = arith.constant 0 : i32
    %dma_wait3A_40 = arith.constant 0 : i32
    %dma_wait3A_41 = arith.constant 0 : i32
    %dma_wait3A_42 = arith.constant 0 : i32
    %dma_wait3A_43 = arith.constant 0 : i32
    %dma_wait3A_44 = tpu.memref_slice %arg7[%dma_wait3A, %dma_wait3A_41, %dma_wait3A_42, %dma_wait3A_43] : memref<2x8x8x128xf32, #tpu.memory_space<vmem>> -> memref<1x8x8x128xf32, #tpu.memory_space<vmem>>
    %dma_wait3A_45 = tpu.memref_squeeze %dma_wait3A_44 : memref<1x8x8x128xf32, #tpu.memory_space<vmem>> -> memref<8x8x128xf32, #tpu.memory_space<vmem>>
    %dma_wait3A_46 = arith.constant 0 : i32
    %dma_wait3A_47 = arith.constant 0 : i32
    %dma_wait3A_48 = arith.constant 0 : i32
    %dma_wait3A_49 = tpu.memref_slice %arg4[%dma_wait3A_39, %dma_wait3A_46, %dma_wait3A_40, %dma_wait3A_47, %dma_wait3A_48] : memref<50x8x128x8x128xf32, #tpu.memory_space<hbm>> -> memref<1x8x1x8x128xf32, #tpu.memory_space<hbm>>
    %dma_wait3A_50 = tpu.memref_squeeze %dma_wait3A_49 : memref<1x8x1x8x128xf32, #tpu.memory_space<hbm>> -> memref<8x8x128xf32, #tpu.memory_space<hbm>>
    %dma_wait3A_51 = arith.constant 0 : i32
    %dma_wait3A_52 = arith.constant 0 : i32
    %dma_wait3A_53 = arith.constant 0 : i32
    %dma_wait3A_54 = tpu.memref_slice %arg4[%dma_wait3A_39, %dma_wait3A_51, %dma_wait3A_40, %dma_wait3A_52, %dma_wait3A_53] : memref<50x8x128x8x128xf32, #tpu.memory_space<hbm>> -> memref<1x8x1x8x128xf32, #tpu.memory_space<hbm>>
    %dma_wait3A_55 = tpu.memref_squeeze %dma_wait3A_54 : memref<1x8x1x8x128xf32, #tpu.memory_space<hbm>> -> memref<8x8x128xf32, #tpu.memory_space<hbm>>
    %dma_wait3A_56 = arith.constant 0 : i32
    %dma_wait3A_57 = arith.constant 0 : i32
    %dma_wait3A_58 = arith.constant 0 : i32
    %dma_wait3A_59 = tpu.memref_slice %arg7[%dma_wait3A, %dma_wait3A_56, %dma_wait3A_57, %dma_wait3A_58] : memref<2x8x8x128xf32, #tpu.memory_space<vmem>> -> memref<1x8x8x128xf32, #tpu.memory_space<vmem>>
    %dma_wait3A_60 = tpu.memref_squeeze %dma_wait3A_59 : memref<1x8x8x128xf32, #tpu.memory_space<vmem>> -> memref<8x8x128xf32, #tpu.memory_space<vmem>>
    tpu.wait_dma2 semaphore(%arg9 : memref<!tpu.dma_semaphore, #tpu.memory_space<semaphore_mem>>) src(%dma_wait3A_60 : memref<8x8x128xf32, #tpu.memory_space<vmem>>) dst(%dma_wait3A_55 : memref<8x8x128xf32, #tpu.memory_space<hbm>>)
    %dma_wait3A_61 = arith.constant 1 : i32
    %dma_wait3A_62 = arith.constant 0 : i32
    %dma_wait3A_63 = arith.constant 0 : i32
    %dma_wait3A_64 = arith.constant 0 : i32
    %dma_wait3A_65 = arith.constant 0 : i32
    %dma_wait3A_66 = arith.constant 0 : i32
    %dma_wait3A_67 = tpu.memref_slice %arg7[%dma_wait3A_61, %dma_wait3A_64, %dma_wait3A_65, %dma_wait3A_66] : memref<2x8x8x128xf32, #tpu.memory_space<vmem>> -> memref<1x8x8x128xf32, #tpu.memory_space<vmem>>
    %dma_wait3A_68 = tpu.memref_squeeze %dma_wait3A_67 : memref<1x8x8x128xf32, #tpu.memory_space<vmem>> -> memref<8x8x128xf32, #tpu.memory_space<vmem>>
    %dma_wait3A_69 = arith.constant 0 : i32
    %dma_wait3A_70 = arith.constant 0 : i32
    %dma_wait3A_71 = arith.constant 0 : i32
    %dma_wait3A_72 = tpu.memref_slice %arg4[%dma_wait3A_62, %dma_wait3A_69, %dma_wait3A_63, %dma_wait3A_70, %dma_wait3A_71] : memref<50x8x128x8x128xf32, #tpu.memory_space<hbm>> -> memref<1x8x1x8x128xf32, #tpu.memory_space<hbm>>
    %dma_wait3A_73 = tpu.memref_squeeze %dma_wait3A_72 : memref<1x8x1x8x128xf32, #tpu.memory_space<hbm>> -> memref<8x8x128xf32, #tpu.memory_space<hbm>>
    %dma_wait3A_74 = arith.constant 0 : i32
    %dma_wait3A_75 = arith.constant 0 : i32
    %dma_wait3A_76 = arith.constant 0 : i32
    %dma_wait3A_77 = tpu.memref_slice %arg4[%dma_wait3A_62, %dma_wait3A_74, %dma_wait3A_63, %dma_wait3A_75, %dma_wait3A_76] : memref<50x8x128x8x128xf32, #tpu.memory_space<hbm>> -> memref<1x8x1x8x128xf32, #tpu.memory_space<hbm>>
    %dma_wait3A_78 = tpu.memref_squeeze %dma_wait3A_77 : memref<1x8x1x8x128xf32, #tpu.memory_space<hbm>> -> memref<8x8x128xf32, #tpu.memory_space<hbm>>
    %dma_wait3A_79 = arith.constant 0 : i32
    %dma_wait3A_80 = arith.constant 0 : i32
    %dma_wait3A_81 = arith.constant 0 : i32
    %dma_wait3A_82 = tpu.memref_slice %arg7[%dma_wait3A_61, %dma_wait3A_79, %dma_wait3A_80, %dma_wait3A_81] : memref<2x8x8x128xf32, #tpu.memory_space<vmem>> -> memref<1x8x8x128xf32, #tpu.memory_space<vmem>>
    %dma_wait3A_83 = tpu.memref_squeeze %dma_wait3A_82 : memref<1x8x8x128xf32, #tpu.memory_space<vmem>> -> memref<8x8x128xf32, #tpu.memory_space<vmem>>
    tpu.wait_dma2 semaphore(%arg9 : memref<!tpu.dma_semaphore, #tpu.memory_space<semaphore_mem>>) src(%dma_wait3A_83 : memref<8x8x128xf32, #tpu.memory_space<vmem>>) dst(%dma_wait3A_78 : memref<8x8x128xf32, #tpu.memory_space<hbm>>)
    return
  }
}

</mosaic_0001>

<sc_bundles>
// kernel: kernel.3.cloned.1.call-start
scs
__scs_entry_jumppad:
0x0: {  	(pc) =	sbr.rel $0x88, $3  }
0x1: {  	(tag) =	ssettag $0x0;
	lr =	simm.s32 $0x1  }
0x2: {  	[smem:$0x3F9F] =	sst lr;
	_ =	strace $0xD0000000  }
0x3: {  	_ = 	snop  }
0x4: {  	_ = 	snop  }
0x5: {  	_ = 	snop  }
0x6: {  	_ = 	snop  }
0x7: {  	_ = 	snop  }
__scs_overlays_trampoline_lowered:
0x8: {  	[smem:$0x3FAE] =	sst s0  }
0x9: {  	[smem:$0x3FAF] =	sst s1  }
0xa: {  	[smem:$0x3FB0] =	sst s2  }
0xb: {  	[smem:$0x3FB1] =	sst s3  }
0xc: {  	[smem:$0x3FB2] =	sst s4  }
0xd: {  	[smem:$0x3FB3] =	sst s5  }
0xe: {  	[smem:$0x3FB4] =	sst s6  }
0xf: {  	[smem:$0x3FB5] =	sst s7  }
0x10: {  	[smem:$0x3FB6] =	sst s8  }
0x11: {  	[smem:$0x3FB7] =	sst s9;
	s0 =	simm.s32 @!p0 $0x0  }
0x12: {  	s1 =	sld [smem:$0x3F9D];
	s0 =	simm.s32 @p0 $0x1  }
0x13: {  	[smem:$0x3FB8] =	sst s0;
	s0 =	simm.s32 @!p1 $0x0  }
0x14: {  	s2 =	sld [smem:$0x3F9C];
	s0 =	simm.s32 @p1 $0x1  }
0x15: {  	[smem:$0x3FB9] =	sst s0;
	s0 =	simm.s32 @!p2 $0x0  }
0x16: {  	s3 =	sld [smem:$0x3FDB];
	s0 =	simm.s32 @p2 $0x1  }
0x17: {  	s4 =	simm.s32 $0x1BF5;
	[smem:$0x3FBB] =	sst s0  }
0x18: {  	s0 =	sld [smem:$0x3F9E];
	_ =	swait.ge [sflag:s4], $0x0  }
0x19: {  	s7 =	sld [smem:$0x3F9F]  }
0x1a: {  	s8 =	sadd.s32 $0xFFFFE003, lr  }
0x1b: {  	s9 =	sadd.s32 $0xFFFFFEF7, lr;
	s5 =	simm.s32 $0xFFFFFFFF;
	p2 =	slt.u32 s8, $0xFFFFF086  }
0x1c: {  	p1 =	slt.u32 s9, $0xF7A;
	s5 =	simm.s32 @!p2 $0x0  }
0x1d: {  	s5 =	simm.s32 @p1 $0x1;
	p0 =	seq.s32 s7, s2  }
0x1e: {  	s7 =	smul.u32 @!p0 $0xF7A, s2;
	p2 =	seq.s32 @!p0 s5, $0x0  }
0x1f: {  	s9 =	smul.u32 $0xF7A, s1;
	s8 =	simm.s32 @!p0 $0x1BF5;
	p2 =	por !p2, p0  }
0x20: {  	[sflag:s8] =	ssyncset.s32 @!p0 $0xFFFFF086;
	s6 =	sadd.s32 @!p0 s3, s7;
	s7 =	simm.s32 @!p0 $0x108  }
0x21: {  	s3 =	sadd.s32 s3, s9;
	s6 =	sadd.s32 @!p0 $0x88, s6;
	s7 =	simm.s32 @p2 $0x1082  }
0x22: {  	[simem:s7], [sflag:s8] =	dma.local @!p0 [hbm:s6], $0xF7A  }
0x23: {  	s9 =	sor.u32 $0xD0000000, s2;
	s6 =	simm.s32 $0x108;
	_ =	swait.ge @!p0 [sflag:s8], $0x0  }
0x24: {  	s3 =	sadd.s32 $0x88, s3;
	s6 =	simm.s32 @!p1 $0x1082;
	[sflag:s4] =	ssyncset.s32 $0xFFFFF086  }
0x25: {  	[simem:s6], [sflag:s4] =	dma.local [hbm:s3], $0xF7A  }
0x26: {  	[smem:$0x3F9F] =	sst s1;
	(tag) =	ssettag s2;
	_ =	strace s9  }
0x27: {  	s1 =	sld [smem:$0x3FAF]  }
0x28: {  	s2 =	sld [smem:$0x3FB0]  }
0x29: {  	s4 =	sld [smem:$0x3FB2]  }
0x2a: {  	p0 =	seq.s32 s5, $0x0;
	s5 =	sld [smem:$0x3FB3]  }
0x2b: {  	s6 =	sld [smem:$0x3FB4]  }
0x2c: {  	s7 =	sld [smem:$0x3FB5]  }
0x2d: {  	s3 =	simm.s32 $0x108;
	s8 =	sld [smem:$0x3FB6]  }
0x2e: {  	s3 =	simm.s32 @!p0 $0x1082;
	s9 =	sld [smem:$0x3FB7]  }
0x2f: {  	lr =	sadd.s32 s0, s3;
	s0 =	sld [smem:$0x3FAE]  }
0x30: {  	s3 =	sld [smem:$0x3FB1]  }
0x31: {  	[smem:$0x3FBA] =	sst s10  }
0x32: {  	s10 =	sld [smem:$0x3FB8];
	_ =	sdelay $0x3  }
0x33: {  	p0 =	seq.s32 s10, $0x1;
	s10 =	sld [smem:$0x3FBA];
	_ =	sdelay $0x3  }
0x34: {  	[smem:$0x3FBA] =	sst s10  }
0x35: {  	s10 =	sld [smem:$0x3FB9];
	_ =	sdelay $0x3  }
0x36: {  	p1 =	seq.s32 s10, $0x1;
	s10 =	sld [smem:$0x3FBA];
	_ =	sdelay $0x3  }
0x37: {  	[smem:$0x3FBA] =	sst s10  }
0x38: {  	s10 =	sld [smem:$0x3FBB]  }
0x39: {  	_ = 	snop;
	(pc) =	sbr.ind lr, $3  }
0x3a: {  	_ = 	snop  }
0x3b: {  	_ = 	snop  }
0x3c: {  	p2 =	seq.s32 s10, $0x1;
	s10 =	sld [smem:$0x3FBA]  }
0x3d: {  	_ =	shalt  }
0x3e: {  	_ =	shalt  }
0x3f: {  	_ =	shalt  }
0x40: {  	_ =	shalt  }
0x41: {  	_ =	shalt  }
0x42: {  	_ =	shalt  }
0x43: {  	_ =	shalt  }
0x44: {  	_ =	shalt  }
0x45: {  	_ =	shalt  }
0x46: {  	_ =	shalt  }
0x47: {  	_ =	shalt  }
0x48: {  	_ =	shalt  }
0x49: {  	_ =	shalt  }
0x4a: {  	_ =	shalt  }
0x4b: {  	_ =	shalt  }
0x4c: {  	_ =	shalt  }
0x4d: {  	_ =	shalt  }
0x4e: {  	_ =	shalt  }
0x4f: {  	_ =	shalt  }
0x50: {  	_ =	shalt  }
0x51: {  	_ =	shalt  }
0x52: {  	_ =	shalt  }
0x53: {  	_ =	shalt  }
0x54: {  	_ =	shalt  }
0x55: {  	_ =	shalt  }
0x56: {  	_ =	shalt  }
0x57: {  	_ =	shalt  }
0x58: {  	_ =	shalt  }
0x59: {  	_ =	shalt  }
0x5a: {  	_ =	shalt  }
0x5b: {  	_ =	shalt  }
0x5c: {  	_ =	shalt  }
0x5d: {  	_ =	shalt  }
0x5e: {  	_ =	shalt  }
0x5f: {  	_ =	shalt  }
0x60: {  	_ =	shalt  }
0x61: {  	_ =	shalt  }
0x62: {  	_ =	shalt  }
0x63: {  	_ =	shalt  }
0x64: {  	_ =	shalt  }
0x65: {  	_ =	shalt  }
0x66: {  	_ =	shalt  }
0x67: {  	_ =	shalt  }
0x68: {  	_ =	shalt  }
0x69: {  	_ =	shalt  }
0x6a: {  	_ =	shalt  }
0x6b: {  	_ =	shalt  }
0x6c: {  	_ =	shalt  }
0x6d: {  	_ =	shalt  }
0x6e: {  	_ =	shalt  }
0x6f: {  	_ =	shalt  }
0x70: {  	_ =	shalt  }
0x71: {  	_ =	shalt  }
0x72: {  	_ =	shalt  }
0x73: {  	_ =	shalt  }
0x74: {  	_ =	shalt  }
0x75: {  	_ =	shalt  }
0x76: {  	_ =	shalt  }
0x77: {  	_ =	shalt  }
0x78: {  	_ =	shalt  }
0x79: {  	_ =	shalt  }
0x7a: {  	_ =	shalt  }
0x7b: {  	_ =	shalt  }
0x7c: {  	_ =	shalt  }
0x7d: {  	_ =	shalt  }
0x7e: {  	_ =	shalt  }
0x7f: {  	_ =	shalt  }
0x80: {  	_ =	shalt  }
0x81: {  	_ =	shalt  }
0x82: {  	_ =	shalt  }
0x83: {  	_ =	shalt  }
0x84: {  	_ =	shalt  }
0x85: {  	_ =	shalt  }
0x86: {  	_ =	shalt  }
0x87: {  	_ =	shalt  }
.Lfunc_end0:
.L_simem_size_0:
called_computation_lowered:
.L_overlay_start_0:
0x88: {  	s2 =	sld [smem:$0x3FD9]  }
0x89: {  	s3 =	sld [smem:$0x3FFE];
	_ =	sdelay $0x1  }
0x8a: {  	s1 =	srdreg.scid  }
0x8b: {  	s0 =	sand.u32 $0x1, s1  }
0x8c: {  	s17 =	sshll.u32 s0, $0xA;
	s2 =	sadd.s32 s3, s2  }
0x8d: {  	s2 =	sadd.s32 s2, s17  }
0x8e: {  	[smem:$0x3FC6] =	sst s2  }
0x8f: {  	_ = 	snop  }
0x90: {  	s2 =	sld [smem:$0x3FD0];
	(tm) =	ssettm $0x1  }
0x91: {  	s18 =	sld [smem:$0x3FFB];
	_ =	sdelay $0x3  }
0x92: {  	_ =	strace s18  }
0x93: {  	s3 =	sld [smem:$0x3FFC];
	_ =	sdelay $0x3  }
0x94: {  	_ =	strace s3  }
0x95: {  	s3 =	sld [smem:$0x3FFD];
	_ =	sdelay $0x3  }
0x96: {  	_ =	strace s3  }
0x97: {  	_ =	strace $0x8FFFFFFF  }
0x98: {  	s19 =	sld [smem:$0x3FDB];
	_ =	sdelay $0x1  }
0x99: {  	s4 =	simm.s32 $_scs_section_size  }
0x9a: {  	s5 =	simm.s32 $_size__tile_overlayer_lowered;
	s6 =	simm.s32 $_tile_overlayer_lowered  }
0x9b: {  	s22 =	simm.s32 $0x1BFF;
	s21 =	sshll.u32 s6, $0x1;
	s3 =	sadd.s32 s4, s19  }
0x9c: {  	s7 =	simm.s32 $0x0;
	s20 =	sshll.u32 s5, $0x1;
	s5 =	sadd.s32 s21, s3  }
0x9d: {  	[timem:s7], [sflag:s22] =	dma.local [hbm:s5], s20  }
0x9e: {  	_ =	swait.ge [sflag:s22], s20  }
0x9f: {  	s4 =	ssub.s32 $0x0, s20;
	[sflag:s22] =	ssyncset.done $0x0  }
0xa0: {  	[sflag:s22] =	ssyncadd.s32 s4;
	_ =	sdelay $0x1  }
0xa1: {  	s23 =	simm.s32 $0x1B8B  }
0xa2: {  	_ =	swait.ge [sflag:s23], $0x1  }
0xa3: {  	[sflag:s23] =	ssyncset.done $0x0  }
0xa4: {  	s25 =	simm.s32 $0x1B8E;
	s24 =	sld [smem:$0x3FFE];
	[sflag:s23] =	ssyncadd.s32 $0xFFFFFFFF  }
0xa5: {  	s26 =	simm.s32 $execute0_lowered;
	[smem:$0x3FD2] =	sst s25  }
0xa6: {  	s5 =	sshll.u32 s26, $0x1;
	_ =	strace $0x80000046;
	[dreg:$0x1] =	wrdreg $0xFFFFFFFF  }
0xa7: {  	s28 =	simm.s32 $_size_execute0_lowered;
	s3 =	sadd.s32 s3, s5;
	[dreg:$0x0] =	wrdreg $0x0  }
0xa8: {  	s5 =	sshll.u32 s28, $0x1;
	[dreg:$0x2] =	wrdreg s3  }
0xa9: {  	[dreg:$0x3] =	wrdreg s5  }
0xaa: {  	[dreg:$0x4] =	wrdreg $0xC0  }
0xab: {  	_ =	task [dreg:s7], $0x5FFFF  }
0xac: {  	[dreg:$0x1] =	wrdreg $0xFFFFFFFF  }
0xad: {  	[dreg:$0x0] =	wrdreg $0x60  }
0xae: {  	[dreg:$0x2] =	wrdreg s24  }
0xaf: {  	[dreg:$0x3] =	wrdreg s2  }
0xb0: {  	[dreg:$0x4] =	wrdreg $0x9  }
0xb1: {  	_ =	task.clear_ibuf [dreg:s7], $0x5FFFF;
	_ =	strace $0x90000046  }
0xb2: {  	s29 =	simm.s32 $0x9;
	_ =	strace $0x80000048  }
0xb3: {  	_ =	swait.ge [sflag:s29], $0x1  }
0xb4: {  	[sflag:s29] =	ssyncadd.s32 $0xFFFFFFFF  }
0xb5: {  	_ =	strace $0x90000048  }
0xb6: {  	_ =	sfence  }
0xb7: {  	s30 =	sld [smem:$0x0];
	_ =	sdelay $0x2  }
0xb8: {  	s31 =	sshll.u32 s1, $0xD;
	s1 =	sshrl.u32 s1, $0x2  }
0xb9: {  	s3 =	sand.u32 $0x4000, s31;
	s1 =	sadd.s32 s1, s30  }
0xba: {  	s0 =	sor.u32 s3, s0;
	s1 =	sshll.u32 s1, $0x11  }
0xbb: {  	s0 =	sor.u32 s1, s0  }
0xbc: {  	s0 =	sadd.s32 $0x8F2B, s0  }
0xbd: {  	[sflag:s0] =	ssyncadd.remote.s32 $0x1  }
0xbe: {  	_ =	sfence.sel $0xFFFF  }
0xbf: {  	[dreg:$0x0] =	wrdreg $0xFFFFFFFF;
	(pc) =	sbr.abs _section_cstart, $3  }
0xc0: {  	[dreg:$0x1] =	wrdreg $0xFFFFFFFF  }
0xc1: {  	_ =	task.clear_ibuf [dreg:s7], $0x2FFFF;
	_ =	strace $0x9FFFFFFF  }
0xc2: {  	(tm) =	ssettm $0x7FFFFFFF  }
0xc3: {  	_ =	shalt  }
tec
execute0_lowered:
.L_overlay_start_1:
0x0: {  	(tag) =	ssettag $0x1  }
0x1: {  	s6 =	rddreg [dreg:$0x0];
	s3 =	srdreg.scid  }
0x2: {  	v35 =	vlaneseq.u32;
	s1 =	rddreg [dreg:$0x1];
	s5 =	sand.u32 $0x1, s3;
	s3 =	simm.s32 $0x0  }
0x3: {  	v44 =	vor.u32 $0x10, v35;
	[smem:$0x7FF] =	sst s3  }
0x4: {  	s0 =	rddreg [dreg:$0x2];
	v46 =	vor.u32 $0x810, v35;
	_ =	strace $0x80000047;
	[tilespmem:$0x1FD90] =	vst v44  }
0x5: {  	v48 =	vor.u32 $0x1010, v35;
	[tilespmem:$0x1FDB0] =	vst v46  }
0x6: {  	v50 =	vor.u32 $0x1810, v35;
	[tilespmem:$0x1FDD0] =	vst v48  }
0x7: {  	v52 =	vor.u32 $0x20, v35;
	[tilespmem:$0x1FDF0] =	vst v50  }
0x8: {  	v54 =	vor.u32 $0x820, v35;
	[tilespmem:$0x1FE10] =	vst v52  }
0x9: {  	v56 =	vor.u32 $0x1020, v35;
	[tilespmem:$0x1FE30] =	vst v54  }
0xa: {  	v58 =	vor.u32 $0x1820, v35;
	[tilespmem:$0x1FE50] =	vst v56  }
0xb: {  	v60 =	vor.u32 $0x30, v35;
	[tilespmem:$0x1FE70] =	vst v58  }
0xc: {  	v62 =	vor.u32 $0x830, v35;
	[tilespmem:$0x1FE90] =	vst v60  }
0xd: {  	v24 =	vor.u32 $0x1030, v35;
	[tilespmem:$0x1FEB0] =	vst v62  }
0xe: {  	v3 =	vor.u32 $0x1830, v35;
	[tilespmem:$0x1FED0] =	vst v24  }
0xf: {  	v7 =	vor.u32 $0x840, v35;
	[tilespmem:$0x1FEF0] =	vst v3  }
0x10: {  	v1 =	vor.u32 $0x40, v35;
	[tilespmem:$0x1FF20] =	vst v7  }
0x11: {  	v23 =	vor.u32 $0x1040, v35;
	[tilespmem:$0x1FF40] =	vst v1  }
0x12: {  	v12 =	vor.u32 $0x1840, v35;
	[tilespmem:$0x1FF50] =	vst v23  }
0x13: {  	v5 =	vor.u32 $0x50, v35;
	[tilespmem:$0x1FF70] =	vst v12  }
0x14: {  	v8 =	vor.u32 $0x850, v35;
	[tilespmem:$0x1FF90] =	vst v5  }
0x15: {  	v36 =	vmul.u32 $0x80, v35;
	v34 =	vor.u32 $0x1050, v35;
	[tilespmem:$0x1FFB0] =	vst v8  }
0x16: {  	v42 =	vor.u32 $0x1800, v35;
	[tilespmem:$0x1FFD0] =	vst v34  }
0x17: {  	v0 =	vor.u32 $0x2830, v36;
	[tilespmem:$0x1FFF0] =	vst v42  }
0x18: {  	v43 =	vor.u32 $0x800, v36;
	[tilespmem:$0x1FC70] =	vst v0  }
0x19: {  	v45 =	vor.u32 $0x810, v36;
	[tilespmem:$0x1FD80] =	vst v43  }
0x1a: {  	v47 =	vor.u32 $0x820, v36;
	[tilespmem:$0x1FDA0] =	vst v45  }
0x1b: {  	v49 =	vor.u32 $0x830, v36;
	[tilespmem:$0x1FDC0] =	vst v47  }
0x1c: {  	v51 =	vor.u32 $0x1000, v36;
	[tilespmem:$0x1FDE0] =	vst v49  }
0x1d: {  	v53 =	vor.u32 $0x1010, v36;
	[tilespmem:$0x1FE00] =	vst v51  }
0x1e: {  	v55 =	vor.u32 $0x1020, v36;
	[tilespmem:$0x1FE20] =	vst v53  }
0x1f: {  	v57 =	vor.u32 $0x1030, v36;
	[tilespmem:$0x1FE40] =	vst v55  }
0x20: {  	v59 =	vor.u32 $0x1800, v36;
	[tilespmem:$0x1FE60] =	vst v57  }
0x21: {  	v61 =	vor.u32 $0x1810, v36;
	[tilespmem:$0x1FE80] =	vst v59  }
0x22: {  	v63 =	vor.u32 $0x1820, v36;
	[tilespmem:$0x1FEA0] =	vst v61  }
0x23: {  	v4 =	vor.u32 $0x1830, v36;
	[tilespmem:$0x1FEC0] =	vst v63  }
0x24: {  	v2 =	vor.u32 $0x2000, v36;
	[tilespmem:$0x1FEE0] =	vst v4  }
0x25: {  	v18 =	vor.u32 $0x2010, v36;
	[tilespmem:$0x1FF00] =	vst v2  }
0x26: {  	v21 =	vor.u32 $0x2020, v36;
	[tilespmem:$0x1FF10] =	vst v18  }
0x27: {  	v31 =	vor.u32 $0x2030, v36;
	[tilespmem:$0x1FF30] =	vst v21  }
0x28: {  	v10 =	vor.u32 $0x2800, v36;
	[tilespmem:$0x1FF60] =	vst v31  }
0x29: {  	v9 =	vor.u32 $0x2810, v36;
	[tilespmem:$0x1FF80] =	vst v10  }
0x2a: {  	v33 =	vor.u32 $0x2820, v36;
	[tilespmem:$0x1FFA0] =	vst v9  }
0x2b: {  	v0 =	vor.u32 $0x1850, v35;
	[tilespmem:$0x1FFE0] =	vst v33  }
0x2c: {  	[tilespmem:$0x1FC80] =	vst v0;
	v0 =	vor.u32 $0x3000, v36  }
0x2d: {  	[tilespmem:$0x1FC90] =	vst v0;
	v0 =	vor.u32 $0x60, v35  }
0x2e: {  	[tilespmem:$0x1FCA0] =	vst v0;
	v0 =	vor.u32 $0x3010, v36  }
0x2f: {  	[tilespmem:$0x1FCB0] =	vst v0;
	v0 =	vor.u32 $0x860, v35  }
0x30: {  	[tilespmem:$0x1FCC0] =	vst v0;
	v0 =	vor.u32 $0x3020, v36  }
0x31: {  	[tilespmem:$0x1FCD0] =	vst v0;
	v0 =	vor.u32 $0x1060, v35  }
0x32: {  	[tilespmem:$0x1FCE0] =	vst v0;
	v0 =	vor.u32 $0x3030, v36  }
0x33: {  	[tilespmem:$0x1FCF0] =	vst v0;
	v0 =	vor.u32 $0x1860, v35  }
0x34: {  	s2 =	stileid.u32;
	s10 =	simm.s32 $0x3;
	[tilespmem:$0x1FD00] =	vst v0;
	v0 =	vor.u32 $0x3800, v36  }
0x35: {  	s11 =	simm.s32 $0x80;
	s12 =	simm.s32 $0x6400;
	s13 =	simm.s32 $0xA400;
	[tilespmem:$0x1FD10] =	vst v0;
	v0 =	vor.u32 $0x70, v35  }
0x36: {  	s14 =	simm.s32 $0x1;
	s15 =	simm.s32 $0xE400;
	s16 =	simm.s32 $0x400;
	[tilespmem:$0x1FD20] =	vst v0;
	v0 =	vor.u32 $0x3810, v36  }
0x37: {  	s17 =	simm.s32 $0x20000;
	s18 =	simm.s32 $0x10400;
	s19 =	simm.s32 $0x2;
	[tilespmem:$0x1FD30] =	vst v0;
	v0 =	vor.u32 $0x870, v35  }
.Ltmp0:
0x38: {  	s4 =	sshll.u32 s2, $0x3;
	s7 =	sshll.u32 s5, $0x2;
	[tilespmem:$0x1FD40] =	vst v0;
	v0 =	vor.u32 $0x3820, v36;
	(pc) =	sbr.rel .LBB2_1-.Ltmp0, $4  }
0x39: {  	s20 =	simm.s32 $0x0;
	s31 =	ssub.s32 $0x2, s5;
	s4 =	sor.u32 s7, s4;
	[tilespmem:$0x1FD50] =	vst v0;
	v0 =	vor.u32 $0x1070, v35  }
0x3a: {  	v38 =	vor.u32 $0x800, v35;
	s5 =	sadd.s32 $0xF5BA00, s6;
	s9 =	sshrl.u32 s31, $0x1;
	s8 =	sshll.u32 s4, $0x4;
	[tilespmem:$0x1FD60] =	vst v0;
	v0 =	vor.u32 $0x3830, v36  }
0x3b: {  	v40 =	vor.u32 $0x1000, v35;
	v37 =	vor.u32 $0x10, v36;
	s7 =	ssub.s32 s31, s9;
	s9 =	simm.s32 $0x4000;
	s6 =	sadd.s32 s8, s6;
	[tilespmem:$0x1FD70] =	vst v0;
	v0 =	vor.u32 $0x1870, v35  }
0x3c: {  	v39 =	vor.u32 $0x20, v36;
	v41 =	vor.u32 $0x30, v36;
	s7 =	smax.u32 s7, $0x1;
	s8 =	simm.s32 $0x200;
	s6 =	sadd.s32 $0xF42A00, s6;
	[tilespmem:$0x1FFC0] =	vst v0  }
.LBB2_8:
0x3d: {  	_ =	swait.ge [sflag:s19], $0x2000  }
0x3e: {  	[sflag:s19] =	ssyncset.done $0x0  }
0x3f: {  	[sflag:s19] =	ssyncadd.s32 $0xFFFFE000  }
0x40: {  	_ =	swait.ge [sflag:s19], $0x2000  }
0x41: {  	v43 =	vld [tilespmem:$0x1FD80]  }
0x42: {  	v44 =	vld [tilespmem:$0x1FD90]  }
0x43: {  	v45 =	vld [tilespmem:$0x1FDA0]  }
0x44: {  	v46 =	vld [tilespmem:$0x1FDB0]  }
0x45: {  	v47 =	vld [tilespmem:$0x1FDC0]  }
0x46: {  	v48 =	vld [tilespmem:$0x1FDD0]  }
0x47: {  	v49 =	vld [tilespmem:$0x1FDE0]  }
0x48: {  	v50 =	vld [tilespmem:$0x1FDF0]  }
0x49: {  	v51 =	vld [tilespmem:$0x1FE00]  }
0x4a: {  	v52 =	vld [tilespmem:$0x1FE10]  }
0x4b: {  	v53 =	vld [tilespmem:$0x1FE20]  }
0x4c: {  	v54 =	vld [tilespmem:$0x1FE30]  }
0x4d: {  	v55 =	vld [tilespmem:$0x1FE40]  }
0x4e: {  	v56 =	vld [tilespmem:$0x1FE50]  }
0x4f: {  	v57 =	vld [tilespmem:$0x1FE60]  }
0x50: {  	v58 =	vld [tilespmem:$0x1FE70]  }
0x51: {  	v59 =	vld [tilespmem:$0x1FE80]  }
0x52: {  	v60 =	vld [tilespmem:$0x1FE90]  }
0x53: {  	v61 =	vld [tilespmem:$0x1FEA0]  }
0x54: {  	v62 =	vld [tilespmem:$0x1FEB0]  }
0x55: {  	v63 =	vld [tilespmem:$0x1FEC0]  }
0x56: {  	v24 =	vld [tilespmem:$0x1FED0]  }
0x57: {  	v4 =	vld [tilespmem:$0x1FEE0]  }
0x58: {  	v3 =	vld [tilespmem:$0x1FEF0]  }
0x59: {  	v2 =	vld [tilespmem:$0x1FF00]  }
0x5a: {  	v1 =	vld [tilespmem:$0x1FF40]  }
0x5b: {  	s20 =	sadd.s32 $0x1, s20;
	v18 =	vld [tilespmem:$0x1FF10]  }
0x5c: {  	p0 =	sne.s32 s20, s7;
	v7 =	vld [tilespmem:$0x1FF20]  }
.Ltmp1:
0x5d: {  	v21 =	vld [tilespmem:$0x1FF30];
	(pc) =	sbr.rel @!p0 .LBB2_9-.Ltmp1, $4  }
0x5e: {  	v23 =	vld [tilespmem:$0x1FF50]  }
0x5f: {  	v31 =	vld [tilespmem:$0x1FF60]  }
0x60: {  	[sflag:s19] =	ssyncset.done $0x0;
	v5 =	vld [tilespmem:$0x1FF90]  }
0x61: {  	v9 =	vld [tilespmem:$0x1FFA0];
	[sflag:s19] =	ssyncadd.s32 $0xFFFFE000  }
.LBB2_1:
0x62: {  	[tilespmem:s3], [sflag:$0x3] =	stream.strided.gather [hbm4b:s6+s8], $0x6400, s9, s8, $0x38;
	[tilespmem:$0x12400] =	vst v63  }
0x63: {  	_ =	swait.ge [sflag:s10], $0x6400  }
0x64: {  	[sflag:s10] =	ssyncset.done $0x0  }
0x65: {  	[sflag:s10] =	ssyncadd.s32 $0xFFFF9C00  }
0x66: {  	[tilespmem:s12], [sflag:$0x1] =	stream.indirect.gather [hbm4b:s5+s11], $0x80, s3, s11, $0xb8;
	[tilespmem:$0x12400] =	vst v63  }
0x67: {  	s21 =	simm.s32 $0x0  }
0x68: {  	v25 =	vmov v23;
	v23 =	vmov v9;
	[tilespmem:s13], [sflag:$0x1] =	stream.indirect.gather [hbm4b:s5+s11], $0x80, s8, s11, $0xb8;
	[tilespmem:$0x12400] =	vst v63  }
.LBB2_2:
0x69: {  	s22 =	simm.s32 $0x0  }
0x6a: {  	v0 =	vxor.u32 s22, v35  }
0x6b: {  	_ =	swait.ge [sflag:s14], $0x4000;
	v13 =	vand.u32 $0xF, v0  }
0x6c: {  	p1 =	seq.s32 s21, $0x0;
	v19 =	vmov v1;
	[sflag:s14] =	ssyncset.done $0x0;
	v1 =	vor.u32 v36, v13  }
0x6d: {  	s22 =	simm.s32 @!p1 $0x2;
	[sflag:s14] =	ssyncadd.s32 $0xFFFFC000  }
0x6e: {  	_ =	swait.ge @!p1 [sflag:s22], $0x2000  }
0x6f: {  	[sflag:s22] =	ssyncset.done @!p1 $0x0  }
0x70: {  	[sflag:s22] =	ssyncadd.s32 @!p1 $0xFFFFE000  }
0x71: {  	v0 =	vshll.u32 v0, $0x7;
	v1 =	vld.idx.msk [tilespmem:v1+s12+$0x0], $0xffff  }
0x72: {  	v20 =	vmov v2;
	v2 =	vand.u32 $0x780, v0  }
0x73: {  	v0 =	vor.u32 v35, v2  }
0x74: {  	v22 =	vmov v3;
	v3 =	vor.u32 v37, v13;
	_ =	sdelay $0x1  }
0x75: {  	v1 =	vmul.f32 $8.000000000e+00, v1;
	_ =	sdelay $0x1  }
0x76: {  	[tilespmem:v0+s15+$0x0] =	vst.idx.msk $0xffff, v1  }
0x77: {  	v0 =	vld.idx.msk [tilespmem:v3+s12+$0x0], $0xffff;
	_ =	sdelay $0x1  }
0x78: {  	v1 =	vor.u32 v38, v2  }
0x79: {  	v3 =	vor.u32 v39, v13;
	_ =	sdelay $0x1  }
0x7a: {  	v0 =	vmul.f32 $8.000000000e+00, v0;
	_ =	sdelay $0x1  }
0x7b: {  	[tilespmem:v1+s15+$0x0] =	vst.idx.msk $0xffff, v0  }
0x7c: {  	v0 =	vld.idx.msk [tilespmem:v3+s12+$0x0], $0xffff;
	_ =	sdelay $0x1  }
0x7d: {  	v1 =	vor.u32 v40, v2  }
0x7e: {  	v3 =	vor.u32 v41, v13;
	_ =	sdelay $0x1  }
0x7f: {  	v0 =	vmul.f32 $8.000000000e+00, v0;
	_ =	sdelay $0x1  }
0x80: {  	[tilespmem:v1+s15+$0x0] =	vst.idx.msk $0xffff, v0  }
0x81: {  	v0 =	vld.idx.msk [tilespmem:v3+s12+$0x0], $0xffff;
	_ =	sdelay $0x1  }
0x82: {  	v3 =	vor.u32 v42, v2  }
0x83: {  	v29 =	vmov v4;
	v4 =	vor.u32 v43, v13  }
0x84: {  	s24 =	simm.s32 $0x1  }
0x85: {  	v28 =	vmov v5;
	v5 =	vxor.u32 s24, v35;
	v0 =	vmul.f32 $8.000000000e+00, v0  }
0x86: {  	v1 =	vand.u32 $0xF, v5  }
0x87: {  	v6 =	vor.u32 v36, v1;
	[tilespmem:v3+s15+$0x0] =	vst.idx.msk $0xffff, v0  }
0x88: {  	v3 =	vld.idx.msk [tilespmem:v4+s12+$0x0], $0xffff;
	_ =	sdelay $0x1  }
0x89: {  	v4 =	vor.u32 v44, v2  }
0x8a: {  	v32 =	vmov v7;
	v7 =	vor.u32 v45, v13  }
0x8b: {  	v6 =	vld.idx.msk [tilespmem:v6+s12+$0x0], $0xffff;
	v0 =	vshll.u32 v5, $0x7  }
0x8c: {  	v0 =	vand.u32 $0x780, v0;
	v3 =	vmul.f32 $8.000000000e+00, v3  }
0x8d: {  	v5 =	vor.u32 v35, v0  }
0x8e: {  	v8 =	vor.u32 v37, v1;
	[tilespmem:v4+s15+$0x0] =	vst.idx.msk $0xffff, v3  }
0x8f: {  	v3 =	vld.idx.msk [tilespmem:v7+s12+$0x0], $0xffff  }
0x90: {  	v4 =	vmul.f32 $8.000000000e+00, v6  }
0x91: {  	v6 =	vor.u32 v46, v2  }
0x92: {  	[tilespmem:v5+s15+$0x0] =	vst.idx.msk $0xffff, v4;
	v4 =	vor.u32 v47, v13  }
0x93: {  	v5 =	vld.idx.msk [tilespmem:v8+s12+$0x0], $0xffff  }
0x94: {  	v3 =	vmul.f32 $8.000000000e+00, v3  }
0x95: {  	v7 =	vor.u32 v38, v0  }
0x96: {  	v8 =	vor.u32 v39, v1;
	[tilespmem:v6+s15+$0x0] =	vst.idx.msk $0xffff, v3  }
0x97: {  	v3 =	vld.idx.msk [tilespmem:v4+s12+$0x0], $0xffff  }
0x98: {  	v4 =	vmul.f32 $8.000000000e+00, v5  }
0x99: {  	v5 =	vor.u32 v48, v2  }
0x9a: {  	[tilespmem:v7+s15+$0x0] =	vst.idx.msk $0xffff, v4;
	v4 =	vor.u32 v49, v13  }
0x9b: {  	v6 =	vld.idx.msk [tilespmem:v8+s12+$0x0], $0xffff  }
0x9c: {  	v3 =	vmul.f32 $8.000000000e+00, v3  }
0x9d: {  	v7 =	vor.u32 v40, v0  }
0x9e: {  	v8 =	vor.u32 v41, v1;
	[tilespmem:v5+s15+$0x0] =	vst.idx.msk $0xffff, v3  }
0x9f: {  	v3 =	vld.idx.msk [tilespmem:v4+s12+$0x0], $0xffff  }
0xa0: {  	v4 =	vmul.f32 $8.000000000e+00, v6  }
0xa1: {  	v5 =	vor.u32 v50, v2  }
0xa2: {  	[tilespmem:v7+s15+$0x0] =	vst.idx.msk $0xffff, v4;
	v4 =	vor.u32 v51, v13  }
0xa3: {  	v6 =	vld.idx.msk [tilespmem:v8+s12+$0x0], $0xffff  }
0xa4: {  	v3 =	vmul.f32 $8.000000000e+00, v3  }
0xa5: {  	v7 =	vor.u32 v42, v0  }
0xa6: {  	s25 =	simm.s32 $0x2;
	v8 =	vor.u32 v43, v1;
	[tilespmem:v5+s15+$0x0] =	vst.idx.msk $0xffff, v3  }
0xa7: {  	v3 =	vxor.u32 s25, v35;
	v5 =	vld.idx.msk [tilespmem:v4+s12+$0x0], $0xffff  }
0xa8: {  	v4 =	vand.u32 $0xF, v3;
	v6 =	vmul.f32 $8.000000000e+00, v6  }
0xa9: {  	v10 =	vor.u32 v52, v2;
	v9 =	vor.u32 v36, v4  }
0xaa: {  	v11 =	vor.u32 v53, v13;
	[tilespmem:v7+s15+$0x0] =	vst.idx.msk $0xffff, v6  }
0xab: {  	v6 =	vld.idx.msk [tilespmem:v8+s12+$0x0], $0xffff  }
0xac: {  	v5 =	vmul.f32 $8.000000000e+00, v5  }
0xad: {  	v7 =	vor.u32 v44, v0  }
0xae: {  	v3 =	vshll.u32 v3, $0x7;
	v8 =	vor.u32 v45, v1;
	v9 =	vld.idx.msk [tilespmem:v9+s12+$0x0], $0xffff;
	[tilespmem:v10+s15+$0x0] =	vst.idx.msk $0xffff, v5  }
0xaf: {  	v3 =	vand.u32 $0x780, v3;
	v5 =	vld.idx.msk [tilespmem:v11+s12+$0x0], $0xffff  }
0xb0: {  	v10 =	vor.u32 v35, v3;
	v6 =	vmul.f32 $8.000000000e+00, v6  }
0xb1: {  	v12 =	vor.u32 v54, v2;
	v11 =	vor.u32 v37, v4  }
0xb2: {  	v14 =	vor.u32 v55, v13;
	[tilespmem:v7+s15+$0x0] =	vst.idx.msk $0xffff, v6  }
0xb3: {  	v6 =	vld.idx.msk [tilespmem:v8+s12+$0x0], $0xffff;
	v7 =	vmul.f32 $8.000000000e+00, v9  }
0xb4: {  	v5 =	vmul.f32 $8.000000000e+00, v5  }
0xb5: {  	[tilespmem:v10+s15+$0x0] =	vst.idx.msk $0xffff, v7;
	v7 =	vor.u32 v46, v0  }
0xb6: {  	v8 =	vor.u32 v47, v1;
	v9 =	vld.idx.msk [tilespmem:v11+s12+$0x0], $0xffff;
	[tilespmem:v12+s15+$0x0] =	vst.idx.msk $0xffff, v5  }
0xb7: {  	v5 =	vld.idx.msk [tilespmem:v14+s12+$0x0], $0xffff  }
0xb8: {  	v10 =	vor.u32 v38, v3;
	v6 =	vmul.f32 $8.000000000e+00, v6  }
0xb9: {  	v11 =	vor.u32 v39, v4;
	v12 =	vor.u32 v56, v2  }
0xba: {  	[tilespmem:v7+s15+$0x0] =	vst.idx.msk $0xffff, v6;
	v6 =	vor.u32 v57, v13  }
0xbb: {  	v7 =	vld.idx.msk [tilespmem:v8+s12+$0x0], $0xffff;
	v8 =	vmul.f32 $8.000000000e+00, v9  }
0xbc: {  	v5 =	vmul.f32 $8.000000000e+00, v5  }
0xbd: {  	[tilespmem:v10+s15+$0x0] =	vst.idx.msk $0xffff, v8;
	v8 =	vor.u32 v48, v0  }
0xbe: {  	v9 =	vor.u32 v49, v1;
	v10 =	vld.idx.msk [tilespmem:v11+s12+$0x0], $0xffff;
	[tilespmem:v12+s15+$0x0] =	vst.idx.msk $0xffff, v5  }
0xbf: {  	v5 =	vld.idx.msk [tilespmem:v6+s12+$0x0], $0xffff  }
0xc0: {  	v6 =	vmul.f32 $8.000000000e+00, v7;
	v7 =	vor.u32 v40, v3  }
0xc1: {  	v11 =	vor.u32 v41, v4;
	v12 =	vor.u32 v58, v2  }
0xc2: {  	[tilespmem:v8+s15+$0x0] =	vst.idx.msk $0xffff, v6;
	v6 =	vor.u32 v59, v13  }
0xc3: {  	v8 =	vld.idx.msk [tilespmem:v9+s12+$0x0], $0xffff;
	v9 =	vmul.f32 $8.000000000e+00, v10  }
0xc4: {  	v5 =	vmul.f32 $8.000000000e+00, v5  }
0xc5: {  	[tilespmem:v7+s15+$0x0] =	vst.idx.msk $0xffff, v9;
	v7 =	vor.u32 v50, v0  }
0xc6: {  	v9 =	vor.u32 v51, v1;
	v10 =	vld.idx.msk [tilespmem:v11+s12+$0x0], $0xffff;
	[tilespmem:v12+s15+$0x0] =	vst.idx.msk $0xffff, v5  }
0xc7: {  	v5 =	vld.idx.msk [tilespmem:v6+s12+$0x0], $0xffff  }
0xc8: {  	v6 =	vmul.f32 $8.000000000e+00, v8;
	v8 =	vor.u32 v42, v3  }
0xc9: {  	v11 =	vor.u32 v43, v4;
	v12 =	vor.u32 v60, v2  }
0xca: {  	s26 =	simm.s32 $0x3;
	[tilespmem:v7+s15+$0x0] =	vst.idx.msk $0xffff, v6;
	v7 =	vor.u32 v61, v13  }
0xcb: {  	v14 =	vxor.u32 s26, v35;
	v9 =	vld.idx.msk [tilespmem:v9+s12+$0x0], $0xffff;
	v10 =	vmul.f32 $8.000000000e+00, v10  }
0xcc: {  	v6 =	vand.u32 $0xF, v14;
	v5 =	vmul.f32 $8.000000000e+00, v5  }
0xcd: {  	v15 =	vor.u32 v36, v6;
	[tilespmem:v8+s15+$0x0] =	vst.idx.msk $0xffff, v10;
	v8 =	vor.u32 v52, v0  }
0xce: {  	v10 =	vor.u32 v53, v1;
	v11 =	vld.idx.msk [tilespmem:v11+s12+$0x0], $0xffff;
	[tilespmem:v12+s15+$0x0] =	vst.idx.msk $0xffff, v5  }
0xcf: {  	v7 =	vld.idx.msk [tilespmem:v7+s12+$0x0], $0xffff  }
0xd0: {  	v5 =	vmul.f32 $8.000000000e+00, v9;
	v9 =	vor.u32 v44, v3  }
0xd1: {  	v16 =	vor.u32 v62, v2;
	v12 =	vor.u32 v45, v4  }
0xd2: {  	v14 =	vshll.u32 v14, $0x7;
	v15 =	vld.idx.msk [tilespmem:v15+s12+$0x0], $0xffff;
	[tilespmem:v8+s15+$0x0] =	vst.idx.msk $0xffff, v5;
	v8 =	vor.u32 v63, v13  }
0xd3: {  	v5 =	vand.u32 $0x780, v14;
	v10 =	vld.idx.msk [tilespmem:v10+s12+$0x0], $0xffff;
	v11 =	vmul.f32 $8.000000000e+00, v11  }
0xd4: {  	v14 =	vor.u32 v35, v5;
	v7 =	vmul.f32 $8.000000000e+00, v7  }
0xd5: {  	v17 =	vor.u32 v37, v6;
	[tilespmem:v9+s15+$0x0] =	vst.idx.msk $0xffff, v11;
	v9 =	vor.u32 v54, v0  }
0xd6: {  	v11 =	vor.u32 v55, v1;
	v12 =	vld.idx.msk [tilespmem:v12+s12+$0x0], $0xffff;
	[tilespmem:v16+s15+$0x0] =	vst.idx.msk $0xffff, v7  }
0xd7: {  	v7 =	vmul.f32 $8.000000000e+00, v15;
	v8 =	vld.idx.msk [tilespmem:v8+s12+$0x0], $0xffff  }
0xd8: {  	v15 =	vor.u32 v46, v3;
	v10 =	vmul.f32 $8.000000000e+00, v10  }
0xd9: {  	[tilespmem:v14+s15+$0x0] =	vst.idx.msk $0xffff, v7;
	v7 =	vor.u32 v47, v4;
	v14 =	vor.u32 v24, v2  }
0xda: {  	v16 =	vld.idx.msk [tilespmem:v17+s12+$0x0], $0xffff;
	[tilespmem:v9+s15+$0x0] =	vst.idx.msk $0xffff, v10;
	v9 =	vor.u32 v29, v13  }
0xdb: {  	v10 =	vld.idx.msk [tilespmem:v11+s12+$0x0], $0xffff;
	v11 =	vmul.f32 $8.000000000e+00, v12  }
0xdc: {  	v12 =	vor.u32 v38, v5;
	v8 =	vmul.f32 $8.000000000e+00, v8  }
0xdd: {  	v17 =	vor.u32 v39, v6;
	[tilespmem:v15+s15+$0x0] =	vst.idx.msk $0xffff, v11;
	v11 =	vor.u32 v56, v0  }
0xde: {  	v15 =	vor.u32 v57, v1;
	v7 =	vld.idx.msk [tilespmem:v7+s12+$0x0], $0xffff;
	[tilespmem:v14+s15+$0x0] =	vst.idx.msk $0xffff, v8  }
0xdf: {  	v8 =	vmul.f32 $8.000000000e+00, v16;
	v9 =	vld.idx.msk [tilespmem:v9+s12+$0x0], $0xffff  }
0xe0: {  	v14 =	vor.u32 v48, v3;
	v10 =	vmul.f32 $8.000000000e+00, v10  }
0xe1: {  	[tilespmem:v12+s15+$0x0] =	vst.idx.msk $0xffff, v8;
	v8 =	vor.u32 v49, v4;
	v12 =	vor.u32 v22, v2  }
0xe2: {  	v16 =	vld.idx.msk [tilespmem:v17+s12+$0x0], $0xffff;
	[tilespmem:v11+s15+$0x0] =	vst.idx.msk $0xffff, v10;
	v10 =	vor.u32 v20, v13  }
0xe3: {  	v11 =	vld.idx.msk [tilespmem:v15+s12+$0x0], $0xffff;
	v7 =	vmul.f32 $8.000000000e+00, v7  }
0xe4: {  	v15 =	vor.u32 v40, v5;
	v9 =	vmul.f32 $8.000000000e+00, v9  }
0xe5: {  	v17 =	vor.u32 v41, v6;
	[tilespmem:v14+s15+$0x0] =	vst.idx.msk $0xffff, v7;
	v7 =	vor.u32 v58, v0  }
0xe6: {  	v14 =	vor.u32 v59, v1;
	v8 =	vld.idx.msk [tilespmem:v8+s12+$0x0], $0xffff;
	[tilespmem:v12+s15+$0x0] =	vst.idx.msk $0xffff, v9  }
0xe7: {  	v9 =	vmul.f32 $8.000000000e+00, v16;
	v10 =	vld.idx.msk [tilespmem:v10+s12+$0x0], $0xffff  }
0xe8: {  	v12 =	vor.u32 v50, v3;
	v11 =	vmul.f32 $8.000000000e+00, v11  }
0xe9: {  	[tilespmem:v15+s15+$0x0] =	vst.idx.msk $0xffff, v9;
	v9 =	vor.u32 v51, v4;
	v15 =	vor.u32 v19, v2  }
0xea: {  	v16 =	vld.idx.msk [tilespmem:v17+s12+$0x0], $0xffff;
	[tilespmem:v7+s15+$0x0] =	vst.idx.msk $0xffff, v11;
	v7 =	vor.u32 v18, v13  }
0xeb: {  	v11 =	vld.idx.msk [tilespmem:v14+s12+$0x0], $0xffff;
	v8 =	vmul.f32 $8.000000000e+00, v8  }
0xec: {  	v27 =	vmov v18;
	v14 =	vor.u32 v42, v5;
	v10 =	vmul.f32 $8.000000000e+00, v10  }
0xed: {  	s28 =	simm.s32 $0x4;
	v26 =	vmov v29;
	v17 =	vor.u32 v43, v6;
	[tilespmem:v12+s15+$0x0] =	vst.idx.msk $0xffff, v8;
	v12 =	vor.u32 v60, v0  }
0xee: {  	v29 =	vmov v19;
	v19 =	vor.u32 v61, v1;
	v18 =	vxor.u32 s28, v35;
	v9 =	vld.idx.msk [tilespmem:v9+s12+$0x0], $0xffff;
	[tilespmem:v15+s15+$0x0] =	vst.idx.msk $0xffff, v10  }
0xef: {  	v8 =	vand.u32 $0xF, v18;
	v10 =	vmul.f32 $8.000000000e+00, v16;
	v7 =	vld.idx.msk [tilespmem:v7+s12+$0x0], $0xffff  }
0xf0: {  	v15 =	vor.u32 v36, v8;
	v16 =	vor.u32 v52, v3;
	v11 =	vmul.f32 $8.000000000e+00, v11  }
0xf1: {  	[tilespmem:v14+s15+$0x0] =	vst.idx.msk $0xffff, v10;
	v10 =	vor.u32 v32, v2  }
0xf2: {  	v14 =	vld.idx.msk [tilespmem:v17+s12+$0x0], $0xffff;
	[tilespmem:v12+s15+$0x0] =	vst.idx.msk $0xffff, v11  }
0xf3: {  	v30 =	vmovc v20;
	v20 =	vor.u32 v53, v4;
	v11 =	vor.u32 v21, v13;
	v12 =	vld.idx.msk [tilespmem:v19+s12+$0x0], $0xffff;
	v9 =	vmul.f32 $8.000000000e+00, v9  }
0xf4: {  	v18 =	vshll.u32 v18, $0x7;
	v17 =	vor.u32 v44, v5;
	v7 =	vmul.f32 $8.000000000e+00, v7  }
0xf5: {  	v19 =	vor.u32 v45, v6;
	v15 =	vld.idx.msk [tilespmem:v15+s12+$0x0], $0xffff;
	[tilespmem:v16+s15+$0x0] =	vst.idx.msk $0xffff, v9;
	v9 =	vor.u32 v62, v0  }
0xf6: {  	[tilespmem:v10+s15+$0x0] =	vst.idx.msk $0xffff, v7;
	v7 =	vand.u32 $0x780, v18  }
0xf7: {  	v10 =	vmul.f32 $8.000000000e+00, v14;
	v14 =	vor.u32 v35, v7  }
0xf8: {  	v11 =	vld.idx.msk [tilespmem:v11+s12+$0x0], $0xffff;
	v12 =	vmul.f32 $8.000000000e+00, v12  }
0xf9: {  	v16 =	vld.idx.msk [tilespmem:v20+s12+$0x0], $0xffff;
	v20 =	vor.u32 v63, v1;
	[tilespmem:v17+s15+$0x0] =	vst.idx.msk $0xffff, v10  }
0xfa: {  	v10 =	vor.u32 v25, v2;
	v19 =	vld.idx.msk [tilespmem:v19+s12+$0x0], $0xffff;
	[tilespmem:v9+s15+$0x0] =	vst.idx.msk $0xffff, v12;
	v9 =	vmul.f32 $8.000000000e+00, v15  }
0xfb: {  	v32 =	vmov v21;
	v21 =	vor.u32 v54, v3;
	v18 =	vor.u32 v37, v8  }
0xfc: {  	v33 =	vmov v22;
	v22 =	vor.u32 v55, v4;
	[tilespmem:v14+s15+$0x0] =	vst.idx.msk $0xffff, v9;
	v9 =	vor.u32 v46, v5  }
0xfd: {  	v11 =	vmul.f32 $8.000000000e+00, v11  }
0xfe: {  	v15 =	vmul.f32 $8.000000000e+00, v16  }
0xff: {  	v17 =	vor.u32 v31, v13;
	v12 =	vld.idx.msk [tilespmem:v20+s12+$0x0], $0xffff;
	[tilespmem:v10+s15+$0x0] =	vst.idx.msk $0xffff, v11;
	v10 =	vmul.f32 $8.000000000e+00, v19  }
0x100: {  	[tilespmem:v21+s15+$0x0] =	vst.idx.msk $0xffff, v15;
	v16 =	vld.idx.msk [tilespmem:v18+s12+$0x0], $0xffff  }
0x101: {  	v18 =	vld.idx.msk [tilespmem:v22+s12+$0x0], $0xffff;
	[tilespmem:v9+s15+$0x0] =	vst.idx.msk $0xffff, v10  }
0x102: {  	v14 =	vor.u32 v47, v6;
	v15 =	vor.u32 v24, v0;
	v24 =	vld [tilespmem:$0x1FF70]  }
0x103: {  	v20 =	vor.u32 v26, v1;
	v26 =	vmov v25;
	v25 =	vld [tilespmem:$0x1FF80]  }
0x104: {  	v11 =	vld.idx.msk [tilespmem:v17+s12+$0x0], $0xffff;
	v17 =	vor.u32 v38, v7  }
0x105: {  	v21 =	vor.u32 v56, v3;
	v19 =	vor.u32 v39, v8;
	v12 =	vmul.f32 $8.000000000e+00, v12;
	_ =	sdelay $0x1  }
0x106: {  	v14 =	vld.idx.msk [tilespmem:v14+s12+$0x0], $0xffff;
	[tilespmem:v15+s15+$0x0] =	vst.idx.msk $0xffff, v12;
	v12 =	vmul.f32 $8.000000000e+00, v16;
	v10 =	vor.u32 v24, v2  }
0x107: {  	v16 =	vmul.f32 $8.000000000e+00, v18;
	v15 =	vld.idx.msk [tilespmem:v20+s12+$0x0], $0xffff;
	v22 =	vor.u32 v25, v13  }
0x108: {  	v9 =	vor.u32 v57, v4;
	[tilespmem:v17+s15+$0x0] =	vst.idx.msk $0xffff, v12;
	v12 =	vor.u32 v48, v5;
	v11 =	vmul.f32 $8.000000000e+00, v11  }
0x109: {  	v17 =	vor.u32 v49, v6;
	[tilespmem:v21+s15+$0x0] =	vst.idx.msk $0xffff, v16;
	v16 =	vor.u32 v33, v0;
	v18 =	vld.idx.msk [tilespmem:v19+s12+$0x0], $0xffff;
	_ =	sdelay $0x1  }
0x10a: {  	[tilespmem:v10+s15+$0x0] =	vst.idx.msk $0xffff, v11;
	v10 =	vmul.f32 $8.000000000e+00, v14;
	v14 =	vor.u32 v40, v7  }
0x10b: {  	v15 =	vmul.f32 $8.000000000e+00, v15;
	v11 =	vld.idx.msk [tilespmem:v22+s12+$0x0], $0xffff  }
0x10c: {  	v19 =	vor.u32 v30, v1;
	v9 =	vld.idx.msk [tilespmem:v9+s12+$0x0], $0xffff;
	[tilespmem:v12+s15+$0x0] =	vst.idx.msk $0xffff, v10  }
0x10d: {  	[tilespmem:v16+s15+$0x0] =	vst.idx.msk $0xffff, v15;
	v15 =	vmul.f32 $8.000000000e+00, v18;
	v12 =	vor.u32 v28, v2;
	v17 =	vld.idx.msk [tilespmem:v17+s12+$0x0], $0xffff  }
0x10e: {  	v20 =	vor.u32 v41, v8;
	v21 =	vor.u32 v58, v3  }
0x10f: {  	v10 =	vor.u32 v59, v4;
	[tilespmem:v14+s15+$0x0] =	vst.idx.msk $0xffff, v15;
	v14 =	vor.u32 v50, v5  }
0x110: {  	v11 =	vmul.f32 $8.000000000e+00, v11  }
0x111: {  	v9 =	vmul.f32 $8.000000000e+00, v9  }
0x112: {  	v16 =	vld.idx.msk [tilespmem:v19+s12+$0x0], $0xffff;
	[tilespmem:v12+s15+$0x0] =	vst.idx.msk $0xffff, v11;
	v11 =	vmul.f32 $8.000000000e+00, v17  }
0x113: {  	v22 =	vor.u32 v23, v13;
	[tilespmem:v21+s15+$0x0] =	vst.idx.msk $0xffff, v9;
	v18 =	vld.idx.msk [tilespmem:v20+s12+$0x0], $0xffff  }
0x114: {  	v9 =	vor.u32 v29, v0;
	v10 =	vld.idx.msk [tilespmem:v10+s12+$0x0], $0xffff;
	[tilespmem:v14+s15+$0x0] =	vst.idx.msk $0xffff, v11  }
0x115: {  	v15 =	vor.u32 v51, v6;
	v34 =	vld [tilespmem:$0x1FFB0]  }
0x116: {  	v17 =	vor.u32 v42, v7  }
0x117: {  	v21 =	vor.u32 v60, v3;
	v16 =	vmul.f32 $8.000000000e+00, v16  }
0x118: {  	v12 =	vld.idx.msk [tilespmem:v22+s12+$0x0], $0xffff  }
0x119: {  	v33 =	vmov v28;
	v28 =	vld [tilespmem:$0x1FFE0];
	[tilespmem:v9+s15+$0x0] =	vst.idx.msk $0xffff, v16;
	v16 =	vmul.f32 $8.000000000e+00, v18  }
0x11a: {  	v19 =	vor.u32 v27, v1;
	v15 =	vld.idx.msk [tilespmem:v15+s12+$0x0], $0xffff;
	v10 =	vmul.f32 $8.000000000e+00, v10;
	v14 =	vor.u32 v34, v2  }
0x11b: {  	[tilespmem:v17+s15+$0x0] =	vst.idx.msk $0xffff, v16  }
0x11c: {  	s29 =	simm.s32 $0x5;
	v20 =	vor.u32 v43, v8;
	v16 =	vor.u32 v52, v5;
	[tilespmem:v21+s15+$0x0] =	vst.idx.msk $0xffff, v10  }
0x11d: {  	v22 =	vxor.u32 s29, v35;
	v12 =	vmul.f32 $8.000000000e+00, v12;
	v10 =	vld [tilespmem:$0x1FF20]  }
0x11e: {  	v11 =	vor.u32 v61, v4;
	v9 =	vand.u32 $0xF, v22  }
0x11f: {  	v18 =	vld.idx.msk [tilespmem:v19+s12+$0x0], $0xffff;
	v19 =	vor.u32 v36, v9;
	[tilespmem:v14+s15+$0x0] =	vst.idx.msk $0xffff, v12;
	v12 =	vmul.f32 $8.000000000e+00, v15  }
0x120: {  	v23 =	vor.u32 v28, v13  }
0x121: {  	v20 =	vld.idx.msk [tilespmem:v20+s12+$0x0], $0xffff;
	[tilespmem:v16+s15+$0x0] =	vst.idx.msk $0xffff, v12  }
0x122: {  	v17 =	vor.u32 v53, v6;
	v10 =	vor.u32 v10, v0;
	v16 =	vld [tilespmem:$0x1FFD0]  }
0x123: {  	v21 =	vor.u32 v32, v1;
	v11 =	vld.idx.msk [tilespmem:v11+s12+$0x0], $0xffff  }
0x124: {  	v19 =	vld.idx.msk [tilespmem:v19+s12+$0x0], $0xffff;
	v15 =	vor.u32 v44, v7  }
0x125: {  	v18 =	vmul.f32 $8.000000000e+00, v18;
	v14 =	vld.idx.msk [tilespmem:v23+s12+$0x0], $0xffff  }
0x126: {  	v22 =	vshll.u32 v22, $0x7;
	v32 =	vmovc v24;
	v24 =	vor.u32 v62, v3;
	v23 =	vor.u32 v45, v8;
	v29 =	vld [tilespmem:$0x1FC70]  }
0x127: {  	v17 =	vld.idx.msk [tilespmem:v17+s12+$0x0], $0xffff;
	[tilespmem:v10+s15+$0x0] =	vst.idx.msk $0xffff, v18;
	v10 =	vand.u32 $0x780, v22;
	v18 =	vmul.f32 $8.000000000e+00, v20;
	v16 =	vor.u32 v16, v2  }
0x128: {  	v12 =	vor.u32 v63, v4;
	v20 =	vld.idx.msk [tilespmem:v21+s12+$0x0], $0xffff;
	v21 =	vor.u32 v35, v10  }
0x129: {  	v11 =	vmul.f32 $8.000000000e+00, v11;
	[tilespmem:v15+s15+$0x0] =	vst.idx.msk $0xffff, v18;
	v15 =	vor.u32 v54, v5  }
0x12a: {  	v14 =	vmul.f32 $8.000000000e+00, v14  }
0x12b: {  	v30 =	vmov v26;
	v19 =	vmul.f32 $8.000000000e+00, v19;
	[tilespmem:v24+s15+$0x0] =	vst.idx.msk $0xffff, v11;
	v22 =	vor.u32 v37, v9  }
0x12c: {  	v26 =	vmov v25;
	v23 =	vld.idx.msk [tilespmem:v23+s12+$0x0], $0xffff;
	v25 =	vor.u32 v29, v13;
	[tilespmem:v16+s15+$0x0] =	vst.idx.msk $0xffff, v14;
	v14 =	vmul.f32 $8.000000000e+00, v17  }
0x12d: {  	v11 =	vor.u32 v30, v0;
	v12 =	vld.idx.msk [tilespmem:v12+s12+$0x0], $0xffff;
	[tilespmem:v21+s15+$0x0] =	vst.idx.msk $0xffff, v19  }
0x12e: {  	v24 =	vor.u32 v31, v1;
	v21 =	vld [tilespmem:$0x1FED0];
	[tilespmem:v15+s15+$0x0] =	vst.idx.msk $0xffff, v14  }
0x12f: {  	v18 =	vor.u32 v55, v6;
	v31 =	vld [tilespmem:$0x1FC80]  }
0x130: {  	v20 =	vmul.f32 $8.000000000e+00, v20;
	v22 =	vld.idx.msk [tilespmem:v22+s12+$0x0], $0xffff  }
0x131: {  	v17 =	vor.u32 v46, v7;
	v16 =	vld.idx.msk [tilespmem:v25+s12+$0x0], $0xffff  }
0x132: {  	v14 =	vld [tilespmem:$0x1FEE0];
	[tilespmem:v11+s15+$0x0] =	vst.idx.msk $0xffff, v20  }
0x133: {  	v11 =	vmul.f32 $8.000000000e+00, v23;
	v23 =	vld.idx.msk [tilespmem:v24+s12+$0x0], $0xffff;
	v24 =	vor.u32 v38, v10  }
0x134: {  	v19 =	vor.u32 v47, v8;
	v18 =	vld.idx.msk [tilespmem:v18+s12+$0x0], $0xffff;
	v15 =	vor.u32 v31, v2  }
0x135: {  	v25 =	vor.u32 v39, v9;
	v30 =	vld [tilespmem:$0x1FC90];
	v21 =	vor.u32 v21, v3  }
0x136: {  	v22 =	vmul.f32 $8.000000000e+00, v22;
	[tilespmem:v17+s15+$0x0] =	vst.idx.msk $0xffff, v11;
	v11 =	vor.u32 v56, v5  }
0x137: {  	v16 =	vmul.f32 $8.000000000e+00, v16  }
0x138: {  	v12 =	vmul.f32 $8.000000000e+00, v12;
	[tilespmem:v24+s15+$0x0] =	vst.idx.msk $0xffff, v22  }
0x139: {  	v17 =	vld.idx.msk [tilespmem:v19+s12+$0x0], $0xffff;
	v14 =	vor.u32 v14, v4;
	[tilespmem:v15+s15+$0x0] =	vst.idx.msk $0xffff, v16;
	v15 =	vmul.f32 $8.000000000e+00, v18  }
0x13a: {  	v20 =	vor.u32 v30, v13;
	v24 =	vld.idx.msk [tilespmem:v25+s12+$0x0], $0xffff;
	[tilespmem:v21+s15+$0x0] =	vst.idx.msk $0xffff, v12  }
0x13b: {  	v19 =	vor.u32 v57, v6;
	v22 =	vmul.f32 $8.000000000e+00, v23;
	v12 =	vor.u32 v32, v0;
	v23 =	vld [tilespmem:$0x1FEF0];
	[tilespmem:v11+s15+$0x0] =	vst.idx.msk $0xffff, v15  }
0x13c: {  	v15 =	vld [tilespmem:$0x1FCA0]  }
0x13d: {  	v11 =	vld [tilespmem:$0x1FF00]  }
0x13e: {  	v14 =	vld.idx.msk [tilespmem:v14+s12+$0x0], $0xffff;
	v18 =	vor.u32 v48, v7  }
0x13f: {  	v21 =	vor.u32 v26, v1;
	v16 =	vld.idx.msk [tilespmem:v20+s12+$0x0], $0xffff  }
0x140: {  	v20 =	vor.u32 v49, v8;
	v19 =	vld.idx.msk [tilespmem:v19+s12+$0x0], $0xffff;
	[tilespmem:v12+s15+$0x0] =	vst.idx.msk $0xffff, v22;
	v23 =	vor.u32 v23, v3  }
0x141: {  	v12 =	vmul.f32 $8.000000000e+00, v17;
	v17 =	vld [tilespmem:$0x1FCB0];
	v15 =	vor.u32 v15, v2  }
0x142: {  	v22 =	vor.u32 v40, v10;
	v11 =	vor.u32 v11, v4  }
0x143: {  	v14 =	vmul.f32 $8.000000000e+00, v14;
	[tilespmem:v18+s15+$0x0] =	vst.idx.msk $0xffff, v12;
	v12 =	vor.u32 v58, v5  }
0x144: {  	v21 =	vld.idx.msk [tilespmem:v21+s12+$0x0], $0xffff;
	v16 =	vmul.f32 $8.000000000e+00, v16  }
0x145: {  	v25 =	vor.u32 v41, v9;
	v24 =	vmul.f32 $8.000000000e+00, v24;
	v18 =	vld.idx.msk [tilespmem:v20+s12+$0x0], $0xffff;
	[tilespmem:v23+s15+$0x0] =	vst.idx.msk $0xffff, v14  }
0x146: {  	v17 =	vor.u32 v17, v13;
	v23 =	vld [tilespmem:$0x1FFA0];
	[tilespmem:v15+s15+$0x0] =	vst.idx.msk $0xffff, v16;
	v15 =	vmul.f32 $8.000000000e+00, v19  }
0x147: {  	[tilespmem:v22+s15+$0x0] =	vst.idx.msk $0xffff, v24;
	v11 =	vld.idx.msk [tilespmem:v11+s12+$0x0], $0xffff  }
0x148: {  	v22 =	vld [tilespmem:$0x1FF40];
	[tilespmem:v12+s15+$0x0] =	vst.idx.msk $0xffff, v15  }
0x149: {  	v14 =	vor.u32 v33, v0;
	v33 =	vld [tilespmem:$0x1FCC0]  }
0x14a: {  	v24 =	vld.idx.msk [tilespmem:v25+s12+$0x0], $0xffff  }
0x14b: {  	v16 =	vld.idx.msk [tilespmem:v17+s12+$0x0], $0xffff;
	v17 =	vor.u32 v50, v7  }
0x14c: {  	v21 =	vmul.f32 $8.000000000e+00, v21;
	v25 =	vor.u32 v42, v10  }
0x14d: {  	v20 =	vor.u32 v59, v6;
	v12 =	vld [tilespmem:$0x1FF10];
	v22 =	vor.u32 v22, v3  }
0x14e: {  	[tilespmem:v14+s15+$0x0] =	vst.idx.msk $0xffff, v21;
	v14 =	vmul.f32 $8.000000000e+00, v18;
	v15 =	vor.u32 v33, v2  }
0x14f: {  	v24 =	vmul.f32 $8.000000000e+00, v24  }
0x150: {  	v23 =	vor.u32 v23, v1;
	v18 =	vld [tilespmem:$0x1FCD0];
	v11 =	vmul.f32 $8.000000000e+00, v11;
	[tilespmem:v17+s15+$0x0] =	vst.idx.msk $0xffff, v14  }
0x151: {  	v19 =	vor.u32 v51, v8;
	v16 =	vmul.f32 $8.000000000e+00, v16;
	[tilespmem:v25+s15+$0x0] =	vst.idx.msk $0xffff, v24  }
0x152: {  	v20 =	vld.idx.msk [tilespmem:v20+s12+$0x0], $0xffff;
	v12 =	vor.u32 v12, v4;
	[tilespmem:v22+s15+$0x0] =	vst.idx.msk $0xffff, v11  }
0x153: {  	[tilespmem:v15+s15+$0x0] =	vst.idx.msk $0xffff, v16  }
0x154: {  	v14 =	vor.u32 v60, v5;
	v24 =	vld [tilespmem:$0x1FF20]  }
0x155: {  	v23 =	vld.idx.msk [tilespmem:v23+s12+$0x0], $0xffff  }
0x156: {  	v17 =	vld.idx.msk [tilespmem:v19+s12+$0x0], $0xffff  }
0x157: {  	v22 =	vor.u32 v34, v0;
	v12 =	vld.idx.msk [tilespmem:v12+s12+$0x0], $0xffff;
	v15 =	vmul.f32 $8.000000000e+00, v20  }
0x158: {  	v18 =	vor.u32 v18, v13;
	v20 =	vor.u32 v52, v7  }
0x159: {  	v19 =	vor.u32 v61, v6;
	[tilespmem:v14+s15+$0x0] =	vst.idx.msk $0xffff, v15;
	v24 =	vor.u32 v24, v3  }
0x15a: {  	v23 =	vmul.f32 $8.000000000e+00, v23;
	v14 =	vld [tilespmem:$0x1FF30]  }
0x15b: {  	v26 =	vor.u32 v43, v9;
	v17 =	vmul.f32 $8.000000000e+00, v17;
	v15 =	vld [tilespmem:$0x1FCE0]  }
0x15c: {  	s30 =	simm.s32 $0x6;
	v32 =	vld [tilespmem:$0x1FCF0];
	[tilespmem:v22+s15+$0x0] =	vst.idx.msk $0xffff, v23;
	v12 =	vmul.f32 $8.000000000e+00, v12  }
0x15d: {  	v27 =	vor.u32 v28, v1;
	v21 =	vxor.u32 s30, v35;
	v16 =	vld.idx.msk [tilespmem:v18+s12+$0x0], $0xffff;
	[tilespmem:v20+s15+$0x0] =	vst.idx.msk $0xffff, v17  }
0x15e: {  	v28 =	vor.u32 v53, v8;
	v11 =	vand.u32 $0xF, v21;
	v19 =	vld.idx.msk [tilespmem:v19+s12+$0x0], $0xffff;
	[tilespmem:v24+s15+$0x0] =	vst.idx.msk $0xffff, v12  }
0x15f: {  	v18 =	vor.u32 v36, v11;
	v12 =	vld [tilespmem:$0x1FFD0]  }
0x160: {  	v25 =	vld.idx.msk [tilespmem:v26+s12+$0x0], $0xffff;
	v15 =	vor.u32 v15, v2  }
0x161: {  	v17 =	vor.u32 v62, v5  }
0x162: {  	v23 =	vor.u32 v44, v10;
	v22 =	vld.idx.msk [tilespmem:v27+s12+$0x0], $0xffff  }
0x163: {  	v16 =	vmul.f32 $8.000000000e+00, v16;
	v20 =	vld.idx.msk [tilespmem:v28+s12+$0x0], $0xffff;
	v28 =	vor.u32 v63, v6  }
0x164: {  	v21 =	vshll.u32 v21, $0x7;
	v18 =	vld.idx.msk [tilespmem:v18+s12+$0x0], $0xffff;
	v19 =	vmul.f32 $8.000000000e+00, v19;
	v24 =	vor.u32 v12, v0  }
0x165: {  	[tilespmem:v15+s15+$0x0] =	vst.idx.msk $0xffff, v16;
	v12 =	vand.u32 $0x780, v21;
	v21 =	vmul.f32 $8.000000000e+00, v25  }
0x166: {  	v15 =	vld [tilespmem:$0x1FF60];
	[tilespmem:v17+s15+$0x0] =	vst.idx.msk $0xffff, v19;
	v16 =	vor.u32 v35, v12  }
0x167: {  	v14 =	vor.u32 v14, v4;
	v22 =	vmul.f32 $8.000000000e+00, v22;
	[tilespmem:v23+s15+$0x0] =	vst.idx.msk $0xffff, v21;
	v21 =	vor.u32 v54, v7  }
0x168: {  	v19 =	vld.idx.msk [tilespmem:v28+s12+$0x0], $0xffff  }
0x169: {  	v26 =	vor.u32 v32, v13;
	v18 =	vmul.f32 $8.000000000e+00, v18;
	v17 =	vld [tilespmem:$0x1FF50];
	[tilespmem:v24+s15+$0x0] =	vst.idx.msk $0xffff, v22  }
0x16a: {  	v27 =	vor.u32 v45, v9;
	v20 =	vmul.f32 $8.000000000e+00, v20;
	v22 =	vld [tilespmem:$0x1FD00]  }
0x16b: {  	v28 =	vld [tilespmem:$0x1FD10];
	[tilespmem:v16+s15+$0x0] =	vst.idx.msk $0xffff, v18  }
0x16c: {  	v29 =	vor.u32 v29, v1;
	v14 =	vld.idx.msk [tilespmem:v14+s12+$0x0], $0xffff;
	[tilespmem:v21+s15+$0x0] =	vst.idx.msk $0xffff, v20  }
0x16d: {  	v20 =	vld [tilespmem:$0x1FED0]  }
0x16e: {  	v25 =	vld.idx.msk [tilespmem:v26+s12+$0x0], $0xffff;
	v17 =	vor.u32 v17, v3  }
0x16f: {  	v27 =	vld.idx.msk [tilespmem:v27+s12+$0x0], $0xffff  }
0x170: {  	v22 =	vor.u32 v22, v2  }
0x171: {  	v14 =	vmul.f32 $8.000000000e+00, v14;
	v24 =	vld.idx.msk [tilespmem:v29+s12+$0x0], $0xffff;
	v16 =	vor.u32 v46, v10  }
0x172: {  	v20 =	vor.u32 v20, v5  }
0x173: {  	v21 =	vmul.f32 $8.000000000e+00, v25;
	v25 =	vld [tilespmem:$0x1FEE0];
	[tilespmem:v17+s15+$0x0] =	vst.idx.msk $0xffff, v14;
	v14 =	vor.u32 v31, v0  }
0x174: {  	v17 =	vmul.f32 $8.000000000e+00, v27  }
0x175: {  	v19 =	vmul.f32 $8.000000000e+00, v19;
	[tilespmem:v22+s15+$0x0] =	vst.idx.msk $0xffff, v21  }
0x176: {  	v22 =	vld [tilespmem:$0x1FF80];
	[tilespmem:v16+s15+$0x0] =	vst.idx.msk $0xffff, v17;
	v17 =	vmul.f32 $8.000000000e+00, v24  }
0x177: {  	v26 =	vor.u32 v37, v11;
	[tilespmem:v20+s15+$0x0] =	vst.idx.msk $0xffff, v19  }
0x178: {  	v23 =	vor.u32 v55, v8;
	v19 =	vld [tilespmem:$0x1FF70];
	[tilespmem:v14+s15+$0x0] =	vst.idx.msk $0xffff, v17  }
0x179: {  	v14 =	vld [tilespmem:$0x1FD20]  }
0x17a: {  	v15 =	vor.u32 v15, v4  }
0x17b: {  	v28 =	vor.u32 v28, v13  }
0x17c: {  	v18 =	vor.u32 v47, v9;
	v26 =	vld.idx.msk [tilespmem:v26+s12+$0x0], $0xffff  }
0x17d: {  	v23 =	vld.idx.msk [tilespmem:v23+s12+$0x0], $0xffff;
	v27 =	vor.u32 v30, v1  }
0x17e: {  	v21 =	vor.u32 v38, v12;
	v17 =	vor.u32 v14, v2;
	v14 =	vld [tilespmem:$0x1FD30]  }
0x17f: {  	v25 =	vor.u32 v25, v6;
	v15 =	vld.idx.msk [tilespmem:v15+s12+$0x0], $0xffff;
	v16 =	vor.u32 v56, v7  }
0x180: {  	v28 =	vld.idx.msk [tilespmem:v28+s12+$0x0], $0xffff  }
0x181: {  	v18 =	vld.idx.msk [tilespmem:v18+s12+$0x0], $0xffff;
	v20 =	vmul.f32 $8.000000000e+00, v26;
	v19 =	vor.u32 v19, v3  }
0x182: {  	v23 =	vmul.f32 $8.000000000e+00, v23;
	v26 =	vld.idx.msk [tilespmem:v27+s12+$0x0], $0xffff  }
0x183: {  	v22 =	vor.u32 v22, v4;
	v27 =	vor.u32 v14, v13;
	v14 =	vld [tilespmem:$0x1FD70];
	[tilespmem:v21+s15+$0x0] =	vst.idx.msk $0xffff, v20  }
0x184: {  	v25 =	vld.idx.msk [tilespmem:v25+s12+$0x0], $0xffff;
	v15 =	vmul.f32 $8.000000000e+00, v15;
	[tilespmem:v16+s15+$0x0] =	vst.idx.msk $0xffff, v23  }
0x185: {  	v16 =	vld [tilespmem:$0x1FEF0]  }
0x186: {  	v23 =	vmul.f32 $8.000000000e+00, v28;
	v28 =	vld [tilespmem:$0x1FF00];
	[tilespmem:v19+s15+$0x0] =	vst.idx.msk $0xffff, v15  }
0x187: {  	v15 =	vld [tilespmem:$0x1FCA0]  }
0x188: {  	v19 =	vld.idx.msk [tilespmem:v22+s12+$0x0], $0xffff  }
0x189: {  	v22 =	vld [tilespmem:$0x1FCB0];
	[tilespmem:v17+s15+$0x0] =	vst.idx.msk $0xffff, v23  }
0x18a: {  	v29 =	vor.u32 v39, v11;
	v23 =	vmul.f32 $8.000000000e+00, v25;
	v25 =	vld [tilespmem:$0x1FFA0]  }
0x18b: {  	v24 =	vor.u32 v57, v8  }
0x18c: {  	v20 =	vor.u32 v48, v10  }
0x18d: {  	v21 =	vor.u32 v49, v9;
	v16 =	vor.u32 v16, v5  }
0x18e: {  	v15 =	vor.u32 v15, v0  }
0x18f: {  	v18 =	vmul.f32 $8.000000000e+00, v18;
	v29 =	vld.idx.msk [tilespmem:v29+s12+$0x0], $0xffff;
	v25 =	vor.u32 v25, v4  }
0x190: {  	v24 =	vld.idx.msk [tilespmem:v24+s12+$0x0], $0xffff;
	[tilespmem:$0x1FC60] =	vst v25  }
0x191: {  	[tilespmem:v20+s15+$0x0] =	vst.idx.msk $0xffff, v18;
	v18 =	vmul.f32 $8.000000000e+00, v26  }
0x192: {  	v17 =	vor.u32 v40, v12;
	v25 =	vld.idx.msk [tilespmem:v21+s12+$0x0], $0xffff;
	[tilespmem:v16+s15+$0x0] =	vst.idx.msk $0xffff, v23  }
0x193: {  	v20 =	vor.u32 v58, v7;
	v16 =	vld [tilespmem:$0x1FF90];
	[tilespmem:v15+s15+$0x0] =	vst.idx.msk $0xffff, v18  }
0x194: {  	v21 =	vld [tilespmem:$0x1FD50]  }
0x195: {  	v23 =	vmul.f32 $8.000000000e+00, v29  }
0x196: {  	v24 =	vmul.f32 $8.000000000e+00, v24  }
0x197: {  	v15 =	vld [tilespmem:$0x1FD40];
	[tilespmem:v17+s15+$0x0] =	vst.idx.msk $0xffff, v23  }
0x198: {  	[tilespmem:v20+s15+$0x0] =	vst.idx.msk $0xffff, v24  }
0x199: {  	v14 =	vor.u32 v14, v13;
	v16 =	vor.u32 v16, v3;
	v21 =	vor.u32 v21, v13;
	v13 =	vld [tilespmem:$0x1FF40];
	_ =	sdelay $0x2  }
0x19a: {  	v17 =	vmul.f32 $8.000000000e+00, v19;
	_ =	sdelay $0x1  }
0x19b: {  	v31 =	vor.u32 v13, v5;
	v13 =	vld [tilespmem:$0x1FF10];
	[tilespmem:v16+s15+$0x0] =	vst.idx.msk $0xffff, v17  }
0x19c: {  	v16 =	vld [tilespmem:$0x1FC60]  }
0x19d: {  	v28 =	vor.u32 v28, v6  }
0x19e: {  	v22 =	vor.u32 v22, v1;
	_ =	sdelay $0x2  }
0x19f: {  	v27 =	vld.idx.msk [tilespmem:v27+s12+$0x0], $0xffff  }
0x1a0: {  	v30 =	vor.u32 v41, v11;
	v28 =	vld.idx.msk [tilespmem:v28+s12+$0x0], $0xffff  }
0x1a1: {  	v26 =	vor.u32 v59, v8;
	v22 =	vld.idx.msk [tilespmem:v22+s12+$0x0], $0xffff  }
0x1a2: {  	v15 =	vor.u32 v15, v2;
	v19 =	vld.idx.msk [tilespmem:v16+s12+$0x0], $0xffff  }
0x1a3: {  	v23 =	vor.u32 v50, v10;
	v16 =	vld [tilespmem:$0x1FCD0]  }
0x1a4: {  	v18 =	vor.u32 v32, v1  }
0x1a5: {  	v32 =	vld.idx.msk [tilespmem:v30+s12+$0x0], $0xffff;
	v27 =	vmul.f32 $8.000000000e+00, v27;
	v30 =	vor.u32 v13, v6;
	v13 =	vor.u32 v33, v0  }
0x1a6: {  	v20 =	vld.idx.msk [tilespmem:v26+s12+$0x0], $0xffff;
	v26 =	vmul.f32 $8.000000000e+00, v25  }
0x1a7: {  	[tilespmem:v15+s15+$0x0] =	vst.idx.msk $0xffff, v27;
	v15 =	vmul.f32 $8.000000000e+00, v28  }
0x1a8: {  	v24 =	vor.u32 v16, v1;
	v16 =	vld [tilespmem:$0x1FFE0];
	[tilespmem:v23+s15+$0x0] =	vst.idx.msk $0xffff, v26;
	v23 =	vmul.f32 $8.000000000e+00, v22  }
0x1a9: {  	[tilespmem:v31+s15+$0x0] =	vst.idx.msk $0xffff, v15  }
0x1aa: {  	v29 =	vor.u32 v51, v9;
	[tilespmem:v13+s15+$0x0] =	vst.idx.msk $0xffff, v23  }
0x1ab: {  	v15 =	vld [tilespmem:$0x1FD60];
	_ =	sdelay $0x1  }
0x1ac: {  	s31 =	simm.s32 $0x7;
	v25 =	vor.u32 v42, v12  }
0x1ad: {  	v17 =	vxor.u32 s31, v35;
	v28 =	vor.u32 v60, v7;
	v27 =	vor.u32 v34, v3;
	v21 =	vld.idx.msk [tilespmem:v21+s12+$0x0], $0xffff  }
0x1ae: {  	v26 =	vor.u32 v43, v11;
	v31 =	vmul.f32 $8.000000000e+00, v32;
	v22 =	vld.idx.msk [tilespmem:v29+s12+$0x0], $0xffff;
	v29 =	vor.u32 v61, v8  }
0x1af: {  	s23 =	simm.s32 $0x8;
	s22 =	sshll.u32 s21, $0x1;
	v13 =	vand.u32 $0xF, v17;
	v23 =	vld.idx.msk [tilespmem:v30+s12+$0x0], $0xffff;
	v16 =	vor.u32 v16, v4;
	v30 =	vor.u32 v15, v2  }
.LBB2_3:
0x1b0: {  	v15 =	vld [tilespmem:$0x1FC70];
	_ =	sdelay $0x4  }
0x1b1: {  	v33 =	vor.u32 v15, v4;
	v15 =	vmov v8;
	v8 =	vld [tilespmem:$0x1FF20];
	_ =	sdelay $0x2  }
0x1b2: {  	v20 =	vmul.f32 $8.000000000e+00, v20;
	v24 =	vld.idx.msk [tilespmem:v24+s12+$0x0], $0xffff;
	[tilespmem:v25+s15+$0x0] =	vst.idx.msk $0xffff, v31  }
0x1b3: {  	v26 =	vld.idx.msk [tilespmem:v26+s12+$0x0], $0xffff  }
0x1b4: {  	v32 =	vor.u32 v53, v9;
	[tilespmem:v28+s15+$0x0] =	vst.idx.msk $0xffff, v20;
	v20 =	vor.u32 v8, v5;
	v8 =	vmov v9;
	v9 =	vld [tilespmem:$0x1FF30];
	_ =	sdelay $0x3  }
0x1b5: {  	v28 =	vld.idx.msk [tilespmem:v29+s12+$0x0], $0xffff  }
0x1b6: {  	v29 =	vor.u32 v9, v6;
	v9 =	vld [tilespmem:$0x1FCE0];
	_ =	sdelay $0x2  }
0x1b7: {  	v19 =	vmul.f32 $8.000000000e+00, v19  }
0x1b8: {  	v34 =	vor.u32 v36, v13  }
0x1b9: {  	v25 =	vor.u32 v52, v10;
	[tilespmem:v27+s15+$0x0] =	vst.idx.msk $0xffff, v19;
	v19 =	vor.u32 v9, v0;
	v9 =	vld [tilespmem:$0x1FF60]  }
0x1ba: {  	v21 =	vmul.f32 $8.000000000e+00, v21;
	_ =	sdelay $0x1  }
0x1bb: {  	v22 =	vmul.f32 $8.000000000e+00, v22;
	v16 =	vld.idx.msk [tilespmem:v16+s12+$0x0], $0xffff;
	[tilespmem:v30+s15+$0x0] =	vst.idx.msk $0xffff, v21  }
0x1bc: {  	v23 =	vmul.f32 $8.000000000e+00, v23;
	v14 =	vld.idx.msk [tilespmem:v14+s12+$0x0], $0xffff  }
0x1bd: {  	v27 =	vor.u32 v9, v6;
	v9 =	vmov v11;
	v11 =	vmov v13;
	v13 =	vld.idx.msk [tilespmem:v34+s12+$0x0], $0xffff;
	[tilespmem:v25+s15+$0x0] =	vst.idx.msk $0xffff, v22  }
0x1be: {  	v24 =	vmul.f32 $8.000000000e+00, v24;
	v25 =	vld.idx.msk [tilespmem:v32+s12+$0x0], $0xffff;
	[tilespmem:v20+s15+$0x0] =	vst.idx.msk $0xffff, v23  }
0x1bf: {  	v23 =	vmul.f32 $8.000000000e+00, v26;
	v26 =	vld.idx.msk [tilespmem:v29+s12+$0x0], $0xffff  }
0x1c0: {  	[tilespmem:v19+s15+$0x0] =	vst.idx.msk $0xffff, v24;
	v19 =	vld [tilespmem:$0x1FFC0];
	_ =	sdelay $0x2  }
0x1c1: {  	v21 =	vor.u32 v44, v12  }
0x1c2: {  	v30 =	vor.u32 v45, v9;
	v20 =	vld [tilespmem:$0x1FFD0]  }
0x1c3: {  	v22 =	vor.u32 v62, v7;
	v19 =	vor.u32 v19, v2;
	v2 =	vmov v0;
	v0 =	vld [tilespmem:$0x1FF50];
	_ =	sdelay $0x2  }
0x1c4: {  	v28 =	vmul.f32 $8.000000000e+00, v28;
	v18 =	vld.idx.msk [tilespmem:v18+s12+$0x0], $0xffff;
	[tilespmem:v21+s15+$0x0] =	vst.idx.msk $0xffff, v23  }
0x1c5: {  	v31 =	vor.u32 v63, v15;
	v23 =	vld.idx.msk [tilespmem:v30+s12+$0x0], $0xffff  }
0x1c6: {  	v20 =	vor.u32 v20, v3;
	[tilespmem:v22+s15+$0x0] =	vst.idx.msk $0xffff, v28;
	v22 =	vor.u32 v0, v5;
	v0 =	vmov v3;
	v3 =	vld [tilespmem:$0x1FD00];
	_ =	sdelay $0x2  }
0x1c7: {  	v16 =	vmul.f32 $8.000000000e+00, v16  }
0x1c8: {  	v28 =	vld.idx.msk [tilespmem:v31+s12+$0x0], $0xffff  }
0x1c9: {  	[tilespmem:v20+s15+$0x0] =	vst.idx.msk $0xffff, v16;
	v16 =	vor.u32 v3, v2;
	v3 =	vmov v5;
	v5 =	vld [tilespmem:$0x1FD10]  }
0x1ca: {  	v17 =	vshll.u32 v17, $0x7  }
0x1cb: {  	v17 =	vand.u32 $0x780, v17  }
0x1cc: {  	v24 =	vor.u32 v35, v17  }
0x1cd: {  	v32 =	vor.u32 v37, v11  }
0x1ce: {  	v14 =	vmul.f32 $8.000000000e+00, v14;
	v21 =	vor.u32 v54, v10;
	v30 =	vor.u32 v5, v1;
	v5 =	vmovc v7;
	v7 =	vld [tilespmem:$0x1FED0]  }
0x1cf: {  	v13 =	vmul.f32 $8.000000000e+00, v13  }
0x1d0: {  	v20 =	vmul.f32 $8.000000000e+00, v25;
	v25 =	vld.idx.msk [tilespmem:v33+s12+$0x0], $0xffff;
	[tilespmem:v19+s15+$0x0] =	vst.idx.msk $0xffff, v14  }
0x1d1: {  	[tilespmem:v24+s15+$0x0] =	vst.idx.msk $0xffff, v13  }
0x1d2: {  	v24 =	vld.idx.msk [tilespmem:v32+s12+$0x0], $0xffff  }
0x1d3: {  	[tilespmem:v21+s15+$0x0] =	vst.idx.msk $0xffff, v20;
	v20 =	vor.u32 v7, v5;
	v7 =	vmov v10;
	v10 =	vld [tilespmem:$0x1FEE0];
	_ =	sdelay $0x2  }
0x1d4: {  	v29 =	vor.u32 v55, v8;
	_ =	sdelay $0x1  }
0x1d5: {  	v19 =	vmul.f32 $8.000000000e+00, v26;
	v26 =	vor.u32 v10, v15;
	v10 =	vld [tilespmem:$0x1FC80]  }
0x1d6: {  	v13 =	vor.u32 v46, v12  }
0x1d7: {  	v14 =	vor.u32 v47, v9  }
0x1d8: {  	v18 =	vmul.f32 $8.000000000e+00, v18;
	v21 =	vld.idx.msk [tilespmem:v29+s12+$0x0], $0xffff;
	[tilespmem:v22+s15+$0x0] =	vst.idx.msk $0xffff, v19  }
0x1d9: {  	v22 =	vmul.f32 $8.000000000e+00, v23;
	v23 =	vld.idx.msk [tilespmem:v27+s12+$0x0], $0xffff  }
0x1da: {  	[tilespmem:v16+s15+$0x0] =	vst.idx.msk $0xffff, v18;
	v19 =	vor.u32 v10, v0;
	v10 =	vld [tilespmem:$0x1FC90]  }
0x1db: {  	v29 =	vld.idx.msk [tilespmem:v30+s12+$0x0], $0xffff;
	[tilespmem:v13+s15+$0x0] =	vst.idx.msk $0xffff, v22  }
0x1dc: {  	v22 =	vmul.f32 $8.000000000e+00, v25;
	v25 =	vld.idx.msk [tilespmem:v14+s12+$0x0], $0xffff  }
0x1dd: {  	v14 =	vld [tilespmem:$0x1FF70];
	_ =	sdelay $0x1  }
0x1de: {  	v27 =	vor.u32 v10, v4;
	v10 =	vmov v12;
	v12 =	vld [tilespmem:$0x1FF80]  }
0x1df: {  	v18 =	vmul.f32 $8.000000000e+00, v28;
	_ =	sdelay $0x1  }
0x1e0: {  	[tilespmem:v20+s15+$0x0] =	vst.idx.msk $0xffff, v18;
	v18 =	vor.u32 v14, v3;
	v14 =	vld [tilespmem:$0x1FD20]  }
0x1e1: {  	v16 =	vor.u32 v38, v17  }
0x1e2: {  	v28 =	vor.u32 v12, v6;
	v12 =	vmov v17;
	v17 =	vor.u32 v39, v11  }
0x1e3: {  	v13 =	vor.u32 v56, v7  }
0x1e4: {  	v20 =	vmul.f32 $8.000000000e+00, v24;
	v24 =	vld.idx.msk [tilespmem:v26+s12+$0x0], $0xffff  }
0x1e5: {  	v30 =	vor.u32 v57, v8;
	[tilespmem:v19+s15+$0x0] =	vst.idx.msk $0xffff, v22;
	v19 =	vor.u32 v14, v2;
	v14 =	vld [tilespmem:$0x1FD30]  }
0x1e6: {  	v21 =	vmul.f32 $8.000000000e+00, v21;
	v22 =	vld.idx.msk [tilespmem:v27+s12+$0x0], $0xffff;
	[tilespmem:v16+s15+$0x0] =	vst.idx.msk $0xffff, v20  }
0x1e7: {  	v17 =	vld.idx.msk [tilespmem:v17+s12+$0x0], $0xffff  }
0x1e8: {  	[tilespmem:v13+s15+$0x0] =	vst.idx.msk $0xffff, v21;
	v13 =	vld [tilespmem:$0x1FEF0]  }
0x1e9: {  	v23 =	vmul.f32 $8.000000000e+00, v23;
	v21 =	vmul.f32 $8.000000000e+00, v29;
	v29 =	vld [tilespmem:$0x1FF00]  }
0x1ea: {  	v27 =	vld.idx.msk [tilespmem:v30+s12+$0x0], $0xffff  }
0x1eb: {  	[tilespmem:v18+s15+$0x0] =	vst.idx.msk $0xffff, v23;
	v18 =	vld [tilespmem:$0x1FCA0];
	_ =	sdelay $0x1  }
0x1ec: {  	v26 =	vor.u32 v14, v1;
	v16 =	vor.u32 v48, v10;
	v23 =	vmul.f32 $8.000000000e+00, v25;
	v25 =	vld.idx.msk [tilespmem:v28+s12+$0x0], $0xffff  }
0x1ed: {  	v20 =	vor.u32 v49, v9;
	v28 =	vld [tilespmem:$0x1FCB0];
	v13 =	vor.u32 v13, v5  }
0x1ee: {  	v29 =	vor.u32 v29, v15  }
0x1ef: {  	v18 =	vor.u32 v18, v0  }
0x1f0: {  	[tilespmem:v19+s15+$0x0] =	vst.idx.msk $0xffff, v21;
	v21 =	vmul.f32 $8.000000000e+00, v24  }
0x1f1: {  	v26 =	vld.idx.msk [tilespmem:v26+s12+$0x0], $0xffff;
	[tilespmem:v16+s15+$0x0] =	vst.idx.msk $0xffff, v23  }
0x1f2: {  	v22 =	vmul.f32 $8.000000000e+00, v22;
	v23 =	vld.idx.msk [tilespmem:v20+s12+$0x0], $0xffff;
	v28 =	vor.u32 v28, v4;
	[tilespmem:v13+s15+$0x0] =	vst.idx.msk $0xffff, v21  }
0x1f3: {  	v21 =	vld.idx.msk [tilespmem:v29+s12+$0x0], $0xffff  }
0x1f4: {  	[tilespmem:v18+s15+$0x0] =	vst.idx.msk $0xffff, v22;
	v18 =	vld [tilespmem:$0x1FD40];
	_ =	sdelay $0x1  }
0x1f5: {  	v14 =	vld [tilespmem:$0x1FD70]  }
0x1f6: {  	v29 =	vld.idx.msk [tilespmem:v28+s12+$0x0], $0xffff  }
0x1f7: {  	v28 =	vld [tilespmem:$0x1FD50]  }
0x1f8: {  	v22 =	vor.u32 v18, v2;
	v18 =	vld [tilespmem:$0x1FCF0];
	_ =	sdelay $0x2  }
0x1f9: {  	v19 =	vor.u32 v40, v12  }
0x1fa: {  	v14 =	vor.u32 v14, v1;
	v30 =	vor.u32 v41, v11;
	v24 =	vld [tilespmem:$0x1FFA0]  }
0x1fb: {  	v16 =	vor.u32 v58, v7;
	v28 =	vor.u32 v28, v1;
	v1 =	vmovc v4;
	v18 =	vor.u32 v18, v4;
	v4 =	vld [tilespmem:$0x1FF40]  }
0x1fc: {  	v17 =	vmul.f32 $8.000000000e+00, v17;
	_ =	sdelay $0x1  }
0x1fd: {  	v27 =	vmul.f32 $8.000000000e+00, v27;
	[tilespmem:v19+s15+$0x0] =	vst.idx.msk $0xffff, v17  }
0x1fe: {  	v30 =	vld.idx.msk [tilespmem:v30+s12+$0x0], $0xffff  }
0x1ff: {  	v24 =	vor.u32 v24, v6;
	[tilespmem:v16+s15+$0x0] =	vst.idx.msk $0xffff, v27;
	v27 =	vor.u32 v4, v5;
	v4 =	vmov v6;
	v6 =	vld [tilespmem:$0x1FF10];
	_ =	sdelay $0x2  }
0x200: {  	v13 =	vld [tilespmem:$0x1FF90];
	_ =	sdelay $0x1  }
0x201: {  	v33 =	vor.u32 v6, v15;
	v6 =	vld [tilespmem:$0x1FCC0];
	_ =	sdelay $0x2  }
0x202: {  	v20 =	vor.u32 v59, v8;
	v13 =	vor.u32 v13, v3;
	_ =	sdelay $0x1  }
0x203: {  	v34 =	vor.u32 v6, v0;
	v6 =	vld [tilespmem:$0x1FCD0]  }
0x204: {  	v17 =	vmul.f32 $8.000000000e+00, v25;
	_ =	sdelay $0x1  }
0x205: {  	v20 =	vld.idx.msk [tilespmem:v20+s12+$0x0], $0xffff;
	[tilespmem:v13+s15+$0x0] =	vst.idx.msk $0xffff, v17  }
0x206: {  	v31 =	vor.u32 v50, v10;
	v19 =	vld.idx.msk [tilespmem:v24+s12+$0x0], $0xffff  }
0x207: {  	v32 =	vor.u32 v51, v9;
	v16 =	vmul.f32 $8.000000000e+00, v26;
	v24 =	vor.u32 v6, v1;
	v6 =	vld [tilespmem:$0x1FFE0];
	_ =	sdelay $0x1  }
0x208: {  	v13 =	vmul.f32 $8.000000000e+00, v23;
	[tilespmem:v22+s15+$0x0] =	vst.idx.msk $0xffff, v16  }
0x209: {  	v23 =	vmul.f32 $8.000000000e+00, v21;
	v21 =	vld.idx.msk [tilespmem:v28+s12+$0x0], $0xffff  }
0x20a: {  	[tilespmem:v31+s15+$0x0] =	vst.idx.msk $0xffff, v13;
	v13 =	vld [tilespmem:$0x1FFB0]  }
0x20b: {  	v22 =	vld.idx.msk [tilespmem:v32+s12+$0x0], $0xffff;
	[tilespmem:v27+s15+$0x0] =	vst.idx.msk $0xffff, v23;
	v16 =	vor.u32 v6, v4;
	v6 =	vmov v15;
	v15 =	vmul.f32 $8.000000000e+00, v29  }
0x20c: {  	v23 =	vld.idx.msk [tilespmem:v33+s12+$0x0], $0xffff  }
0x20d: {  	p0 =	sne.s32 s23, $0xF;
	[tilespmem:v34+s15+$0x0] =	vst.idx.msk $0xffff, v15;
	v15 =	vld [tilespmem:$0x1FD60]  }
.Ltmp2:
0x20e: {  	_ = 	snop;
	(pc) =	sbr.rel @p0 .LBB2_3-.Ltmp2, $4  }
0x20f: {  	_ = 	snop  }
0x210: {  	v25 =	vor.u32 v42, v12;
	v26 =	vor.u32 v43, v11;
	v17 =	vxor.u32 s23, v35  }
0x211: {  	v28 =	vor.u32 v60, v7;
	v31 =	vmul.f32 $8.000000000e+00, v30;
	v27 =	vor.u32 v13, v3  }
0x212: {  	s23 =	sadd.s32 $0x1, s23;
	v13 =	vand.u32 $0xF, v17;
	v29 =	vor.u32 v61, v8;
	v30 =	vor.u32 v15, v2  }
0x213: {  	_ =	sdelay $0x2  }
0x214: {  	v15 =	vmul.f32 $8.000000000e+00, v20  }
0x215: {  	[tilespmem:v25+s15+$0x0] =	vst.idx.msk $0xffff, v31  }
0x216: {  	v19 =	vmul.f32 $8.000000000e+00, v19;
	[tilespmem:v28+s15+$0x0] =	vst.idx.msk $0xffff, v15  }
0x217: {  	v33 =	vld [tilespmem:$0x1FF20]  }
0x218: {  	v32 =	vld [tilespmem:$0x1FF30];
	[tilespmem:v27+s15+$0x0] =	vst.idx.msk $0xffff, v19  }
0x219: {  	v19 =	vld [tilespmem:$0x1FCE0]  }
0x21a: {  	v21 =	vmul.f32 $8.000000000e+00, v21;
	_ =	sdelay $0x1  }
0x21b: {  	v24 =	vld.idx.msk [tilespmem:v24+s12+$0x0], $0xffff;
	[tilespmem:v30+s15+$0x0] =	vst.idx.msk $0xffff, v21  }
0x21c: {  	v20 =	vor.u32 v36, v13;
	v14 =	vld.idx.msk [tilespmem:v14+s12+$0x0], $0xffff  }
0x21d: {  	v19 =	vor.u32 v19, v0  }
0x21e: {  	v26 =	vld.idx.msk [tilespmem:v26+s12+$0x0], $0xffff  }
0x21f: {  	v28 =	vld.idx.msk [tilespmem:v29+s12+$0x0], $0xffff;
	v15 =	vor.u32 v33, v5  }
0x220: {  	v16 =	vld.idx.msk [tilespmem:v16+s12+$0x0], $0xffff;
	v24 =	vmul.f32 $8.000000000e+00, v24  }
0x221: {  	v31 =	vor.u32 v52, v10;
	v20 =	vld.idx.msk [tilespmem:v20+s12+$0x0], $0xffff;
	[tilespmem:$0x1FC40] =	vst v14  }
0x222: {  	v25 =	vor.u32 v53, v9;
	v23 =	vmul.f32 $8.000000000e+00, v23;
	v17 =	vshll.u32 v17, $0x7;
	[tilespmem:v19+s15+$0x0] =	vst.idx.msk $0xffff, v24  }
0x223: {  	v34 =	vand.u32 $0x780, v17;
	v29 =	vor.u32 v32, v6;
	v14 =	vld.idx.msk [tilespmem:v18+s12+$0x0], $0xffff  }
0x224: {  	v22 =	vmul.f32 $8.000000000e+00, v22;
	[tilespmem:v15+s15+$0x0] =	vst.idx.msk $0xffff, v23;
	v23 =	vmul.f32 $8.000000000e+00, v26;
	v26 =	vor.u32 v35, v34  }
0x225: {  	v19 =	vor.u32 v37, v13  }
0x226: {  	[tilespmem:v31+s15+$0x0] =	vst.idx.msk $0xffff, v22  }
0x227: {  	v27 =	vor.u32 v44, v12;
	v20 =	vmul.f32 $8.000000000e+00, v20;
	v25 =	vld.idx.msk [tilespmem:v25+s12+$0x0], $0xffff  }
0x228: {  	v21 =	vor.u32 v45, v11;
	v17 =	vld.idx.msk [tilespmem:v29+s12+$0x0], $0xffff;
	[tilespmem:$0x1FC30] =	vst v14  }
0x229: {  	[tilespmem:v26+s15+$0x0] =	vst.idx.msk $0xffff, v20  }
0x22a: {  	v19 =	vld.idx.msk [tilespmem:v19+s12+$0x0], $0xffff;
	_ =	sdelay $0x1  }
0x22b: {  	[tilespmem:v27+s15+$0x0] =	vst.idx.msk $0xffff, v23;
	v20 =	vor.u32 v38, v34  }
0x22c: {  	v18 =	vld.idx.msk [tilespmem:v21+s12+$0x0], $0xffff;
	v21 =	vor.u32 v39, v13;
	_ =	sdelay $0x1  }
0x22d: {  	v19 =	vmul.f32 $8.000000000e+00, v19;
	_ =	sdelay $0x1  }
0x22e: {  	[tilespmem:v20+s15+$0x0] =	vst.idx.msk $0xffff, v19  }
0x22f: {  	v19 =	vld.idx.msk [tilespmem:v21+s12+$0x0], $0xffff;
	_ =	sdelay $0x1  }
0x230: {  	v20 =	vor.u32 v40, v34  }
0x231: {  	v21 =	vor.u32 v41, v13;
	_ =	sdelay $0x1  }
0x232: {  	v19 =	vmul.f32 $8.000000000e+00, v19;
	_ =	sdelay $0x1  }
0x233: {  	[tilespmem:v20+s15+$0x0] =	vst.idx.msk $0xffff, v19  }
0x234: {  	v19 =	vld.idx.msk [tilespmem:v21+s12+$0x0], $0xffff;
	_ =	sdelay $0x1  }
0x235: {  	v20 =	vor.u32 v42, v34  }
0x236: {  	v21 =	vor.u32 v43, v13;
	_ =	sdelay $0x1  }
0x237: {  	v19 =	vmul.f32 $8.000000000e+00, v19;
	_ =	sdelay $0x1  }
0x238: {  	[tilespmem:v20+s15+$0x0] =	vst.idx.msk $0xffff, v19  }
0x239: {  	v19 =	vld.idx.msk [tilespmem:v21+s12+$0x0], $0xffff;
	_ =	sdelay $0x1  }
0x23a: {  	v20 =	vor.u32 v44, v34  }
0x23b: {  	v21 =	vor.u32 v45, v13;
	_ =	sdelay $0x1  }
0x23c: {  	v22 =	vor.u32 v62, v7;
	v19 =	vmul.f32 $8.000000000e+00, v19;
	_ =	sdelay $0x1  }
0x23d: {  	[tilespmem:v20+s15+$0x0] =	vst.idx.msk $0xffff, v19  }
0x23e: {  	v24 =	vmul.f32 $8.000000000e+00, v28;
	v19 =	vld.idx.msk [tilespmem:v21+s12+$0x0], $0xffff  }
0x23f: {  	v20 =	vor.u32 v46, v12  }
0x240: {  	[tilespmem:v22+s15+$0x0] =	vst.idx.msk $0xffff, v24;
	v22 =	vor.u32 v46, v34;
	v21 =	vor.u32 v47, v11  }
0x241: {  	v23 =	vor.u32 v47, v13  }
0x242: {  	v18 =	vmul.f32 $8.000000000e+00, v18  }
0x243: {  	v19 =	vmul.f32 $8.000000000e+00, v19  }
0x244: {  	[tilespmem:v20+s15+$0x0] =	vst.idx.msk $0xffff, v18  }
0x245: {  	v18 =	vld.idx.msk [tilespmem:v21+s12+$0x0], $0xffff;
	[tilespmem:v22+s15+$0x0] =	vst.idx.msk $0xffff, v19  }
0x246: {  	v19 =	vld.idx.msk [tilespmem:v23+s12+$0x0], $0xffff  }
0x247: {  	v20 =	vor.u32 v48, v12  }
0x248: {  	v21 =	vor.u32 v49, v11;
	v22 =	vor.u32 v48, v34  }
0x249: {  	v23 =	vor.u32 v49, v13  }
0x24a: {  	v18 =	vmul.f32 $8.000000000e+00, v18  }
0x24b: {  	v19 =	vmul.f32 $8.000000000e+00, v19  }
0x24c: {  	[tilespmem:v20+s15+$0x0] =	vst.idx.msk $0xffff, v18  }
0x24d: {  	v18 =	vld.idx.msk [tilespmem:v21+s12+$0x0], $0xffff;
	[tilespmem:v22+s15+$0x0] =	vst.idx.msk $0xffff, v19  }
0x24e: {  	v19 =	vld.idx.msk [tilespmem:v23+s12+$0x0], $0xffff  }
0x24f: {  	v20 =	vor.u32 v50, v12  }
0x250: {  	v21 =	vor.u32 v51, v11;
	v22 =	vor.u32 v50, v34  }
0x251: {  	v23 =	vor.u32 v51, v13  }
0x252: {  	v18 =	vmul.f32 $8.000000000e+00, v18  }
0x253: {  	v19 =	vmul.f32 $8.000000000e+00, v19  }
0x254: {  	[tilespmem:v20+s15+$0x0] =	vst.idx.msk $0xffff, v18  }
0x255: {  	v18 =	vld.idx.msk [tilespmem:v21+s12+$0x0], $0xffff;
	[tilespmem:v22+s15+$0x0] =	vst.idx.msk $0xffff, v19  }
0x256: {  	v19 =	vld.idx.msk [tilespmem:v23+s12+$0x0], $0xffff  }
0x257: {  	v20 =	vor.u32 v52, v12  }
0x258: {  	v21 =	vor.u32 v53, v11;
	v22 =	vor.u32 v52, v34  }
0x259: {  	v23 =	vor.u32 v53, v13  }
0x25a: {  	v18 =	vmul.f32 $8.000000000e+00, v18  }
0x25b: {  	v19 =	vmul.f32 $8.000000000e+00, v19  }
0x25c: {  	[tilespmem:v20+s15+$0x0] =	vst.idx.msk $0xffff, v18  }
0x25d: {  	v18 =	vld.idx.msk [tilespmem:v21+s12+$0x0], $0xffff;
	[tilespmem:v22+s15+$0x0] =	vst.idx.msk $0xffff, v19  }
0x25e: {  	v19 =	vor.u32 v54, v10;
	v20 =	vld.idx.msk [tilespmem:v23+s12+$0x0], $0xffff  }
0x25f: {  	v21 =	vor.u32 v55, v9;
	v22 =	vor.u32 v54, v12  }
0x260: {  	v24 =	vor.u32 v54, v34;
	v23 =	vor.u32 v55, v11  }
0x261: {  	v25 =	vmul.f32 $8.000000000e+00, v25;
	v26 =	vor.u32 v55, v13  }
0x262: {  	v18 =	vmul.f32 $8.000000000e+00, v18  }
0x263: {  	[tilespmem:v19+s15+$0x0] =	vst.idx.msk $0xffff, v25;
	v19 =	vmul.f32 $8.000000000e+00, v20  }
0x264: {  	[tilespmem:v22+s15+$0x0] =	vst.idx.msk $0xffff, v18;
	v20 =	vld.idx.msk [tilespmem:v21+s12+$0x0], $0xffff  }
0x265: {  	v18 =	vld.idx.msk [tilespmem:v23+s12+$0x0], $0xffff;
	[tilespmem:v24+s15+$0x0] =	vst.idx.msk $0xffff, v19  }
0x266: {  	v19 =	vor.u32 v56, v10;
	v21 =	vld.idx.msk [tilespmem:v26+s12+$0x0], $0xffff  }
0x267: {  	v22 =	vor.u32 v57, v9;
	v23 =	vor.u32 v56, v12  }
0x268: {  	v25 =	vor.u32 v56, v34;
	v24 =	vor.u32 v57, v11  }
0x269: {  	v26 =	vor.u32 v57, v13;
	v20 =	vmul.f32 $8.000000000e+00, v20  }
0x26a: {  	v18 =	vmul.f32 $8.000000000e+00, v18  }
0x26b: {  	[tilespmem:v19+s15+$0x0] =	vst.idx.msk $0xffff, v20;
	v19 =	vmul.f32 $8.000000000e+00, v21  }
0x26c: {  	[tilespmem:v23+s15+$0x0] =	vst.idx.msk $0xffff, v18;
	v20 =	vld.idx.msk [tilespmem:v22+s12+$0x0], $0xffff  }
0x26d: {  	v18 =	vld.idx.msk [tilespmem:v24+s12+$0x0], $0xffff;
	[tilespmem:v25+s15+$0x0] =	vst.idx.msk $0xffff, v19  }
0x26e: {  	v19 =	vor.u32 v58, v10;
	v21 =	vld.idx.msk [tilespmem:v26+s12+$0x0], $0xffff  }
0x26f: {  	v23 =	vor.u32 v58, v12;
	v22 =	vor.u32 v59, v9  }
0x270: {  	v24 =	vor.u32 v59, v11;
	v25 =	vor.u32 v58, v34  }
0x271: {  	v26 =	vor.u32 v59, v13;
	v20 =	vmul.f32 $8.000000000e+00, v20  }
0x272: {  	v18 =	vmul.f32 $8.000000000e+00, v18  }
0x273: {  	[tilespmem:v19+s15+$0x0] =	vst.idx.msk $0xffff, v20;
	v19 =	vmul.f32 $8.000000000e+00, v21  }
0x274: {  	[tilespmem:v23+s15+$0x0] =	vst.idx.msk $0xffff, v18;
	v20 =	vld.idx.msk [tilespmem:v22+s12+$0x0], $0xffff  }
0x275: {  	v18 =	vld.idx.msk [tilespmem:v24+s12+$0x0], $0xffff;
	[tilespmem:v25+s15+$0x0] =	vst.idx.msk $0xffff, v19  }
0x276: {  	v19 =	vor.u32 v60, v10;
	v21 =	vld.idx.msk [tilespmem:v26+s12+$0x0], $0xffff  }
0x277: {  	v23 =	vor.u32 v60, v12;
	v22 =	vor.u32 v61, v9  }
0x278: {  	v24 =	vor.u32 v61, v11;
	v25 =	vor.u32 v60, v34  }
0x279: {  	v26 =	vor.u32 v61, v13;
	v20 =	vmul.f32 $8.000000000e+00, v20  }
0x27a: {  	v18 =	vmul.f32 $8.000000000e+00, v18  }
0x27b: {  	[tilespmem:v19+s15+$0x0] =	vst.idx.msk $0xffff, v20;
	v19 =	vmul.f32 $8.000000000e+00, v21  }
0x27c: {  	[tilespmem:v23+s15+$0x0] =	vst.idx.msk $0xffff, v18;
	v20 =	vld.idx.msk [tilespmem:v22+s12+$0x0], $0xffff  }
0x27d: {  	v18 =	vld.idx.msk [tilespmem:v24+s12+$0x0], $0xffff;
	[tilespmem:v25+s15+$0x0] =	vst.idx.msk $0xffff, v19  }
0x27e: {  	v21 =	vor.u32 v62, v10;
	v22 =	vld.idx.msk [tilespmem:v26+s12+$0x0], $0xffff  }
0x27f: {  	v24 =	vor.u32 v62, v12  }
0x280: {  	v26 =	vor.u32 v62, v34  }
0x281: {  	v20 =	vmul.f32 $8.000000000e+00, v20  }
0x282: {  	v18 =	vmul.f32 $8.000000000e+00, v18  }
0x283: {  	v19 =	vor.u32 v63, v8;
	[tilespmem:v21+s15+$0x0] =	vst.idx.msk $0xffff, v20;
	v20 =	vmul.f32 $8.000000000e+00, v22  }
0x284: {  	v23 =	vor.u32 v63, v9;
	[tilespmem:v24+s15+$0x0] =	vst.idx.msk $0xffff, v18  }
0x285: {  	v25 =	vor.u32 v63, v11;
	v15 =	vld [tilespmem:$0x1FED0];
	[tilespmem:v26+s15+$0x0] =	vst.idx.msk $0xffff, v20  }
0x286: {  	v27 =	vor.u32 v63, v13;
	v14 =	vld [tilespmem:$0x1FEE0];
	_ =	sdelay $0x1  }
0x287: {  	v19 =	vld.idx.msk [tilespmem:v19+s12+$0x0], $0xffff  }
0x288: {  	v21 =	vld.idx.msk [tilespmem:v23+s12+$0x0], $0xffff  }
0x289: {  	v22 =	vld.idx.msk [tilespmem:v25+s12+$0x0], $0xffff;
	v18 =	vor.u32 v15, v7  }
0x28a: {  	v24 =	vld.idx.msk [tilespmem:v27+s12+$0x0], $0xffff;
	v23 =	vor.u32 v15, v10;
	v20 =	vor.u32 v14, v8  }
0x28b: {  	v26 =	vor.u32 v15, v12  }
0x28c: {  	v19 =	vmul.f32 $8.000000000e+00, v19;
	v28 =	vor.u32 v15, v34  }
0x28d: {  	v21 =	vmul.f32 $8.000000000e+00, v21  }
0x28e: {  	[tilespmem:v18+s15+$0x0] =	vst.idx.msk $0xffff, v19;
	v18 =	vmul.f32 $8.000000000e+00, v22  }
0x28f: {  	[tilespmem:v23+s15+$0x0] =	vst.idx.msk $0xffff, v21;
	v19 =	vld.idx.msk [tilespmem:v20+s12+$0x0], $0xffff;
	v20 =	vmul.f32 $8.000000000e+00, v24  }
0x290: {  	v25 =	vor.u32 v14, v9;
	[tilespmem:v26+s15+$0x0] =	vst.idx.msk $0xffff, v18  }
0x291: {  	v27 =	vor.u32 v14, v11;
	v15 =	vld [tilespmem:$0x1FEF0];
	[tilespmem:v28+s15+$0x0] =	vst.idx.msk $0xffff, v20  }
0x292: {  	v29 =	vor.u32 v14, v13;
	v14 =	vld [tilespmem:$0x1FF00];
	_ =	sdelay $0x2  }
0x293: {  	v21 =	vld.idx.msk [tilespmem:v25+s12+$0x0], $0xffff  }
0x294: {  	v22 =	vld.idx.msk [tilespmem:v27+s12+$0x0], $0xffff;
	v18 =	vor.u32 v15, v7  }
0x295: {  	v24 =	vld.idx.msk [tilespmem:v29+s12+$0x0], $0xffff;
	v23 =	vor.u32 v15, v10;
	v20 =	vor.u32 v14, v8  }
0x296: {  	v26 =	vor.u32 v15, v12  }
0x297: {  	v19 =	vmul.f32 $8.000000000e+00, v19;
	v28 =	vor.u32 v15, v34  }
0x298: {  	v21 =	vmul.f32 $8.000000000e+00, v21  }
0x299: {  	[tilespmem:v18+s15+$0x0] =	vst.idx.msk $0xffff, v19;
	v18 =	vmul.f32 $8.000000000e+00, v22  }
0x29a: {  	[tilespmem:v23+s15+$0x0] =	vst.idx.msk $0xffff, v21;
	v19 =	vld.idx.msk [tilespmem:v20+s12+$0x0], $0xffff;
	v20 =	vmul.f32 $8.000000000e+00, v24  }
0x29b: {  	[tilespmem:v26+s15+$0x0] =	vst.idx.msk $0xffff, v18  }
0x29c: {  	v15 =	vld [tilespmem:$0x1FF40];
	[tilespmem:v28+s15+$0x0] =	vst.idx.msk $0xffff, v20  }
0x29d: {  	v25 =	vor.u32 v14, v9;
	v27 =	vor.u32 v14, v11;
	v29 =	vor.u32 v14, v13;
	v14 =	vld [tilespmem:$0x1FF10];
	_ =	sdelay $0x3  }
0x29e: {  	v18 =	vor.u32 v15, v7  }
0x29f: {  	v22 =	vld.idx.msk [tilespmem:v27+s12+$0x0], $0xffff;
	v20 =	vor.u32 v14, v8;
	_ =	sdelay $0x1  }
0x2a0: {  	v26 =	vor.u32 v15, v12;
	v19 =	vmul.f32 $8.000000000e+00, v19  }
0x2a1: {  	v21 =	vld.idx.msk [tilespmem:v25+s12+$0x0], $0xffff  }
0x2a2: {  	v24 =	vld.idx.msk [tilespmem:v29+s12+$0x0], $0xffff;
	[tilespmem:v18+s15+$0x0] =	vst.idx.msk $0xffff, v19  }
0x2a3: {  	v23 =	vor.u32 v15, v10;
	v18 =	vmul.f32 $8.000000000e+00, v22;
	v19 =	vld.idx.msk [tilespmem:v20+s12+$0x0], $0xffff  }
0x2a4: {  	v28 =	vor.u32 v15, v34;
	v25 =	vor.u32 v14, v9  }
0x2a5: {  	v27 =	vor.u32 v14, v11;
	[tilespmem:v26+s15+$0x0] =	vst.idx.msk $0xffff, v18;
	v18 =	vor.u32 v33, v7  }
0x2a6: {  	v21 =	vmul.f32 $8.000000000e+00, v21  }
0x2a7: {  	v20 =	vmul.f32 $8.000000000e+00, v24  }
0x2a8: {  	[tilespmem:v23+s15+$0x0] =	vst.idx.msk $0xffff, v21;
	v19 =	vmul.f32 $8.000000000e+00, v19  }
0x2a9: {  	v21 =	vld.idx.msk [tilespmem:v25+s12+$0x0], $0xffff;
	[tilespmem:v28+s15+$0x0] =	vst.idx.msk $0xffff, v20  }
0x2aa: {  	v29 =	vor.u32 v14, v13;
	v22 =	vld.idx.msk [tilespmem:v27+s12+$0x0], $0xffff;
	[tilespmem:v18+s15+$0x0] =	vst.idx.msk $0xffff, v19  }
0x2ab: {  	v23 =	vor.u32 v33, v10;
	v20 =	vor.u32 v32, v8;
	v15 =	vld [tilespmem:$0x1FF50];
	_ =	sdelay $0x1  }
0x2ac: {  	v26 =	vor.u32 v33, v12  }
0x2ad: {  	v21 =	vmul.f32 $8.000000000e+00, v21  }
0x2ae: {  	v25 =	vor.u32 v32, v9;
	v24 =	vld.idx.msk [tilespmem:v29+s12+$0x0], $0xffff  }
0x2af: {  	v18 =	vmul.f32 $8.000000000e+00, v22;
	v20 =	vld.idx.msk [tilespmem:v20+s12+$0x0], $0xffff;
	[tilespmem:v23+s15+$0x0] =	vst.idx.msk $0xffff, v21;
	v19 =	vor.u32 v15, v5  }
0x2b0: {  	v27 =	vor.u32 v32, v11;
	v28 =	vor.u32 v33, v34;
	v14 =	vld [tilespmem:$0x1FF60]  }
0x2b1: {  	v29 =	vor.u32 v32, v13;
	[tilespmem:v26+s15+$0x0] =	vst.idx.msk $0xffff, v18;
	v18 =	vor.u32 v15, v7  }
0x2b2: {  	v17 =	vmul.f32 $8.000000000e+00, v17  }
0x2b3: {  	v21 =	vmul.f32 $8.000000000e+00, v24  }
0x2b4: {  	v23 =	vld.idx.msk [tilespmem:v25+s12+$0x0], $0xffff;
	[tilespmem:v19+s15+$0x0] =	vst.idx.msk $0xffff, v17;
	v17 =	vmul.f32 $8.000000000e+00, v20  }
0x2b5: {  	v24 =	vld.idx.msk [tilespmem:v27+s12+$0x0], $0xffff;
	[tilespmem:v28+s15+$0x0] =	vst.idx.msk $0xffff, v21;
	v22 =	vor.u32 v14, v6  }
0x2b6: {  	v26 =	vld.idx.msk [tilespmem:v29+s12+$0x0], $0xffff;
	v25 =	vor.u32 v15, v10;
	v21 =	vor.u32 v14, v8;
	[tilespmem:v18+s15+$0x0] =	vst.idx.msk $0xffff, v17  }
0x2b7: {  	v27 =	vor.u32 v14, v9;
	v29 =	vor.u32 v14, v13;
	v19 =	vor.u32 v14, v11;
	v14 =	vld [tilespmem:$0x1FF70];
	_ =	sdelay $0x1  }
0x2b8: {  	v28 =	vor.u32 v15, v12;
	v23 =	vmul.f32 $8.000000000e+00, v23  }
0x2b9: {  	v20 =	vor.u32 v15, v34;
	v22 =	vld.idx.msk [tilespmem:v22+s12+$0x0], $0xffff  }
0x2ba: {  	v21 =	vld.idx.msk [tilespmem:v21+s12+$0x0], $0xffff;
	[tilespmem:v25+s15+$0x0] =	vst.idx.msk $0xffff, v23  }
0x2bb: {  	v17 =	vmul.f32 $8.000000000e+00, v24;
	v15 =	vld [tilespmem:$0x1FF80];
	v18 =	vor.u32 v14, v5  }
0x2bc: {  	v23 =	vmul.f32 $8.000000000e+00, v26;
	v25 =	vld.idx.msk [tilespmem:v27+s12+$0x0], $0xffff  }
0x2bd: {  	[tilespmem:v28+s15+$0x0] =	vst.idx.msk $0xffff, v17;
	v17 =	vor.u32 v14, v7  }
0x2be: {  	[tilespmem:v20+s15+$0x0] =	vst.idx.msk $0xffff, v23;
	v20 =	vmul.f32 $8.000000000e+00, v22;
	v23 =	vor.u32 v14, v10;
	_ =	sdelay $0x1  }
0x2bf: {  	v24 =	vor.u32 v15, v6;
	[tilespmem:v18+s15+$0x0] =	vst.idx.msk $0xffff, v20;
	v18 =	vmul.f32 $8.000000000e+00, v21  }
0x2c0: {  	v19 =	vld.idx.msk [tilespmem:v19+s12+$0x0], $0xffff;
	v22 =	vor.u32 v15, v8;
	v25 =	vmul.f32 $8.000000000e+00, v25  }
0x2c1: {  	v26 =	vld.idx.msk [tilespmem:v29+s12+$0x0], $0xffff;
	v28 =	vor.u32 v14, v12;
	v27 =	vor.u32 v15, v9;
	[tilespmem:v17+s15+$0x0] =	vst.idx.msk $0xffff, v18  }
0x2c2: {  	v29 =	vor.u32 v15, v13;
	v20 =	vor.u32 v15, v11;
	v15 =	vld [tilespmem:$0x1FF90];
	[tilespmem:v23+s15+$0x0] =	vst.idx.msk $0xffff, v25  }
0x2c3: {  	v32 =	vld [tilespmem:$0x1FFD0]  }
0x2c4: {  	v24 =	vld.idx.msk [tilespmem:v24+s12+$0x0], $0xffff  }
0x2c5: {  	v21 =	vor.u32 v14, v34;
	v17 =	vmul.f32 $8.000000000e+00, v19;
	v19 =	vld.idx.msk [tilespmem:v22+s12+$0x0], $0xffff  }
0x2c6: {  	v31 =	vld [tilespmem:$0x1FFA0]  }
0x2c7: {  	v22 =	vmul.f32 $8.000000000e+00, v26;
	v26 =	vld.idx.msk [tilespmem:v27+s12+$0x0], $0xffff;
	[tilespmem:v28+s15+$0x0] =	vst.idx.msk $0xffff, v17;
	v18 =	vor.u32 v15, v5  }
0x2c8: {  	v14 =	vld [tilespmem:$0x1FC70];
	v23 =	vor.u32 v32, v3  }
0x2c9: {  	v27 =	vor.u32 v15, v7  }
0x2ca: {  	[tilespmem:v21+s15+$0x0] =	vst.idx.msk $0xffff, v22;
	v21 =	vmul.f32 $8.000000000e+00, v24;
	v24 =	vor.u32 v15, v10  }
0x2cb: {  	v16 =	vmul.f32 $8.000000000e+00, v16  }
0x2cc: {  	v25 =	vor.u32 v31, v6;
	[tilespmem:v18+s15+$0x0] =	vst.idx.msk $0xffff, v21;
	v18 =	vmul.f32 $8.000000000e+00, v19  }
0x2cd: {  	v20 =	vld.idx.msk [tilespmem:v20+s12+$0x0], $0xffff;
	v17 =	vor.u32 v14, v4;
	[tilespmem:v23+s15+$0x0] =	vst.idx.msk $0xffff, v16;
	v23 =	vmul.f32 $8.000000000e+00, v26  }
0x2ce: {  	v28 =	vld.idx.msk [tilespmem:v29+s12+$0x0], $0xffff;
	v22 =	vor.u32 v31, v8;
	[tilespmem:v27+s15+$0x0] =	vst.idx.msk $0xffff, v18  }
0x2cf: {  	v30 =	vor.u32 v15, v12;
	v21 =	vor.u32 v15, v34;
	v15 =	vld [tilespmem:$0x1FFB0];
	[tilespmem:v24+s15+$0x0] =	vst.idx.msk $0xffff, v23  }
0x2d0: {  	v29 =	vor.u32 v31, v9;
	v19 =	vld [tilespmem:$0x1FC80]  }
0x2d1: {  	v16 =	vld.idx.msk [tilespmem:v25+s12+$0x0], $0xffff  }
0x2d2: {  	v17 =	vld.idx.msk [tilespmem:v17+s12+$0x0], $0xffff  }
0x2d3: {  	v18 =	vmul.f32 $8.000000000e+00, v20;
	v22 =	vld.idx.msk [tilespmem:v22+s12+$0x0], $0xffff  }
0x2d4: {  	v14 =	vor.u32 v31, v11;
	v25 =	vor.u32 v31, v13;
	v31 =	vld [tilespmem:$0x1FFE0];
	v20 =	vor.u32 v15, v5  }
0x2d5: {  	v23 =	vmul.f32 $8.000000000e+00, v28;
	v27 =	vld.idx.msk [tilespmem:v29+s12+$0x0], $0xffff;
	[tilespmem:v30+s15+$0x0] =	vst.idx.msk $0xffff, v18;
	v24 =	vor.u32 v19, v3  }
0x2d6: {  	v28 =	vor.u32 v15, v7;
	v19 =	vld [tilespmem:$0x1FC90]  }
0x2d7: {  	v16 =	vmul.f32 $8.000000000e+00, v16;
	[tilespmem:v21+s15+$0x0] =	vst.idx.msk $0xffff, v23;
	v23 =	vor.u32 v15, v10  }
0x2d8: {  	v17 =	vmul.f32 $8.000000000e+00, v17  }
0x2d9: {  	v26 =	vor.u32 v31, v6;
	[tilespmem:v20+s15+$0x0] =	vst.idx.msk $0xffff, v16;
	v16 =	vmul.f32 $8.000000000e+00, v22  }
0x2da: {  	v21 =	vor.u32 v31, v8;
	[tilespmem:v24+s15+$0x0] =	vst.idx.msk $0xffff, v17;
	v24 =	vmul.f32 $8.000000000e+00, v27  }
0x2db: {  	v14 =	vld.idx.msk [tilespmem:v14+s12+$0x0], $0xffff;
	v18 =	vor.u32 v19, v4;
	[tilespmem:v28+s15+$0x0] =	vst.idx.msk $0xffff, v16  }
0x2dc: {  	v25 =	vld.idx.msk [tilespmem:v25+s12+$0x0], $0xffff;
	[tilespmem:v23+s15+$0x0] =	vst.idx.msk $0xffff, v24  }
0x2dd: {  	v30 =	vor.u32 v15, v12;
	v29 =	vor.u32 v31, v9;
	v33 =	vld [tilespmem:$0x1FCA0]  }
0x2de: {  	v17 =	vld.idx.msk [tilespmem:v26+s12+$0x0], $0xffff  }
0x2df: {  	v22 =	vor.u32 v15, v34;
	v21 =	vld.idx.msk [tilespmem:v21+s12+$0x0], $0xffff  }
0x2e0: {  	v16 =	vmul.f32 $8.000000000e+00, v14;
	v18 =	vld.idx.msk [tilespmem:v18+s12+$0x0], $0xffff  }
0x2e1: {  	v20 =	vor.u32 v31, v11;
	v15 =	vor.u32 v32, v5;
	v14 =	vld [tilespmem:$0x1FC70]  }
0x2e2: {  	v23 =	vmul.f32 $8.000000000e+00, v25;
	v27 =	vld.idx.msk [tilespmem:v29+s12+$0x0], $0xffff;
	[tilespmem:v30+s15+$0x0] =	vst.idx.msk $0xffff, v16;
	v24 =	vor.u32 v33, v3  }
0x2e3: {  	v26 =	vor.u32 v31, v13;
	v31 =	vor.u32 v32, v7;
	v16 =	vld [tilespmem:$0x1FCB0]  }
0x2e4: {  	[tilespmem:v22+s15+$0x0] =	vst.idx.msk $0xffff, v23;
	v23 =	vor.u32 v32, v10;
	v17 =	vmul.f32 $8.000000000e+00, v17  }
0x2e5: {  	v18 =	vmul.f32 $8.000000000e+00, v18  }
0x2e6: {  	[tilespmem:v15+s15+$0x0] =	vst.idx.msk $0xffff, v17;
	v17 =	vmul.f32 $8.000000000e+00, v21  }
0x2e7: {  	v20 =	vld.idx.msk [tilespmem:v20+s12+$0x0], $0xffff;
	v25 =	vor.u32 v14, v6;
	[tilespmem:v24+s15+$0x0] =	vst.idx.msk $0xffff, v18;
	v24 =	vmul.f32 $8.000000000e+00, v27  }
0x2e8: {  	v26 =	vld.idx.msk [tilespmem:v26+s12+$0x0], $0xffff;
	v16 =	vor.u32 v16, v4;
	[tilespmem:v31+s15+$0x0] =	vst.idx.msk $0xffff, v17  }
0x2e9: {  	v22 =	vor.u32 v14, v8;
	v15 =	vld [tilespmem:$0x1FC80];
	[tilespmem:v23+s15+$0x0] =	vst.idx.msk $0xffff, v24  }
0x2ea: {  	v30 =	vor.u32 v32, v12;
	v21 =	vor.u32 v32, v34;
	v29 =	vor.u32 v14, v9;
	v32 =	vld [tilespmem:$0x1FCC0];
	_ =	sdelay $0x1  }
0x2eb: {  	v18 =	vld.idx.msk [tilespmem:v25+s12+$0x0], $0xffff  }
0x2ec: {  	v16 =	vld.idx.msk [tilespmem:v16+s12+$0x0], $0xffff  }
0x2ed: {  	v28 =	vor.u32 v14, v11;
	v17 =	vmul.f32 $8.000000000e+00, v20;
	v22 =	vld.idx.msk [tilespmem:v22+s12+$0x0], $0xffff;
	v20 =	vor.u32 v15, v5  }
0x2ee: {  	v25 =	vor.u32 v14, v13;
	v23 =	vmul.f32 $8.000000000e+00, v26;
	v27 =	vld.idx.msk [tilespmem:v29+s12+$0x0], $0xffff;
	v24 =	vor.u32 v32, v3  }
0x2ef: {  	[tilespmem:v30+s15+$0x0] =	vst.idx.msk $0xffff, v17;
	v17 =	vor.u32 v15, v7  }
0x2f0: {  	[tilespmem:v21+s15+$0x0] =	vst.idx.msk $0xffff, v23;
	v18 =	vmul.f32 $8.000000000e+00, v18;
	v23 =	vor.u32 v15, v10  }
0x2f1: {  	v16 =	vmul.f32 $8.000000000e+00, v16  }
0x2f2: {  	v26 =	vor.u32 v19, v6;
	v30 =	vld.idx.msk [tilespmem:v28+s12+$0x0], $0xffff;
	[tilespmem:v20+s15+$0x0] =	vst.idx.msk $0xffff, v18;
	v18 =	vmul.f32 $8.000000000e+00, v22  }
0x2f3: {  	v21 =	vor.u32 v19, v8;
	v25 =	vld.idx.msk [tilespmem:v25+s12+$0x0], $0xffff;
	[tilespmem:v24+s15+$0x0] =	vst.idx.msk $0xffff, v16;
	v24 =	vmul.f32 $8.000000000e+00, v27  }
0x2f4: {  	v29 =	vor.u32 v15, v12;
	v14 =	vld [tilespmem:$0x1FCD0];
	[tilespmem:v17+s15+$0x0] =	vst.idx.msk $0xffff, v18  }
0x2f5: {  	v22 =	vor.u32 v15, v34;
	[tilespmem:v23+s15+$0x0] =	vst.idx.msk $0xffff, v24  }
0x2f6: {  	v15 =	vld [tilespmem:$0x1FD00]  }
0x2f7: {  	v28 =	vor.u32 v19, v9;
	v16 =	vld.idx.msk [tilespmem:v26+s12+$0x0], $0xffff;
	v17 =	vmul.f32 $8.000000000e+00, v30  }
0x2f8: {  	v20 =	vor.u32 v19, v11;
	v26 =	vor.u32 v19, v13;
	v19 =	vld.idx.msk [tilespmem:v21+s12+$0x0], $0xffff;
	v21 =	vmul.f32 $8.000000000e+00, v25  }
0x2f9: {  	v30 =	vld [tilespmem:$0x1FCB0];
	[tilespmem:v29+s15+$0x0] =	vst.idx.msk $0xffff, v17  }
0x2fa: {  	[tilespmem:v22+s15+$0x0] =	vst.idx.msk $0xffff, v21  }
0x2fb: {  	v23 =	vor.u32 v15, v0;
	v15 =	vld [tilespmem:$0x1FC30]  }
0x2fc: {  	v18 =	vor.u32 v33, v5;
	_ =	sdelay $0x2  }
0x2fd: {  	v16 =	vmul.f32 $8.000000000e+00, v16;
	v27 =	vor.u32 v14, v4  }
0x2fe: {  	v25 =	vld.idx.msk [tilespmem:v28+s12+$0x0], $0xffff;
	v24 =	vor.u32 v30, v6;
	v15 =	vmul.f32 $8.000000000e+00, v15  }
0x2ff: {  	v17 =	vor.u32 v33, v7;
	v20 =	vld.idx.msk [tilespmem:v20+s12+$0x0], $0xffff;
	[tilespmem:v18+s15+$0x0] =	vst.idx.msk $0xffff, v16  }
0x300: {  	v26 =	vld.idx.msk [tilespmem:v26+s12+$0x0], $0xffff;
	v21 =	vor.u32 v30, v8;
	[tilespmem:v23+s15+$0x0] =	vst.idx.msk $0xffff, v15  }
0x301: {  	v22 =	vor.u32 v33, v10;
	v31 =	vld [tilespmem:$0x1FCE0]  }
0x302: {  	v29 =	vor.u32 v33, v12;
	v16 =	vmul.f32 $8.000000000e+00, v19;
	v27 =	vld.idx.msk [tilespmem:v27+s12+$0x0], $0xffff  }
0x303: {  	v15 =	vld.idx.msk [tilespmem:v24+s12+$0x0], $0xffff  }
0x304: {  	v28 =	vor.u32 v30, v9;
	v19 =	vor.u32 v33, v34;
	v23 =	vmul.f32 $8.000000000e+00, v25;
	v25 =	vld [tilespmem:$0x1FD10];
	[tilespmem:v17+s15+$0x0] =	vst.idx.msk $0xffff, v16  }
0x305: {  	v18 =	vor.u32 v30, v11;
	v16 =	vmul.f32 $8.000000000e+00, v20;
	v17 =	vor.u32 v32, v5;
	v20 =	vld.idx.msk [tilespmem:v21+s12+$0x0], $0xffff  }
0x306: {  	v24 =	vor.u32 v30, v13;
	[tilespmem:v22+s15+$0x0] =	vst.idx.msk $0xffff, v23;
	v30 =	vor.u32 v31, v3  }
0x307: {  	v21 =	vmul.f32 $8.000000000e+00, v26;
	v33 =	vld [tilespmem:$0x1FCF0];
	[tilespmem:v29+s15+$0x0] =	vst.idx.msk $0xffff, v16;
	v16 =	vmul.f32 $8.000000000e+00, v27;
	v27 =	vor.u32 v32, v7  }
0x308: {  	v15 =	vmul.f32 $8.000000000e+00, v15  }
0x309: {  	[tilespmem:v19+s15+$0x0] =	vst.idx.msk $0xffff, v21  }
0x30a: {  	v23 =	vor.u32 v14, v6;
	v26 =	vld.idx.msk [tilespmem:v28+s12+$0x0], $0xffff;
	[tilespmem:v17+s15+$0x0] =	vst.idx.msk $0xffff, v15;
	v15 =	vmul.f32 $8.000000000e+00, v20  }
0x30b: {  	v28 =	vor.u32 v32, v12;
	v19 =	vor.u32 v14, v8;
	[tilespmem:v30+s15+$0x0] =	vst.idx.msk $0xffff, v16  }
0x30c: {  	v21 =	vor.u32 v32, v10;
	v20 =	vor.u32 v32, v34;
	v32 =	vld [tilespmem:$0x1FD20];
	[tilespmem:v27+s15+$0x0] =	vst.idx.msk $0xffff, v15  }
0x30d: {  	v17 =	vor.u32 v14, v11;
	v16 =	vor.u32 v14, v9;
	v30 =	vor.u32 v14, v13;
	v14 =	vld [tilespmem:$0x1FD30]  }
0x30e: {  	v25 =	vor.u32 v25, v1  }
0x30f: {  	v26 =	vmul.f32 $8.000000000e+00, v26  }
0x310: {  	v18 =	vld.idx.msk [tilespmem:v18+s12+$0x0], $0xffff;
	v22 =	vor.u32 v33, v4  }
0x311: {  	v24 =	vld.idx.msk [tilespmem:v24+s12+$0x0], $0xffff;
	[tilespmem:v21+s15+$0x0] =	vst.idx.msk $0xffff, v26  }
0x312: {  	v15 =	vor.u32 v14, v1;
	v14 =	vld [tilespmem:$0x1FD00]  }
0x313: {  	v25 =	vld.idx.msk [tilespmem:v25+s12+$0x0], $0xffff  }
0x314: {  	v23 =	vld.idx.msk [tilespmem:v23+s12+$0x0], $0xffff  }
0x315: {  	v22 =	vld.idx.msk [tilespmem:v22+s12+$0x0], $0xffff;
	v29 =	vor.u32 v32, v0  }
0x316: {  	v18 =	vmul.f32 $8.000000000e+00, v18;
	v27 =	vor.u32 v31, v5;
	v19 =	vld.idx.msk [tilespmem:v19+s12+$0x0], $0xffff  }
0x317: {  	v21 =	vmul.f32 $8.000000000e+00, v24;
	v16 =	vld.idx.msk [tilespmem:v16+s12+$0x0], $0xffff;
	v24 =	vor.u32 v14, v3  }
0x318: {  	[tilespmem:v28+s15+$0x0] =	vst.idx.msk $0xffff, v18;
	v18 =	vmul.f32 $8.000000000e+00, v25;
	v25 =	vor.u32 v31, v7  }
0x319: {  	[tilespmem:v20+s15+$0x0] =	vst.idx.msk $0xffff, v21;
	v20 =	vmul.f32 $8.000000000e+00, v23;
	v23 =	vor.u32 v31, v10  }
0x31a: {  	[tilespmem:v29+s15+$0x0] =	vst.idx.msk $0xffff, v18;
	v18 =	vmul.f32 $8.000000000e+00, v22  }
0x31b: {  	v19 =	vmul.f32 $8.000000000e+00, v19;
	[tilespmem:v27+s15+$0x0] =	vst.idx.msk $0xffff, v20  }
0x31c: {  	v26 =	vor.u32 v33, v6;
	v17 =	vld.idx.msk [tilespmem:v17+s12+$0x0], $0xffff;
	v16 =	vmul.f32 $8.000000000e+00, v16;
	[tilespmem:v24+s15+$0x0] =	vst.idx.msk $0xffff, v18  }
0x31d: {  	v27 =	vor.u32 v31, v34;
	v29 =	vor.u32 v31, v12;
	v31 =	vld [tilespmem:$0x1FD10];
	[tilespmem:v25+s15+$0x0] =	vst.idx.msk $0xffff, v19  }
0x31e: {  	v21 =	vor.u32 v33, v8;
	v28 =	vld.idx.msk [tilespmem:v30+s12+$0x0], $0xffff;
	[tilespmem:v23+s15+$0x0] =	vst.idx.msk $0xffff, v16  }
0x31f: {  	v23 =	vld [tilespmem:$0x1FD40]  }
0x320: {  	v22 =	vor.u32 v33, v9  }
0x321: {  	v18 =	vld.idx.msk [tilespmem:v26+s12+$0x0], $0xffff  }
0x322: {  	v20 =	vor.u32 v33, v11;
	v15 =	vld.idx.msk [tilespmem:v15+s12+$0x0], $0xffff  }
0x323: {  	v17 =	vmul.f32 $8.000000000e+00, v17;
	v24 =	vor.u32 v33, v13;
	v19 =	vor.u32 v14, v5;
	v21 =	vld.idx.msk [tilespmem:v21+s12+$0x0], $0xffff  }
0x324: {  	v16 =	vmul.f32 $8.000000000e+00, v28;
	v25 =	vor.u32 v31, v6;
	v23 =	vor.u32 v23, v0  }
0x325: {  	v28 =	vor.u32 v14, v7;
	v22 =	vld.idx.msk [tilespmem:v22+s12+$0x0], $0xffff;
	[tilespmem:v29+s15+$0x0] =	vst.idx.msk $0xffff, v17;
	v26 =	vor.u32 v31, v4  }
0x326: {  	v33 =	vld [tilespmem:$0x1FD50];
	[tilespmem:v27+s15+$0x0] =	vst.idx.msk $0xffff, v16;
	v16 =	vmul.f32 $8.000000000e+00, v18;
	v18 =	vor.u32 v31, v8  }
0x327: {  	v15 =	vmul.f32 $8.000000000e+00, v15;
	v20 =	vld.idx.msk [tilespmem:v20+s12+$0x0], $0xffff;
	v27 =	vor.u32 v14, v10  }
0x328: {  	v24 =	vld.idx.msk [tilespmem:v24+s12+$0x0], $0xffff;
	[tilespmem:v19+s15+$0x0] =	vst.idx.msk $0xffff, v16;
	v16 =	vmul.f32 $8.000000000e+00, v21  }
0x329: {  	v30 =	vor.u32 v14, v12;
	[tilespmem:v23+s15+$0x0] =	vst.idx.msk $0xffff, v15;
	v15 =	vld.idx.msk [tilespmem:v25+s12+$0x0], $0xffff  }
0x32a: {  	v21 =	vor.u32 v14, v34;
	v22 =	vmul.f32 $8.000000000e+00, v22;
	[tilespmem:v28+s15+$0x0] =	vst.idx.msk $0xffff, v16;
	v26 =	vld.idx.msk [tilespmem:v26+s12+$0x0], $0xffff  }
0x32b: {  	v29 =	vor.u32 v31, v9;
	v18 =	vld.idx.msk [tilespmem:v18+s12+$0x0], $0xffff;
	v25 =	vor.u32 v32, v5  }
0x32c: {  	v19 =	vor.u32 v31, v11;
	v20 =	vmul.f32 $8.000000000e+00, v20;
	v16 =	vor.u32 v32, v3;
	[tilespmem:v27+s15+$0x0] =	vst.idx.msk $0xffff, v22  }
0x32d: {  	v28 =	vor.u32 v32, v7;
	v22 =	vmul.f32 $8.000000000e+00, v24;
	v14 =	vld [tilespmem:$0x1FD30]  }
0x32e: {  	[tilespmem:v30+s15+$0x0] =	vst.idx.msk $0xffff, v20;
	v15 =	vmul.f32 $8.000000000e+00, v15  }
0x32f: {  	[tilespmem:v21+s15+$0x0] =	vst.idx.msk $0xffff, v22;
	v26 =	vmul.f32 $8.000000000e+00, v26  }
0x330: {  	v27 =	vld.idx.msk [tilespmem:v29+s12+$0x0], $0xffff;
	v23 =	vor.u32 v31, v13;
	[tilespmem:v25+s15+$0x0] =	vst.idx.msk $0xffff, v15;
	v15 =	vmul.f32 $8.000000000e+00, v18  }
0x331: {  	v17 =	vor.u32 v33, v1;
	v19 =	vld.idx.msk [tilespmem:v19+s12+$0x0], $0xffff;
	[tilespmem:v16+s15+$0x0] =	vst.idx.msk $0xffff, v26  }
0x332: {  	v24 =	vor.u32 v14, v4;
	v31 =	vld [tilespmem:$0x1FFC0];
	[tilespmem:v28+s15+$0x0] =	vst.idx.msk $0xffff, v15  }
0x333: {  	v22 =	vor.u32 v32, v10;
	v20 =	vor.u32 v14, v6;
	v21 =	vor.u32 v14, v8;
	v30 =	vld [tilespmem:$0x1FD60]  }
0x334: {  	v16 =	vor.u32 v14, v9;
	v29 =	vor.u32 v14, v13;
	v18 =	vor.u32 v14, v11;
	v14 =	vld [tilespmem:$0x1FD40]  }
0x335: {  	v23 =	vld.idx.msk [tilespmem:v23+s12+$0x0], $0xffff  }
0x336: {  	v17 =	vld.idx.msk [tilespmem:v17+s12+$0x0], $0xffff;
	v26 =	vor.u32 v32, v12  }
0x337: {  	v27 =	vmul.f32 $8.000000000e+00, v27;
	v25 =	vor.u32 v32, v34;
	v24 =	vld.idx.msk [tilespmem:v24+s12+$0x0], $0xffff  }
0x338: {  	v20 =	vld.idx.msk [tilespmem:v20+s12+$0x0], $0xffff;
	v15 =	vor.u32 v30, v0  }
0x339: {  	v19 =	vmul.f32 $8.000000000e+00, v19;
	[tilespmem:v22+s15+$0x0] =	vst.idx.msk $0xffff, v27;
	v28 =	vor.u32 v14, v3  }
0x33a: {  	v22 =	vmul.f32 $8.000000000e+00, v23;
	v23 =	vor.u32 v33, v4;
	v21 =	vld.idx.msk [tilespmem:v21+s12+$0x0], $0xffff;
	v27 =	vor.u32 v14, v5  }
0x33b: {  	v17 =	vmul.f32 $8.000000000e+00, v17;
	v16 =	vld.idx.msk [tilespmem:v16+s12+$0x0], $0xffff;
	[tilespmem:v26+s15+$0x0] =	vst.idx.msk $0xffff, v19;
	v19 =	vor.u32 v33, v6  }
0x33c: {  	v18 =	vld.idx.msk [tilespmem:v18+s12+$0x0], $0xffff;
	[tilespmem:v25+s15+$0x0] =	vst.idx.msk $0xffff, v22;
	v26 =	vor.u32 v14, v7;
	v22 =	vmul.f32 $8.000000000e+00, v24  }
0x33d: {  	v25 =	vor.u32 v14, v10;
	v24 =	vor.u32 v33, v8;
	[tilespmem:v15+s15+$0x0] =	vst.idx.msk $0xffff, v17;
	v15 =	vmul.f32 $8.000000000e+00, v20  }
0x33e: {  	v29 =	vld.idx.msk [tilespmem:v29+s12+$0x0], $0xffff;
	v17 =	vor.u32 v33, v9;
	[tilespmem:v28+s15+$0x0] =	vst.idx.msk $0xffff, v22  }
0x33f: {  	v21 =	vmul.f32 $8.000000000e+00, v21;
	v20 =	vor.u32 v14, v12;
	v23 =	vld.idx.msk [tilespmem:v23+s12+$0x0], $0xffff;
	[tilespmem:v27+s15+$0x0] =	vst.idx.msk $0xffff, v15  }
0x340: {  	v22 =	vor.u32 v33, v11;
	v28 =	vor.u32 v14, v34;
	v15 =	vmul.f32 $8.000000000e+00, v16;
	v14 =	vld [tilespmem:$0x1FD70]  }
0x341: {  	v19 =	vld.idx.msk [tilespmem:v19+s12+$0x0], $0xffff;
	[tilespmem:v26+s15+$0x0] =	vst.idx.msk $0xffff, v21  }
0x342: {  	v18 =	vmul.f32 $8.000000000e+00, v18;
	v21 =	vor.u32 v30, v3;
	v24 =	vld.idx.msk [tilespmem:v24+s12+$0x0], $0xffff;
	[tilespmem:v25+s15+$0x0] =	vst.idx.msk $0xffff, v15  }
0x343: {  	v15 =	vmul.f32 $8.000000000e+00, v29;
	v25 =	vor.u32 v30, v5;
	v17 =	vld.idx.msk [tilespmem:v17+s12+$0x0], $0xffff  }
0x344: {  	v16 =	vor.u32 v33, v13;
	[tilespmem:v20+s15+$0x0] =	vst.idx.msk $0xffff, v18;
	v18 =	vor.u32 v30, v7  }
0x345: {  	v20 =	vld.idx.msk [tilespmem:v22+s12+$0x0], $0xffff;
	[tilespmem:v28+s15+$0x0] =	vst.idx.msk $0xffff, v15;
	v15 =	vmul.f32 $8.000000000e+00, v23;
	v22 =	vor.u32 v30, v10  }
0x346: {  	v19 =	vmul.f32 $8.000000000e+00, v19  }
0x347: {  	v1 =	vor.u32 v14, v1;
	[tilespmem:v21+s15+$0x0] =	vst.idx.msk $0xffff, v15;
	v15 =	vmul.f32 $8.000000000e+00, v24  }
0x348: {  	v4 =	vor.u32 v14, v4;
	[tilespmem:v25+s15+$0x0] =	vst.idx.msk $0xffff, v19;
	v17 =	vmul.f32 $8.000000000e+00, v17  }
0x349: {  	v6 =	vor.u32 v14, v6;
	[tilespmem:v18+s15+$0x0] =	vst.idx.msk $0xffff, v15  }
0x34a: {  	v23 =	vor.u32 v30, v12;
	v16 =	vld.idx.msk [tilespmem:v16+s12+$0x0], $0xffff;
	v8 =	vor.u32 v14, v8;
	[tilespmem:v22+s15+$0x0] =	vst.idx.msk $0xffff, v17  }
0x34b: {  	v9 =	vor.u32 v14, v9;
	v11 =	vor.u32 v14, v11;
	v13 =	vor.u32 v14, v13;
	v14 =	vld [tilespmem:$0x1FC40]  }
0x34c: {  	v21 =	vor.u32 v30, v34;
	v1 =	vld.idx.msk [tilespmem:v1+s12+$0x0], $0xffff  }
0x34d: {  	v2 =	vor.u32 v31, v2;
	v4 =	vld.idx.msk [tilespmem:v4+s12+$0x0], $0xffff  }
0x34e: {  	v0 =	vor.u32 v31, v0;
	v15 =	vmul.f32 $8.000000000e+00, v20;
	v6 =	vld.idx.msk [tilespmem:v6+s12+$0x0], $0xffff  }
0x34f: {  	s23 =	smulhi.u32 $0x51EB851F, s22;
	v3 =	vor.u32 v31, v3;
	v16 =	vmul.f32 $8.000000000e+00, v16;
	v8 =	vld.idx.msk [tilespmem:v8+s12+$0x0], $0xffff  }
0x350: {  	s24 =	smulhi.u32 $0x51EB851F, s21;
	v5 =	vor.u32 v31, v5;
	v9 =	vld.idx.msk [tilespmem:v9+s12+$0x0], $0xffff;
	[tilespmem:v23+s15+$0x0] =	vst.idx.msk $0xffff, v15;
	v17 =	vmul.f32 $8.000000000e+00, v14  }
0x351: {  	p0 =	seq.s32 s21, $0x63;
	s23 =	sshrl.u32 s23, $0x4;
	v7 =	vor.u32 v31, v7;
	v11 =	vld.idx.msk [tilespmem:v11+s12+$0x0], $0xffff;
	[tilespmem:v21+s15+$0x0] =	vst.idx.msk $0xffff, v16;
	v1 =	vmul.f32 $8.000000000e+00, v1  }
0x352: {  	s25 =	sadd.s32 @!p0 $0x2, s22;
	s24 =	sshrl.u32 s24, $0x3;
	s23 =	smul.u32 $0x32, s23;
	[tilespmem:v2+s15+$0x0] =	vst.idx.msk $0xffff, v17;
	v2 =	vmul.f32 $8.000000000e+00, v4;
	v4 =	vor.u32 v31, v10;
	v10 =	vld.idx.msk [tilespmem:v13+s12+$0x0], $0xffff  }
0x353: {  	s26 =	smulhi.u32 @!p0 $0x51EB851F, s25;
	s24 =	sadd.s32 s4, s24;
	[tilespmem:v0+s15+$0x0] =	vst.idx.msk $0xffff, v1;
	v0 =	vmul.f32 $8.000000000e+00, v6;
	v1 =	vor.u32 v31, v12  }
0x354: {  	s24 =	sshll.u32 s24, $0x7;
	s23 =	ssub.s32 s22, s23;
	[tilespmem:v3+s15+$0x0] =	vst.idx.msk $0xffff, v2;
	v2 =	vmul.f32 $8.000000000e+00, v8;
	v3 =	vor.u32 v31, v34  }
0x355: {  	s28 =	sshll.u32 s23, $0x11;
	s23 =	sadd.s32 s1, s24;
	s24 =	sshrl.u32 @!p0 s26, $0x4;
	[tilespmem:v5+s15+$0x0] =	vst.idx.msk $0xffff, v0;
	v0 =	vmul.f32 $8.000000000e+00, v9  }
0x356: {  	s24 =	smul.u32 @!p0 $0x32, s24;
	[tilespmem:v7+s15+$0x0] =	vst.idx.msk $0xffff, v2;
	v2 =	vmul.f32 $8.000000000e+00, v11  }
0x357: {  	[tilespmem:v4+s15+$0x0] =	vst.idx.msk $0xffff, v0;
	v0 =	vmul.f32 $8.000000000e+00, v10  }
0x358: {  	s30 =	simm.s32 $0x0;
	s24 =	ssub.s32 @!p0 s25, s24;
	s25 =	sshll.u32 @!p0 s26, $0x3;
	[tilespmem:v1+s15+$0x0] =	vst.idx.msk $0xffff, v2  }
0x359: {  	s28 =	sadd.s32 s28, s23;
	s24 =	sshll.u32 @!p0 s24, $0x9;
	s25 =	sand.u32 @!p0 $0x3FFFFF80, s25;
	[tilespmem:v3+s15+$0x0] =	vst.idx.msk $0xffff, v0  }
0x35a: {  	[hbm4b:s28+s16] =	stream.strided.scatter [tilespmem:s15], [sflag:$0x2], $0x2000, s17, s16, $0x38;
	[tilespmem:$0x12400] =	vst v63  }
0x35b: {  	s26 =	simm.s32 @!p0 $0x6400;
	s24 =	sadd.s32 @!p0 s25, s24;
	s25 =	simm.s32 @!p0 $0x80  }
0x35c: {  	v0 =	vxor.u32 s30, v35;
	[tilespmem:s26], [sflag:$0x1] =	stream.indirect.gather @!p0 [hbm4b:s5+s25], $0x80, s24, s25, $0xb8;
	[tilespmem:$0x12400] =	vst v63  }
0x35d: {  	v14 =	vand.u32 $0xF, v0;
	_ =	swait.ge [sflag:s14], $0x4000  }
0x35e: {  	v1 =	vor.u32 v36, v14;
	[sflag:s14] =	ssyncset.done $0x0  }
0x35f: {  	s24 =	simm.s32 @!p1 $0x2;
	[sflag:s14] =	ssyncadd.s32 $0xFFFFC000  }
0x360: {  	_ =	swait.ge @!p1 [sflag:s24], $0x2000  }
0x361: {  	[sflag:s24] =	ssyncset.done @!p1 $0x0  }
0x362: {  	[sflag:s24] =	ssyncadd.s32 @!p1 $0xFFFFE000  }
0x363: {  	v0 =	vshll.u32 v0, $0x7;
	v1 =	vld.idx.msk [tilespmem:v1+s13+$0x0], $0xffff  }
0x364: {  	v0 =	vand.u32 $0x780, v0  }
0x365: {  	v2 =	vor.u32 v35, v0  }
0x366: {  	v3 =	vor.u32 v37, v14;
	_ =	sdelay $0x1  }
0x367: {  	v1 =	vmul.f32 $8.000000000e+00, v1;
	_ =	sdelay $0x1  }
0x368: {  	[tilespmem:v2+s18+$0x0] =	vst.idx.msk $0xffff, v1  }
0x369: {  	v1 =	vld.idx.msk [tilespmem:v3+s13+$0x0], $0xffff;
	_ =	sdelay $0x1  }
0x36a: {  	v2 =	vor.u32 v38, v0  }
0x36b: {  	v3 =	vor.u32 v39, v14;
	_ =	sdelay $0x1  }
0x36c: {  	v1 =	vmul.f32 $8.000000000e+00, v1;
	_ =	sdelay $0x1  }
0x36d: {  	[tilespmem:v2+s18+$0x0] =	vst.idx.msk $0xffff, v1  }
0x36e: {  	v1 =	vld.idx.msk [tilespmem:v3+s13+$0x0], $0xffff;
	_ =	sdelay $0x1  }
0x36f: {  	v2 =	vor.u32 v40, v0  }
0x370: {  	v3 =	vor.u32 v41, v14;
	_ =	sdelay $0x1  }
0x371: {  	v1 =	vmul.f32 $8.000000000e+00, v1;
	_ =	sdelay $0x1  }
0x372: {  	[tilespmem:v2+s18+$0x0] =	vst.idx.msk $0xffff, v1  }
0x373: {  	v1 =	vld.idx.msk [tilespmem:v3+s13+$0x0], $0xffff;
	_ =	sdelay $0x1  }
0x374: {  	v3 =	vor.u32 v42, v0  }
0x375: {  	v4 =	vor.u32 v43, v14  }
0x376: {  	s31 =	simm.s32 $0x1  }
0x377: {  	v5 =	vxor.u32 s31, v35;
	v1 =	vmul.f32 $8.000000000e+00, v1  }
0x378: {  	v2 =	vand.u32 $0xF, v5  }
0x379: {  	v6 =	vor.u32 v36, v2;
	[tilespmem:v3+s18+$0x0] =	vst.idx.msk $0xffff, v1  }
0x37a: {  	v3 =	vld.idx.msk [tilespmem:v4+s13+$0x0], $0xffff;
	_ =	sdelay $0x1  }
0x37b: {  	v4 =	vor.u32 v44, v0  }
0x37c: {  	v7 =	vor.u32 v45, v14  }
0x37d: {  	v6 =	vld.idx.msk [tilespmem:v6+s13+$0x0], $0xffff;
	v1 =	vshll.u32 v5, $0x7  }
0x37e: {  	v1 =	vand.u32 $0x780, v1;
	v3 =	vmul.f32 $8.000000000e+00, v3  }
0x37f: {  	v5 =	vor.u32 v35, v1  }
0x380: {  	v8 =	vor.u32 v37, v2;
	[tilespmem:v4+s18+$0x0] =	vst.idx.msk $0xffff, v3  }
0x381: {  	v3 =	vld.idx.msk [tilespmem:v7+s13+$0x0], $0xffff  }
0x382: {  	v4 =	vmul.f32 $8.000000000e+00, v6  }
0x383: {  	v6 =	vor.u32 v46, v0  }
0x384: {  	[tilespmem:v5+s18+$0x0] =	vst.idx.msk $0xffff, v4;
	v4 =	vor.u32 v47, v14  }
0x385: {  	v5 =	vld.idx.msk [tilespmem:v8+s13+$0x0], $0xffff  }
0x386: {  	v3 =	vmul.f32 $8.000000000e+00, v3  }
0x387: {  	v7 =	vor.u32 v38, v1  }
0x388: {  	v8 =	vor.u32 v39, v2;
	[tilespmem:v6+s18+$0x0] =	vst.idx.msk $0xffff, v3  }
0x389: {  	v3 =	vld.idx.msk [tilespmem:v4+s13+$0x0], $0xffff  }
0x38a: {  	v4 =	vmul.f32 $8.000000000e+00, v5  }
0x38b: {  	v5 =	vor.u32 v48, v0  }
0x38c: {  	[tilespmem:v7+s18+$0x0] =	vst.idx.msk $0xffff, v4;
	v4 =	vor.u32 v49, v14  }
0x38d: {  	v6 =	vld.idx.msk [tilespmem:v8+s13+$0x0], $0xffff  }
0x38e: {  	v3 =	vmul.f32 $8.000000000e+00, v3  }
0x38f: {  	v7 =	vor.u32 v40, v1  }
0x390: {  	v8 =	vor.u32 v41, v2;
	[tilespmem:v5+s18+$0x0] =	vst.idx.msk $0xffff, v3  }
0x391: {  	v3 =	vld.idx.msk [tilespmem:v4+s13+$0x0], $0xffff  }
0x392: {  	v4 =	vmul.f32 $8.000000000e+00, v6  }
0x393: {  	v5 =	vor.u32 v50, v0  }
0x394: {  	[tilespmem:v7+s18+$0x0] =	vst.idx.msk $0xffff, v4;
	v4 =	vor.u32 v51, v14  }
0x395: {  	v6 =	vld.idx.msk [tilespmem:v8+s13+$0x0], $0xffff  }
0x396: {  	v3 =	vmul.f32 $8.000000000e+00, v3  }
0x397: {  	v7 =	vor.u32 v42, v1  }
0x398: {  	s25 =	simm.s32 $0x2;
	v8 =	vor.u32 v43, v2;
	[tilespmem:v5+s18+$0x0] =	vst.idx.msk $0xffff, v3  }
0x399: {  	v3 =	vxor.u32 s25, v35;
	v5 =	vld.idx.msk [tilespmem:v4+s13+$0x0], $0xffff  }
0x39a: {  	v4 =	vand.u32 $0xF, v3;
	v6 =	vmul.f32 $8.000000000e+00, v6  }
0x39b: {  	v10 =	vor.u32 v52, v0;
	v9 =	vor.u32 v36, v4  }
0x39c: {  	v11 =	vor.u32 v53, v14;
	[tilespmem:v7+s18+$0x0] =	vst.idx.msk $0xffff, v6  }
0x39d: {  	v6 =	vld.idx.msk [tilespmem:v8+s13+$0x0], $0xffff  }
0x39e: {  	v5 =	vmul.f32 $8.000000000e+00, v5  }
0x39f: {  	v7 =	vor.u32 v44, v1  }
0x3a0: {  	v3 =	vshll.u32 v3, $0x7;
	v8 =	vor.u32 v45, v2;
	v9 =	vld.idx.msk [tilespmem:v9+s13+$0x0], $0xffff;
	[tilespmem:v10+s18+$0x0] =	vst.idx.msk $0xffff, v5  }
0x3a1: {  	v3 =	vand.u32 $0x780, v3;
	v5 =	vld.idx.msk [tilespmem:v11+s13+$0x0], $0xffff  }
0x3a2: {  	v10 =	vor.u32 v35, v3;
	v6 =	vmul.f32 $8.000000000e+00, v6  }
0x3a3: {  	v12 =	vor.u32 v54, v0;
	v11 =	vor.u32 v37, v4  }
0x3a4: {  	v13 =	vor.u32 v55, v14;
	[tilespmem:v7+s18+$0x0] =	vst.idx.msk $0xffff, v6  }
0x3a5: {  	v6 =	vld.idx.msk [tilespmem:v8+s13+$0x0], $0xffff;
	v7 =	vmul.f32 $8.000000000e+00, v9  }
0x3a6: {  	v5 =	vmul.f32 $8.000000000e+00, v5  }
0x3a7: {  	[tilespmem:v10+s18+$0x0] =	vst.idx.msk $0xffff, v7;
	v7 =	vor.u32 v46, v1  }
0x3a8: {  	v8 =	vor.u32 v47, v2;
	v9 =	vld.idx.msk [tilespmem:v11+s13+$0x0], $0xffff;
	[tilespmem:v12+s18+$0x0] =	vst.idx.msk $0xffff, v5  }
0x3a9: {  	v5 =	vld.idx.msk [tilespmem:v13+s13+$0x0], $0xffff  }
0x3aa: {  	v10 =	vor.u32 v38, v3;
	v6 =	vmul.f32 $8.000000000e+00, v6  }
0x3ab: {  	v11 =	vor.u32 v39, v4;
	v12 =	vor.u32 v56, v0  }
0x3ac: {  	[tilespmem:v7+s18+$0x0] =	vst.idx.msk $0xffff, v6;
	v6 =	vor.u32 v57, v14  }
0x3ad: {  	v7 =	vld.idx.msk [tilespmem:v8+s13+$0x0], $0xffff;
	v8 =	vmul.f32 $8.000000000e+00, v9  }
0x3ae: {  	v5 =	vmul.f32 $8.000000000e+00, v5  }
0x3af: {  	[tilespmem:v10+s18+$0x0] =	vst.idx.msk $0xffff, v8;
	v8 =	vor.u32 v48, v1  }
0x3b0: {  	v9 =	vor.u32 v49, v2;
	v10 =	vld.idx.msk [tilespmem:v11+s13+$0x0], $0xffff;
	[tilespmem:v12+s18+$0x0] =	vst.idx.msk $0xffff, v5  }
0x3b1: {  	v5 =	vld.idx.msk [tilespmem:v6+s13+$0x0], $0xffff  }
0x3b2: {  	v6 =	vmul.f32 $8.000000000e+00, v7;
	v7 =	vor.u32 v40, v3  }
0x3b3: {  	v11 =	vor.u32 v41, v4;
	v12 =	vor.u32 v58, v0  }
0x3b4: {  	[tilespmem:v8+s18+$0x0] =	vst.idx.msk $0xffff, v6;
	v6 =	vor.u32 v59, v14  }
0x3b5: {  	v8 =	vld.idx.msk [tilespmem:v9+s13+$0x0], $0xffff;
	v9 =	vmul.f32 $8.000000000e+00, v10  }
0x3b6: {  	v5 =	vmul.f32 $8.000000000e+00, v5  }
0x3b7: {  	[tilespmem:v7+s18+$0x0] =	vst.idx.msk $0xffff, v9;
	v7 =	vor.u32 v50, v1  }
0x3b8: {  	v9 =	vor.u32 v51, v2;
	v10 =	vld.idx.msk [tilespmem:v11+s13+$0x0], $0xffff;
	[tilespmem:v12+s18+$0x0] =	vst.idx.msk $0xffff, v5  }
0x3b9: {  	v5 =	vld.idx.msk [tilespmem:v6+s13+$0x0], $0xffff  }
0x3ba: {  	v6 =	vmul.f32 $8.000000000e+00, v8;
	v8 =	vor.u32 v42, v3  }
0x3bb: {  	s26 =	simm.s32 $0x3;
	v12 =	vor.u32 v60, v0  }
0x3bc: {  	v13 =	vxor.u32 s26, v35;
	[tilespmem:v7+s18+$0x0] =	vst.idx.msk $0xffff, v6;
	v7 =	vor.u32 v61, v14  }
0x3bd: {  	v11 =	vor.u32 v43, v4;
	v6 =	vand.u32 $0xF, v13;
	v9 =	vld.idx.msk [tilespmem:v9+s13+$0x0], $0xffff;
	v10 =	vmul.f32 $8.000000000e+00, v10  }
0x3be: {  	v15 =	vor.u32 v36, v6;
	v5 =	vmul.f32 $8.000000000e+00, v5  }
0x3bf: {  	[tilespmem:v8+s18+$0x0] =	vst.idx.msk $0xffff, v10;
	v8 =	vor.u32 v52, v1  }
0x3c0: {  	[tilespmem:v12+s18+$0x0] =	vst.idx.msk $0xffff, v5  }
0x3c1: {  	v7 =	vld.idx.msk [tilespmem:v7+s13+$0x0], $0xffff  }
0x3c2: {  	v11 =	vld.idx.msk [tilespmem:v11+s13+$0x0], $0xffff;
	v5 =	vmul.f32 $8.000000000e+00, v9  }
0x3c3: {  	v16 =	vor.u32 v62, v0;
	v13 =	vshll.u32 v13, $0x7;
	v15 =	vld.idx.msk [tilespmem:v15+s13+$0x0], $0xffff  }
0x3c4: {  	v10 =	vor.u32 v53, v2;
	v9 =	vor.u32 v44, v3;
	[tilespmem:v8+s18+$0x0] =	vst.idx.msk $0xffff, v5;
	v5 =	vand.u32 $0x780, v13  }
0x3c5: {  	v13 =	vor.u32 v35, v5  }
0x3c6: {  	v7 =	vmul.f32 $8.000000000e+00, v7  }
0x3c7: {  	v11 =	vmul.f32 $8.000000000e+00, v11  }
0x3c8: {  	v12 =	vor.u32 v45, v4;
	[tilespmem:v16+s18+$0x0] =	vst.idx.msk $0xffff, v7;
	v7 =	vmul.f32 $8.000000000e+00, v15  }
0x3c9: {  	v8 =	vor.u32 v63, v14;
	v10 =	vld.idx.msk [tilespmem:v10+s13+$0x0], $0xffff;
	[tilespmem:v9+s18+$0x0] =	vst.idx.msk $0xffff, v11  }
0x3ca: {  	[tilespmem:v13+s18+$0x0] =	vst.idx.msk $0xffff, v7  }
0x3cb: {  	v17 =	vor.u32 v37, v6;
	v9 =	vor.u32 v54, v1;
	v27 =	vld [tilespmem:$0x1FED0];
	_ =	sdelay $0x1  }
0x3cc: {  	v11 =	vor.u32 v55, v2;
	v12 =	vld.idx.msk [tilespmem:v12+s13+$0x0], $0xffff  }
0x3cd: {  	v8 =	vld.idx.msk [tilespmem:v8+s13+$0x0], $0xffff;
	v10 =	vmul.f32 $8.000000000e+00, v10;
	_ =	sdelay $0x1  }
0x3ce: {  	v16 =	vld.idx.msk [tilespmem:v17+s13+$0x0], $0xffff;
	[tilespmem:v9+s18+$0x0] =	vst.idx.msk $0xffff, v10;
	v13 =	vor.u32 v27, v0  }
0x3cf: {  	v15 =	vor.u32 v46, v3;
	v26 =	vld [tilespmem:$0x1FEE0]  }
0x3d0: {  	v10 =	vld.idx.msk [tilespmem:v11+s13+$0x0], $0xffff;
	v11 =	vmul.f32 $8.000000000e+00, v12;
	v12 =	vor.u32 v38, v5  }
0x3d1: {  	v8 =	vmul.f32 $8.000000000e+00, v8;
	_ =	sdelay $0x1  }
0x3d2: {  	[tilespmem:v13+s18+$0x0] =	vst.idx.msk $0xffff, v8;
	v8 =	vmul.f32 $8.000000000e+00, v16  }
0x3d3: {  	[tilespmem:v15+s18+$0x0] =	vst.idx.msk $0xffff, v11;
	v9 =	vor.u32 v26, v14  }
0x3d4: {  	v7 =	vor.u32 v47, v4;
	[tilespmem:v12+s18+$0x0] =	vst.idx.msk $0xffff, v8  }
0x3d5: {  	v17 =	vor.u32 v39, v6;
	v11 =	vor.u32 v56, v1;
	v25 =	vld [tilespmem:$0x1FEF0];
	_ =	sdelay $0x1  }
0x3d6: {  	v15 =	vor.u32 v57, v2  }
0x3d7: {  	v10 =	vmul.f32 $8.000000000e+00, v10;
	v9 =	vld.idx.msk [tilespmem:v9+s13+$0x0], $0xffff  }
0x3d8: {  	v7 =	vld.idx.msk [tilespmem:v7+s13+$0x0], $0xffff  }
0x3d9: {  	v16 =	vld.idx.msk [tilespmem:v17+s13+$0x0], $0xffff;
	[tilespmem:v11+s18+$0x0] =	vst.idx.msk $0xffff, v10;
	v12 =	vor.u32 v25, v0  }
0x3da: {  	v13 =	vor.u32 v48, v3;
	v30 =	vld [tilespmem:$0x1FF00]  }
0x3db: {  	v11 =	vld.idx.msk [tilespmem:v15+s13+$0x0], $0xffff;
	v15 =	vor.u32 v40, v5  }
0x3dc: {  	v9 =	vmul.f32 $8.000000000e+00, v9  }
0x3dd: {  	v7 =	vmul.f32 $8.000000000e+00, v7  }
0x3de: {  	[tilespmem:v12+s18+$0x0] =	vst.idx.msk $0xffff, v9;
	v9 =	vmul.f32 $8.000000000e+00, v16  }
0x3df: {  	[tilespmem:v13+s18+$0x0] =	vst.idx.msk $0xffff, v7;
	v10 =	vor.u32 v30, v14  }
0x3e0: {  	v8 =	vor.u32 v49, v4;
	[tilespmem:v15+s18+$0x0] =	vst.idx.msk $0xffff, v9  }
0x3e1: {  	v17 =	vor.u32 v41, v6;
	v7 =	vor.u32 v58, v1;
	v24 =	vld [tilespmem:$0x1FF40];
	_ =	sdelay $0x1  }
0x3e2: {  	v13 =	vor.u32 v59, v2  }
0x3e3: {  	v11 =	vmul.f32 $8.000000000e+00, v11;
	v10 =	vld.idx.msk [tilespmem:v10+s13+$0x0], $0xffff  }
0x3e4: {  	v8 =	vld.idx.msk [tilespmem:v8+s13+$0x0], $0xffff  }
0x3e5: {  	v16 =	vld.idx.msk [tilespmem:v17+s13+$0x0], $0xffff;
	[tilespmem:v7+s18+$0x0] =	vst.idx.msk $0xffff, v11;
	v15 =	vor.u32 v24, v0  }
0x3e6: {  	v12 =	vor.u32 v50, v3;
	v23 =	vld [tilespmem:$0x1FF10]  }
0x3e7: {  	v11 =	vld.idx.msk [tilespmem:v13+s13+$0x0], $0xffff;
	v13 =	vor.u32 v42, v5  }
0x3e8: {  	v10 =	vmul.f32 $8.000000000e+00, v10  }
0x3e9: {  	v8 =	vmul.f32 $8.000000000e+00, v8  }
0x3ea: {  	[tilespmem:v15+s18+$0x0] =	vst.idx.msk $0xffff, v10;
	v10 =	vmul.f32 $8.000000000e+00, v16  }
0x3eb: {  	[tilespmem:v12+s18+$0x0] =	vst.idx.msk $0xffff, v8;
	v7 =	vor.u32 v23, v14  }
0x3ec: {  	v9 =	vor.u32 v51, v4;
	[tilespmem:v13+s18+$0x0] =	vst.idx.msk $0xffff, v10  }
0x3ed: {  	v17 =	vor.u32 v43, v6;
	v12 =	vor.u32 v60, v1;
	v28 =	vld [tilespmem:$0x1FF20];
	_ =	sdelay $0x2  }
0x3ee: {  	v11 =	vmul.f32 $8.000000000e+00, v11;
	v7 =	vld.idx.msk [tilespmem:v7+s13+$0x0], $0xffff  }
0x3ef: {  	s28 =	simm.s32 $0x4;
	v9 =	vld.idx.msk [tilespmem:v9+s13+$0x0], $0xffff  }
0x3f0: {  	v18 =	vxor.u32 s28, v35;
	v13 =	vld.idx.msk [tilespmem:v17+s13+$0x0], $0xffff;
	[tilespmem:v12+s18+$0x0] =	vst.idx.msk $0xffff, v11;
	v10 =	vor.u32 v28, v0  }
0x3f1: {  	v19 =	vor.u32 v61, v2;
	v8 =	vand.u32 $0xF, v18;
	v16 =	vor.u32 v52, v3;
	v34 =	vld [tilespmem:$0x1FF30]  }
0x3f2: {  	v15 =	vor.u32 v36, v8;
	v17 =	vor.u32 v44, v5  }
0x3f3: {  	v7 =	vmul.f32 $8.000000000e+00, v7  }
0x3f4: {  	v9 =	vmul.f32 $8.000000000e+00, v9  }
0x3f5: {  	v20 =	vor.u32 v53, v4;
	[tilespmem:v10+s18+$0x0] =	vst.idx.msk $0xffff, v7;
	v10 =	vmul.f32 $8.000000000e+00, v13  }
0x3f6: {  	v12 =	vld.idx.msk [tilespmem:v19+s13+$0x0], $0xffff;
	[tilespmem:v16+s18+$0x0] =	vst.idx.msk $0xffff, v9;
	v11 =	vor.u32 v34, v14  }
0x3f7: {  	v15 =	vld.idx.msk [tilespmem:v15+s13+$0x0], $0xffff;
	[tilespmem:v17+s18+$0x0] =	vst.idx.msk $0xffff, v10  }
0x3f8: {  	v18 =	vshll.u32 v18, $0x7;
	v19 =	vor.u32 v45, v6;
	v9 =	vor.u32 v62, v1;
	v33 =	vld [tilespmem:$0x1FF50]  }
0x3f9: {  	v7 =	vand.u32 $0x780, v18  }
0x3fa: {  	v16 =	vld.idx.msk [tilespmem:v20+s13+$0x0], $0xffff;
	v13 =	vor.u32 v35, v7  }
0x3fb: {  	v12 =	vmul.f32 $8.000000000e+00, v12;
	v11 =	vld.idx.msk [tilespmem:v11+s13+$0x0], $0xffff  }
0x3fc: {  	v17 =	vld [tilespmem:$0x1FF60]  }
0x3fd: {  	v19 =	vld.idx.msk [tilespmem:v19+s13+$0x0], $0xffff;
	[tilespmem:v9+s18+$0x0] =	vst.idx.msk $0xffff, v12;
	v9 =	vmul.f32 $8.000000000e+00, v15;
	v10 =	vor.u32 v33, v0  }
0x3fe: {  	v21 =	vor.u32 v54, v3;
	v20 =	vor.u32 v63, v2  }
0x3ff: {  	v18 =	vor.u32 v37, v8;
	[tilespmem:v13+s18+$0x0] =	vst.idx.msk $0xffff, v9;
	v9 =	vor.u32 v46, v5  }
0x400: {  	v11 =	vmul.f32 $8.000000000e+00, v11  }
0x401: {  	v15 =	vmul.f32 $8.000000000e+00, v16  }
0x402: {  	v17 =	vor.u32 v17, v14;
	[tilespmem:v10+s18+$0x0] =	vst.idx.msk $0xffff, v11;
	v10 =	vmul.f32 $8.000000000e+00, v19  }
0x403: {  	v22 =	vor.u32 v55, v4;
	v12 =	vld.idx.msk [tilespmem:v20+s13+$0x0], $0xffff;
	[tilespmem:v21+s18+$0x0] =	vst.idx.msk $0xffff, v15  }
0x404: {  	v16 =	vld.idx.msk [tilespmem:v18+s13+$0x0], $0xffff;
	[tilespmem:v9+s18+$0x0] =	vst.idx.msk $0xffff, v10  }
0x405: {  	v15 =	vor.u32 v27, v1;
	v13 =	vor.u32 v47, v6;
	v32 =	vld [tilespmem:$0x1FF70];
	_ =	sdelay $0x1  }
0x406: {  	v11 =	vld.idx.msk [tilespmem:v17+s13+$0x0], $0xffff;
	v17 =	vor.u32 v38, v7  }
0x407: {  	v18 =	vld.idx.msk [tilespmem:v22+s13+$0x0], $0xffff;
	v12 =	vmul.f32 $8.000000000e+00, v12  }
0x408: {  	v29 =	vld [tilespmem:$0x1FF80]  }
0x409: {  	v13 =	vld.idx.msk [tilespmem:v13+s13+$0x0], $0xffff;
	[tilespmem:v15+s18+$0x0] =	vst.idx.msk $0xffff, v12;
	v12 =	vmul.f32 $8.000000000e+00, v16;
	v10 =	vor.u32 v32, v0  }
0x40a: {  	v20 =	vor.u32 v26, v2;
	v21 =	vor.u32 v56, v3  }
0x40b: {  	v19 =	vor.u32 v39, v8;
	[tilespmem:v17+s18+$0x0] =	vst.idx.msk $0xffff, v12;
	v12 =	vor.u32 v48, v5  }
0x40c: {  	v11 =	vmul.f32 $8.000000000e+00, v11  }
0x40d: {  	v16 =	vmul.f32 $8.000000000e+00, v18  }
0x40e: {  	v9 =	vor.u32 v57, v4;
	[tilespmem:v10+s18+$0x0] =	vst.idx.msk $0xffff, v11;
	v10 =	vmul.f32 $8.000000000e+00, v13  }
0x40f: {  	v15 =	vld.idx.msk [tilespmem:v20+s13+$0x0], $0xffff;
	[tilespmem:v21+s18+$0x0] =	vst.idx.msk $0xffff, v16;
	v22 =	vor.u32 v29, v14  }
0x410: {  	v18 =	vld.idx.msk [tilespmem:v19+s13+$0x0], $0xffff;
	[tilespmem:v12+s18+$0x0] =	vst.idx.msk $0xffff, v10  }
0x411: {  	v16 =	vor.u32 v25, v1;
	v17 =	vor.u32 v49, v6;
	v31 =	vld [tilespmem:$0x1FF90];
	_ =	sdelay $0x1  }
0x412: {  	v9 =	vld.idx.msk [tilespmem:v9+s13+$0x0], $0xffff;
	v13 =	vor.u32 v40, v7  }
0x413: {  	v15 =	vmul.f32 $8.000000000e+00, v15;
	v11 =	vld.idx.msk [tilespmem:v22+s13+$0x0], $0xffff  }
0x414: {  	v26 =	vld [tilespmem:$0x1FFA0]  }
0x415: {  	v17 =	vld.idx.msk [tilespmem:v17+s13+$0x0], $0xffff;
	[tilespmem:v16+s18+$0x0] =	vst.idx.msk $0xffff, v15;
	v15 =	vmul.f32 $8.000000000e+00, v18;
	v12 =	vor.u32 v31, v0  }
0x416: {  	v21 =	vor.u32 v58, v3;
	v19 =	vor.u32 v30, v2  }
0x417: {  	v20 =	vor.u32 v41, v8;
	[tilespmem:v13+s18+$0x0] =	vst.idx.msk $0xffff, v15;
	v13 =	vor.u32 v50, v5  }
0x418: {  	v11 =	vmul.f32 $8.000000000e+00, v11  }
0x419: {  	v9 =	vmul.f32 $8.000000000e+00, v9  }
0x41a: {  	v10 =	vor.u32 v59, v4;
	[tilespmem:v12+s18+$0x0] =	vst.idx.msk $0xffff, v11;
	v11 =	vmul.f32 $8.000000000e+00, v17  }
0x41b: {  	[tilespmem:v21+s18+$0x0] =	vst.idx.msk $0xffff, v9;
	v16 =	vld.idx.msk [tilespmem:v19+s13+$0x0], $0xffff;
	v22 =	vor.u32 v26, v14  }
0x41c: {  	v18 =	vld.idx.msk [tilespmem:v20+s13+$0x0], $0xffff;
	[tilespmem:v13+s18+$0x0] =	vst.idx.msk $0xffff, v11  }
0x41d: {  	v9 =	vor.u32 v24, v1;
	v15 =	vor.u32 v51, v6;
	v27 =	vld [tilespmem:$0x1FFB0];
	_ =	sdelay $0x1  }
0x41e: {  	v10 =	vld.idx.msk [tilespmem:v10+s13+$0x0], $0xffff;
	v17 =	vor.u32 v42, v7  }
0x41f: {  	v16 =	vmul.f32 $8.000000000e+00, v16;
	v12 =	vld.idx.msk [tilespmem:v22+s13+$0x0], $0xffff  }
0x420: {  	v21 =	vor.u32 v60, v3;
	v19 =	vor.u32 v23, v2;
	v30 =	vld [tilespmem:$0x1FFE0]  }
0x421: {  	v15 =	vld.idx.msk [tilespmem:v15+s13+$0x0], $0xffff;
	[tilespmem:v9+s18+$0x0] =	vst.idx.msk $0xffff, v16;
	v16 =	vmul.f32 $8.000000000e+00, v18;
	v13 =	vor.u32 v27, v0  }
0x422: {  	v11 =	vor.u32 v61, v4  }
0x423: {  	s29 =	simm.s32 $0x5;
	v20 =	vor.u32 v43, v8;
	v10 =	vmul.f32 $8.000000000e+00, v10;
	[tilespmem:v17+s18+$0x0] =	vst.idx.msk $0xffff, v16;
	v16 =	vor.u32 v52, v5  }
0x424: {  	v22 =	vxor.u32 s29, v35;
	v12 =	vmul.f32 $8.000000000e+00, v12  }
0x425: {  	v9 =	vand.u32 $0xF, v22;
	[tilespmem:v21+s18+$0x0] =	vst.idx.msk $0xffff, v10  }
0x426: {  	v18 =	vld.idx.msk [tilespmem:v19+s13+$0x0], $0xffff;
	v19 =	vor.u32 v36, v9;
	[tilespmem:v13+s18+$0x0] =	vst.idx.msk $0xffff, v12;
	v12 =	vmul.f32 $8.000000000e+00, v15  }
0x427: {  	v11 =	vld.idx.msk [tilespmem:v11+s13+$0x0], $0xffff;
	v23 =	vor.u32 v30, v14  }
0x428: {  	v10 =	vor.u32 v28, v1;
	v20 =	vld.idx.msk [tilespmem:v20+s13+$0x0], $0xffff;
	[tilespmem:v16+s18+$0x0] =	vst.idx.msk $0xffff, v12  }
0x429: {  	v24 =	vor.u32 v62, v3;
	v17 =	vor.u32 v53, v6;
	v16 =	vld [tilespmem:$0x1FFD0]  }
0x42a: {  	v21 =	vor.u32 v34, v2;
	v15 =	vor.u32 v44, v7  }
0x42b: {  	v18 =	vmul.f32 $8.000000000e+00, v18;
	v19 =	vld.idx.msk [tilespmem:v19+s13+$0x0], $0xffff  }
0x42c: {  	v11 =	vmul.f32 $8.000000000e+00, v11;
	v13 =	vld.idx.msk [tilespmem:v23+s13+$0x0], $0xffff  }
0x42d: {  	v22 =	vshll.u32 v22, $0x7;
	v23 =	vor.u32 v45, v8;
	v25 =	vld [tilespmem:$0x1FC70];
	[tilespmem:v10+s18+$0x0] =	vst.idx.msk $0xffff, v18;
	v18 =	vmul.f32 $8.000000000e+00, v20  }
0x42e: {  	v17 =	vld.idx.msk [tilespmem:v17+s13+$0x0], $0xffff;
	v10 =	vand.u32 $0x780, v22;
	[tilespmem:v24+s18+$0x0] =	vst.idx.msk $0xffff, v11;
	v16 =	vor.u32 v16, v0  }
0x42f: {  	v12 =	vor.u32 v63, v4;
	v20 =	vld.idx.msk [tilespmem:v21+s13+$0x0], $0xffff;
	v21 =	vor.u32 v35, v10;
	[tilespmem:v15+s18+$0x0] =	vst.idx.msk $0xffff, v18  }
0x430: {  	v11 =	vor.u32 v33, v1;
	v15 =	vor.u32 v54, v5;
	v33 =	vld [tilespmem:$0x1FF60]  }
0x431: {  	v13 =	vmul.f32 $8.000000000e+00, v13  }
0x432: {  	v19 =	vmul.f32 $8.000000000e+00, v19;
	v22 =	vor.u32 v37, v9  }
0x433: {  	v23 =	vld.idx.msk [tilespmem:v23+s13+$0x0], $0xffff;
	v25 =	vor.u32 v25, v14;
	[tilespmem:v16+s18+$0x0] =	vst.idx.msk $0xffff, v13;
	v13 =	vmul.f32 $8.000000000e+00, v17  }
0x434: {  	v12 =	vld.idx.msk [tilespmem:v12+s13+$0x0], $0xffff;
	[tilespmem:v21+s18+$0x0] =	vst.idx.msk $0xffff, v19  }
0x435: {  	v24 =	vor.u32 v33, v2;
	v21 =	vld [tilespmem:$0x1FED0];
	[tilespmem:v15+s18+$0x0] =	vst.idx.msk $0xffff, v13  }
0x436: {  	v18 =	vor.u32 v55, v6;
	v34 =	vld [tilespmem:$0x1FC80]  }
0x437: {  	v20 =	vmul.f32 $8.000000000e+00, v20;
	v22 =	vld.idx.msk [tilespmem:v22+s13+$0x0], $0xffff  }
0x438: {  	v17 =	vor.u32 v46, v7;
	v16 =	vld.idx.msk [tilespmem:v25+s13+$0x0], $0xffff  }
0x439: {  	v13 =	vld [tilespmem:$0x1FEE0];
	[tilespmem:v11+s18+$0x0] =	vst.idx.msk $0xffff, v20  }
0x43a: {  	v11 =	vmul.f32 $8.000000000e+00, v23;
	v23 =	vld.idx.msk [tilespmem:v24+s13+$0x0], $0xffff;
	v24 =	vor.u32 v38, v10  }
0x43b: {  	v18 =	vld.idx.msk [tilespmem:v18+s13+$0x0], $0xffff;
	v15 =	vor.u32 v34, v0  }
0x43c: {  	v19 =	vor.u32 v47, v8;
	v20 =	vld [tilespmem:$0x1FC90];
	v21 =	vor.u32 v21, v3  }
0x43d: {  	v22 =	vmul.f32 $8.000000000e+00, v22;
	[tilespmem:v17+s18+$0x0] =	vst.idx.msk $0xffff, v11;
	v11 =	vor.u32 v56, v5  }
0x43e: {  	v16 =	vmul.f32 $8.000000000e+00, v16  }
0x43f: {  	v12 =	vmul.f32 $8.000000000e+00, v12;
	v25 =	vor.u32 v39, v9;
	[tilespmem:v24+s18+$0x0] =	vst.idx.msk $0xffff, v22  }
0x440: {  	v13 =	vor.u32 v13, v4;
	[tilespmem:v15+s18+$0x0] =	vst.idx.msk $0xffff, v16;
	v15 =	vmul.f32 $8.000000000e+00, v18  }
0x441: {  	v17 =	vld.idx.msk [tilespmem:v19+s13+$0x0], $0xffff;
	v20 =	vor.u32 v20, v14;
	[tilespmem:v21+s18+$0x0] =	vst.idx.msk $0xffff, v12  }
0x442: {  	v22 =	vmul.f32 $8.000000000e+00, v23;
	v12 =	vor.u32 v32, v1;
	v23 =	vld [tilespmem:$0x1FEF0];
	[tilespmem:v11+s18+$0x0] =	vst.idx.msk $0xffff, v15  }
0x443: {  	v19 =	vor.u32 v57, v6;
	v15 =	vld [tilespmem:$0x1FCA0]  }
0x444: {  	v24 =	vld.idx.msk [tilespmem:v25+s13+$0x0], $0xffff  }
0x445: {  	v13 =	vld.idx.msk [tilespmem:v13+s13+$0x0], $0xffff;
	v18 =	vor.u32 v48, v7  }
0x446: {  	v16 =	vld.idx.msk [tilespmem:v20+s13+$0x0], $0xffff  }
0x447: {  	v11 =	vld [tilespmem:$0x1FF00];
	[tilespmem:v12+s18+$0x0] =	vst.idx.msk $0xffff, v22;
	v22 =	vor.u32 v40, v10  }
0x448: {  	v21 =	vor.u32 v29, v2;
	v19 =	vld.idx.msk [tilespmem:v19+s13+$0x0], $0xffff;
	v12 =	vmul.f32 $8.000000000e+00, v17;
	v15 =	vor.u32 v15, v0  }
0x449: {  	v25 =	vor.u32 v41, v9;
	v17 =	vld [tilespmem:$0x1FCB0];
	v23 =	vor.u32 v23, v3  }
0x44a: {  	v24 =	vmul.f32 $8.000000000e+00, v24;
	[tilespmem:v18+s18+$0x0] =	vst.idx.msk $0xffff, v12;
	v12 =	vor.u32 v58, v5  }
0x44b: {  	v16 =	vmul.f32 $8.000000000e+00, v16  }
0x44c: {  	v20 =	vor.u32 v49, v8;
	v13 =	vmul.f32 $8.000000000e+00, v13;
	[tilespmem:v22+s18+$0x0] =	vst.idx.msk $0xffff, v24  }
0x44d: {  	v21 =	vld.idx.msk [tilespmem:v21+s13+$0x0], $0xffff;
	v11 =	vor.u32 v11, v4;
	[tilespmem:v15+s18+$0x0] =	vst.idx.msk $0xffff, v16;
	v15 =	vmul.f32 $8.000000000e+00, v19  }
0x44e: {  	v17 =	vor.u32 v17, v14;
	v24 =	vld.idx.msk [tilespmem:v25+s13+$0x0], $0xffff;
	[tilespmem:v23+s18+$0x0] =	vst.idx.msk $0xffff, v13  }
0x44f: {  	v22 =	vld [tilespmem:$0x1FF40];
	[tilespmem:v12+s18+$0x0] =	vst.idx.msk $0xffff, v15  }
0x450: {  	v15 =	vld [tilespmem:$0x1FCC0]  }
0x451: {  	v18 =	vld.idx.msk [tilespmem:v20+s13+$0x0], $0xffff;
	v13 =	vor.u32 v31, v1  }
0x452: {  	v25 =	vor.u32 v42, v10;
	v11 =	vld.idx.msk [tilespmem:v11+s13+$0x0], $0xffff  }
0x453: {  	v16 =	vld.idx.msk [tilespmem:v17+s13+$0x0], $0xffff;
	v17 =	vor.u32 v50, v7  }
0x454: {  	v20 =	vor.u32 v59, v6;
	v21 =	vmul.f32 $8.000000000e+00, v21;
	v12 =	vld [tilespmem:$0x1FF10];
	v22 =	vor.u32 v22, v3  }
0x455: {  	v24 =	vmul.f32 $8.000000000e+00, v24;
	v15 =	vor.u32 v15, v0  }
0x456: {  	[tilespmem:v13+s18+$0x0] =	vst.idx.msk $0xffff, v21;
	v13 =	vmul.f32 $8.000000000e+00, v18  }
0x457: {  	v23 =	vor.u32 v26, v2;
	v18 =	vld [tilespmem:$0x1FCD0];
	[tilespmem:v25+s18+$0x0] =	vst.idx.msk $0xffff, v24;
	v11 =	vmul.f32 $8.000000000e+00, v11  }
0x458: {  	v19 =	vor.u32 v51, v8;
	[tilespmem:v17+s18+$0x0] =	vst.idx.msk $0xffff, v13;
	v16 =	vmul.f32 $8.000000000e+00, v16  }
0x459: {  	v20 =	vld.idx.msk [tilespmem:v20+s13+$0x0], $0xffff;
	v12 =	vor.u32 v12, v4;
	[tilespmem:v22+s18+$0x0] =	vst.idx.msk $0xffff, v11  }
0x45a: {  	[tilespmem:v15+s18+$0x0] =	vst.idx.msk $0xffff, v16  }
0x45b: {  	v13 =	vor.u32 v60, v5;
	v24 =	vld [tilespmem:$0x1FF20]  }
0x45c: {  	v23 =	vld.idx.msk [tilespmem:v23+s13+$0x0], $0xffff  }
0x45d: {  	v17 =	vld.idx.msk [tilespmem:v19+s13+$0x0], $0xffff  }
0x45e: {  	v22 =	vor.u32 v27, v1;
	v12 =	vld.idx.msk [tilespmem:v12+s13+$0x0], $0xffff;
	v15 =	vmul.f32 $8.000000000e+00, v20  }
0x45f: {  	v20 =	vor.u32 v52, v7  }
0x460: {  	[tilespmem:v13+s18+$0x0] =	vst.idx.msk $0xffff, v15;
	v24 =	vor.u32 v24, v3  }
0x461: {  	v23 =	vmul.f32 $8.000000000e+00, v23;
	v13 =	vld [tilespmem:$0x1FF30]  }
0x462: {  	v17 =	vmul.f32 $8.000000000e+00, v17;
	v15 =	vld [tilespmem:$0x1FCE0]  }
0x463: {  	v31 =	vmov v26;
	v26 =	vor.u32 v43, v9;
	v32 =	vld [tilespmem:$0x1FCF0];
	[tilespmem:v22+s18+$0x0] =	vst.idx.msk $0xffff, v23;
	v12 =	vmul.f32 $8.000000000e+00, v12  }
0x464: {  	v18 =	vor.u32 v18, v14;
	[tilespmem:v20+s18+$0x0] =	vst.idx.msk $0xffff, v17  }
0x465: {  	v19 =	vor.u32 v61, v6;
	[tilespmem:v24+s18+$0x0] =	vst.idx.msk $0xffff, v12  }
0x466: {  	v12 =	vld [tilespmem:$0x1FFD0]  }
0x467: {  	s30 =	simm.s32 $0x6  }
0x468: {  	v21 =	vxor.u32 s30, v35;
	v25 =	vld.idx.msk [tilespmem:v26+s13+$0x0], $0xffff;
	v27 =	vor.u32 v30, v2  }
0x469: {  	v28 =	vor.u32 v53, v8;
	v11 =	vand.u32 $0xF, v21;
	v16 =	vld.idx.msk [tilespmem:v18+s13+$0x0], $0xffff  }
0x46a: {  	v18 =	vor.u32 v36, v11;
	v19 =	vld.idx.msk [tilespmem:v19+s13+$0x0], $0xffff  }
0x46b: {  	v15 =	vor.u32 v15, v0;
	v24 =	vor.u32 v12, v1;
	v12 =	vld [tilespmem:$0x1FC70]  }
0x46c: {  	v17 =	vor.u32 v62, v5  }
0x46d: {  	v23 =	vor.u32 v44, v10;
	v22 =	vld.idx.msk [tilespmem:v27+s13+$0x0], $0xffff  }
0x46e: {  	v16 =	vmul.f32 $8.000000000e+00, v16;
	v20 =	vld.idx.msk [tilespmem:v28+s13+$0x0], $0xffff;
	v28 =	vor.u32 v63, v6  }
0x46f: {  	v21 =	vshll.u32 v21, $0x7;
	v18 =	vld.idx.msk [tilespmem:v18+s13+$0x0], $0xffff;
	v19 =	vmul.f32 $8.000000000e+00, v19  }
0x470: {  	[tilespmem:v15+s18+$0x0] =	vst.idx.msk $0xffff, v16;
	v29 =	vor.u32 v12, v2;
	v12 =	vand.u32 $0x780, v21;
	v21 =	vmul.f32 $8.000000000e+00, v25  }
0x471: {  	[tilespmem:v17+s18+$0x0] =	vst.idx.msk $0xffff, v19;
	v16 =	vor.u32 v35, v12  }
0x472: {  	v13 =	vor.u32 v13, v4;
	v22 =	vmul.f32 $8.000000000e+00, v22;
	[tilespmem:v23+s18+$0x0] =	vst.idx.msk $0xffff, v21;
	v21 =	vor.u32 v54, v7  }
0x473: {  	v19 =	vld.idx.msk [tilespmem:v28+s13+$0x0], $0xffff  }
0x474: {  	v26 =	vor.u32 v32, v14;
	v18 =	vmul.f32 $8.000000000e+00, v18;
	v17 =	vld [tilespmem:$0x1FF50];
	[tilespmem:v24+s18+$0x0] =	vst.idx.msk $0xffff, v22  }
0x475: {  	v27 =	vor.u32 v45, v9;
	v20 =	vmul.f32 $8.000000000e+00, v20;
	v22 =	vld [tilespmem:$0x1FD00]  }
0x476: {  	v28 =	vld [tilespmem:$0x1FD10];
	[tilespmem:v16+s18+$0x0] =	vst.idx.msk $0xffff, v18  }
0x477: {  	v13 =	vld.idx.msk [tilespmem:v13+s13+$0x0], $0xffff;
	[tilespmem:v21+s18+$0x0] =	vst.idx.msk $0xffff, v20  }
0x478: {  	v20 =	vld [tilespmem:$0x1FED0]  }
0x479: {  	v25 =	vld.idx.msk [tilespmem:v26+s13+$0x0], $0xffff;
	v17 =	vor.u32 v17, v3  }
0x47a: {  	v27 =	vld.idx.msk [tilespmem:v27+s13+$0x0], $0xffff  }
0x47b: {  	v22 =	vor.u32 v22, v0  }
0x47c: {  	v13 =	vmul.f32 $8.000000000e+00, v13;
	v24 =	vld.idx.msk [tilespmem:v29+s13+$0x0], $0xffff;
	v16 =	vor.u32 v46, v10  }
0x47d: {  	v20 =	vor.u32 v20, v5  }
0x47e: {  	v21 =	vmul.f32 $8.000000000e+00, v25;
	v25 =	vld [tilespmem:$0x1FEE0];
	[tilespmem:v17+s18+$0x0] =	vst.idx.msk $0xffff, v13;
	v13 =	vor.u32 v34, v1  }
0x47f: {  	v17 =	vmul.f32 $8.000000000e+00, v27  }
0x480: {  	v19 =	vmul.f32 $8.000000000e+00, v19;
	v27 =	vld [tilespmem:$0x1FC90];
	[tilespmem:v22+s18+$0x0] =	vst.idx.msk $0xffff, v21  }
0x481: {  	v22 =	vld [tilespmem:$0x1FF80];
	[tilespmem:v16+s18+$0x0] =	vst.idx.msk $0xffff, v17;
	v17 =	vmul.f32 $8.000000000e+00, v24  }
0x482: {  	v26 =	vor.u32 v37, v11;
	[tilespmem:v20+s18+$0x0] =	vst.idx.msk $0xffff, v19  }
0x483: {  	v23 =	vor.u32 v55, v8;
	v19 =	vld [tilespmem:$0x1FF70];
	[tilespmem:v13+s18+$0x0] =	vst.idx.msk $0xffff, v17  }
0x484: {  	v13 =	vld [tilespmem:$0x1FD20]  }
0x485: {  	v15 =	vor.u32 v33, v4;
	_ =	sdelay $0x1  }
0x486: {  	v26 =	vld.idx.msk [tilespmem:v26+s13+$0x0], $0xffff;
	v28 =	vor.u32 v28, v14  }
0x487: {  	v23 =	vld.idx.msk [tilespmem:v23+s13+$0x0], $0xffff;
	v27 =	vor.u32 v27, v2  }
0x488: {  	v21 =	vor.u32 v38, v12;
	v17 =	vor.u32 v13, v0;
	v13 =	vld [tilespmem:$0x1FD30]  }
0x489: {  	v18 =	vor.u32 v47, v9;
	v15 =	vld.idx.msk [tilespmem:v15+s13+$0x0], $0xffff;
	v16 =	vor.u32 v56, v7;
	_ =	sdelay $0x1  }
0x48a: {  	v28 =	vld.idx.msk [tilespmem:v28+s13+$0x0], $0xffff;
	v20 =	vmul.f32 $8.000000000e+00, v26;
	v19 =	vor.u32 v19, v3  }
0x48b: {  	v23 =	vmul.f32 $8.000000000e+00, v23;
	v26 =	vld.idx.msk [tilespmem:v27+s13+$0x0], $0xffff  }
0x48c: {  	v22 =	vor.u32 v22, v4;
	v27 =	vor.u32 v13, v14;
	v13 =	vld [tilespmem:$0x1FD70];
	[tilespmem:v21+s18+$0x0] =	vst.idx.msk $0xffff, v20  }
0x48d: {  	v18 =	vld.idx.msk [tilespmem:v18+s13+$0x0], $0xffff;
	v15 =	vmul.f32 $8.000000000e+00, v15;
	[tilespmem:v16+s18+$0x0] =	vst.idx.msk $0xffff, v23  }
0x48e: {  	v25 =	vor.u32 v25, v6;
	v16 =	vld [tilespmem:$0x1FEF0]  }
0x48f: {  	v23 =	vmul.f32 $8.000000000e+00, v28;
	v28 =	vld [tilespmem:$0x1FF00];
	[tilespmem:v19+s18+$0x0] =	vst.idx.msk $0xffff, v15  }
0x490: {  	v15 =	vld [tilespmem:$0x1FCA0]  }
0x491: {  	v19 =	vld.idx.msk [tilespmem:v22+s13+$0x0], $0xffff  }
0x492: {  	v22 =	vld [tilespmem:$0x1FCB0]  }
0x493: {  	v25 =	vld.idx.msk [tilespmem:v25+s13+$0x0], $0xffff  }
0x494: {  	v20 =	vor.u32 v48, v10  }
0x495: {  	v29 =	vor.u32 v39, v11;
	v16 =	vor.u32 v16, v5  }
0x496: {  	v15 =	vor.u32 v15, v1  }
0x497: {  	v18 =	vmul.f32 $8.000000000e+00, v18;
	v22 =	vor.u32 v22, v2  }
0x498: {  	[tilespmem:v17+s18+$0x0] =	vst.idx.msk $0xffff, v23;
	v17 =	vmul.f32 $8.000000000e+00, v25  }
0x499: {  	[tilespmem:v20+s18+$0x0] =	vst.idx.msk $0xffff, v18;
	v20 =	vmul.f32 $8.000000000e+00, v26  }
0x49a: {  	v29 =	vld.idx.msk [tilespmem:v29+s13+$0x0], $0xffff;
	[tilespmem:v16+s18+$0x0] =	vst.idx.msk $0xffff, v17  }
0x49b: {  	v24 =	vor.u32 v57, v8;
	v16 =	vld [tilespmem:$0x1FF90];
	[tilespmem:v15+s18+$0x0] =	vst.idx.msk $0xffff, v20  }
0x49c: {  	v23 =	vor.u32 v40, v12;
	v33 =	vld.idx.msk [tilespmem:v22+s13+$0x0], $0xffff  }
0x49d: {  	v30 =	vor.u32 v41, v11;
	v22 =	vld [tilespmem:$0x1FD50];
	_ =	sdelay $0x1  }
0x49e: {  	v29 =	vmul.f32 $8.000000000e+00, v29  }
0x49f: {  	v24 =	vld.idx.msk [tilespmem:v24+s13+$0x0], $0xffff  }
0x4a0: {  	v21 =	vor.u32 v49, v9;
	v15 =	vld [tilespmem:$0x1FD40];
	[tilespmem:v23+s18+$0x0] =	vst.idx.msk $0xffff, v29  }
0x4a1: {  	v13 =	vor.u32 v13, v14;
	v28 =	vor.u32 v28, v6;
	v14 =	vor.u32 v22, v14;
	v22 =	vld.idx.msk [tilespmem:v30+s13+$0x0], $0xffff  }
0x4a2: {  	v18 =	vor.u32 v58, v7;
	_ =	sdelay $0x1  }
0x4a3: {  	v27 =	vld.idx.msk [tilespmem:v27+s13+$0x0], $0xffff  }
0x4a4: {  	v21 =	vld.idx.msk [tilespmem:v21+s13+$0x0], $0xffff;
	v20 =	vmul.f32 $8.000000000e+00, v24  }
0x4a5: {  	v25 =	vor.u32 v31, v4;
	v31 =	vld.idx.msk [tilespmem:v28+s13+$0x0], $0xffff;
	[tilespmem:$0x1FC50] =	vst v22  }
0x4a6: {  	v16 =	vor.u32 v16, v3;
	[tilespmem:v18+s18+$0x0] =	vst.idx.msk $0xffff, v20  }
0x4a7: {  	v18 =	vld [tilespmem:$0x1FF40];
	_ =	sdelay $0x1  }
0x4a8: {  	v19 =	vmul.f32 $8.000000000e+00, v19;
	v15 =	vor.u32 v15, v0;
	v20 =	vld [tilespmem:$0x1FF10];
	_ =	sdelay $0x1  }
0x4a9: {  	[tilespmem:v16+s18+$0x0] =	vst.idx.msk $0xffff, v19  }
0x4aa: {  	v16 =	vld [tilespmem:$0x1FCC0];
	v63 =	vor.u32 v18, v5;
	v18 =	vmul.f32 $8.000000000e+00, v27;
	_ =	sdelay $0x1  }
0x4ab: {  	v26 =	vor.u32 v59, v8;
	v22 =	vor.u32 v20, v6;
	v20 =	vld [tilespmem:$0x1FCD0];
	[tilespmem:v15+s18+$0x0] =	vst.idx.msk $0xffff, v18  }
0x4ac: {  	v23 =	vor.u32 v50, v10;
	v15 =	vld [tilespmem:$0x1FFE0];
	_ =	sdelay $0x1  }
0x4ad: {  	v16 =	vor.u32 v16, v1  }
0x4ae: {  	v21 =	vmul.f32 $8.000000000e+00, v21  }
0x4af: {  	v24 =	vld.idx.msk [tilespmem:v26+s13+$0x0], $0xffff;
	v26 =	vmul.f32 $8.000000000e+00, v31  }
0x4b0: {  	[tilespmem:v23+s18+$0x0] =	vst.idx.msk $0xffff, v21;
	v18 =	vor.u32 v15, v4;
	v15 =	vld.idx.msk [tilespmem:v14+s13+$0x0], $0xffff;
	v14 =	vmul.f32 $8.000000000e+00, v33  }
0x4b1: {  	[tilespmem:v63+s18+$0x0] =	vst.idx.msk $0xffff, v26  }
0x4b2: {  	v21 =	vld [tilespmem:$0x1FFB0];
	[tilespmem:v16+s18+$0x0] =	vst.idx.msk $0xffff, v14  }
0x4b3: {  	v16 =	vld [tilespmem:$0x1FC50];
	_ =	sdelay $0x3  }
0x4b4: {  	v17 =	vor.u32 v32, v2;
	v32 =	vor.u32 v51, v9  }
0x4b5: {  	v31 =	vmul.f32 $8.000000000e+00, v16;
	v16 =	vld [tilespmem:$0x1FD60];
	_ =	sdelay $0x1  }
0x4b6: {  	s31 =	simm.s32 $0x7  }
0x4b7: {  	v28 =	vxor.u32 s31, v35;
	v29 =	vor.u32 v42, v12;
	v30 =	vor.u32 v43, v11;
	v19 =	vld.idx.msk [tilespmem:v25+s13+$0x0], $0xffff  }
0x4b8: {  	v25 =	vor.u32 v60, v7;
	v27 =	vld.idx.msk [tilespmem:v32+s13+$0x0], $0xffff;
	v20 =	vor.u32 v20, v2;
	v26 =	vor.u32 v61, v8  }
0x4b9: {  	s24 =	sor.u32 $0x1, s22;
	s25 =	simm.s32 $0x8;
	v63 =	vmovc v42;
	v22 =	vld.idx.msk [tilespmem:v22+s13+$0x0], $0xffff;
	v14 =	vand.u32 $0xF, v28;
	v21 =	vor.u32 v21, v3;
	v16 =	vor.u32 v16, v0  }
.LBB2_5:
0x4ba: {  	v23 =	vld [tilespmem:$0x1FC70];
	_ =	sdelay $0x4  }
0x4bb: {  	v33 =	vor.u32 v23, v4;
	v23 =	vmov v8;
	v8 =	vld [tilespmem:$0x1FF20];
	_ =	sdelay $0x2  }
0x4bc: {  	v24 =	vmul.f32 $8.000000000e+00, v24;
	v20 =	vld.idx.msk [tilespmem:v20+s13+$0x0], $0xffff;
	[tilespmem:v29+s18+$0x0] =	vst.idx.msk $0xffff, v31  }
0x4bd: {  	v30 =	vld.idx.msk [tilespmem:v30+s13+$0x0], $0xffff  }
0x4be: {  	v32 =	vor.u32 v53, v9;
	[tilespmem:v25+s18+$0x0] =	vst.idx.msk $0xffff, v24;
	v24 =	vor.u32 v8, v5;
	v8 =	vmov v9;
	v9 =	vld [tilespmem:$0x1FF30];
	_ =	sdelay $0x3  }
0x4bf: {  	v25 =	vld.idx.msk [tilespmem:v26+s13+$0x0], $0xffff  }
0x4c0: {  	v26 =	vor.u32 v9, v6;
	v9 =	vld [tilespmem:$0x1FCE0];
	_ =	sdelay $0x2  }
0x4c1: {  	v19 =	vmul.f32 $8.000000000e+00, v19  }
0x4c2: {  	v34 =	vor.u32 v36, v14  }
0x4c3: {  	v29 =	vor.u32 v52, v10;
	[tilespmem:v21+s18+$0x0] =	vst.idx.msk $0xffff, v19;
	v19 =	vor.u32 v9, v1;
	v9 =	vld [tilespmem:$0x1FF60]  }
0x4c4: {  	v15 =	vmul.f32 $8.000000000e+00, v15;
	_ =	sdelay $0x1  }
0x4c5: {  	v21 =	vmul.f32 $8.000000000e+00, v27;
	v18 =	vld.idx.msk [tilespmem:v18+s13+$0x0], $0xffff;
	[tilespmem:v16+s18+$0x0] =	vst.idx.msk $0xffff, v15  }
0x4c6: {  	v22 =	vmul.f32 $8.000000000e+00, v22;
	v13 =	vld.idx.msk [tilespmem:v13+s13+$0x0], $0xffff  }
0x4c7: {  	v27 =	vor.u32 v9, v6;
	v9 =	vmov v11;
	v11 =	vmov v14;
	v14 =	vld.idx.msk [tilespmem:v34+s13+$0x0], $0xffff;
	[tilespmem:v29+s18+$0x0] =	vst.idx.msk $0xffff, v21  }
0x4c8: {  	v20 =	vmul.f32 $8.000000000e+00, v20;
	v29 =	vld.idx.msk [tilespmem:v32+s13+$0x0], $0xffff;
	[tilespmem:v24+s18+$0x0] =	vst.idx.msk $0xffff, v22  }
0x4c9: {  	v26 =	vld.idx.msk [tilespmem:v26+s13+$0x0], $0xffff  }
0x4ca: {  	[tilespmem:v19+s18+$0x0] =	vst.idx.msk $0xffff, v20;
	v19 =	vld [tilespmem:$0x1FFC0];
	_ =	sdelay $0x2  }
0x4cb: {  	v31 =	vld [tilespmem:$0x1FEC0];
	v15 =	vor.u32 v44, v12  }
0x4cc: {  	v16 =	vor.u32 v45, v9;
	v22 =	vld [tilespmem:$0x1FFD0]  }
0x4cd: {  	v28 =	vshll.u32 v28, $0x7;
	v21 =	vor.u32 v62, v7;
	v19 =	vor.u32 v19, v0;
	v0 =	vmovc v1;
	v1 =	vld [tilespmem:$0x1FF50]  }
0x4ce: {  	v24 =	vand.u32 $0x780, v28;
	v28 =	vmul.f32 $8.000000000e+00, v30;
	_ =	sdelay $0x1  }
0x4cf: {  	v25 =	vmul.f32 $8.000000000e+00, v25;
	v17 =	vld.idx.msk [tilespmem:v17+s13+$0x0], $0xffff;
	[tilespmem:v15+s18+$0x0] =	vst.idx.msk $0xffff, v28  }
0x4d0: {  	v31 =	vor.u32 v31, v23;
	v16 =	vld.idx.msk [tilespmem:v16+s13+$0x0], $0xffff  }
0x4d1: {  	v22 =	vor.u32 v22, v3;
	[tilespmem:v21+s18+$0x0] =	vst.idx.msk $0xffff, v25;
	v21 =	vor.u32 v1, v5;
	v1 =	vmov v3;
	v3 =	vld [tilespmem:$0x1FD00];
	_ =	sdelay $0x2  }
0x4d2: {  	v18 =	vmul.f32 $8.000000000e+00, v18  }
0x4d3: {  	v25 =	vld.idx.msk [tilespmem:v31+s13+$0x0], $0xffff  }
0x4d4: {  	[tilespmem:v22+s18+$0x0] =	vst.idx.msk $0xffff, v18;
	v18 =	vor.u32 v3, v0;
	v3 =	vmov v5;
	v5 =	vld [tilespmem:$0x1FD10];
	_ =	sdelay $0x2  }
0x4d5: {  	v20 =	vor.u32 v35, v24  }
0x4d6: {  	v13 =	vmul.f32 $8.000000000e+00, v13;
	v42 =	vor.u32 v37, v11  }
0x4d7: {  	v15 =	vor.u32 v54, v10;
	v22 =	vmul.f32 $8.000000000e+00, v29;
	v29 =	vor.u32 v5, v2;
	v5 =	vmovc v7;
	v7 =	vld [tilespmem:$0x1FED0]  }
0x4d8: {  	v14 =	vmul.f32 $8.000000000e+00, v14  }
0x4d9: {  	v28 =	vld.idx.msk [tilespmem:v33+s13+$0x0], $0xffff;
	[tilespmem:v19+s18+$0x0] =	vst.idx.msk $0xffff, v13  }
0x4da: {  	[tilespmem:v20+s18+$0x0] =	vst.idx.msk $0xffff, v14  }
0x4db: {  	v20 =	vld.idx.msk [tilespmem:v42+s13+$0x0], $0xffff  }
0x4dc: {  	[tilespmem:v15+s18+$0x0] =	vst.idx.msk $0xffff, v22;
	v15 =	vor.u32 v7, v5;
	v7 =	vmov v10;
	v10 =	vld [tilespmem:$0x1FEE0];
	_ =	sdelay $0x3  }
0x4dd: {  	v30 =	vor.u32 v55, v8  }
0x4de: {  	v19 =	vmul.f32 $8.000000000e+00, v26;
	v26 =	vor.u32 v10, v23;
	v10 =	vld [tilespmem:$0x1FC80];
	_ =	sdelay $0x3  }
0x4df: {  	v22 =	vld.idx.msk [tilespmem:v30+s13+$0x0], $0xffff  }
0x4e0: {  	v13 =	vor.u32 v46, v12;
	[tilespmem:v21+s18+$0x0] =	vst.idx.msk $0xffff, v19;
	v19 =	vor.u32 v10, v1;
	v10 =	vld [tilespmem:$0x1FC90]  }
0x4e1: {  	v17 =	vmul.f32 $8.000000000e+00, v17;
	v14 =	vor.u32 v47, v9;
	_ =	sdelay $0x1  }
0x4e2: {  	v16 =	vmul.f32 $8.000000000e+00, v16;
	v21 =	vld.idx.msk [tilespmem:v27+s13+$0x0], $0xffff;
	[tilespmem:v18+s18+$0x0] =	vst.idx.msk $0xffff, v17  }
0x4e3: {  	v29 =	vld.idx.msk [tilespmem:v29+s13+$0x0], $0xffff  }
0x4e4: {  	v18 =	vmul.f32 $8.000000000e+00, v25;
	[tilespmem:v13+s18+$0x0] =	vst.idx.msk $0xffff, v16;
	v27 =	vor.u32 v10, v4;
	v10 =	vmov v12;
	v12 =	vld [tilespmem:$0x1FF80]  }
0x4e5: {  	v14 =	vld.idx.msk [tilespmem:v14+s13+$0x0], $0xffff  }
0x4e6: {  	v13 =	vmul.f32 $8.000000000e+00, v28;
	[tilespmem:v15+s18+$0x0] =	vst.idx.msk $0xffff, v18;
	v15 =	vld [tilespmem:$0x1FF70]  }
0x4e7: {  	v18 =	vmul.f32 $8.000000000e+00, v20;
	v20 =	vld.idx.msk [tilespmem:v26+s13+$0x0], $0xffff  }
0x4e8: {  	v17 =	vor.u32 v38, v24;
	[tilespmem:v19+s18+$0x0] =	vst.idx.msk $0xffff, v13;
	v13 =	vld [tilespmem:$0x1FD20]  }
0x4e9: {  	v25 =	vor.u32 v12, v6;
	v12 =	vmov v24;
	v24 =	vor.u32 v39, v11  }
0x4ea: {  	v16 =	vor.u32 v56, v7;
	_ =	sdelay $0x1  }
0x4eb: {  	v28 =	vor.u32 v57, v8;
	v26 =	vld.idx.msk [tilespmem:v27+s13+$0x0], $0xffff  }
0x4ec: {  	v22 =	vmul.f32 $8.000000000e+00, v22;
	v15 =	vor.u32 v15, v3;
	v19 =	vor.u32 v13, v0;
	v13 =	vld [tilespmem:$0x1FD30];
	[tilespmem:v17+s18+$0x0] =	vst.idx.msk $0xffff, v18  }
0x4ed: {  	v24 =	vld.idx.msk [tilespmem:v24+s13+$0x0], $0xffff  }
0x4ee: {  	[tilespmem:v16+s18+$0x0] =	vst.idx.msk $0xffff, v22;
	v16 =	vld [tilespmem:$0x1FEF0]  }
0x4ef: {  	v21 =	vmul.f32 $8.000000000e+00, v21;
	v22 =	vmul.f32 $8.000000000e+00, v29;
	v29 =	vld [tilespmem:$0x1FF00]  }
0x4f0: {  	v28 =	vld.idx.msk [tilespmem:v28+s13+$0x0], $0xffff  }
0x4f1: {  	[tilespmem:v15+s18+$0x0] =	vst.idx.msk $0xffff, v21;
	v15 =	vld [tilespmem:$0x1FCA0]  }
0x4f2: {  	v21 =	vld.idx.msk [tilespmem:v25+s13+$0x0], $0xffff  }
0x4f3: {  	v25 =	vld [tilespmem:$0x1FCB0]  }
0x4f4: {  	v17 =	vor.u32 v48, v10;
	v27 =	vor.u32 v13, v2  }
0x4f5: {  	v18 =	vor.u32 v49, v9;
	v16 =	vor.u32 v16, v5  }
0x4f6: {  	v29 =	vor.u32 v29, v23  }
0x4f7: {  	v14 =	vmul.f32 $8.000000000e+00, v14;
	v15 =	vor.u32 v15, v1  }
0x4f8: {  	v20 =	vmul.f32 $8.000000000e+00, v20;
	v13 =	vld [tilespmem:$0x1FD70];
	[tilespmem:v19+s18+$0x0] =	vst.idx.msk $0xffff, v22;
	v25 =	vor.u32 v25, v4  }
0x4f9: {  	v27 =	vld.idx.msk [tilespmem:v27+s13+$0x0], $0xffff;
	[tilespmem:v17+s18+$0x0] =	vst.idx.msk $0xffff, v14  }
0x4fa: {  	v17 =	vmul.f32 $8.000000000e+00, v26;
	v18 =	vld.idx.msk [tilespmem:v18+s13+$0x0], $0xffff;
	[tilespmem:v16+s18+$0x0] =	vst.idx.msk $0xffff, v20  }
0x4fb: {  	v31 =	vld.idx.msk [tilespmem:v29+s13+$0x0], $0xffff  }
0x4fc: {  	[tilespmem:v15+s18+$0x0] =	vst.idx.msk $0xffff, v17;
	v17 =	vld [tilespmem:$0x1FCF0]  }
0x4fd: {  	v32 =	vld.idx.msk [tilespmem:v25+s13+$0x0], $0xffff  }
0x4fe: {  	v25 =	vld [tilespmem:$0x1FD50];
	_ =	sdelay $0x2  }
0x4ff: {  	v19 =	vor.u32 v40, v12  }
0x500: {  	v30 =	vor.u32 v41, v11;
	v22 =	vld [tilespmem:$0x1FFA0];
	v13 =	vor.u32 v13, v2  }
0x501: {  	v14 =	vor.u32 v58, v7;
	v17 =	vor.u32 v17, v4;
	v25 =	vor.u32 v25, v2;
	v2 =	vmovc v4;
	v4 =	vld [tilespmem:$0x1FF40]  }
0x502: {  	v20 =	vmul.f32 $8.000000000e+00, v24;
	_ =	sdelay $0x1  }
0x503: {  	v16 =	vld [tilespmem:$0x1FF90];
	v24 =	vmul.f32 $8.000000000e+00, v28;
	[tilespmem:v19+s18+$0x0] =	vst.idx.msk $0xffff, v20  }
0x504: {  	v35 =	vld.idx.msk [tilespmem:v30+s13+$0x0], $0xffff  }
0x505: {  	v22 =	vor.u32 v22, v6;
	[tilespmem:v14+s18+$0x0] =	vst.idx.msk $0xffff, v24;
	v14 =	vor.u32 v4, v5;
	v4 =	vmov v6;
	v6 =	vld [tilespmem:$0x1FF10];
	_ =	sdelay $0x3  }
0x506: {  	v42 =	vmovc v41;
	v41 =	vmov v40;
	v40 =	vmov v39;
	v26 =	vor.u32 v59, v8  }
0x507: {  	v39 =	vmovc v38;
	v38 =	vmovc v37;
	v37 =	vmov v36;
	v16 =	vor.u32 v16, v3;
	v36 =	vor.u32 v6, v23;
	v6 =	vld [tilespmem:$0x1FCC0];
	_ =	sdelay $0x1  }
0x508: {  	v15 =	vld [tilespmem:$0x1FD40]  }
0x509: {  	v19 =	vmul.f32 $8.000000000e+00, v21  }
0x50a: {  	v24 =	vld.idx.msk [tilespmem:v26+s13+$0x0], $0xffff  }
0x50b: {  	[tilespmem:v16+s18+$0x0] =	vst.idx.msk $0xffff, v19;
	v16 =	vor.u32 v6, v1;
	v6 =	vld [tilespmem:$0x1FCD0];
	_ =	sdelay $0x1  }
0x50c: {  	v15 =	vor.u32 v15, v0  }
0x50d: {  	v33 =	vor.u32 v50, v10  }
0x50e: {  	v34 =	vor.u32 v51, v9;
	v20 =	vlaneseq.u32  }
0x50f: {  	v21 =	vmul.f32 $8.000000000e+00, v27;
	v28 =	vxor.u32 s25, v20;
	v20 =	vor.u32 v6, v2;
	v6 =	vld [tilespmem:$0x1FFE0]  }
0x510: {  	v26 =	vmul.f32 $8.000000000e+00, v18  }
0x511: {  	v19 =	vld.idx.msk [tilespmem:v22+s13+$0x0], $0xffff;
	[tilespmem:v15+s18+$0x0] =	vst.idx.msk $0xffff, v21  }
0x512: {  	v21 =	vmul.f32 $8.000000000e+00, v31;
	v15 =	vld.idx.msk [tilespmem:v25+s13+$0x0], $0xffff;
	[tilespmem:v33+s18+$0x0] =	vst.idx.msk $0xffff, v26  }
0x513: {  	v27 =	vld.idx.msk [tilespmem:v34+s13+$0x0], $0xffff  }
0x514: {  	[tilespmem:v14+s18+$0x0] =	vst.idx.msk $0xffff, v21;
	v14 =	vld [tilespmem:$0x1FFB0];
	v18 =	vor.u32 v6, v4;
	v6 =	vmov v23;
	v23 =	vmul.f32 $8.000000000e+00, v32  }
0x515: {  	v22 =	vld.idx.msk [tilespmem:v36+s13+$0x0], $0xffff  }
0x516: {  	p1 =	sne.s32 s25, $0xF;
	[tilespmem:v16+s18+$0x0] =	vst.idx.msk $0xffff, v23;
	v16 =	vld [tilespmem:$0x1FD60]  }
.Ltmp3:
0x517: {  	_ = 	snop;
	(pc) =	sbr.rel @p1 .LBB2_5-.Ltmp3, $4  }
0x518: {  	v29 =	vor.u32 v63, v12;
	v30 =	vor.u32 v43, v11  }
0x519: {  	v31 =	vmul.f32 $8.000000000e+00, v35;
	v35 =	vlaneseq.u32;
	v25 =	vor.u32 v60, v7  }
0x51a: {  	v26 =	vor.u32 v61, v8;
	v21 =	vor.u32 v14, v3;
	v14 =	vand.u32 $0xF, v28;
	v36 =	vmovc v37;
	v37 =	vmovc v38  }
0x51b: {  	s25 =	sadd.s32 $0x1, s25;
	v38 =	vmovc v39;
	v39 =	vmovc v40;
	v40 =	vmov v41;
	v41 =	vmov v42;
	v16 =	vor.u32 v16, v0  }
0x51c: {  	v23 =	vor.u32 v36, v14;
	_ =	sdelay $0x4  }
0x51d: {  	v28 =	vshll.u32 v28, $0x7;
	v23 =	vld.idx.msk [tilespmem:v23+s13+$0x0], $0xffff  }
0x51e: {  	v33 =	vand.u32 $0x780, v28  }
0x51f: {  	v28 =	vor.u32 v35, v33  }
0x520: {  	v32 =	vor.u32 v37, v14;
	_ =	sdelay $0x1  }
0x521: {  	v23 =	vmul.f32 $8.000000000e+00, v23;
	_ =	sdelay $0x1  }
0x522: {  	[tilespmem:v28+s18+$0x0] =	vst.idx.msk $0xffff, v23  }
0x523: {  	v23 =	vld.idx.msk [tilespmem:v32+s13+$0x0], $0xffff;
	_ =	sdelay $0x1  }
0x524: {  	v28 =	vor.u32 v38, v33  }
0x525: {  	v42 =	vor.u32 v39, v14;
	_ =	sdelay $0x1  }
0x526: {  	v23 =	vmul.f32 $8.000000000e+00, v23;
	_ =	sdelay $0x1  }
0x527: {  	[tilespmem:v28+s18+$0x0] =	vst.idx.msk $0xffff, v23  }
0x528: {  	v23 =	vld.idx.msk [tilespmem:v42+s13+$0x0], $0xffff;
	_ =	sdelay $0x1  }
0x529: {  	v28 =	vor.u32 v40, v33  }
0x52a: {  	v42 =	vor.u32 v41, v14;
	_ =	sdelay $0x1  }
0x52b: {  	v23 =	vmul.f32 $8.000000000e+00, v23;
	_ =	sdelay $0x1  }
0x52c: {  	[tilespmem:v28+s18+$0x0] =	vst.idx.msk $0xffff, v23  }
0x52d: {  	v23 =	vld.idx.msk [tilespmem:v42+s13+$0x0], $0xffff;
	_ =	sdelay $0x1  }
0x52e: {  	v42 =	vor.u32 v63, v33  }
0x52f: {  	v43 =	vor.u32 v43, v14;
	_ =	sdelay $0x1  }
0x530: {  	[tilespmem:v29+s18+$0x0] =	vst.idx.msk $0xffff, v31;
	v23 =	vmul.f32 $8.000000000e+00, v23  }
0x531: {  	v29 =	vld.idx.msk [tilespmem:v30+s13+$0x0], $0xffff  }
0x532: {  	[tilespmem:v42+s18+$0x0] =	vst.idx.msk $0xffff, v23  }
0x533: {  	v42 =	vor.u32 v44, v12;
	v28 =	vld.idx.msk [tilespmem:v43+s13+$0x0], $0xffff  }
0x534: {  	v43 =	vor.u32 v45, v11  }
0x535: {  	v44 =	vor.u32 v44, v33  }
0x536: {  	v29 =	vmul.f32 $8.000000000e+00, v29;
	v45 =	vor.u32 v45, v14;
	_ =	sdelay $0x1  }
0x537: {  	[tilespmem:v42+s18+$0x0] =	vst.idx.msk $0xffff, v29;
	v42 =	vmul.f32 $8.000000000e+00, v28  }
0x538: {  	v43 =	vld.idx.msk [tilespmem:v43+s13+$0x0], $0xffff  }
0x539: {  	[tilespmem:v44+s18+$0x0] =	vst.idx.msk $0xffff, v42  }
0x53a: {  	v44 =	vld.idx.msk [tilespmem:v45+s13+$0x0], $0xffff  }
0x53b: {  	v23 =	vor.u32 v46, v12  }
0x53c: {  	v42 =	vor.u32 v46, v33;
	v45 =	vor.u32 v47, v11  }
0x53d: {  	v28 =	vmul.f32 $8.000000000e+00, v43;
	v43 =	vor.u32 v47, v14;
	_ =	sdelay $0x1  }
0x53e: {  	v44 =	vmul.f32 $8.000000000e+00, v44  }
0x53f: {  	[tilespmem:v23+s18+$0x0] =	vst.idx.msk $0xffff, v28  }
0x540: {  	v28 =	vld.idx.msk [tilespmem:v45+s13+$0x0], $0xffff;
	[tilespmem:v42+s18+$0x0] =	vst.idx.msk $0xffff, v44  }
0x541: {  	v46 =	vld.idx.msk [tilespmem:v43+s13+$0x0], $0xffff  }
0x542: {  	v45 =	vor.u32 v48, v12  }
0x543: {  	v47 =	vor.u32 v49, v11;
	v48 =	vor.u32 v48, v33  }
0x544: {  	v49 =	vor.u32 v49, v14  }
0x545: {  	v28 =	vmul.f32 $8.000000000e+00, v28  }
0x546: {  	v34 =	vmul.f32 $8.000000000e+00, v46  }
0x547: {  	[tilespmem:v45+s18+$0x0] =	vst.idx.msk $0xffff, v28  }
0x548: {  	v28 =	vld.idx.msk [tilespmem:v47+s13+$0x0], $0xffff;
	[tilespmem:v48+s18+$0x0] =	vst.idx.msk $0xffff, v34  }
0x549: {  	v43 =	vld.idx.msk [tilespmem:v49+s13+$0x0], $0xffff  }
0x54a: {  	v42 =	vor.u32 v50, v12  }
0x54b: {  	v44 =	vor.u32 v51, v11;
	v45 =	vor.u32 v50, v33  }
0x54c: {  	v46 =	vor.u32 v51, v14;
	v48 =	vor.u32 v52, v10  }
0x54d: {  	v49 =	vor.u32 v53, v9;
	v28 =	vmul.f32 $8.000000000e+00, v28  }
0x54e: {  	v47 =	vmul.f32 $8.000000000e+00, v43  }
0x54f: {  	v27 =	vmul.f32 $8.000000000e+00, v27;
	[tilespmem:v42+s18+$0x0] =	vst.idx.msk $0xffff, v28  }
0x550: {  	v28 =	vld.idx.msk [tilespmem:v44+s13+$0x0], $0xffff;
	[tilespmem:v45+s18+$0x0] =	vst.idx.msk $0xffff, v47  }
0x551: {  	[tilespmem:v48+s18+$0x0] =	vst.idx.msk $0xffff, v27;
	v31 =	vld.idx.msk [tilespmem:v46+s13+$0x0], $0xffff  }
0x552: {  	v50 =	vor.u32 v52, v12;
	v23 =	vld.idx.msk [tilespmem:v49+s13+$0x0], $0xffff  }
0x553: {  	v63 =	vmov v33;
	v33 =	vor.u32 v52, v33;
	v51 =	vor.u32 v53, v11  }
0x554: {  	v34 =	vor.u32 v53, v14;
	v43 =	vor.u32 v54, v10  }
0x555: {  	v44 =	vor.u32 v55, v9;
	v28 =	vmul.f32 $8.000000000e+00, v28  }
0x556: {  	v42 =	vmul.f32 $8.000000000e+00, v31  }
0x557: {  	v23 =	vmul.f32 $8.000000000e+00, v23;
	[tilespmem:v50+s18+$0x0] =	vst.idx.msk $0xffff, v28  }
0x558: {  	v28 =	vld.idx.msk [tilespmem:v51+s13+$0x0], $0xffff;
	[tilespmem:v33+s18+$0x0] =	vst.idx.msk $0xffff, v42  }
0x559: {  	[tilespmem:v43+s18+$0x0] =	vst.idx.msk $0xffff, v23;
	v46 =	vld.idx.msk [tilespmem:v34+s13+$0x0], $0xffff  }
0x55a: {  	v45 =	vor.u32 v54, v12;
	v23 =	vld.idx.msk [tilespmem:v44+s13+$0x0], $0xffff  }
0x55b: {  	v48 =	vor.u32 v54, v63;
	v47 =	vor.u32 v55, v11  }
0x55c: {  	v49 =	vor.u32 v55, v14;
	v51 =	vor.u32 v56, v10  }
0x55d: {  	v52 =	vor.u32 v57, v9;
	v28 =	vmul.f32 $8.000000000e+00, v28  }
0x55e: {  	v50 =	vmul.f32 $8.000000000e+00, v46  }
0x55f: {  	v23 =	vmul.f32 $8.000000000e+00, v23;
	[tilespmem:v45+s18+$0x0] =	vst.idx.msk $0xffff, v28  }
0x560: {  	v28 =	vld.idx.msk [tilespmem:v47+s13+$0x0], $0xffff;
	[tilespmem:v48+s18+$0x0] =	vst.idx.msk $0xffff, v50  }
0x561: {  	[tilespmem:v51+s18+$0x0] =	vst.idx.msk $0xffff, v23;
	v54 =	vld.idx.msk [tilespmem:v49+s13+$0x0], $0xffff  }
0x562: {  	v53 =	vor.u32 v56, v12;
	v23 =	vld.idx.msk [tilespmem:v52+s13+$0x0], $0xffff  }
0x563: {  	v55 =	vor.u32 v57, v11;
	v56 =	vor.u32 v56, v63  }
0x564: {  	v57 =	vor.u32 v57, v14;
	v43 =	vor.u32 v58, v10  }
0x565: {  	v44 =	vor.u32 v59, v9;
	v28 =	vmul.f32 $8.000000000e+00, v28  }
0x566: {  	v42 =	vmul.f32 $8.000000000e+00, v54  }
0x567: {  	v23 =	vmul.f32 $8.000000000e+00, v23;
	[tilespmem:v53+s18+$0x0] =	vst.idx.msk $0xffff, v28  }
0x568: {  	v28 =	vld.idx.msk [tilespmem:v55+s13+$0x0], $0xffff;
	[tilespmem:v56+s18+$0x0] =	vst.idx.msk $0xffff, v42  }
0x569: {  	[tilespmem:v43+s18+$0x0] =	vst.idx.msk $0xffff, v23;
	v46 =	vld.idx.msk [tilespmem:v57+s13+$0x0], $0xffff  }
0x56a: {  	v45 =	vor.u32 v58, v12;
	v23 =	vld.idx.msk [tilespmem:v44+s13+$0x0], $0xffff  }
0x56b: {  	v47 =	vor.u32 v59, v11;
	v48 =	vor.u32 v58, v63  }
0x56c: {  	v24 =	vmul.f32 $8.000000000e+00, v24;
	v51 =	vor.u32 v60, v10;
	v49 =	vor.u32 v59, v14  }
0x56d: {  	v28 =	vmul.f32 $8.000000000e+00, v28  }
0x56e: {  	[tilespmem:v25+s18+$0x0] =	vst.idx.msk $0xffff, v24;
	v50 =	vmul.f32 $8.000000000e+00, v46  }
0x56f: {  	v25 =	vld.idx.msk [tilespmem:v26+s13+$0x0], $0xffff;
	v23 =	vmul.f32 $8.000000000e+00, v23;
	[tilespmem:v45+s18+$0x0] =	vst.idx.msk $0xffff, v28  }
0x570: {  	v52 =	vor.u32 v61, v9;
	v28 =	vld.idx.msk [tilespmem:v47+s13+$0x0], $0xffff;
	[tilespmem:v48+s18+$0x0] =	vst.idx.msk $0xffff, v50  }
0x571: {  	v59 =	vor.u32 v62, v7;
	[tilespmem:v51+s18+$0x0] =	vst.idx.msk $0xffff, v23;
	v54 =	vld.idx.msk [tilespmem:v49+s13+$0x0], $0xffff  }
0x572: {  	v53 =	vor.u32 v60, v12;
	v42 =	vld [tilespmem:$0x1FEC0]  }
0x573: {  	v56 =	vor.u32 v60, v63  }
0x574: {  	v25 =	vmul.f32 $8.000000000e+00, v25  }
0x575: {  	v55 =	vor.u32 v61, v11;
	v27 =	vld.idx.msk [tilespmem:v52+s13+$0x0], $0xffff;
	v28 =	vmul.f32 $8.000000000e+00, v28  }
0x576: {  	v58 =	vmov v62;
	v57 =	vor.u32 v61, v14;
	[tilespmem:v59+s18+$0x0] =	vst.idx.msk $0xffff, v25;
	v44 =	vmul.f32 $8.000000000e+00, v54  }
0x577: {  	v45 =	vor.u32 v58, v10;
	[tilespmem:v53+s18+$0x0] =	vst.idx.msk $0xffff, v28;
	v43 =	vor.u32 v42, v8  }
0x578: {  	[tilespmem:v56+s18+$0x0] =	vst.idx.msk $0xffff, v44  }
0x579: {  	v52 =	vld [tilespmem:$0x1FED0]  }
0x57a: {  	v27 =	vmul.f32 $8.000000000e+00, v27;
	v24 =	vld.idx.msk [tilespmem:v55+s13+$0x0], $0xffff  }
0x57b: {  	v46 =	vor.u32 v42, v9;
	v48 =	vld.idx.msk [tilespmem:v57+s13+$0x0], $0xffff  }
0x57c: {  	v47 =	vor.u32 v58, v12;
	[tilespmem:v45+s18+$0x0] =	vst.idx.msk $0xffff, v27;
	v23 =	vld.idx.msk [tilespmem:v43+s13+$0x0], $0xffff  }
0x57d: {  	v50 =	vor.u32 v58, v63;
	v49 =	vor.u32 v42, v11;
	v51 =	vor.u32 v42, v14;
	v42 =	vld [tilespmem:$0x1FEE0]  }
0x57e: {  	v53 =	vor.u32 v52, v7  }
0x57f: {  	v24 =	vmul.f32 $8.000000000e+00, v24  }
0x580: {  	v26 =	vld.idx.msk [tilespmem:v46+s13+$0x0], $0xffff;
	v55 =	vmul.f32 $8.000000000e+00, v48  }
0x581: {  	[tilespmem:v47+s18+$0x0] =	vst.idx.msk $0xffff, v24;
	v23 =	vmul.f32 $8.000000000e+00, v23  }
0x582: {  	v56 =	vor.u32 v52, v10;
	v54 =	vor.u32 v42, v8;
	[tilespmem:v50+s18+$0x0] =	vst.idx.msk $0xffff, v55  }
0x583: {  	[tilespmem:v53+s18+$0x0] =	vst.idx.msk $0xffff, v23  }
0x584: {  	v45 =	vld [tilespmem:$0x1FEF0]  }
0x585: {  	v25 =	vld.idx.msk [tilespmem:v49+s13+$0x0], $0xffff;
	v26 =	vmul.f32 $8.000000000e+00, v26  }
0x586: {  	v59 =	vld.idx.msk [tilespmem:v51+s13+$0x0], $0xffff  }
0x587: {  	v58 =	vor.u32 v52, v12;
	v57 =	vor.u32 v42, v9;
	v27 =	vld.idx.msk [tilespmem:v54+s13+$0x0], $0xffff;
	[tilespmem:v56+s18+$0x0] =	vst.idx.msk $0xffff, v26  }
0x588: {  	v61 =	vor.u32 v52, v63;
	v47 =	vld [tilespmem:$0x1FF00]  }
0x589: {  	v46 =	vor.u32 v45, v7  }
0x58a: {  	v25 =	vmul.f32 $8.000000000e+00, v25  }
0x58b: {  	v60 =	vor.u32 v42, v11;
	v49 =	vmul.f32 $8.000000000e+00, v59  }
0x58c: {  	v62 =	vor.u32 v42, v14;
	v24 =	vld.idx.msk [tilespmem:v57+s13+$0x0], $0xffff;
	[tilespmem:v58+s18+$0x0] =	vst.idx.msk $0xffff, v25;
	v27 =	vmul.f32 $8.000000000e+00, v27  }
0x58d: {  	[tilespmem:v61+s18+$0x0] =	vst.idx.msk $0xffff, v49;
	v48 =	vor.u32 v47, v8  }
0x58e: {  	v50 =	vor.u32 v45, v10;
	[tilespmem:v46+s18+$0x0] =	vst.idx.msk $0xffff, v27  }
0x58f: {  	v57 =	vld [tilespmem:$0x1FF40]  }
0x590: {  	v23 =	vld.idx.msk [tilespmem:v60+s13+$0x0], $0xffff  }
0x591: {  	v53 =	vld.idx.msk [tilespmem:v62+s13+$0x0], $0xffff;
	v24 =	vmul.f32 $8.000000000e+00, v24  }
0x592: {  	v52 =	vor.u32 v45, v12;
	v51 =	vor.u32 v47, v9;
	v26 =	vld.idx.msk [tilespmem:v48+s13+$0x0], $0xffff  }
0x593: {  	v55 =	vor.u32 v45, v63;
	[tilespmem:v50+s18+$0x0] =	vst.idx.msk $0xffff, v24  }
0x594: {  	v59 =	vld [tilespmem:$0x1FF10];
	v58 =	vor.u32 v57, v7  }
0x595: {  	v23 =	vmul.f32 $8.000000000e+00, v23  }
0x596: {  	v54 =	vor.u32 v47, v11;
	v61 =	vmul.f32 $8.000000000e+00, v53  }
0x597: {  	v56 =	vor.u32 v47, v14;
	v25 =	vld.idx.msk [tilespmem:v51+s13+$0x0], $0xffff;
	[tilespmem:v52+s18+$0x0] =	vst.idx.msk $0xffff, v23;
	v26 =	vmul.f32 $8.000000000e+00, v26  }
0x598: {  	[tilespmem:v55+s18+$0x0] =	vst.idx.msk $0xffff, v61  }
0x599: {  	v62 =	vor.u32 v57, v10;
	v60 =	vor.u32 v59, v8;
	[tilespmem:v58+s18+$0x0] =	vst.idx.msk $0xffff, v26  }
0x59a: {  	v50 =	vld [tilespmem:$0x1FF20]  }
0x59b: {  	v27 =	vld.idx.msk [tilespmem:v54+s13+$0x0], $0xffff  }
0x59c: {  	v47 =	vld.idx.msk [tilespmem:v56+s13+$0x0], $0xffff;
	v25 =	vmul.f32 $8.000000000e+00, v25  }
0x59d: {  	v46 =	vor.u32 v57, v12  }
0x59e: {  	v49 =	vor.u32 v57, v63;
	v45 =	vor.u32 v59, v9;
	v24 =	vld.idx.msk [tilespmem:v60+s13+$0x0], $0xffff;
	[tilespmem:v62+s18+$0x0] =	vst.idx.msk $0xffff, v25  }
0x59f: {  	v53 =	vld [tilespmem:$0x1FF30];
	v51 =	vor.u32 v50, v5  }
0x5a0: {  	v27 =	vmul.f32 $8.000000000e+00, v27;
	v55 =	vor.u32 v50, v7  }
0x5a1: {  	v57 =	vmul.f32 $8.000000000e+00, v47  }
0x5a2: {  	v22 =	vmul.f32 $8.000000000e+00, v22;
	v48 =	vor.u32 v59, v11;
	[tilespmem:v46+s18+$0x0] =	vst.idx.msk $0xffff, v27  }
0x5a3: {  	v52 =	vor.u32 v59, v14;
	v23 =	vld.idx.msk [tilespmem:v45+s13+$0x0], $0xffff;
	[tilespmem:v49+s18+$0x0] =	vst.idx.msk $0xffff, v57;
	v24 =	vmul.f32 $8.000000000e+00, v24  }
0x5a4: {  	v54 =	vor.u32 v53, v6;
	[tilespmem:v51+s18+$0x0] =	vst.idx.msk $0xffff, v22  }
0x5a5: {  	v58 =	vor.u32 v50, v10;
	v56 =	vor.u32 v53, v8;
	[tilespmem:v55+s18+$0x0] =	vst.idx.msk $0xffff, v24  }
0x5a6: {  	v45 =	vld [tilespmem:$0x1FF50]  }
0x5a7: {  	v26 =	vld.idx.msk [tilespmem:v48+s13+$0x0], $0xffff  }
0x5a8: {  	v31 =	vld.idx.msk [tilespmem:v52+s13+$0x0], $0xffff;
	v23 =	vmul.f32 $8.000000000e+00, v23  }
0x5a9: {  	v60 =	vor.u32 v50, v12;
	v25 =	vld.idx.msk [tilespmem:v54+s13+$0x0], $0xffff  }
0x5aa: {  	v62 =	vor.u32 v50, v63;
	v59 =	vor.u32 v53, v9;
	v27 =	vld.idx.msk [tilespmem:v56+s13+$0x0], $0xffff;
	[tilespmem:v58+s18+$0x0] =	vst.idx.msk $0xffff, v23  }
0x5ab: {  	v48 =	vld [tilespmem:$0x1FF60];
	v46 =	vor.u32 v45, v5  }
0x5ac: {  	v26 =	vmul.f32 $8.000000000e+00, v26;
	v50 =	vor.u32 v45, v7  }
0x5ad: {  	v52 =	vmul.f32 $8.000000000e+00, v31  }
0x5ae: {  	v61 =	vor.u32 v53, v11;
	[tilespmem:v60+s18+$0x0] =	vst.idx.msk $0xffff, v26;
	v25 =	vmul.f32 $8.000000000e+00, v25  }
0x5af: {  	v47 =	vor.u32 v53, v14;
	v22 =	vld.idx.msk [tilespmem:v59+s13+$0x0], $0xffff;
	[tilespmem:v62+s18+$0x0] =	vst.idx.msk $0xffff, v52;
	v27 =	vmul.f32 $8.000000000e+00, v27  }
0x5b0: {  	v49 =	vor.u32 v48, v6;
	[tilespmem:v46+s18+$0x0] =	vst.idx.msk $0xffff, v25  }
0x5b1: {  	v53 =	vor.u32 v45, v10;
	v51 =	vor.u32 v48, v8;
	[tilespmem:v50+s18+$0x0] =	vst.idx.msk $0xffff, v27  }
0x5b2: {  	v58 =	vld [tilespmem:$0x1FF70]  }
0x5b3: {  	v24 =	vld.idx.msk [tilespmem:v61+s13+$0x0], $0xffff  }
0x5b4: {  	v29 =	vld.idx.msk [tilespmem:v47+s13+$0x0], $0xffff;
	v22 =	vmul.f32 $8.000000000e+00, v22  }
0x5b5: {  	v55 =	vor.u32 v45, v12;
	v23 =	vld.idx.msk [tilespmem:v49+s13+$0x0], $0xffff  }
0x5b6: {  	v57 =	vor.u32 v45, v63;
	v26 =	vld.idx.msk [tilespmem:v51+s13+$0x0], $0xffff;
	[tilespmem:v53+s18+$0x0] =	vst.idx.msk $0xffff, v22  }
0x5b7: {  	v54 =	vor.u32 v48, v9;
	v61 =	vld [tilespmem:$0x1FF80];
	v59 =	vor.u32 v58, v5  }
0x5b8: {  	v24 =	vmul.f32 $8.000000000e+00, v24;
	v43 =	vor.u32 v58, v7  }
0x5b9: {  	v45 =	vmul.f32 $8.000000000e+00, v29  }
0x5ba: {  	v56 =	vor.u32 v48, v11;
	[tilespmem:v55+s18+$0x0] =	vst.idx.msk $0xffff, v24;
	v23 =	vmul.f32 $8.000000000e+00, v23  }
0x5bb: {  	v60 =	vor.u32 v48, v14;
	[tilespmem:v57+s18+$0x0] =	vst.idx.msk $0xffff, v45;
	v26 =	vmul.f32 $8.000000000e+00, v26  }
0x5bc: {  	v25 =	vld.idx.msk [tilespmem:v54+s13+$0x0], $0xffff;
	v62 =	vor.u32 v61, v6;
	[tilespmem:v59+s18+$0x0] =	vst.idx.msk $0xffff, v23  }
0x5bd: {  	v44 =	vor.u32 v61, v8;
	[tilespmem:v43+s18+$0x0] =	vst.idx.msk $0xffff, v26  }
0x5be: {  	v46 =	vor.u32 v58, v10;
	v51 =	vld [tilespmem:$0x1FF90]  }
0x5bf: {  	v27 =	vld.idx.msk [tilespmem:v56+s13+$0x0], $0xffff  }
0x5c0: {  	v30 =	vld.idx.msk [tilespmem:v60+s13+$0x0], $0xffff  }
0x5c1: {  	v48 =	vor.u32 v58, v12;
	v25 =	vmul.f32 $8.000000000e+00, v25;
	v22 =	vld.idx.msk [tilespmem:v62+s13+$0x0], $0xffff  }
0x5c2: {  	v50 =	vor.u32 v58, v63;
	v24 =	vld.idx.msk [tilespmem:v44+s13+$0x0], $0xffff  }
0x5c3: {  	v47 =	vor.u32 v61, v9;
	[tilespmem:v46+s18+$0x0] =	vst.idx.msk $0xffff, v25;
	v52 =	vor.u32 v51, v5  }
0x5c4: {  	v27 =	vmul.f32 $8.000000000e+00, v27;
	v54 =	vld [tilespmem:$0x1FFA0];
	v56 =	vor.u32 v51, v7  }
0x5c5: {  	v49 =	vor.u32 v61, v11;
	v58 =	vmul.f32 $8.000000000e+00, v30  }
0x5c6: {  	[tilespmem:v48+s18+$0x0] =	vst.idx.msk $0xffff, v27;
	v22 =	vmul.f32 $8.000000000e+00, v22  }
0x5c7: {  	v53 =	vor.u32 v61, v14;
	[tilespmem:v50+s18+$0x0] =	vst.idx.msk $0xffff, v58;
	v24 =	vmul.f32 $8.000000000e+00, v24  }
0x5c8: {  	v19 =	vmul.f32 $8.000000000e+00, v19;
	v23 =	vld.idx.msk [tilespmem:v47+s13+$0x0], $0xffff;
	[tilespmem:v52+s18+$0x0] =	vst.idx.msk $0xffff, v22  }
0x5c9: {  	v55 =	vor.u32 v54, v6;
	v44 =	vld [tilespmem:$0x1FCE0];
	[tilespmem:v56+s18+$0x0] =	vst.idx.msk $0xffff, v24  }
0x5ca: {  	v26 =	vld.idx.msk [tilespmem:v49+s13+$0x0], $0xffff;
	[tilespmem:v21+s18+$0x0] =	vst.idx.msk $0xffff, v19  }
0x5cb: {  	v59 =	vor.u32 v51, v10;
	v57 =	vor.u32 v54, v8;
	v48 =	vld [tilespmem:$0x1FFB0]  }
0x5cc: {  	v31 =	vld.idx.msk [tilespmem:v53+s13+$0x0], $0xffff  }
0x5cd: {  	v20 =	vld.idx.msk [tilespmem:v20+s13+$0x0], $0xffff;
	v61 =	vor.u32 v51, v12  }
0x5ce: {  	v47 =	vor.u32 v51, v63;
	v46 =	vmul.f32 $8.000000000e+00, v23;
	v25 =	vld.idx.msk [tilespmem:v55+s13+$0x0], $0xffff  }
0x5cf: {  	v62 =	vor.u32 v44, v1  }
0x5d0: {  	v26 =	vmul.f32 $8.000000000e+00, v26;
	v45 =	vld.idx.msk [tilespmem:v57+s13+$0x0], $0xffff;
	[tilespmem:v59+s18+$0x0] =	vst.idx.msk $0xffff, v46;
	v49 =	vor.u32 v48, v5  }
0x5d1: {  	v56 =	vmul.f32 $8.000000000e+00, v31;
	v51 =	vld [tilespmem:$0x1FFE0]  }
0x5d2: {  	v20 =	vmul.f32 $8.000000000e+00, v20;
	v60 =	vor.u32 v54, v9;
	[tilespmem:v61+s18+$0x0] =	vst.idx.msk $0xffff, v26  }
0x5d3: {  	v43 =	vor.u32 v54, v11;
	[tilespmem:v47+s18+$0x0] =	vst.idx.msk $0xffff, v56;
	v57 =	vmul.f32 $8.000000000e+00, v25  }
0x5d4: {  	[tilespmem:v62+s18+$0x0] =	vst.idx.msk $0xffff, v20  }
0x5d5: {  	v50 =	vor.u32 v54, v14;
	[tilespmem:v49+s18+$0x0] =	vst.idx.msk $0xffff, v57  }
0x5d6: {  	v54 =	vor.u32 v48, v7;
	v19 =	vmul.f32 $8.000000000e+00, v45;
	v53 =	vor.u32 v51, v6;
	v45 =	vld [tilespmem:$0x1FFD0]  }
0x5d7: {  	v22 =	vld.idx.msk [tilespmem:v60+s13+$0x0], $0xffff  }
0x5d8: {  	v24 =	vld.idx.msk [tilespmem:v43+s13+$0x0], $0xffff  }
0x5d9: {  	v18 =	vld.idx.msk [tilespmem:v18+s13+$0x0], $0xffff;
	v58 =	vor.u32 v48, v10  }
0x5da: {  	v61 =	vld.idx.msk [tilespmem:v50+s13+$0x0], $0xffff;
	v60 =	vor.u32 v48, v12  }
0x5db: {  	v55 =	vor.u32 v51, v8;
	v21 =	vld.idx.msk [tilespmem:v53+s13+$0x0], $0xffff;
	[tilespmem:v54+s18+$0x0] =	vst.idx.msk $0xffff, v19;
	v62 =	vor.u32 v45, v3  }
0x5dc: {  	v52 =	vor.u32 v48, v63;
	v22 =	vmul.f32 $8.000000000e+00, v22;
	v42 =	vld [tilespmem:$0x1FC70]  }
0x5dd: {  	v59 =	vor.u32 v51, v9;
	v24 =	vmul.f32 $8.000000000e+00, v24;
	v53 =	vor.u32 v45, v5  }
0x5de: {  	v18 =	vmul.f32 $8.000000000e+00, v18;
	[tilespmem:v58+s18+$0x0] =	vst.idx.msk $0xffff, v22  }
0x5df: {  	v46 =	vor.u32 v51, v11;
	v33 =	vmul.f32 $8.000000000e+00, v61;
	[tilespmem:v60+s18+$0x0] =	vst.idx.msk $0xffff, v24  }
0x5e0: {  	v26 =	vld.idx.msk [tilespmem:v55+s13+$0x0], $0xffff;
	v21 =	vmul.f32 $8.000000000e+00, v21;
	[tilespmem:v62+s18+$0x0] =	vst.idx.msk $0xffff, v18  }
0x5e1: {  	v47 =	vor.u32 v42, v4;
	v49 =	vld [tilespmem:$0x1FD00];
	[tilespmem:v52+s18+$0x0] =	vst.idx.msk $0xffff, v33  }
0x5e2: {  	v54 =	vor.u32 v51, v14;
	v20 =	vld.idx.msk [tilespmem:v59+s13+$0x0], $0xffff;
	[tilespmem:v53+s18+$0x0] =	vst.idx.msk $0xffff, v21  }
0x5e3: {  	v56 =	vor.u32 v45, v7;
	v55 =	vor.u32 v42, v6;
	v43 =	vld [tilespmem:$0x1FC80]  }
0x5e4: {  	v19 =	vld.idx.msk [tilespmem:v46+s13+$0x0], $0xffff  }
0x5e5: {  	v17 =	vld.idx.msk [tilespmem:v17+s13+$0x0], $0xffff;
	v50 =	vor.u32 v45, v10  }
0x5e6: {  	v58 =	vor.u32 v45, v12;
	v26 =	vmul.f32 $8.000000000e+00, v26;
	v48 =	vld.idx.msk [tilespmem:v47+s13+$0x0], $0xffff  }
0x5e7: {  	v57 =	vor.u32 v42, v8;
	v59 =	vld.idx.msk [tilespmem:v54+s13+$0x0], $0xffff;
	v34 =	vor.u32 v49, v1  }
0x5e8: {  	v20 =	vmul.f32 $8.000000000e+00, v20;
	v22 =	vld.idx.msk [tilespmem:v55+s13+$0x0], $0xffff;
	[tilespmem:v56+s18+$0x0] =	vst.idx.msk $0xffff, v26;
	v60 =	vor.u32 v43, v3  }
0x5e9: {  	v47 =	vor.u32 v45, v63;
	v53 =	vmul.f32 $8.000000000e+00, v19;
	v46 =	vld [tilespmem:$0x1FC90]  }
0x5ea: {  	v17 =	vmul.f32 $8.000000000e+00, v17;
	v51 =	vor.u32 v42, v9;
	[tilespmem:v50+s18+$0x0] =	vst.idx.msk $0xffff, v20;
	v52 =	vor.u32 v43, v5  }
0x5eb: {  	[tilespmem:v58+s18+$0x0] =	vst.idx.msk $0xffff, v53;
	v27 =	vmul.f32 $8.000000000e+00, v48  }
0x5ec: {  	v61 =	vor.u32 v42, v11;
	v23 =	vld.idx.msk [tilespmem:v57+s13+$0x0], $0xffff;
	v58 =	vmul.f32 $8.000000000e+00, v59;
	[tilespmem:v34+s18+$0x0] =	vst.idx.msk $0xffff, v17  }
0x5ed: {  	v54 =	vor.u32 v42, v14;
	v22 =	vmul.f32 $8.000000000e+00, v22;
	v48 =	vld [tilespmem:$0x1FD10];
	[tilespmem:v60+s18+$0x0] =	vst.idx.msk $0xffff, v27  }
0x5ee: {  	v62 =	vor.u32 v46, v4;
	[tilespmem:v47+s18+$0x0] =	vst.idx.msk $0xffff, v58  }
0x5ef: {  	v21 =	vld.idx.msk [tilespmem:v51+s13+$0x0], $0xffff;
	v56 =	vor.u32 v43, v7;
	v55 =	vor.u32 v46, v6;
	[tilespmem:v52+s18+$0x0] =	vst.idx.msk $0xffff, v22  }
0x5f0: {  	v45 =	vld [tilespmem:$0x1FCA0]  }
0x5f1: {  	v25 =	vld.idx.msk [tilespmem:v61+s13+$0x0], $0xffff  }
0x5f2: {  	v23 =	vmul.f32 $8.000000000e+00, v23;
	v60 =	vor.u32 v43, v10;
	v19 =	vld.idx.msk [tilespmem:v54+s13+$0x0], $0xffff  }
0x5f3: {  	v26 =	vld.idx.msk [tilespmem:v62+s13+$0x0], $0xffff;
	v62 =	vor.u32 v43, v12  }
0x5f4: {  	v53 =	vor.u32 v43, v63;
	v50 =	vld.idx.msk [tilespmem:v55+s13+$0x0], $0xffff;
	[tilespmem:v56+s18+$0x0] =	vst.idx.msk $0xffff, v23;
	v59 =	vor.u32 v48, v2  }
0x5f5: {  	v57 =	vor.u32 v46, v8;
	v21 =	vmul.f32 $8.000000000e+00, v21;
	v47 =	vld [tilespmem:$0x1FCB0];
	v42 =	vor.u32 v45, v3  }
0x5f6: {  	v25 =	vmul.f32 $8.000000000e+00, v25;
	v54 =	vor.u32 v45, v5  }
0x5f7: {  	[tilespmem:v60+s18+$0x0] =	vst.idx.msk $0xffff, v21;
	v19 =	vmul.f32 $8.000000000e+00, v19  }
0x5f8: {  	v61 =	vor.u32 v46, v9;
	v26 =	vmul.f32 $8.000000000e+00, v26;
	[tilespmem:v62+s18+$0x0] =	vst.idx.msk $0xffff, v25  }
0x5f9: {  	v51 =	vor.u32 v46, v11;
	[tilespmem:v53+s18+$0x0] =	vst.idx.msk $0xffff, v19;
	v24 =	vld.idx.msk [tilespmem:v59+s13+$0x0], $0xffff;
	v59 =	vmul.f32 $8.000000000e+00, v50  }
0x5fa: {  	v28 =	vld.idx.msk [tilespmem:v57+s13+$0x0], $0xffff;
	v52 =	vor.u32 v47, v4;
	[tilespmem:v42+s18+$0x0] =	vst.idx.msk $0xffff, v26  }
0x5fb: {  	v55 =	vor.u32 v46, v14;
	[tilespmem:v54+s18+$0x0] =	vst.idx.msk $0xffff, v59  }
0x5fc: {  	v57 =	vor.u32 v45, v7;
	v56 =	vor.u32 v47, v6;
	v42 =	vld [tilespmem:$0x1FCC0]  }
0x5fd: {  	v17 =	vld.idx.msk [tilespmem:v61+s13+$0x0], $0xffff  }
0x5fe: {  	v58 =	vor.u32 v47, v8;
	v20 =	vld.idx.msk [tilespmem:v51+s13+$0x0], $0xffff  }
0x5ff: {  	v61 =	vor.u32 v45, v10;
	v60 =	vmul.f32 $8.000000000e+00, v28;
	v23 =	vld.idx.msk [tilespmem:v52+s13+$0x0], $0xffff  }
0x600: {  	v46 =	vor.u32 v45, v12;
	v50 =	vld.idx.msk [tilespmem:v55+s13+$0x0], $0xffff  }
0x601: {  	v21 =	vld.idx.msk [tilespmem:v56+s13+$0x0], $0xffff;
	[tilespmem:v57+s18+$0x0] =	vst.idx.msk $0xffff, v60;
	v51 =	vor.u32 v42, v3  }
0x602: {  	v17 =	vmul.f32 $8.000000000e+00, v17;
	v43 =	vld [tilespmem:$0x1FCD0]  }
0x603: {  	v54 =	vor.u32 v45, v63;
	v20 =	vmul.f32 $8.000000000e+00, v20;
	v18 =	vld.idx.msk [tilespmem:v58+s13+$0x0], $0xffff  }
0x604: {  	v62 =	vor.u32 v47, v9;
	[tilespmem:v61+s18+$0x0] =	vst.idx.msk $0xffff, v17;
	v23 =	vmul.f32 $8.000000000e+00, v23;
	v55 =	vor.u32 v42, v5  }
0x605: {  	v52 =	vor.u32 v47, v11;
	[tilespmem:v46+s18+$0x0] =	vst.idx.msk $0xffff, v20;
	v58 =	vor.u32 v42, v7  }
0x606: {  	v60 =	vmul.f32 $8.000000000e+00, v50;
	[tilespmem:v51+s18+$0x0] =	vst.idx.msk $0xffff, v23  }
0x607: {  	v21 =	vmul.f32 $8.000000000e+00, v21;
	v45 =	vld [tilespmem:$0x1FD20]  }
0x608: {  	v53 =	vor.u32 v43, v4;
	v18 =	vmul.f32 $8.000000000e+00, v18;
	[tilespmem:v54+s18+$0x0] =	vst.idx.msk $0xffff, v60  }
0x609: {  	v19 =	vld.idx.msk [tilespmem:v62+s13+$0x0], $0xffff;
	v57 =	vor.u32 v43, v6;
	[tilespmem:v55+s18+$0x0] =	vst.idx.msk $0xffff, v21  }
0x60a: {  	v25 =	vld.idx.msk [tilespmem:v52+s13+$0x0], $0xffff;
	v59 =	vor.u32 v43, v8;
	[tilespmem:v58+s18+$0x0] =	vst.idx.msk $0xffff, v18  }
0x60b: {  	v56 =	vor.u32 v47, v14;
	v62 =	vor.u32 v42, v10;
	v32 =	vld [tilespmem:$0x1FCF0]  }
0x60c: {  	v46 =	vor.u32 v43, v9;
	v61 =	vor.u32 v45, v1  }
0x60d: {  	v47 =	vor.u32 v42, v12;
	v27 =	vld.idx.msk [tilespmem:v53+s13+$0x0], $0xffff  }
0x60e: {  	v52 =	vor.u32 v43, v11;
	v19 =	vmul.f32 $8.000000000e+00, v19;
	v17 =	vld.idx.msk [tilespmem:v57+s13+$0x0], $0xffff  }
0x60f: {  	v24 =	vmul.f32 $8.000000000e+00, v24;
	v51 =	vor.u32 v44, v3;
	v55 =	vor.u32 v44, v5;
	v20 =	vld.idx.msk [tilespmem:v59+s13+$0x0], $0xffff  }
0x610: {  	v50 =	vld.idx.msk [tilespmem:v56+s13+$0x0], $0xffff;
	v56 =	vmul.f32 $8.000000000e+00, v25;
	[tilespmem:v62+s18+$0x0] =	vst.idx.msk $0xffff, v19;
	v53 =	vor.u32 v32, v4  }
0x611: {  	v59 =	vor.u32 v44, v7;
	v21 =	vld.idx.msk [tilespmem:v46+s13+$0x0], $0xffff;
	[tilespmem:v61+s18+$0x0] =	vst.idx.msk $0xffff, v24  }
0x612: {  	v54 =	vor.u32 v42, v63;
	v27 =	vmul.f32 $8.000000000e+00, v27;
	v60 =	vor.u32 v32, v6;
	v42 =	vld [tilespmem:$0x1FD30];
	[tilespmem:v47+s18+$0x0] =	vst.idx.msk $0xffff, v56  }
0x613: {  	v15 =	vmul.f32 $8.000000000e+00, v15;
	v17 =	vmul.f32 $8.000000000e+00, v17;
	v62 =	vor.u32 v32, v8;
	v18 =	vld.idx.msk [tilespmem:v52+s13+$0x0], $0xffff  }
0x614: {  	v33 =	vor.u32 v44, v10;
	v57 =	vor.u32 v43, v14;
	v20 =	vmul.f32 $8.000000000e+00, v20;
	[tilespmem:v51+s18+$0x0] =	vst.idx.msk $0xffff, v27  }
0x615: {  	v43 =	vor.u32 v44, v12;
	v34 =	vor.u32 v32, v9;
	[tilespmem:v55+s18+$0x0] =	vst.idx.msk $0xffff, v17;
	v26 =	vld.idx.msk [tilespmem:v53+s13+$0x0], $0xffff  }
0x616: {  	v46 =	vor.u32 v49, v3;
	v61 =	vmul.f32 $8.000000000e+00, v50;
	[tilespmem:v59+s18+$0x0] =	vst.idx.msk $0xffff, v20  }
0x617: {  	v21 =	vmul.f32 $8.000000000e+00, v21;
	v47 =	vor.u32 v32, v11;
	[tilespmem:v16+s18+$0x0] =	vst.idx.msk $0xffff, v15;
	v22 =	vld.idx.msk [tilespmem:v60+s13+$0x0], $0xffff  }
0x618: {  	v50 =	vor.u32 v48, v4;
	[tilespmem:v54+s18+$0x0] =	vst.idx.msk $0xffff, v61;
	v52 =	vld.idx.msk [tilespmem:v62+s13+$0x0], $0xffff;
	v53 =	vmul.f32 $8.000000000e+00, v18  }
0x619: {  	[tilespmem:v33+s18+$0x0] =	vst.idx.msk $0xffff, v21;
	v24 =	vld.idx.msk [tilespmem:v57+s13+$0x0], $0xffff;
	v58 =	vor.u32 v42, v2  }
0x61a: {  	v55 =	vor.u32 v49, v5;
	v17 =	vld.idx.msk [tilespmem:v34+s13+$0x0], $0xffff;
	v26 =	vmul.f32 $8.000000000e+00, v26;
	[tilespmem:v43+s18+$0x0] =	vst.idx.msk $0xffff, v53  }
0x61b: {  	v51 =	vor.u32 v44, v63;
	v31 =	vld [tilespmem:$0x1FD40]  }
0x61c: {  	v54 =	vor.u32 v32, v14;
	v57 =	vor.u32 v49, v7;
	[tilespmem:v46+s18+$0x0] =	vst.idx.msk $0xffff, v26;
	v20 =	vld.idx.msk [tilespmem:v47+s13+$0x0], $0xffff  }
0x61d: {  	v56 =	vor.u32 v48, v6;
	v61 =	vor.u32 v49, v10;
	v22 =	vmul.f32 $8.000000000e+00, v22;
	v26 =	vld.idx.msk [tilespmem:v50+s13+$0x0], $0xffff  }
0x61e: {  	v60 =	vor.u32 v48, v8;
	v32 =	vor.u32 v49, v12;
	v19 =	vld.idx.msk [tilespmem:v58+s13+$0x0], $0xffff;
	v58 =	vmul.f32 $8.000000000e+00, v24  }
0x61f: {  	v33 =	vor.u32 v45, v3;
	v62 =	vor.u32 v48, v9;
	v15 =	vmul.f32 $8.000000000e+00, v52;
	[tilespmem:v55+s18+$0x0] =	vst.idx.msk $0xffff, v22  }
0x620: {  	v34 =	vor.u32 v48, v11;
	v44 =	vmul.f32 $8.000000000e+00, v17;
	[tilespmem:v51+s18+$0x0] =	vst.idx.msk $0xffff, v58;
	v59 =	vor.u32 v31, v1  }
0x621: {  	[tilespmem:v57+s18+$0x0] =	vst.idx.msk $0xffff, v15;
	v18 =	vld.idx.msk [tilespmem:v54+s13+$0x0], $0xffff;
	v20 =	vmul.f32 $8.000000000e+00, v20  }
0x622: {  	[tilespmem:v61+s18+$0x0] =	vst.idx.msk $0xffff, v44;
	v43 =	vld.idx.msk [tilespmem:v56+s13+$0x0], $0xffff;
	v26 =	vmul.f32 $8.000000000e+00, v26  }
0x623: {  	v46 =	vor.u32 v49, v63;
	v47 =	vld.idx.msk [tilespmem:v60+s13+$0x0], $0xffff;
	v19 =	vmul.f32 $8.000000000e+00, v19;
	[tilespmem:v32+s18+$0x0] =	vst.idx.msk $0xffff, v20  }
0x624: {  	v50 =	vor.u32 v42, v4;
	v23 =	vld.idx.msk [tilespmem:v62+s13+$0x0], $0xffff;
	v51 =	vor.u32 v45, v5;
	[tilespmem:v33+s18+$0x0] =	vst.idx.msk $0xffff, v26  }
0x625: {  	v52 =	vor.u32 v45, v7;
	v49 =	vor.u32 v48, v14;
	v54 =	vld.idx.msk [tilespmem:v34+s13+$0x0], $0xffff;
	[tilespmem:v59+s18+$0x0] =	vst.idx.msk $0xffff, v19  }
0x626: {  	v53 =	vor.u32 v42, v6;
	v56 =	vor.u32 v45, v10;
	v18 =	vmul.f32 $8.000000000e+00, v18;
	v29 =	vld [tilespmem:$0x1FD50]  }
0x627: {  	v57 =	vor.u32 v42, v8;
	v15 =	vmul.f32 $8.000000000e+00, v43;
	v59 =	vor.u32 v45, v12  }
0x628: {  	v58 =	vmul.f32 $8.000000000e+00, v47;
	[tilespmem:v46+s18+$0x0] =	vst.idx.msk $0xffff, v18  }
0x629: {  	v60 =	vor.u32 v42, v9;
	v61 =	vmul.f32 $8.000000000e+00, v23;
	v25 =	vld.idx.msk [tilespmem:v50+s13+$0x0], $0xffff;
	[tilespmem:v51+s18+$0x0] =	vst.idx.msk $0xffff, v15  }
0x62a: {  	v62 =	vor.u32 v42, v11;
	[tilespmem:v52+s18+$0x0] =	vst.idx.msk $0xffff, v58;
	v24 =	vld.idx.msk [tilespmem:v49+s13+$0x0], $0xffff;
	v21 =	vmul.f32 $8.000000000e+00, v54  }
0x62b: {  	[tilespmem:v56+s18+$0x0] =	vst.idx.msk $0xffff, v61;
	v20 =	vld.idx.msk [tilespmem:v53+s13+$0x0], $0xffff;
	v55 =	vor.u32 v29, v2  }
0x62c: {  	v34 =	vor.u32 v31, v3;
	v17 =	vld.idx.msk [tilespmem:v57+s13+$0x0], $0xffff;
	[tilespmem:v59+s18+$0x0] =	vst.idx.msk $0xffff, v21  }
0x62d: {  	v33 =	vor.u32 v45, v63;
	v30 =	vld [tilespmem:$0x1FD60]  }
0x62e: {  	v44 =	vor.u32 v31, v5;
	v15 =	vld.idx.msk [tilespmem:v60+s13+$0x0], $0xffff  }
0x62f: {  	v42 =	vor.u32 v42, v14;
	v49 =	vor.u32 v31, v7;
	v47 =	vmul.f32 $8.000000000e+00, v25;
	v18 =	vld.idx.msk [tilespmem:v62+s13+$0x0], $0xffff  }
0x630: {  	v50 =	vor.u32 v31, v10;
	v43 =	vor.u32 v29, v4;
	v45 =	vmul.f32 $8.000000000e+00, v24;
	v22 =	vld.idx.msk [tilespmem:v55+s13+$0x0], $0xffff  }
0x631: {  	v53 =	vor.u32 v31, v12;
	v48 =	vor.u32 v29, v6;
	[tilespmem:v34+s18+$0x0] =	vst.idx.msk $0xffff, v47;
	v20 =	vmul.f32 $8.000000000e+00, v20  }
0x632: {  	v17 =	vmul.f32 $8.000000000e+00, v17;
	[tilespmem:v33+s18+$0x0] =	vst.idx.msk $0xffff, v45;
	v46 =	vor.u32 v30, v1  }
0x633: {  	v15 =	vmul.f32 $8.000000000e+00, v15;
	[tilespmem:v44+s18+$0x0] =	vst.idx.msk $0xffff, v20  }
0x634: {  	[tilespmem:v49+s18+$0x0] =	vst.idx.msk $0xffff, v17;
	v51 =	vld.idx.msk [tilespmem:v42+s13+$0x0], $0xffff;
	v18 =	vmul.f32 $8.000000000e+00, v18  }
0x635: {  	[tilespmem:v50+s18+$0x0] =	vst.idx.msk $0xffff, v15;
	v16 =	vld.idx.msk [tilespmem:v43+s13+$0x0], $0xffff;
	v22 =	vmul.f32 $8.000000000e+00, v22  }
0x636: {  	v55 =	vor.u32 v31, v63;
	v56 =	vld.idx.msk [tilespmem:v48+s13+$0x0], $0xffff;
	[tilespmem:v53+s18+$0x0] =	vst.idx.msk $0xffff, v18  }
0x637: {  	v52 =	vor.u32 v29, v8;
	v58 =	vor.u32 v30, v3;
	[tilespmem:v46+s18+$0x0] =	vst.idx.msk $0xffff, v22  }
0x638: {  	v54 =	vor.u32 v29, v9;
	v60 =	vor.u32 v30, v5;
	v62 =	vld [tilespmem:$0x1FD70]  }
0x639: {  	v61 =	vmul.f32 $8.000000000e+00, v51  }
0x63a: {  	v57 =	vor.u32 v29, v11;
	v16 =	vmul.f32 $8.000000000e+00, v16  }
0x63b: {  	v59 =	vor.u32 v29, v14;
	v21 =	vmul.f32 $8.000000000e+00, v56;
	[tilespmem:v55+s18+$0x0] =	vst.idx.msk $0xffff, v61  }
0x63c: {  	v28 =	vld.idx.msk [tilespmem:v52+s13+$0x0], $0xffff;
	[tilespmem:v58+s18+$0x0] =	vst.idx.msk $0xffff, v16  }
0x63d: {  	v20 =	vld.idx.msk [tilespmem:v54+s13+$0x0], $0xffff;
	[tilespmem:v60+s18+$0x0] =	vst.idx.msk $0xffff, v21;
	v25 =	vor.u32 v62, v2  }
0x63e: {  	v21 =	vld [tilespmem:$0x1FFC0];
	v29 =	vor.u32 v62, v4  }
0x63f: {  	v32 =	vor.u32 v30, v7;
	v22 =	vld.idx.msk [tilespmem:v57+s13+$0x0], $0xffff;
	v31 =	vor.u32 v62, v6  }
0x640: {  	v34 =	vor.u32 v30, v10;
	v42 =	vld.idx.msk [tilespmem:v59+s13+$0x0], $0xffff;
	v33 =	vor.u32 v62, v8  }
0x641: {  	v13 =	vld.idx.msk [tilespmem:v13+s13+$0x0], $0xffff;
	v44 =	vor.u32 v30, v12;
	v43 =	vor.u32 v62, v9  }
0x642: {  	v18 =	vmul.f32 $8.000000000e+00, v28;
	v46 =	vor.u32 v30, v63;
	v45 =	vor.u32 v62, v11;
	v2 =	vld.idx.msk [tilespmem:v25+s13+$0x0], $0xffff  }
0x643: {  	v20 =	vmul.f32 $8.000000000e+00, v20;
	v47 =	vor.u32 v62, v14;
	v0 =	vor.u32 v21, v0;
	v4 =	vld.idx.msk [tilespmem:v29+s13+$0x0], $0xffff  }
0x644: {  	[tilespmem:v32+s18+$0x0] =	vst.idx.msk $0xffff, v18;
	v49 =	vmul.f32 $8.000000000e+00, v22;
	v48 =	vor.u32 v21, v1;
	v6 =	vld.idx.msk [tilespmem:v31+s13+$0x0], $0xffff  }
0x645: {  	[tilespmem:v34+s18+$0x0] =	vst.idx.msk $0xffff, v20;
	v50 =	vor.u32 v21, v3;
	v51 =	vmul.f32 $8.000000000e+00, v42;
	v8 =	vld.idx.msk [tilespmem:v33+s13+$0x0], $0xffff  }
0x646: {  	v13 =	vmul.f32 $8.000000000e+00, v13;
	[tilespmem:v44+s18+$0x0] =	vst.idx.msk $0xffff, v49;
	v52 =	vor.u32 v21, v5;
	v9 =	vld.idx.msk [tilespmem:v43+s13+$0x0], $0xffff  }
0x647: {  	v53 =	vor.u32 v21, v7;
	[tilespmem:v46+s18+$0x0] =	vst.idx.msk $0xffff, v51;
	v11 =	vld.idx.msk [tilespmem:v45+s13+$0x0], $0xffff;
	v2 =	vmul.f32 $8.000000000e+00, v2  }
0x648: {  	s25 =	smulhi.u32 $0x51EB851F, s24;
	v55 =	vor.u32 v21, v10;
	v56 =	vld.idx.msk [tilespmem:v47+s13+$0x0], $0xffff;
	[tilespmem:v0+s18+$0x0] =	vst.idx.msk $0xffff, v13;
	v54 =	vmul.f32 $8.000000000e+00, v4  }
0x649: {  	v58 =	vor.u32 v21, v12;
	v57 =	vmul.f32 $8.000000000e+00, v6;
	[tilespmem:v48+s18+$0x0] =	vst.idx.msk $0xffff, v2  }
0x64a: {  	s25 =	sshrl.u32 s25, $0x4;
	v60 =	vor.u32 v21, v63;
	v59 =	vmul.f32 $8.000000000e+00, v8;
	[tilespmem:v50+s18+$0x0] =	vst.idx.msk $0xffff, v54  }
0x64b: {  	s25 =	smul.u32 $0x32, s25;
	v61 =	vmul.f32 $8.000000000e+00, v9;
	[tilespmem:v52+s18+$0x0] =	vst.idx.msk $0xffff, v57  }
.Ltmp4:
0x64c: {  	v62 =	vmul.f32 $8.000000000e+00, v11;
	[tilespmem:v53+s18+$0x0] =	vst.idx.msk $0xffff, v59;
	(pc) =	sbr.rel @p0 .LBB2_8-.Ltmp4, $4  }
0x64d: {  	s31 =	ssub.s32 s24, s25;
	v63 =	vmul.f32 $8.000000000e+00, v56;
	[tilespmem:v55+s18+$0x0] =	vst.idx.msk $0xffff, v61  }
0x64e: {  	s24 =	sshll.u32 s31, $0x11;
	[tilespmem:v58+s18+$0x0] =	vst.idx.msk $0xffff, v62  }
0x64f: {  	s23 =	sadd.s32 s24, s23;
	[tilespmem:v60+s18+$0x0] =	vst.idx.msk $0xffff, v63  }
0x650: {  	[hbm4b:s23+s16] =	stream.strided.scatter [tilespmem:s18], [sflag:$0x2], $0x2000, s17, s16, $0x38;
	v42 =	vld [tilespmem:$0x1FFF0]  }
0x651: {  	v43 =	vld [tilespmem:$0x1FD80]  }
0x652: {  	v44 =	vld [tilespmem:$0x1FD90]  }
0x653: {  	v45 =	vld [tilespmem:$0x1FDA0]  }
0x654: {  	v46 =	vld [tilespmem:$0x1FDB0]  }
0x655: {  	v47 =	vld [tilespmem:$0x1FDC0]  }
0x656: {  	v48 =	vld [tilespmem:$0x1FDD0]  }
0x657: {  	v49 =	vld [tilespmem:$0x1FDE0]  }
0x658: {  	v50 =	vld [tilespmem:$0x1FDF0]  }
0x659: {  	v51 =	vld [tilespmem:$0x1FE00]  }
0x65a: {  	v52 =	vld [tilespmem:$0x1FE10]  }
0x65b: {  	v53 =	vld [tilespmem:$0x1FE20]  }
0x65c: {  	v54 =	vld [tilespmem:$0x1FE30]  }
0x65d: {  	v55 =	vld [tilespmem:$0x1FE40]  }
0x65e: {  	v56 =	vld [tilespmem:$0x1FE50]  }
0x65f: {  	v57 =	vld [tilespmem:$0x1FE60]  }
0x660: {  	v58 =	vld [tilespmem:$0x1FE70]  }
0x661: {  	v59 =	vld [tilespmem:$0x1FE80]  }
0x662: {  	v60 =	vld [tilespmem:$0x1FE90]  }
0x663: {  	v61 =	vld [tilespmem:$0x1FEA0]  }
0x664: {  	v62 =	vld [tilespmem:$0x1FEB0]  }
0x665: {  	v63 =	vld [tilespmem:$0x1FEC0]  }
0x666: {  	v24 =	vld [tilespmem:$0x1FED0]  }
0x667: {  	v4 =	vld [tilespmem:$0x1FEE0]  }
0x668: {  	s22 =	sadd.s32 $0x3, s22;
	v3 =	vld [tilespmem:$0x1FEF0]  }
0x669: {  	v2 =	vld [tilespmem:$0x1FF00];
	s23 =	smulhi.u32 $0x51EB851F, s22  }
0x66a: {  	v1 =	vld [tilespmem:$0x1FF40]  }
0x66b: {  	v18 =	vld [tilespmem:$0x1FF10];
	s24 =	sshrl.u32 s23, $0x4  }
0x66c: {  	v7 =	vld [tilespmem:$0x1FF20];
	s24 =	smul.u32 $0x32, s24  }
.Ltmp5:
0x66d: {  	v21 =	vld [tilespmem:$0x1FF30];
	(pc) =	sbr.rel .LBB2_2-.Ltmp5, $4  }
0x66e: {  	v25 =	vld [tilespmem:$0x1FF50];
	s23 =	sshll.u32 s23, $0x3;
	s22 =	ssub.s32 s22, s24  }
0x66f: {  	v31 =	vld [tilespmem:$0x1FF60];
	s23 =	sand.u32 $0x3FFFFF80, s23;
	s22 =	sshll.u32 s22, $0x9  }
0x670: {  	s21 =	sadd.s32 $0x1, s21;
	v5 =	vld [tilespmem:$0x1FF90];
	s22 =	sadd.s32 s23, s22  }
0x671: {  	v23 =	vld [tilespmem:$0x1FFA0];
	[tilespmem:s13], [sflag:$0x1] =	stream.indirect.gather [hbm4b:s5+s11], $0x80, s22, s11, $0xb8  }
.LBB2_9:
0x672: {  	_ =	sfence.sel $0x180000  }
0x673: {  	[bflag:$0x0] =	sbarrier.arrive $0xFFFF  }
0x674: {  	p0 =	sne.s32 s2, $0x0;
	_ =	strace $0x90000047  }
0x675: {  	s0 =	sadd.s32 @!p0 $0x100000, s0;
	[bflag:$0x2] =	sbarrier.arrive $0xFFFF  }
0x676: {  	[sflag:s0] =	ssyncadd.tile.s32 @!p0 $0x1;
	_ =	shalt  }
.Lfunc_end2:
_tile_overlayer_lowered:
.L_overlay_start_2:
0x677: {  	(tag) =	ssettag $0x2  }
0x678: {  	s0 =	rddreg [dreg:$0x0];
	s2 =	stileid.u32  }
0x679: {  	s1 =	rddreg [dreg:$0x1];
	p0 =	sne.s32 s2, $0x0  }
0x67a: {  	s3 =	rddreg [dreg:$0x2];
	[bflag:$0x3] =	sbarrier.arrive $0xFFFF;
	s2 =	simm.s32 @!p0 $0x1C03  }
0x67b: {  	[timem:s3], [sflag:s2] =	dma.local @!p0 [hbm:s0], s1  }
0x67c: {  	s0 =	simm.s32 @!p0 $0x3  }
0x67d: {  	_ =	swait.ge @!p0 [sflag:s0], s1  }
0x67e: {  	s1 =	ssub.s32 @!p0 $0x0, s1;
	[sflag:s0] =	ssyncset.done @!p0 $0x0  }
0x67f: {  	[sflag:s0] =	ssyncadd.s32 @!p0 s1  }
0x680: {  	[bflag:$0x3] =	sbarrier.arrive $0xFFFF  }
0x681: {  	_ =	shalt  }

</sc_bundles>
